<compile_context>
chip_gen: v7x
topology: tpu7x:2x2x1
jax: 0.10.2.dev20260603
libtpu: 0.0.44.dev20260713+nightly
codegen_flags: <defaults>
</compile_context>

<pallas_src>
import functools

import jax
import jax.numpy as jnp
from jax import lax
from jax.experimental import pallas as pl
from jax.experimental.pallas import tpu as pltpu
from jax.experimental.pallas import tpu_sc as plsc

N = 10000
E = 320000
D = 128
K = 5

NC, NS, L = 2, 16, 16
NW = NC * NS
EP = E // NW
CH = 80
NCH = EP // CH
NP = 10240
NH = NP // NC
NT = NH + 8
EPS = E // NS
NCS = EPS // CH
RP = NH // NS
ZR = 80
BR = 1024


def _mesh():
    return plsc.VectorSubcoreMesh(
        core_axis_name="c", subcore_axis_name="s",
        num_cores=NC, num_subcores=NS)


def _remap(idx_d, idx_l, lo):
    for w in range(CH // L):
        v = idx_d[pl.ds(w * L, L)] - lo
        oob = (v < 0) | (v >= NH)
        idx_l[pl.ds(w * L, L)] = jnp.where(oob, NH, v)


def _zero_shared(zbuf, sh, sid):
    zv = jnp.zeros((L,), jnp.float32)

    def zb(i, c):
        zbuf[i // 8, pl.ds((i % 8) * L, L)] = zv
        return c
    lax.fori_loop(0, ZR * 8, zb, 0)
    for j in range(RP // ZR):
        pltpu.sync_copy(zbuf, sh.at[pl.ds(sid * RP + j * ZR, ZR)])


def _agg_body(x_hbm, src_hbm, dst_hbm, agg_hbm,
              isrc, idst, il0, il1, r0, r1, zbuf, agg_sh,
              sem0, sem1, scs0, scs1):
    cid = lax.axis_index("c")
    sid = lax.axis_index("s")
    lo = cid * NH

    _zero_shared(zbuf, agg_sh, sid)
    pltpu.sync_copy(src_hbm.at[pl.ds(sid * EPS, EPS)], isrc)
    pltpu.sync_copy(dst_hbm.at[pl.ds(sid * EPS, EPS)], idst)
    plsc.subcore_barrier()

    def fire(c, rows, sem):
        pltpu.async_copy(x_hbm.at[isrc.at[pl.ds(c * CH, CH)]], rows, sem)

    def drain(c, rows, sem):
        pltpu.make_async_copy(x_hbm.at[isrc.at[pl.ds(c * CH, CH)]],
                              rows, sem).wait()

    def drain_sc(rows, il, sem):
        pltpu.make_async_copy(rows, agg_sh.at[il], sem).wait()

    def remap(c, il):
        for w in range(CH // L):
            v = idst[pl.ds(c * CH + w * L, L)] - lo
            oob = (v < 0) | (v >= NH)
            il[pl.ds(w * L, L)] = jnp.where(oob, NH, v)

    fire(0, r0, sem0)

    def pair(i, carry):
        c0 = 2 * i
        c1 = c0 + 1

        @pl.when(i > 0)
        def _():
            drain_sc(r1, il1, scs1)
        fire(c1, r1, sem1)
        drain(c0, r0, sem0)
        remap(c0, il0)
        pltpu.async_copy(r0, agg_sh.at[il0], scs0, add=True)
        drain(c1, r1, sem1)
        remap(c1, il1)

        @pl.when(i < NCS // 2 - 1)
        def _():
            drain_sc(r0, il0, scs0)
            fire(c0 + 2, r0, sem0)
        pltpu.async_copy(r1, agg_sh.at[il1], scs1, add=True)
        return carry
    lax.fori_loop(0, NCS // 2, pair, 0)

    drain_sc(r0, il0, scs0)
    drain_sc(r1, il1, scs1)
    plsc.subcore_barrier()
    pltpu.sync_copy(agg_sh.at[pl.ds(sid * RP, RP)],
                    agg_hbm.at[pl.ds(cid * NH + sid * RP, RP)])


def _agg(X, src, dst):
    f = pl.kernel(
        _agg_body,
        out_type=jax.ShapeDtypeStruct((NP, D), jnp.float32),
        mesh=_mesh(),
        scratch_types=[
            pltpu.VMEM((EPS,), jnp.int32),
            pltpu.VMEM((EPS,), jnp.int32),
            pltpu.VMEM((CH,), jnp.int32),
            pltpu.VMEM((CH,), jnp.int32),
            pltpu.VMEM((CH, D), jnp.float32),
            pltpu.VMEM((CH, D), jnp.float32),
            pltpu.VMEM((ZR, D), jnp.float32),
            pltpu.VMEM_SHARED((NT, D), jnp.float32),
            pltpu.SemaphoreType.DMA,
            pltpu.SemaphoreType.DMA,
            pltpu.SemaphoreType.DMA,
            pltpu.SemaphoreType.DMA,
        ],
    )
    return f(X, src, dst)


def _deg_body(dst_hbm, deg_hbm, idst, il0, il1, ones_b, zbuf, deg_sh,
              scs0, scs1):
    cid = lax.axis_index("c")
    sid = lax.axis_index("s")
    lo = cid * NH

    ov = jnp.ones((L,), jnp.float32)

    def ob(i, c):
        ones_b[i // 8, pl.ds((i % 8) * L, L)] = ov
        return c
    lax.fori_loop(0, CH * 8, ob, 0)

    _zero_shared(zbuf, deg_sh, sid)
    pltpu.sync_copy(dst_hbm.at[pl.ds(sid * EPS, EPS)], idst)
    plsc.subcore_barrier()

    def remap(c, il):
        for w in range(CH // L):
            v = idst[pl.ds(c * CH + w * L, L)] - lo
            oob = (v < 0) | (v >= NH)
            il[pl.ds(w * L, L)] = jnp.where(oob, NH, v)

    def drain_sc(il, sem):
        pltpu.make_async_copy(ones_b, deg_sh.at[il], sem).wait()

    def pair(i, carry):
        c0 = 2 * i
        c1 = c0 + 1

        @pl.when(i > 0)
        def _():
            drain_sc(il0, scs0)
        remap(c0, il0)
        pltpu.async_copy(ones_b, deg_sh.at[il0], scs0, add=True)

        @pl.when(i > 0)
        def _():
            drain_sc(il1, scs1)
        remap(c1, il1)
        pltpu.async_copy(ones_b, deg_sh.at[il1], scs1, add=True)
        return carry
    lax.fori_loop(0, NCS // 2, pair, 0)

    drain_sc(il0, scs0)
    drain_sc(il1, scs1)
    plsc.subcore_barrier()
    pltpu.sync_copy(deg_sh.at[pl.ds(sid * RP, RP)],
                    deg_hbm.at[pl.ds(cid * NH + sid * RP, RP)])


def _deg(dst):
    f = pl.kernel(
        _deg_body,
        out_type=jax.ShapeDtypeStruct((NP, D), jnp.float32),
        mesh=_mesh(),
        scratch_types=[
            pltpu.VMEM((EPS,), jnp.int32),
            pltpu.VMEM((CH,), jnp.int32),
            pltpu.VMEM((CH,), jnp.int32),
            pltpu.VMEM((CH, D), jnp.float32),
            pltpu.VMEM((ZR, D), jnp.float32),
            pltpu.VMEM_SHARED((NT, D), jnp.float32),
            pltpu.SemaphoreType.DMA,
            pltpu.SemaphoreType.DMA,
        ],
    )
    return f(dst)


def _dense_body(z_ref, agg_ref, deg_ref, w_ref, o_ref):
    agg = agg_ref[...]
    deg = deg_ref[:, 0]
    zn = agg / jnp.maximum(deg, 1.0)[:, None]
    h = jnp.concatenate([z_ref[...], zn], axis=1)
    pre = lax.dot_general(h, w_ref[...], (((1,), (1,)), ((), ())),
                          preferred_element_type=jnp.float32)
    s = 1.0 / (1.0 + jnp.exp(-pre))
    o_ref[...] = s * lax.rsqrt(jnp.sum(s * s, axis=1, keepdims=True))


def _dense(Zc, aggp, degp, W):
    return pl.pallas_call(
        _dense_body,
        grid=(NP // BR,),
        in_specs=[
            pl.BlockSpec((BR, D), lambda i: (i, 0)),
            pl.BlockSpec((BR, D), lambda i: (i, 0)),
            pl.BlockSpec((BR, D), lambda i: (i, 0)),
            pl.BlockSpec((D, 2 * D), lambda i: (0, 0)),
        ],
        out_specs=pl.BlockSpec((BR, D), lambda i: (i, 0)),
        out_shape=jax.ShapeDtypeStruct((NP, D), jnp.float32),
    )(Zc, aggp, degp, W)


CHD = 40
NCD = EP // CHD


def _dot_body(z_hbm, src_hbm, dst_hbm, neg_hbm, out_hbm,
              isrc, idst,
              in0, ru0, rv0, rn0, dt0,
              in1, ru1, rv1, rn1, dt1, sem0, sem1, semi0, semi1,
              semo0, semo1):
    cid = lax.axis_index("c")
    sid = lax.axis_index("s")
    wid = cid * NS + sid
    zv = jnp.zeros((L,), jnp.float32)

    bufs = ((in0, ru0, rv0, rn0, dt0, sem0, semi0, semo0),
            (in1, ru1, rv1, rn1, dt1, sem1, semi1, semo1))

    pltpu.sync_copy(src_hbm.at[pl.ds(wid * EP, EP)], isrc)
    pltpu.sync_copy(dst_hbm.at[pl.ds(wid * EP, EP)], idst)

    def zpad(e, c):
        dt0[e, pl.ds(6 * L, L)] = zv
        dt0[e, pl.ds(7 * L, L)] = zv
        dt1[e, pl.ds(6 * L, L)] = zv
        dt1[e, pl.ds(7 * L, L)] = zv
        return c
    lax.fori_loop(0, CHD, zpad, 0)

    def load_idx(c, b):
        off = wid * EP + c * CHD
        pltpu.sync_copy(neg_hbm.at[pl.ds(off * K, CHD * K)], b[0])

    def fire_idx(c, b):
        off = wid * EP + c * CHD
        pltpu.async_copy(neg_hbm.at[pl.ds(off * K, CHD * K)], b[0], b[6])

    def drain_idx(c, b):
        off = wid * EP + c * CHD
        pltpu.make_async_copy(neg_hbm.at[pl.ds(off * K, CHD * K)],
                              b[0], b[6]).wait()

    def fire(c, b):
        inn, ru, rv, rn = b[0], b[1], b[2], b[3]
        sem = b[5]
        pltpu.async_copy(z_hbm.at[isrc.at[pl.ds(c * CHD, CHD)]], ru, sem)
        pltpu.async_copy(z_hbm.at[idst.at[pl.ds(c * CHD, CHD)]], rv, sem)
        for k5 in range(K):
            pltpu.async_copy(z_hbm.at[inn.at[pl.ds(k5 * CHD, CHD)]],
                             rn.at[pl.ds(k5 * CHD, CHD)], sem)

    def drain(c, b):
        inn, ru, rv, rn = b[0], b[1], b[2], b[3]
        sem = b[5]
        pltpu.make_async_copy(z_hbm.at[isrc.at[pl.ds(c * CHD, CHD)]],
                              ru, sem).wait()
        pltpu.make_async_copy(z_hbm.at[idst.at[pl.ds(c * CHD, CHD)]],
                              rv, sem).wait()
        for k5 in range(K):
            pltpu.make_async_copy(z_hbm.at[inn.at[pl.ds(k5 * CHD, CHD)]],
                                  rn.at[pl.ds(k5 * CHD, CHD)], sem).wait()

    def dot16(us, row_ref, r):
        a = us[0] * row_ref[r, pl.ds(0, L)]
        b2 = us[1] * row_ref[r, pl.ds(L, L)]
        for j in range(2, D // L, 2):
            a += us[j] * row_ref[r, pl.ds(j * L, L)]
            b2 += us[j + 1] * row_ref[r, pl.ds((j + 1) * L, L)]
        return a + b2

    def compute(c, b):
        ru, rv, rn, dt = b[1], b[2], b[3], b[4]

        @plsc.parallel_loop(0, CHD, unroll=2)
        def ebody(e):
            us = tuple(ru[e, pl.ds(j * L, L)] for j in range(D // L))
            dt[e, pl.ds(0, L)] = dot16(us, rv, e)
            rb = e * K
            for k in range(K):
                dt[e, pl.ds((1 + k) * L, L)] = dot16(us, rn, rb + k)
        pltpu.async_copy(dt, out_hbm.at[pl.ds(wid * EP + c * CHD, CHD)], b[7])

    def drain_out(c, b):
        pltpu.make_async_copy(b[4], out_hbm.at[pl.ds(wid * EP + c * CHD, CHD)],
                              b[7]).wait()

    load_idx(0, bufs[0])
    fire(0, bufs[0])
    load_idx(1, bufs[1])
    fire(1, bufs[1])

    def pair(i, carry):
        c0 = 2 * i
        c1 = c0 + 1
        last = NCD // 2 - 1
        drain(c0, bufs[0])

        @pl.when(i < last)
        def _():
            fire_idx(c0 + 2, bufs[0])

        @pl.when(i > 0)
        def _():
            drain_out(0, bufs[0])
        compute(c0, bufs[0])

        @pl.when(i < last)
        def _():
            drain_idx(c0 + 2, bufs[0])
            fire(c0 + 2, bufs[0])
        drain(c1, bufs[1])

        @pl.when(i < last)
        def _():
            fire_idx(c1 + 2, bufs[1])

        @pl.when(i > 0)
        def _():
            drain_out(0, bufs[1])
        compute(c1, bufs[1])

        @pl.when(i < last)
        def _():
            drain_idx(c1 + 2, bufs[1])
            fire(c1 + 2, bufs[1])
        return carry
    lax.fori_loop(0, NCD // 2, pair, 0)
    drain_out(0, bufs[0])
    drain_out(0, bufs[1])


def _dot(Z2, src, dst, negf):
    buf_set = [
        pltpu.VMEM((CHD * K,), jnp.int32),
        pltpu.VMEM((CHD, D), jnp.float32),
        pltpu.VMEM((CHD, D), jnp.float32),
        pltpu.VMEM((CHD * K, D), jnp.float32),
        pltpu.VMEM((CHD, 8 * L), jnp.float32),
    ]
    f = pl.kernel(
        _dot_body,
        out_type=jax.ShapeDtypeStruct((E, 8 * L), jnp.float32),
        mesh=_mesh(),
        scratch_types=[pltpu.VMEM((EP,), jnp.int32),
                       pltpu.VMEM((EP,), jnp.int32)]
        + buf_set + buf_set + [pltpu.SemaphoreType.DMA] * 6,
    )
    return f(Z2, src, dst, negf)


def _red_body(d_ref, o_ref):
    i = pl.program_id(0)
    x = d_ref[...]
    j = lax.broadcasted_iota(jnp.int32, (D, 8), 0) // L
    t8 = lax.broadcasted_iota(jnp.int32, (D, 8), 1)
    m = jnp.where(j == t8, jnp.where(t8 == 0, 1.0, -1.0), 0.0)
    s = lax.dot_general(x, m, (((1,), (0,)), ((), ())),
                        preferred_element_type=jnp.float32)

    def ls(v):
        return jnp.minimum(v, 0.0) - jnp.log1p(jnp.exp(-jnp.abs(v)))

    tcol = lax.broadcasted_iota(jnp.int32, s.shape, 1)
    tot = jnp.sum(jnp.where(tcol < 6, ls(s), 0.0))

    @pl.when(i == 0)
    def _():
        o_ref[0, 0] = 0.0
    o_ref[0, 0] += tot


def _reduce(dots_r):
    rows = dots_r.shape[0]
    blk = rows // 40
    return pl.pallas_call(
        _red_body,
        grid=(40,),
        in_specs=[pl.BlockSpec((blk, 128), lambda i: (i, 0))],
        out_specs=pl.BlockSpec((1, 1), lambda i: (0, 0), memory_space=pltpu.SMEM),
        out_shape=jax.ShapeDtypeStruct((1, 1), jnp.float32),
    )(dots_r)


def kernel(Z, W1, W2, edge_index, neg_idx):
    src = edge_index[0]
    dst = edge_index[1]
    negf = neg_idx.reshape(-1)

    Zp = jnp.concatenate([Z, jnp.zeros((NP - N, D), Z.dtype)])
    deg = _deg(dst)
    agg1 = _agg(Zp, src, dst)
    Z1 = _dense(Zp, agg1, deg, W1)
    agg2 = _agg(Z1, src, dst)
    Z2 = _dense(Z1, agg2, deg, W2)

    dots = _dot(Z2, src, dst, negf)
    red = _reduce(dots)
    return -red[0, 0]

# --- scband reference (transcript-rebuilt; emitter-appended) ---
"""Pipeline reference for scband-graph-sage-63831803953183 (READ-ONLY COPY).

The authoritative reference and input builder live on the scoring server;
editing this copy changes nothing except your own understanding.
"""

import jax, jax.numpy as jnp
import numpy as np

N_NODES = 10000
N_EDGES = 320000
D = 128
K_NEG = 5


def setup_inputs(seed: int = 0) -> dict:
    key = jax.random.key(seed)
    k1, k2, k3, k4, k5 = jax.random.split(key, 5)
    Z = jax.random.uniform(k1, (N_NODES, D), dtype=jnp.float32)
    W1 = jax.random.normal(k2, (D, 2 * D), dtype=jnp.float32) * 0.05
    W2 = jax.random.normal(k3, (D, 2 * D), dtype=jnp.float32) * 0.05
    edge_index = jax.random.randint(k4, (2, N_EDGES), 0, N_NODES, dtype=jnp.int64 if jax.config.jax_enable_x64 else jnp.int32).astype(jnp.int32)
    neg_idx = jax.random.randint(k5, (N_EDGES, K_NEG), 0, N_NODES).astype(jnp.int32)
    return {"Z": Z, "W1": W1, "W2": W2, "edge_index": edge_index, "neg_idx": neg_idx}


def _sage_layer(Zc, W, src, dst, num_nodes):
    # mean aggregator over sampled neighbors (tensorized full-graph version)
    msgs = jnp.take(Zc, src, axis=0)                       # gather
    agg = jax.ops.segment_sum(msgs, dst, num_segments=num_nodes)   # scatter-add
    deg = jax.ops.segment_sum(jnp.ones((src.shape[0],), dtype=Zc.dtype), dst, num_segments=num_nodes)
    zn = agg / jnp.maximum(deg, 1.0)[:, None]
    h = jnp.concatenate([Zc, zn], axis=1)                  # cat([z_v, z_n])
    z = jax.nn.sigmoid(h @ W.T)                            # sigma(W @ cat)
    z = z / jnp.sqrt(jnp.sum(z ** 2, axis=1, keepdims=True))  # L2 normalize
    return z


def reference(Z, W1, W2, edge_index, neg_idx):
    N = Z.shape[0]
    src = edge_index[0]
    dst = edge_index[1]
    Z1 = _sage_layer(Z, W1, src, dst, N)
    Z2 = _sage_layer(Z1, W2, src, dst, N)
    # negative-sampling embedding loss (pos pairs = edges, K negatives each)
    zu = jnp.take(Z2, src, axis=0)
    zv = jnp.take(Z2, dst, axis=0)
    pos_lp = jax.nn.log_sigmoid(jnp.sum(zu * zv, axis=1))
    zneg = jnp.take(Z2, neg_idx, axis=0)                   # [E, K, D]
    neg_lp = jnp.sum(jax.nn.log_sigmoid(-jnp.einsum('ed,ekd->ek', zu, zneg)), axis=1)
    loss = -jnp.sum(pos_lp + neg_lp)
    return loss


if False:  # reference __main__ guard neutralized (emitter)
    out = reference(**setup_inputs())
    print(out)

if __name__ == "__main__":
    import jax
    _d = setup_inputs()
    print(jax.jit(kernel)(*tuple(_d.values())))

</pallas_src>

<mosaic_0001>
#map = affine_map<(d0, d1) -> (0, 0)>
#map1 = affine_map<(d0, d1) -> (0)>
module attributes {stable_mosaic.version = 14 : i64} {
  func.func @_agg_body(%arg0: i32, %arg1: i32, %arg2: memref<10240x128xf32, #tpu.memory_space<hbm>>, %arg3: memref<320000xi32, #tpu.memory_space<hbm>>, %arg4: memref<320000xi32, #tpu.memory_space<hbm>>, %arg5: memref<10240x128xf32, #tpu.memory_space<hbm>>, %arg6: memref<20000xi32, #tpu.memory_space<vmem>>, %arg7: memref<20000xi32, #tpu.memory_space<vmem>>, %arg8: memref<80xi32, #tpu.memory_space<vmem>>, %arg9: memref<80xi32, #tpu.memory_space<vmem>>, %arg10: memref<80x128xf32, #tpu.memory_space<vmem>>, %arg11: memref<80x128xf32, #tpu.memory_space<vmem>>, %arg12: memref<80x128xf32, #tpu.memory_space<vmem>>, %arg13: memref<5128x128xf32, #tpu.memory_space<vmem_shared>>, %arg14: memref<!tpu.dma_semaphore, #tpu.memory_space<semaphore_mem>>, %arg15: memref<!tpu.dma_semaphore, #tpu.memory_space<semaphore_mem>>, %arg16: memref<!tpu.dma_semaphore, #tpu.memory_space<semaphore_mem>>, %arg17: memref<!tpu.dma_semaphore, #tpu.memory_space<semaphore_mem>>) attributes {dimension_semantics = [#tpu.dimension_semantics<core_parallel>, #tpu.dimension_semantics<subcore_parallel>], iteration_bounds = array<i64: 2, 16>, scalar_prefetch = 0 : i64, scratch_operands = 12 : i64, tpu.core_type = #tpu.core_type<sc_vector_subcore>, window_params = [{transform_indices = #map}, {transform_indices = #map1}, {transform_indices = #map1}, {transform_indices = #map}]} {
    %mul3A = arith.constant 5120 : i32
    %mul3A_0 = arith.muli %arg0, %mul3A : i32
    %broadcast_in_dim3A = arith.constant 0.000000e+00 : f32
    %broadcast_in_dim3A_1 = vector.broadcast %broadcast_in_dim3A : f32 to vector<16xf32>
    %scan3A = arith.constant 0 : i32
    %scan3A_2 = arith.constant 0 : i32
    %scan3A_3 = arith.constant 640 : i32
    %scan3A_4 = arith.addi %scan3A_2, %scan3A_3 : i32
    %scan3A_5 = arith.constant 1 : i32
    scf.for %scan3A_49 = %scan3A_2 to %scan3A_4 step %scan3A_5  : i32 {
      %jit3A = arith.constant 8 : i32
      %div3A = arith.divsi %scan3A_49, %jit3A : i32
      %sign3A = arith.constant 0 : i32
      %sign3A_50 = arith.cmpi sgt, %scan3A_49, %sign3A : i32
      %sign3A_51 = arith.extui %sign3A_50 : i1 to i32
      %sign3A_52 = arith.constant 0 : i32
      %sign3A_53 = arith.cmpi slt, %scan3A_49, %sign3A_52 : i32
      %sign3A_54 = arith.extui %sign3A_53 : i1 to i32
      %sign3A_55 = arith.subi %sign3A_51, %sign3A_54 : i32
      %sign3A_56 = arith.constant 0 : i32
      %sign3A_57 = arith.cmpi sgt, %jit3A, %sign3A_56 : i32
      %sign3A_58 = arith.extui %sign3A_57 : i1 to i32
      %sign3A_59 = arith.constant 0 : i32
      %sign3A_60 = arith.cmpi slt, %jit3A, %sign3A_59 : i32
      %sign3A_61 = arith.extui %sign3A_60 : i1 to i32
      %sign3A_62 = arith.subi %sign3A_58, %sign3A_61 : i32
      %ne3A = arith.cmpi ne, %sign3A_55, %sign3A_62 : i32
      %rem3A = arith.remsi %scan3A_49, %jit3A : i32
      %ne3A_63 = arith.constant 0 : i32
      %ne3A_64 = arith.cmpi ne, %rem3A, %ne3A_63 : i32
      %and3A = arith.andi %ne3A, %ne3A_64 : i1
      %sub3A = arith.constant 1 : i32
      %sub3A_65 = arith.subi %div3A, %sub3A : i32
      %select_n3A = arith.select %and3A, %sub3A_65, %div3A : i32
      %jit3A_66 = arith.constant 8 : i32
      %eq3A = arith.constant 0 : i32
      %eq3A_67 = arith.cmpi eq, %jit3A_66, %eq3A : i32
      %jit3A_68 = arith.constant 1 : i32
      %select_n3A_69 = arith.select %eq3A_67, %jit3A_68, %jit3A_66 : i32
      %rem3A_70 = arith.remsi %scan3A_49, %select_n3A_69 : i32
      %ne3A_71 = arith.constant 0 : i32
      %ne3A_72 = arith.cmpi ne, %rem3A_70, %ne3A_71 : i32
      %lt3A = arith.constant 0 : i32
      %lt3A_73 = arith.cmpi slt, %rem3A_70, %lt3A : i32
      %lt3A_74 = arith.constant 0 : i32
      %lt3A_75 = arith.cmpi slt, %select_n3A_69, %lt3A_74 : i32
      %ne3A_76 = arith.xori %lt3A_73, %lt3A_75 : i1
      %and3A_77 = arith.andi %ne3A_76, %ne3A_72 : i1
      %add3A_78 = arith.addi %rem3A_70, %select_n3A_69 : i32
      %select_n3A_79 = arith.select %and3A_77, %add3A_78, %rem3A_70 : i32
      %mul3A_80 = arith.constant 16 : i32
      %mul3A_81 = arith.muli %select_n3A_79, %mul3A_80 : i32
      %swap3A = arith.index_cast %select_n3A : i32 to index
      %swap3A_82 = arith.index_cast %mul3A_81 : i32 to index
      %swap3A_83 = tpu.vector_load %arg12[%swap3A, %swap3A_82] {strides = array<i32>} : memref<80x128xf32, #tpu.memory_space<vmem>>, vector<1x16xf32>,
      %swap3A_84 = vector.shape_cast %swap3A_83 : vector<1x16xf32> to vector<16xf32>
      %swap3A_85 = vector.shape_cast %broadcast_in_dim3A_1 : vector<16xf32> to vector<1x16xf32>
      tpu.vector_store %arg12[%swap3A, %swap3A_82], %swap3A_85 {strides = array<i32>} : memref<80x128xf32, #tpu.memory_space<vmem>>, vector<1x16xf32>,
    }
    %scan3A_6 = arith.constant 640 : i32
    %mul3A_7 = arith.constant 320 : i32
    %mul3A_8 = arith.muli %arg1, %mul3A_7 : i32
    %add3A = arith.constant 0 : i32
    %add3A_9 = arith.addi %mul3A_8, %add3A : i32
    "tpu.region"() ({
      %run_scoped3A = tpu.sem_alloc : memref<!tpu.dma_semaphore, #tpu.memory_space<semaphore_mem>>
      %dma_start3A_49 = arith.constant 0 : i32
      %dma_start3A_50 = tpu.memref_slice %arg13[%add3A_9, %dma_start3A_49] : memref<5128x128xf32, #tpu.memory_space<vmem_shared>> -> memref<80x128xf32, #tpu.memory_space<vmem_shared>>
      %dma_start3A_51 = arith.constant 0 : i32
      %dma_start3A_52 = tpu.memref_slice %arg13[%add3A_9, %dma_start3A_51] : memref<5128x128xf32, #tpu.memory_space<vmem_shared>> -> memref<80x128xf32, #tpu.memory_space<vmem_shared>>
      tpu.enqueue_dma source(%arg12 : memref<80x128xf32, #tpu.memory_space<vmem>>) target(%dma_start3A_52 : memref<80x128xf32, #tpu.memory_space<vmem_shared>>) target_semaphore(%run_scoped3A : memref<!tpu.dma_semaphore, #tpu.memory_space<semaphore_mem>>)
      %dma_wait3A_53 = arith.constant 0 : i32
      %dma_wait3A_54 = tpu.memref_slice %arg13[%add3A_9, %dma_wait3A_53] : memref<5128x128xf32, #tpu.memory_space<vmem_shared>> -> memref<80x128xf32, #tpu.memory_space<vmem_shared>>
      %dma_wait3A_55 = arith.constant 0 : i32
      %dma_wait3A_56 = tpu.memref_slice %arg13[%add3A_9, %dma_wait3A_55] : memref<5128x128xf32, #tpu.memory_space<vmem_shared>> -> memref<80x128xf32, #tpu.memory_space<vmem_shared>>
      tpu.wait_dma2 semaphore(%run_scoped3A : memref<!tpu.dma_semaphore, #tpu.memory_space<semaphore_mem>>) src(%arg12 : memref<80x128xf32, #tpu.memory_space<vmem>>) dst(%dma_wait3A_56 : memref<80x128xf32, #tpu.memory_space<vmem_shared>>)
      tpu.yield
    }) : () -> ()
    %mul3A_10 = arith.constant 320 : i32
    %mul3A_11 = arith.muli %arg1, %mul3A_10 : i32
    %add3A_12 = arith.constant 80 : i32
    %add3A_13 = arith.addi %mul3A_11, %add3A_12 : i32
    "tpu.region"() ({
      %run_scoped3A = tpu.sem_alloc : memref<!tpu.dma_semaphore, #tpu.memory_space<semaphore_mem>>
      %dma_start3A_49 = arith.constant 0 : i32
      %dma_start3A_50 = tpu.memref_slice %arg13[%add3A_13, %dma_start3A_49] : memref<5128x128xf32, #tpu.memory_space<vmem_shared>> -> memref<80x128xf32, #tpu.memory_space<vmem_shared>>
      %dma_start3A_51 = arith.constant 0 : i32
      %dma_start3A_52 = tpu.memref_slice %arg13[%add3A_13, %dma_start3A_51] : memref<5128x128xf32, #tpu.memory_space<vmem_shared>> -> memref<80x128xf32, #tpu.memory_space<vmem_shared>>
      tpu.enqueue_dma source(%arg12 : memref<80x128xf32, #tpu.memory_space<vmem>>) target(%dma_start3A_52 : memref<80x128xf32, #tpu.memory_space<vmem_shared>>) target_semaphore(%run_scoped3A : memref<!tpu.dma_semaphore, #tpu.memory_space<semaphore_mem>>)
      %dma_wait3A_53 = arith.constant 0 : i32
      %dma_wait3A_54 = tpu.memref_slice %arg13[%add3A_13, %dma_wait3A_53] : memref<5128x128xf32, #tpu.memory_space<vmem_shared>> -> memref<80x128xf32, #tpu.memory_space<vmem_shared>>
      %dma_wait3A_55 = arith.constant 0 : i32
      %dma_wait3A_56 = tpu.memref_slice %arg13[%add3A_13, %dma_wait3A_55] : memref<5128x128xf32, #tpu.memory_space<vmem_shared>> -> memref<80x128xf32, #tpu.memory_space<vmem_shared>>
      tpu.wait_dma2 semaphore(%run_scoped3A : memref<!tpu.dma_semaphore, #tpu.memory_space<semaphore_mem>>) src(%arg12 : memref<80x128xf32, #tpu.memory_space<vmem>>) dst(%dma_wait3A_56 : memref<80x128xf32, #tpu.memory_space<vmem_shared>>)
      tpu.yield
    }) : () -> ()
    %mul3A_14 = arith.constant 320 : i32
    %mul3A_15 = arith.muli %arg1, %mul3A_14 : i32
    %add3A_16 = arith.constant 160 : i32
    %add3A_17 = arith.addi %mul3A_15, %add3A_16 : i32
    "tpu.region"() ({
      %run_scoped3A = tpu.sem_alloc : memref<!tpu.dma_semaphore, #tpu.memory_space<semaphore_mem>>
      %dma_start3A_49 = arith.constant 0 : i32
      %dma_start3A_50 = tpu.memref_slice %arg13[%add3A_17, %dma_start3A_49] : memref<5128x128xf32, #tpu.memory_space<vmem_shared>> -> memref<80x128xf32, #tpu.memory_space<vmem_shared>>
      %dma_start3A_51 = arith.constant 0 : i32
      %dma_start3A_52 = tpu.memref_slice %arg13[%add3A_17, %dma_start3A_51] : memref<5128x128xf32, #tpu.memory_space<vmem_shared>> -> memref<80x128xf32, #tpu.memory_space<vmem_shared>>
      tpu.enqueue_dma source(%arg12 : memref<80x128xf32, #tpu.memory_space<vmem>>) target(%dma_start3A_52 : memref<80x128xf32, #tpu.memory_space<vmem_shared>>) target_semaphore(%run_scoped3A : memref<!tpu.dma_semaphore, #tpu.memory_space<semaphore_mem>>)
      %dma_wait3A_53 = arith.constant 0 : i32
      %dma_wait3A_54 = tpu.memref_slice %arg13[%add3A_17, %dma_wait3A_53] : memref<5128x128xf32, #tpu.memory_space<vmem_shared>> -> memref<80x128xf32, #tpu.memory_space<vmem_shared>>
      %dma_wait3A_55 = arith.constant 0 : i32
      %dma_wait3A_56 = tpu.memref_slice %arg13[%add3A_17, %dma_wait3A_55] : memref<5128x128xf32, #tpu.memory_space<vmem_shared>> -> memref<80x128xf32, #tpu.memory_space<vmem_shared>>
      tpu.wait_dma2 semaphore(%run_scoped3A : memref<!tpu.dma_semaphore, #tpu.memory_space<semaphore_mem>>) src(%arg12 : memref<80x128xf32, #tpu.memory_space<vmem>>) dst(%dma_wait3A_56 : memref<80x128xf32, #tpu.memory_space<vmem_shared>>)
      tpu.yield
    }) : () -> ()
    %mul3A_18 = arith.constant 320 : i32
    %mul3A_19 = arith.muli %arg1, %mul3A_18 : i32
    %add3A_20 = arith.constant 240 : i32
    %add3A_21 = arith.addi %mul3A_19, %add3A_20 : i32
    "tpu.region"() ({
      %run_scoped3A = tpu.sem_alloc : memref<!tpu.dma_semaphore, #tpu.memory_space<semaphore_mem>>
      %dma_start3A_49 = arith.constant 0 : i32
      %dma_start3A_50 = tpu.memref_slice %arg13[%add3A_21, %dma_start3A_49] : memref<5128x128xf32, #tpu.memory_space<vmem_shared>> -> memref<80x128xf32, #tpu.memory_space<vmem_shared>>
      %dma_start3A_51 = arith.constant 0 : i32
      %dma_start3A_52 = tpu.memref_slice %arg13[%add3A_21, %dma_start3A_51] : memref<5128x128xf32, #tpu.memory_space<vmem_shared>> -> memref<80x128xf32, #tpu.memory_space<vmem_shared>>
      tpu.enqueue_dma source(%arg12 : memref<80x128xf32, #tpu.memory_space<vmem>>) target(%dma_start3A_52 : memref<80x128xf32, #tpu.memory_space<vmem_shared>>) target_semaphore(%run_scoped3A : memref<!tpu.dma_semaphore, #tpu.memory_space<semaphore_mem>>)
      %dma_wait3A_53 = arith.constant 0 : i32
      %dma_wait3A_54 = tpu.memref_slice %arg13[%add3A_21, %dma_wait3A_53] : memref<5128x128xf32, #tpu.memory_space<vmem_shared>> -> memref<80x128xf32, #tpu.memory_space<vmem_shared>>
      %dma_wait3A_55 = arith.constant 0 : i32
      %dma_wait3A_56 = tpu.memref_slice %arg13[%add3A_21, %dma_wait3A_55] : memref<5128x128xf32, #tpu.memory_space<vmem_shared>> -> memref<80x128xf32, #tpu.memory_space<vmem_shared>>
      tpu.wait_dma2 semaphore(%run_scoped3A : memref<!tpu.dma_semaphore, #tpu.memory_space<semaphore_mem>>) src(%arg12 : memref<80x128xf32, #tpu.memory_space<vmem>>) dst(%dma_wait3A_56 : memref<80x128xf32, #tpu.memory_space<vmem_shared>>)
      tpu.yield
    }) : () -> ()
    %mul3A_22 = arith.constant 20000 : i32
    %mul3A_23 = arith.muli %arg1, %mul3A_22 : i32
    "tpu.region"() ({
      %run_scoped3A = tpu.sem_alloc : memref<!tpu.dma_semaphore, #tpu.memory_space<semaphore_mem>>
      %dma_start3A_49 = tpu.memref_slice %arg3[%mul3A_23] : memref<320000xi32, #tpu.memory_space<hbm>> -> memref<20000xi32, #tpu.memory_space<hbm>>
      %dma_start3A_50 = tpu.memref_slice %arg3[%mul3A_23] : memref<320000xi32, #tpu.memory_space<hbm>> -> memref<20000xi32, #tpu.memory_space<hbm>>
      tpu.enqueue_dma source(%dma_start3A_50 : memref<20000xi32, #tpu.memory_space<hbm>>) target(%arg6 : memref<20000xi32, #tpu.memory_space<vmem>>) target_semaphore(%run_scoped3A : memref<!tpu.dma_semaphore, #tpu.memory_space<semaphore_mem>>)
      %dma_wait3A_51 = tpu.memref_slice %arg3[%mul3A_23] : memref<320000xi32, #tpu.memory_space<hbm>> -> memref<20000xi32, #tpu.memory_space<hbm>>
      %dma_wait3A_52 = tpu.memref_slice %arg3[%mul3A_23] : memref<320000xi32, #tpu.memory_space<hbm>> -> memref<20000xi32, #tpu.memory_space<hbm>>
      tpu.wait_dma2 semaphore(%run_scoped3A : memref<!tpu.dma_semaphore, #tpu.memory_space<semaphore_mem>>) src(%dma_wait3A_52 : memref<20000xi32, #tpu.memory_space<hbm>>) dst(%arg6 : memref<20000xi32, #tpu.memory_space<vmem>>)
      tpu.yield
    }) : () -> ()
    %mul3A_24 = arith.constant 20000 : i32
    %mul3A_25 = arith.muli %arg1, %mul3A_24 : i32
    "tpu.region"() ({
      %run_scoped3A = tpu.sem_alloc : memref<!tpu.dma_semaphore, #tpu.memory_space<semaphore_mem>>
      %dma_start3A_49 = tpu.memref_slice %arg4[%mul3A_25] : memref<320000xi32, #tpu.memory_space<hbm>> -> memref<20000xi32, #tpu.memory_space<hbm>>
      %dma_start3A_50 = tpu.memref_slice %arg4[%mul3A_25] : memref<320000xi32, #tpu.memory_space<hbm>> -> memref<20000xi32, #tpu.memory_space<hbm>>
      tpu.enqueue_dma source(%dma_start3A_50 : memref<20000xi32, #tpu.memory_space<hbm>>) target(%arg7 : memref<20000xi32, #tpu.memory_space<vmem>>) target_semaphore(%run_scoped3A : memref<!tpu.dma_semaphore, #tpu.memory_space<semaphore_mem>>)
      %dma_wait3A_51 = tpu.memref_slice %arg4[%mul3A_25] : memref<320000xi32, #tpu.memory_space<hbm>> -> memref<20000xi32, #tpu.memory_space<hbm>>
      %dma_wait3A_52 = tpu.memref_slice %arg4[%mul3A_25] : memref<320000xi32, #tpu.memory_space<hbm>> -> memref<20000xi32, #tpu.memory_space<hbm>>
      tpu.wait_dma2 semaphore(%run_scoped3A : memref<!tpu.dma_semaphore, #tpu.memory_space<semaphore_mem>>) src(%dma_wait3A_52 : memref<20000xi32, #tpu.memory_space<hbm>>) dst(%arg7 : memref<20000xi32, #tpu.memory_space<vmem>>)
      tpu.yield
    }) : () -> ()
    %barrier3A = arith.constant 0 : index
    tpu.barrier barrier_id(%barrier3A)
    %dma_start3A = arith.constant 0 : i32
    %dma_start3A_26 = tpu.memref_slice %arg6[%dma_start3A] : memref<20000xi32, #tpu.memory_space<vmem>> -> memref<80xi32, #tpu.memory_space<vmem>>
    %dma_start3A_27 = arith.constant 0 : i32
    %dma_start3A_28 = arith.constant 0 : i32
    %dma_start3A_29 = tpu.memref_slice %arg2[%dma_start3A_27, %dma_start3A_28] : memref<10240x128xf32, #tpu.memory_space<hbm>> -> memref<10240x128xf32, #tpu.memory_space<hbm>>
    tpu.enqueue_indirect_dma source(%dma_start3A_29 : memref<10240x128xf32, #tpu.memory_space<hbm>>) target(%arg10 : memref<80x128xf32, #tpu.memory_space<vmem>>) offsets(%dma_start3A_26 : memref<80xi32, #tpu.memory_space<vmem>>) semaphore(%arg14 : memref<!tpu.dma_semaphore, #tpu.memory_space<semaphore_mem>>)
    %scan3A_30 = arith.constant 0 : i32
    %scan3A_31 = arith.constant 0 : i32
    %scan3A_32 = arith.constant 125 : i32
    %scan3A_33 = arith.addi %scan3A_31, %scan3A_32 : i32
    %scan3A_34 = arith.constant 1 : i32
    scf.for %scan3A_49 = %scan3A_31 to %scan3A_33 step %scan3A_34  : i32 {
      %mul3A_50 = arith.constant 2 : i32
      %mul3A_51 = arith.muli %mul3A_50, %scan3A_49 : i32
      %add3A_52 = arith.constant 1 : i32
      %add3A_53 = arith.addi %mul3A_51, %add3A_52 : i32
      %gt3A = arith.constant 0 : i32
      %gt3A_54 = arith.cmpi sgt, %scan3A_49, %gt3A : i32
      %convert_element_type3A = arith.extui %gt3A_54 : i1 to i32
      %cond3A = arith.constant 0 : i32
      %cond3A_55 = arith.cmpi ne, %convert_element_type3A, %cond3A : i32
      scf.if %cond3A_55 {
        %dma_wait3A_307 = arith.constant 0 : i32
        %dma_wait3A_308 = arith.constant 0 : i32
        %dma_wait3A_309 = tpu.memref_slice %arg13[%dma_wait3A_307, %dma_wait3A_308] : memref<5128x128xf32, #tpu.memory_space<vmem_shared>> -> memref<5128x128xf32, #tpu.memory_space<vmem_shared>>
        tpu.wait_indirect_dma semaphore(%arg17 : memref<!tpu.dma_semaphore, #tpu.memory_space<semaphore_mem>>) src(%arg11 : memref<80x128xf32, #tpu.memory_space<vmem>>) dst(%dma_wait3A_309 : memref<5128x128xf32, #tpu.memory_space<vmem_shared>>)
      } else {
      }
      %mul3A_56 = arith.constant 80 : i32
      %mul3A_57 = arith.muli %add3A_53, %mul3A_56 : i32
      %dma_start3A_58 = tpu.memref_slice %arg6[%mul3A_57] : memref<20000xi32, #tpu.memory_space<vmem>> -> memref<80xi32, #tpu.memory_space<vmem>>
      %dma_start3A_59 = arith.constant 0 : i32
      %dma_start3A_60 = arith.constant 0 : i32
      %dma_start3A_61 = tpu.memref_slice %arg2[%dma_start3A_59, %dma_start3A_60] : memref<10240x128xf32, #tpu.memory_space<hbm>> -> memref<10240x128xf32, #tpu.memory_space<hbm>>
      tpu.enqueue_indirect_dma source(%dma_start3A_61 : memref<10240x128xf32, #tpu.memory_space<hbm>>) target(%arg11 : memref<80x128xf32, #tpu.memory_space<vmem>>) offsets(%dma_start3A_58 : memref<80xi32, #tpu.memory_space<vmem>>) semaphore(%arg15 : memref<!tpu.dma_semaphore, #tpu.memory_space<semaphore_mem>>)
      %mul3A_62 = arith.constant 80 : i32
      %mul3A_63 = arith.muli %mul3A_51, %mul3A_62 : i32
      %dma_wait3A_64 = tpu.memref_slice %arg6[%mul3A_63] : memref<20000xi32, #tpu.memory_space<vmem>> -> memref<80xi32, #tpu.memory_space<vmem>>
      %dma_wait3A_65 = arith.constant 0 : i32
      %dma_wait3A_66 = arith.constant 0 : i32
      %dma_wait3A_67 = tpu.memref_slice %arg2[%dma_wait3A_65, %dma_wait3A_66] : memref<10240x128xf32, #tpu.memory_space<hbm>> -> memref<10240x128xf32, #tpu.memory_space<hbm>>
      tpu.wait_indirect_dma semaphore(%arg14 : memref<!tpu.dma_semaphore, #tpu.memory_space<semaphore_mem>>) src(%dma_wait3A_67 : memref<10240x128xf32, #tpu.memory_space<hbm>>) dst(%arg10 : memref<80x128xf32, #tpu.memory_space<vmem>>)
      %mul3A_68 = arith.constant 80 : i32
      %mul3A_69 = arith.muli %mul3A_51, %mul3A_68 : i32
      %add3A_70 = arith.constant 0 : i32
      %add3A_71 = arith.addi %mul3A_69, %add3A_70 : i32
      %get3A = arith.index_cast %add3A_71 : i32 to index
      %get3A_72 = tpu.vector_load %arg7[%get3A] {strides = array<i32>} : memref<20000xi32, #tpu.memory_space<vmem>>, vector<16xi32>,
      %get3A_73 = vector.shape_cast %get3A_72 : vector<16xi32> to vector<16xi32>
      %sub3A = vector.broadcast %mul3A_0 : i32 to vector<16xi32>
      %sub3A_74 = arith.subi %get3A_73, %sub3A : vector<16xi32>
      %lt3A = arith.constant 0 : i32
      %lt3A_75 = vector.broadcast %lt3A : i32 to vector<16xi32>
      %lt3A_76 = arith.cmpi slt, %sub3A_74, %lt3A_75 : vector<16xi32>
      %ge3A = arith.constant 5120 : i32
      %ge3A_77 = vector.broadcast %ge3A : i32 to vector<16xi32>
      %ge3A_78 = arith.cmpi sge, %sub3A_74, %ge3A_77 : vector<16xi32>
      %or3A = arith.ori %lt3A_76, %ge3A_78 : vector<16xi1>
      %jit3A = arith.constant 5120 : i32
      %broadcast_in_dim3A_79 = vector.broadcast %jit3A : i32 to vector<16xi32>
      %select_n3A = arith.select %or3A, %broadcast_in_dim3A_79, %sub3A_74 : vector<16xi1>, vector<16xi32>
      %swap3A = arith.constant 0 : index
      %swap3A_80 = tpu.vector_load %arg8[%swap3A] {strides = array<i32>} : memref<80xi32, #tpu.memory_space<vmem>>, vector<16xi32>,
      %swap3A_81 = vector.shape_cast %swap3A_80 : vector<16xi32> to vector<16xi32>
      %swap3A_82 = vector.shape_cast %select_n3A : vector<16xi32> to vector<16xi32>
      tpu.vector_store %arg8[%swap3A], %swap3A_82 {strides = array<i32>} : memref<80xi32, #tpu.memory_space<vmem>>, vector<16xi32>,
      %mul3A_83 = arith.constant 80 : i32
      %mul3A_84 = arith.muli %mul3A_51, %mul3A_83 : i32
      %add3A_85 = arith.constant 16 : i32
      %add3A_86 = arith.addi %mul3A_84, %add3A_85 : i32
      %get3A_87 = arith.index_cast %add3A_86 : i32 to index
      %get3A_88 = tpu.vector_load %arg7[%get3A_87] {strides = array<i32>} : memref<20000xi32, #tpu.memory_space<vmem>>, vector<16xi32>,
      %get3A_89 = vector.shape_cast %get3A_88 : vector<16xi32> to vector<16xi32>
      %sub3A_90 = vector.broadcast %mul3A_0 : i32 to vector<16xi32>
      %sub3A_91 = arith.subi %get3A_89, %sub3A_90 : vector<16xi32>
      %lt3A_92 = arith.constant 0 : i32
      %lt3A_93 = vector.broadcast %lt3A_92 : i32 to vector<16xi32>
      %lt3A_94 = arith.cmpi slt, %sub3A_91, %lt3A_93 : vector<16xi32>
      %ge3A_95 = arith.constant 5120 : i32
      %ge3A_96 = vector.broadcast %ge3A_95 : i32 to vector<16xi32>
      %ge3A_97 = arith.cmpi sge, %sub3A_91, %ge3A_96 : vector<16xi32>
      %or3A_98 = arith.ori %lt3A_94, %ge3A_97 : vector<16xi1>
      %jit3A_99 = arith.constant 5120 : i32
      %broadcast_in_dim3A_100 = vector.broadcast %jit3A_99 : i32 to vector<16xi32>
      %select_n3A_101 = arith.select %or3A_98, %broadcast_in_dim3A_100, %sub3A_91 : vector<16xi1>, vector<16xi32>
      %swap3A_102 = arith.constant 16 : index
      %swap3A_103 = tpu.vector_load %arg8[%swap3A_102] {strides = array<i32>} : memref<80xi32, #tpu.memory_space<vmem>>, vector<16xi32>,
      %swap3A_104 = vector.shape_cast %swap3A_103 : vector<16xi32> to vector<16xi32>
      %swap3A_105 = vector.shape_cast %select_n3A_101 : vector<16xi32> to vector<16xi32>
      tpu.vector_store %arg8[%swap3A_102], %swap3A_105 {strides = array<i32>} : memref<80xi32, #tpu.memory_space<vmem>>, vector<16xi32>,
      %mul3A_106 = arith.constant 80 : i32
      %mul3A_107 = arith.muli %mul3A_51, %mul3A_106 : i32
      %add3A_108 = arith.constant 32 : i32
      %add3A_109 = arith.addi %mul3A_107, %add3A_108 : i32
      %get3A_110 = arith.index_cast %add3A_109 : i32 to index
      %get3A_111 = tpu.vector_load %arg7[%get3A_110] {strides = array<i32>} : memref<20000xi32, #tpu.memory_space<vmem>>, vector<16xi32>,
      %get3A_112 = vector.shape_cast %get3A_111 : vector<16xi32> to vector<16xi32>
      %sub3A_113 = vector.broadcast %mul3A_0 : i32 to vector<16xi32>
      %sub3A_114 = arith.subi %get3A_112, %sub3A_113 : vector<16xi32>
      %lt3A_115 = arith.constant 0 : i32
      %lt3A_116 = vector.broadcast %lt3A_115 : i32 to vector<16xi32>
      %lt3A_117 = arith.cmpi slt, %sub3A_114, %lt3A_116 : vector<16xi32>
      %ge3A_118 = arith.constant 5120 : i32
      %ge3A_119 = vector.broadcast %ge3A_118 : i32 to vector<16xi32>
      %ge3A_120 = arith.cmpi sge, %sub3A_114, %ge3A_119 : vector<16xi32>
      %or3A_121 = arith.ori %lt3A_117, %ge3A_120 : vector<16xi1>
      %jit3A_122 = arith.constant 5120 : i32
      %broadcast_in_dim3A_123 = vector.broadcast %jit3A_122 : i32 to vector<16xi32>
      %select_n3A_124 = arith.select %or3A_121, %broadcast_in_dim3A_123, %sub3A_114 : vector<16xi1>, vector<16xi32>
      %swap3A_125 = arith.constant 32 : index
      %swap3A_126 = tpu.vector_load %arg8[%swap3A_125] {strides = array<i32>} : memref<80xi32, #tpu.memory_space<vmem>>, vector<16xi32>,
      %swap3A_127 = vector.shape_cast %swap3A_126 : vector<16xi32> to vector<16xi32>
      %swap3A_128 = vector.shape_cast %select_n3A_124 : vector<16xi32> to vector<16xi32>
      tpu.vector_store %arg8[%swap3A_125], %swap3A_128 {strides = array<i32>} : memref<80xi32, #tpu.memory_space<vmem>>, vector<16xi32>,
      %mul3A_129 = arith.constant 80 : i32
      %mul3A_130 = arith.muli %mul3A_51, %mul3A_129 : i32
      %add3A_131 = arith.constant 48 : i32
      %add3A_132 = arith.addi %mul3A_130, %add3A_131 : i32
      %get3A_133 = arith.index_cast %add3A_132 : i32 to index
      %get3A_134 = tpu.vector_load %arg7[%get3A_133] {strides = array<i32>} : memref<20000xi32, #tpu.memory_space<vmem>>, vector<16xi32>,
      %get3A_135 = vector.shape_cast %get3A_134 : vector<16xi32> to vector<16xi32>
      %sub3A_136 = vector.broadcast %mul3A_0 : i32 to vector<16xi32>
      %sub3A_137 = arith.subi %get3A_135, %sub3A_136 : vector<16xi32>
      %lt3A_138 = arith.constant 0 : i32
      %lt3A_139 = vector.broadcast %lt3A_138 : i32 to vector<16xi32>
      %lt3A_140 = arith.cmpi slt, %sub3A_137, %lt3A_139 : vector<16xi32>
      %ge3A_141 = arith.constant 5120 : i32
      %ge3A_142 = vector.broadcast %ge3A_141 : i32 to vector<16xi32>
      %ge3A_143 = arith.cmpi sge, %sub3A_137, %ge3A_142 : vector<16xi32>
      %or3A_144 = arith.ori %lt3A_140, %ge3A_143 : vector<16xi1>
      %jit3A_145 = arith.constant 5120 : i32
      %broadcast_in_dim3A_146 = vector.broadcast %jit3A_145 : i32 to vector<16xi32>
      %select_n3A_147 = arith.select %or3A_144, %broadcast_in_dim3A_146, %sub3A_137 : vector<16xi1>, vector<16xi32>
      %swap3A_148 = arith.constant 48 : index
      %swap3A_149 = tpu.vector_load %arg8[%swap3A_148] {strides = array<i32>} : memref<80xi32, #tpu.memory_space<vmem>>, vector<16xi32>,
      %swap3A_150 = vector.shape_cast %swap3A_149 : vector<16xi32> to vector<16xi32>
      %swap3A_151 = vector.shape_cast %select_n3A_147 : vector<16xi32> to vector<16xi32>
      tpu.vector_store %arg8[%swap3A_148], %swap3A_151 {strides = array<i32>} : memref<80xi32, #tpu.memory_space<vmem>>, vector<16xi32>,
      %mul3A_152 = arith.constant 80 : i32
      %mul3A_153 = arith.muli %mul3A_51, %mul3A_152 : i32
      %add3A_154 = arith.constant 64 : i32
      %add3A_155 = arith.addi %mul3A_153, %add3A_154 : i32
      %get3A_156 = arith.index_cast %add3A_155 : i32 to index
      %get3A_157 = tpu.vector_load %arg7[%get3A_156] {strides = array<i32>} : memref<20000xi32, #tpu.memory_space<vmem>>, vector<16xi32>,
      %get3A_158 = vector.shape_cast %get3A_157 : vector<16xi32> to vector<16xi32>
      %sub3A_159 = vector.broadcast %mul3A_0 : i32 to vector<16xi32>
      %sub3A_160 = arith.subi %get3A_158, %sub3A_159 : vector<16xi32>
      %lt3A_161 = arith.constant 0 : i32
      %lt3A_162 = vector.broadcast %lt3A_161 : i32 to vector<16xi32>
      %lt3A_163 = arith.cmpi slt, %sub3A_160, %lt3A_162 : vector<16xi32>
      %ge3A_164 = arith.constant 5120 : i32
      %ge3A_165 = vector.broadcast %ge3A_164 : i32 to vector<16xi32>
      %ge3A_166 = arith.cmpi sge, %sub3A_160, %ge3A_165 : vector<16xi32>
      %or3A_167 = arith.ori %lt3A_163, %ge3A_166 : vector<16xi1>
      %jit3A_168 = arith.constant 5120 : i32
      %broadcast_in_dim3A_169 = vector.broadcast %jit3A_168 : i32 to vector<16xi32>
      %select_n3A_170 = arith.select %or3A_167, %broadcast_in_dim3A_169, %sub3A_160 : vector<16xi1>, vector<16xi32>
      %swap3A_171 = arith.constant 64 : index
      %swap3A_172 = tpu.vector_load %arg8[%swap3A_171] {strides = array<i32>} : memref<80xi32, #tpu.memory_space<vmem>>, vector<16xi32>,
      %swap3A_173 = vector.shape_cast %swap3A_172 : vector<16xi32> to vector<16xi32>
      %swap3A_174 = vector.shape_cast %select_n3A_170 : vector<16xi32> to vector<16xi32>
      tpu.vector_store %arg8[%swap3A_171], %swap3A_174 {strides = array<i32>} : memref<80xi32, #tpu.memory_space<vmem>>, vector<16xi32>,
      %dma_start3A_175 = arith.constant 0 : i32
      %dma_start3A_176 = arith.constant 0 : i32
      %dma_start3A_177 = tpu.memref_slice %arg13[%dma_start3A_175, %dma_start3A_176] : memref<5128x128xf32, #tpu.memory_space<vmem_shared>> -> memref<5128x128xf32, #tpu.memory_space<vmem_shared>>
      tpu.enqueue_indirect_dma source(%arg10 : memref<80x128xf32, #tpu.memory_space<vmem>>) target(%dma_start3A_177 : memref<5128x128xf32, #tpu.memory_space<vmem_shared>>) offsets(%arg8 : memref<80xi32, #tpu.memory_space<vmem>>) semaphore(%arg16 : memref<!tpu.dma_semaphore, #tpu.memory_space<semaphore_mem>>) {add = true}
      %mul3A_178 = arith.constant 80 : i32
      %mul3A_179 = arith.muli %add3A_53, %mul3A_178 : i32
      %dma_wait3A_180 = tpu.memref_slice %arg6[%mul3A_179] : memref<20000xi32, #tpu.memory_space<vmem>> -> memref<80xi32, #tpu.memory_space<vmem>>
      %dma_wait3A_181 = arith.constant 0 : i32
      %dma_wait3A_182 = arith.constant 0 : i32
      %dma_wait3A_183 = tpu.memref_slice %arg2[%dma_wait3A_181, %dma_wait3A_182] : memref<10240x128xf32, #tpu.memory_space<hbm>> -> memref<10240x128xf32, #tpu.memory_space<hbm>>
      tpu.wait_indirect_dma semaphore(%arg15 : memref<!tpu.dma_semaphore, #tpu.memory_space<semaphore_mem>>) src(%dma_wait3A_183 : memref<10240x128xf32, #tpu.memory_space<hbm>>) dst(%arg11 : memref<80x128xf32, #tpu.memory_space<vmem>>)
      %mul3A_184 = arith.constant 80 : i32
      %mul3A_185 = arith.muli %add3A_53, %mul3A_184 : i32
      %add3A_186 = arith.constant 0 : i32
      %add3A_187 = arith.addi %mul3A_185, %add3A_186 : i32
      %get3A_188 = arith.index_cast %add3A_187 : i32 to index
      %get3A_189 = tpu.vector_load %arg7[%get3A_188] {strides = array<i32>} : memref<20000xi32, #tpu.memory_space<vmem>>, vector<16xi32>,
      %get3A_190 = vector.shape_cast %get3A_189 : vector<16xi32> to vector<16xi32>
      %sub3A_191 = vector.broadcast %mul3A_0 : i32 to vector<16xi32>
      %sub3A_192 = arith.subi %get3A_190, %sub3A_191 : vector<16xi32>
      %lt3A_193 = arith.constant 0 : i32
      %lt3A_194 = vector.broadcast %lt3A_193 : i32 to vector<16xi32>
      %lt3A_195 = arith.cmpi slt, %sub3A_192, %lt3A_194 : vector<16xi32>
      %ge3A_196 = arith.constant 5120 : i32
      %ge3A_197 = vector.broadcast %ge3A_196 : i32 to vector<16xi32>
      %ge3A_198 = arith.cmpi sge, %sub3A_192, %ge3A_197 : vector<16xi32>
      %or3A_199 = arith.ori %lt3A_195, %ge3A_198 : vector<16xi1>
      %jit3A_200 = arith.constant 5120 : i32
      %broadcast_in_dim3A_201 = vector.broadcast %jit3A_200 : i32 to vector<16xi32>
      %select_n3A_202 = arith.select %or3A_199, %broadcast_in_dim3A_201, %sub3A_192 : vector<16xi1>, vector<16xi32>
      %swap3A_203 = arith.constant 0 : index
      %swap3A_204 = tpu.vector_load %arg9[%swap3A_203] {strides = array<i32>} : memref<80xi32, #tpu.memory_space<vmem>>, vector<16xi32>,
      %swap3A_205 = vector.shape_cast %swap3A_204 : vector<16xi32> to vector<16xi32>
      %swap3A_206 = vector.shape_cast %select_n3A_202 : vector<16xi32> to vector<16xi32>
      tpu.vector_store %arg9[%swap3A_203], %swap3A_206 {strides = array<i32>} : memref<80xi32, #tpu.memory_space<vmem>>, vector<16xi32>,
      %mul3A_207 = arith.constant 80 : i32
      %mul3A_208 = arith.muli %add3A_53, %mul3A_207 : i32
      %add3A_209 = arith.constant 16 : i32
      %add3A_210 = arith.addi %mul3A_208, %add3A_209 : i32
      %get3A_211 = arith.index_cast %add3A_210 : i32 to index
      %get3A_212 = tpu.vector_load %arg7[%get3A_211] {strides = array<i32>} : memref<20000xi32, #tpu.memory_space<vmem>>, vector<16xi32>,
      %get3A_213 = vector.shape_cast %get3A_212 : vector<16xi32> to vector<16xi32>
      %sub3A_214 = vector.broadcast %mul3A_0 : i32 to vector<16xi32>
      %sub3A_215 = arith.subi %get3A_213, %sub3A_214 : vector<16xi32>
      %lt3A_216 = arith.constant 0 : i32
      %lt3A_217 = vector.broadcast %lt3A_216 : i32 to vector<16xi32>
      %lt3A_218 = arith.cmpi slt, %sub3A_215, %lt3A_217 : vector<16xi32>
      %ge3A_219 = arith.constant 5120 : i32
      %ge3A_220 = vector.broadcast %ge3A_219 : i32 to vector<16xi32>
      %ge3A_221 = arith.cmpi sge, %sub3A_215, %ge3A_220 : vector<16xi32>
      %or3A_222 = arith.ori %lt3A_218, %ge3A_221 : vector<16xi1>
      %jit3A_223 = arith.constant 5120 : i32
      %broadcast_in_dim3A_224 = vector.broadcast %jit3A_223 : i32 to vector<16xi32>
      %select_n3A_225 = arith.select %or3A_222, %broadcast_in_dim3A_224, %sub3A_215 : vector<16xi1>, vector<16xi32>
      %swap3A_226 = arith.constant 16 : index
      %swap3A_227 = tpu.vector_load %arg9[%swap3A_226] {strides = array<i32>} : memref<80xi32, #tpu.memory_space<vmem>>, vector<16xi32>,
      %swap3A_228 = vector.shape_cast %swap3A_227 : vector<16xi32> to vector<16xi32>
      %swap3A_229 = vector.shape_cast %select_n3A_225 : vector<16xi32> to vector<16xi32>
      tpu.vector_store %arg9[%swap3A_226], %swap3A_229 {strides = array<i32>} : memref<80xi32, #tpu.memory_space<vmem>>, vector<16xi32>,
      %mul3A_230 = arith.constant 80 : i32
      %mul3A_231 = arith.muli %add3A_53, %mul3A_230 : i32
      %add3A_232 = arith.constant 32 : i32
      %add3A_233 = arith.addi %mul3A_231, %add3A_232 : i32
      %get3A_234 = arith.index_cast %add3A_233 : i32 to index
      %get3A_235 = tpu.vector_load %arg7[%get3A_234] {strides = array<i32>} : memref<20000xi32, #tpu.memory_space<vmem>>, vector<16xi32>,
      %get3A_236 = vector.shape_cast %get3A_235 : vector<16xi32> to vector<16xi32>
      %sub3A_237 = vector.broadcast %mul3A_0 : i32 to vector<16xi32>
      %sub3A_238 = arith.subi %get3A_236, %sub3A_237 : vector<16xi32>
      %lt3A_239 = arith.constant 0 : i32
      %lt3A_240 = vector.broadcast %lt3A_239 : i32 to vector<16xi32>
      %lt3A_241 = arith.cmpi slt, %sub3A_238, %lt3A_240 : vector<16xi32>
      %ge3A_242 = arith.constant 5120 : i32
      %ge3A_243 = vector.broadcast %ge3A_242 : i32 to vector<16xi32>
      %ge3A_244 = arith.cmpi sge, %sub3A_238, %ge3A_243 : vector<16xi32>
      %or3A_245 = arith.ori %lt3A_241, %ge3A_244 : vector<16xi1>
      %jit3A_246 = arith.constant 5120 : i32
      %broadcast_in_dim3A_247 = vector.broadcast %jit3A_246 : i32 to vector<16xi32>
      %select_n3A_248 = arith.select %or3A_245, %broadcast_in_dim3A_247, %sub3A_238 : vector<16xi1>, vector<16xi32>
      %swap3A_249 = arith.constant 32 : index
      %swap3A_250 = tpu.vector_load %arg9[%swap3A_249] {strides = array<i32>} : memref<80xi32, #tpu.memory_space<vmem>>, vector<16xi32>,
      %swap3A_251 = vector.shape_cast %swap3A_250 : vector<16xi32> to vector<16xi32>
      %swap3A_252 = vector.shape_cast %select_n3A_248 : vector<16xi32> to vector<16xi32>
      tpu.vector_store %arg9[%swap3A_249], %swap3A_252 {strides = array<i32>} : memref<80xi32, #tpu.memory_space<vmem>>, vector<16xi32>,
      %mul3A_253 = arith.constant 80 : i32
      %mul3A_254 = arith.muli %add3A_53, %mul3A_253 : i32
      %add3A_255 = arith.constant 48 : i32
      %add3A_256 = arith.addi %mul3A_254, %add3A_255 : i32
      %get3A_257 = arith.index_cast %add3A_256 : i32 to index
      %get3A_258 = tpu.vector_load %arg7[%get3A_257] {strides = array<i32>} : memref<20000xi32, #tpu.memory_space<vmem>>, vector<16xi32>,
      %get3A_259 = vector.shape_cast %get3A_258 : vector<16xi32> to vector<16xi32>
      %sub3A_260 = vector.broadcast %mul3A_0 : i32 to vector<16xi32>
      %sub3A_261 = arith.subi %get3A_259, %sub3A_260 : vector<16xi32>
      %lt3A_262 = arith.constant 0 : i32
      %lt3A_263 = vector.broadcast %lt3A_262 : i32 to vector<16xi32>
      %lt3A_264 = arith.cmpi slt, %sub3A_261, %lt3A_263 : vector<16xi32>
      %ge3A_265 = arith.constant 5120 : i32
      %ge3A_266 = vector.broadcast %ge3A_265 : i32 to vector<16xi32>
      %ge3A_267 = arith.cmpi sge, %sub3A_261, %ge3A_266 : vector<16xi32>
      %or3A_268 = arith.ori %lt3A_264, %ge3A_267 : vector<16xi1>
      %jit3A_269 = arith.constant 5120 : i32
      %broadcast_in_dim3A_270 = vector.broadcast %jit3A_269 : i32 to vector<16xi32>
      %select_n3A_271 = arith.select %or3A_268, %broadcast_in_dim3A_270, %sub3A_261 : vector<16xi1>, vector<16xi32>
      %swap3A_272 = arith.constant 48 : index
      %swap3A_273 = tpu.vector_load %arg9[%swap3A_272] {strides = array<i32>} : memref<80xi32, #tpu.memory_space<vmem>>, vector<16xi32>,
      %swap3A_274 = vector.shape_cast %swap3A_273 : vector<16xi32> to vector<16xi32>
      %swap3A_275 = vector.shape_cast %select_n3A_271 : vector<16xi32> to vector<16xi32>
      tpu.vector_store %arg9[%swap3A_272], %swap3A_275 {strides = array<i32>} : memref<80xi32, #tpu.memory_space<vmem>>, vector<16xi32>,
      %mul3A_276 = arith.constant 80 : i32
      %mul3A_277 = arith.muli %add3A_53, %mul3A_276 : i32
      %add3A_278 = arith.constant 64 : i32
      %add3A_279 = arith.addi %mul3A_277, %add3A_278 : i32
      %get3A_280 = arith.index_cast %add3A_279 : i32 to index
      %get3A_281 = tpu.vector_load %arg7[%get3A_280] {strides = array<i32>} : memref<20000xi32, #tpu.memory_space<vmem>>, vector<16xi32>,
      %get3A_282 = vector.shape_cast %get3A_281 : vector<16xi32> to vector<16xi32>
      %sub3A_283 = vector.broadcast %mul3A_0 : i32 to vector<16xi32>
      %sub3A_284 = arith.subi %get3A_282, %sub3A_283 : vector<16xi32>
      %lt3A_285 = arith.constant 0 : i32
      %lt3A_286 = vector.broadcast %lt3A_285 : i32 to vector<16xi32>
      %lt3A_287 = arith.cmpi slt, %sub3A_284, %lt3A_286 : vector<16xi32>
      %ge3A_288 = arith.constant 5120 : i32
      %ge3A_289 = vector.broadcast %ge3A_288 : i32 to vector<16xi32>
      %ge3A_290 = arith.cmpi sge, %sub3A_284, %ge3A_289 : vector<16xi32>
      %or3A_291 = arith.ori %lt3A_287, %ge3A_290 : vector<16xi1>
      %jit3A_292 = arith.constant 5120 : i32
      %broadcast_in_dim3A_293 = vector.broadcast %jit3A_292 : i32 to vector<16xi32>
      %select_n3A_294 = arith.select %or3A_291, %broadcast_in_dim3A_293, %sub3A_284 : vector<16xi1>, vector<16xi32>
      %swap3A_295 = arith.constant 64 : index
      %swap3A_296 = tpu.vector_load %arg9[%swap3A_295] {strides = array<i32>} : memref<80xi32, #tpu.memory_space<vmem>>, vector<16xi32>,
      %swap3A_297 = vector.shape_cast %swap3A_296 : vector<16xi32> to vector<16xi32>
      %swap3A_298 = vector.shape_cast %select_n3A_294 : vector<16xi32> to vector<16xi32>
      tpu.vector_store %arg9[%swap3A_295], %swap3A_298 {strides = array<i32>} : memref<80xi32, #tpu.memory_space<vmem>>, vector<16xi32>,
      %lt3A_299 = arith.constant 124 : i32
      %lt3A_300 = arith.cmpi slt, %scan3A_49, %lt3A_299 : i32
      %convert_element_type3A_301 = arith.extui %lt3A_300 : i1 to i32
      %cond3A_302 = arith.constant 0 : i32
      %cond3A_303 = arith.cmpi ne, %convert_element_type3A_301, %cond3A_302 : i32
      scf.if %cond3A_303 {
        %dma_wait3A_307 = arith.constant 0 : i32
        %dma_wait3A_308 = arith.constant 0 : i32
        %dma_wait3A_309 = tpu.memref_slice %arg13[%dma_wait3A_307, %dma_wait3A_308] : memref<5128x128xf32, #tpu.memory_space<vmem_shared>> -> memref<5128x128xf32, #tpu.memory_space<vmem_shared>>
        tpu.wait_indirect_dma semaphore(%arg16 : memref<!tpu.dma_semaphore, #tpu.memory_space<semaphore_mem>>) src(%arg10 : memref<80x128xf32, #tpu.memory_space<vmem>>) dst(%dma_wait3A_309 : memref<5128x128xf32, #tpu.memory_space<vmem_shared>>)
        %add3A_310 = arith.constant 2 : i32
        %add3A_311 = arith.addi %mul3A_51, %add3A_310 : i32
        %mul3A_312 = arith.constant 80 : i32
        %mul3A_313 = arith.muli %add3A_311, %mul3A_312 : i32
        %dma_start3A_314 = tpu.memref_slice %arg6[%mul3A_313] : memref<20000xi32, #tpu.memory_space<vmem>> -> memref<80xi32, #tpu.memory_space<vmem>>
        %dma_start3A_315 = arith.constant 0 : i32
        %dma_start3A_316 = arith.constant 0 : i32
        %dma_start3A_317 = tpu.memref_slice %arg2[%dma_start3A_315, %dma_start3A_316] : memref<10240x128xf32, #tpu.memory_space<hbm>> -> memref<10240x128xf32, #tpu.memory_space<hbm>>
        tpu.enqueue_indirect_dma source(%dma_start3A_317 : memref<10240x128xf32, #tpu.memory_space<hbm>>) target(%arg10 : memref<80x128xf32, #tpu.memory_space<vmem>>) offsets(%dma_start3A_314 : memref<80xi32, #tpu.memory_space<vmem>>) semaphore(%arg14 : memref<!tpu.dma_semaphore, #tpu.memory_space<semaphore_mem>>)
      } else {
      }
      %dma_start3A_304 = arith.constant 0 : i32
      %dma_start3A_305 = arith.constant 0 : i32
      %dma_start3A_306 = tpu.memref_slice %arg13[%dma_start3A_304, %dma_start3A_305] : memref<5128x128xf32, #tpu.memory_space<vmem_shared>> -> memref<5128x128xf32, #tpu.memory_space<vmem_shared>>
      tpu.enqueue_indirect_dma source(%arg11 : memref<80x128xf32, #tpu.memory_space<vmem>>) target(%dma_start3A_306 : memref<5128x128xf32, #tpu.memory_space<vmem_shared>>) offsets(%arg9 : memref<80xi32, #tpu.memory_space<vmem>>) semaphore(%arg17 : memref<!tpu.dma_semaphore, #tpu.memory_space<semaphore_mem>>) {add = true}
    }
    %scan3A_35 = arith.constant 125 : i32
    %dma_wait3A = arith.constant 0 : i32
    %dma_wait3A_36 = arith.constant 0 : i32
    %dma_wait3A_37 = tpu.memref_slice %arg13[%dma_wait3A, %dma_wait3A_36] : memref<5128x128xf32, #tpu.memory_space<vmem_shared>> -> memref<5128x128xf32, #tpu.memory_space<vmem_shared>>
    tpu.wait_indirect_dma semaphore(%arg16 : memref<!tpu.dma_semaphore, #tpu.memory_space<semaphore_mem>>) src(%arg10 : memref<80x128xf32, #tpu.memory_space<vmem>>) dst(%dma_wait3A_37 : memref<5128x128xf32, #tpu.memory_space<vmem_shared>>)
    %dma_wait3A_38 = arith.constant 0 : i32
    %dma_wait3A_39 = arith.constant 0 : i32
    %dma_wait3A_40 = tpu.memref_slice %arg13[%dma_wait3A_38, %dma_wait3A_39] : memref<5128x128xf32, #tpu.memory_space<vmem_shared>> -> memref<5128x128xf32, #tpu.memory_space<vmem_shared>>
    tpu.wait_indirect_dma semaphore(%arg17 : memref<!tpu.dma_semaphore, #tpu.memory_space<semaphore_mem>>) src(%arg11 : memref<80x128xf32, #tpu.memory_space<vmem>>) dst(%dma_wait3A_40 : memref<5128x128xf32, #tpu.memory_space<vmem_shared>>)
    %barrier3A_41 = arith.constant 0 : index
    tpu.barrier barrier_id(%barrier3A_41)
    %mul3A_42 = arith.constant 320 : i32
    %mul3A_43 = arith.muli %arg1, %mul3A_42 : i32
    %mul3A_44 = arith.constant 5120 : i32
    %mul3A_45 = arith.muli %arg0, %mul3A_44 : i32
    %mul3A_46 = arith.constant 320 : i32
    %mul3A_47 = arith.muli %arg1, %mul3A_46 : i32
    %add3A_48 = arith.addi %mul3A_45, %mul3A_47 : i32
    "tpu.region"() ({
      %run_scoped3A = tpu.sem_alloc : memref<!tpu.dma_semaphore, #tpu.memory_space<semaphore_mem>>
      %dma_start3A_49 = arith.constant 0 : i32
      %dma_start3A_50 = tpu.memref_slice %arg5[%add3A_48, %dma_start3A_49] : memref<10240x128xf32, #tpu.memory_space<hbm>> -> memref<320x128xf32, #tpu.memory_space<hbm>>
      %dma_start3A_51 = arith.constant 0 : i32
      %dma_start3A_52 = tpu.memref_slice %arg13[%mul3A_43, %dma_start3A_51] : memref<5128x128xf32, #tpu.memory_space<vmem_shared>> -> memref<320x128xf32, #tpu.memory_space<vmem_shared>>
      tpu.enqueue_dma source(%dma_start3A_52 : memref<320x128xf32, #tpu.memory_space<vmem_shared>>) target(%dma_start3A_50 : memref<320x128xf32, #tpu.memory_space<hbm>>) target_semaphore(%run_scoped3A : memref<!tpu.dma_semaphore, #tpu.memory_space<semaphore_mem>>)
      %dma_wait3A_53 = arith.constant 0 : i32
      %dma_wait3A_54 = tpu.memref_slice %arg5[%add3A_48, %dma_wait3A_53] : memref<10240x128xf32, #tpu.memory_space<hbm>> -> memref<320x128xf32, #tpu.memory_space<hbm>>
      %dma_wait3A_55 = arith.constant 0 : i32
      %dma_wait3A_56 = tpu.memref_slice %arg13[%mul3A_43, %dma_wait3A_55] : memref<5128x128xf32, #tpu.memory_space<vmem_shared>> -> memref<320x128xf32, #tpu.memory_space<vmem_shared>>
      tpu.wait_dma2 semaphore(%run_scoped3A : memref<!tpu.dma_semaphore, #tpu.memory_space<semaphore_mem>>) src(%dma_wait3A_56 : memref<320x128xf32, #tpu.memory_space<vmem_shared>>) dst(%dma_wait3A_54 : memref<320x128xf32, #tpu.memory_space<hbm>>)
      tpu.yield
    }) : () -> ()
    return
  }
}

#map = affine_map<(d0, d1) -> (0, 0)>
#map1 = affine_map<(d0, d1) -> (0)>
module attributes {stable_mosaic.version = 14 : i64} {
  func.func @_agg_body(%arg0: i32, %arg1: i32, %arg2: memref<10240x128xf32, #tpu.memory_space<hbm>>, %arg3: memref<320000xi32, #tpu.memory_space<hbm>>, %arg4: memref<320000xi32, #tpu.memory_space<hbm>>, %arg5: memref<10240x128xf32, #tpu.memory_space<hbm>>, %arg6: memref<20000xi32, #tpu.memory_space<vmem>>, %arg7: memref<20000xi32, #tpu.memory_space<vmem>>, %arg8: memref<80xi32, #tpu.memory_space<vmem>>, %arg9: memref<80xi32, #tpu.memory_space<vmem>>, %arg10: memref<80x128xf32, #tpu.memory_space<vmem>>, %arg11: memref<80x128xf32, #tpu.memory_space<vmem>>, %arg12: memref<80x128xf32, #tpu.memory_space<vmem>>, %arg13: memref<5128x128xf32, #tpu.memory_space<vmem_shared>>, %arg14: memref<!tpu.dma_semaphore, #tpu.memory_space<semaphore_mem>>, %arg15: memref<!tpu.dma_semaphore, #tpu.memory_space<semaphore_mem>>, %arg16: memref<!tpu.dma_semaphore, #tpu.memory_space<semaphore_mem>>, %arg17: memref<!tpu.dma_semaphore, #tpu.memory_space<semaphore_mem>>) attributes {dimension_semantics = [#tpu.dimension_semantics<core_parallel>, #tpu.dimension_semantics<subcore_parallel>], iteration_bounds = array<i64: 2, 16>, scalar_prefetch = 0 : i64, scratch_operands = 12 : i64, tpu.core_type = #tpu.core_type<sc_vector_subcore>, window_params = [{transform_indices = #map}, {transform_indices = #map1}, {transform_indices = #map1}, {transform_indices = #map}]} {
    %mul3A = arith.constant 5120 : i32
    %mul3A_0 = arith.muli %arg0, %mul3A : i32
    %broadcast_in_dim3A = arith.constant 0.000000e+00 : f32
    %broadcast_in_dim3A_1 = vector.broadcast %broadcast_in_dim3A : f32 to vector<16xf32>
    %scan3A = arith.constant 0 : i32
    %scan3A_2 = arith.constant 0 : i32
    %scan3A_3 = arith.constant 640 : i32
    %scan3A_4 = arith.addi %scan3A_2, %scan3A_3 : i32
    %scan3A_5 = arith.constant 1 : i32
    scf.for %scan3A_49 = %scan3A_2 to %scan3A_4 step %scan3A_5  : i32 {
      %jit3A = arith.constant 8 : i32
      %div3A = arith.divsi %scan3A_49, %jit3A : i32
      %sign3A = arith.constant 0 : i32
      %sign3A_50 = arith.cmpi sgt, %scan3A_49, %sign3A : i32
      %sign3A_51 = arith.extui %sign3A_50 : i1 to i32
      %sign3A_52 = arith.constant 0 : i32
      %sign3A_53 = arith.cmpi slt, %scan3A_49, %sign3A_52 : i32
      %sign3A_54 = arith.extui %sign3A_53 : i1 to i32
      %sign3A_55 = arith.subi %sign3A_51, %sign3A_54 : i32
      %sign3A_56 = arith.constant 0 : i32
      %sign3A_57 = arith.cmpi sgt, %jit3A, %sign3A_56 : i32
      %sign3A_58 = arith.extui %sign3A_57 : i1 to i32
      %sign3A_59 = arith.constant 0 : i32
      %sign3A_60 = arith.cmpi slt, %jit3A, %sign3A_59 : i32
      %sign3A_61 = arith.extui %sign3A_60 : i1 to i32
      %sign3A_62 = arith.subi %sign3A_58, %sign3A_61 : i32
      %ne3A = arith.cmpi ne, %sign3A_55, %sign3A_62 : i32
      %rem3A = arith.remsi %scan3A_49, %jit3A : i32
      %ne3A_63 = arith.constant 0 : i32
      %ne3A_64 = arith.cmpi ne, %rem3A, %ne3A_63 : i32
      %and3A = arith.andi %ne3A, %ne3A_64 : i1
      %sub3A = arith.constant 1 : i32
      %sub3A_65 = arith.subi %div3A, %sub3A : i32
      %select_n3A = arith.select %and3A, %sub3A_65, %div3A : i32
      %jit3A_66 = arith.constant 8 : i32
      %eq3A = arith.constant 0 : i32
      %eq3A_67 = arith.cmpi eq, %jit3A_66, %eq3A : i32
      %jit3A_68 = arith.constant 1 : i32
      %select_n3A_69 = arith.select %eq3A_67, %jit3A_68, %jit3A_66 : i32
      %rem3A_70 = arith.remsi %scan3A_49, %select_n3A_69 : i32
      %ne3A_71 = arith.constant 0 : i32
      %ne3A_72 = arith.cmpi ne, %rem3A_70, %ne3A_71 : i32
      %lt3A = arith.constant 0 : i32
      %lt3A_73 = arith.cmpi slt, %rem3A_70, %lt3A : i32
      %lt3A_74 = arith.constant 0 : i32
      %lt3A_75 = arith.cmpi slt, %select_n3A_69, %lt3A_74 : i32
      %ne3A_76 = arith.xori %lt3A_73, %lt3A_75 : i1
      %and3A_77 = arith.andi %ne3A_76, %ne3A_72 : i1
      %add3A_78 = arith.addi %rem3A_70, %select_n3A_69 : i32
      %select_n3A_79 = arith.select %and3A_77, %add3A_78, %rem3A_70 : i32
      %mul3A_80 = arith.constant 16 : i32
      %mul3A_81 = arith.muli %select_n3A_79, %mul3A_80 : i32
      %swap3A = arith.index_cast %select_n3A : i32 to index
      %swap3A_82 = arith.index_cast %mul3A_81 : i32 to index
      %swap3A_83 = tpu.vector_load %arg12[%swap3A, %swap3A_82] {strides = array<i32>} : memref<80x128xf32, #tpu.memory_space<vmem>>, vector<1x16xf32>,
      %swap3A_84 = vector.shape_cast %swap3A_83 : vector<1x16xf32> to vector<16xf32>
      %swap3A_85 = vector.shape_cast %broadcast_in_dim3A_1 : vector<16xf32> to vector<1x16xf32>
      tpu.vector_store %arg12[%swap3A, %swap3A_82], %swap3A_85 {strides = array<i32>} : memref<80x128xf32, #tpu.memory_space<vmem>>, vector<1x16xf32>,
    }
    %scan3A_6 = arith.constant 640 : i32
    %mul3A_7 = arith.constant 320 : i32
    %mul3A_8 = arith.muli %arg1, %mul3A_7 : i32
    %add3A = arith.constant 0 : i32
    %add3A_9 = arith.addi %mul3A_8, %add3A : i32
    "tpu.region"() ({
      %run_scoped3A = tpu.sem_alloc : memref<!tpu.dma_semaphore, #tpu.memory_space<semaphore_mem>>
      %dma_start3A_49 = arith.constant 0 : i32
      %dma_start3A_50 = tpu.memref_slice %arg13[%add3A_9, %dma_start3A_49] : memref<5128x128xf32, #tpu.memory_space<vmem_shared>> -> memref<80x128xf32, #tpu.memory_space<vmem_shared>>
      %dma_start3A_51 = arith.constant 0 : i32
      %dma_start3A_52 = tpu.memref_slice %arg13[%add3A_9, %dma_start3A_51] : memref<5128x128xf32, #tpu.memory_space<vmem_shared>> -> memref<80x128xf32, #tpu.memory_space<vmem_shared>>
      tpu.enqueue_dma source(%arg12 : memref<80x128xf32, #tpu.memory_space<vmem>>) target(%dma_start3A_52 : memref<80x128xf32, #tpu.memory_space<vmem_shared>>) target_semaphore(%run_scoped3A : memref<!tpu.dma_semaphore, #tpu.memory_space<semaphore_mem>>)
      %dma_wait3A_53 = arith.constant 0 : i32
      %dma_wait3A_54 = tpu.memref_slice %arg13[%add3A_9, %dma_wait3A_53] : memref<5128x128xf32, #tpu.memory_space<vmem_shared>> -> memref<80x128xf32, #tpu.memory_space<vmem_shared>>
      %dma_wait3A_55 = arith.constant 0 : i32
      %dma_wait3A_56 = tpu.memref_slice %arg13[%add3A_9, %dma_wait3A_55] : memref<5128x128xf32, #tpu.memory_space<vmem_shared>> -> memref<80x128xf32, #tpu.memory_space<vmem_shared>>
      tpu.wait_dma2 semaphore(%run_scoped3A : memref<!tpu.dma_semaphore, #tpu.memory_space<semaphore_mem>>) src(%arg12 : memref<80x128xf32, #tpu.memory_space<vmem>>) dst(%dma_wait3A_56 : memref<80x128xf32, #tpu.memory_space<vmem_shared>>)
      tpu.yield
    }) : () -> ()
    %mul3A_10 = arith.constant 320 : i32
    %mul3A_11 = arith.muli %arg1, %mul3A_10 : i32
    %add3A_12 = arith.constant 80 : i32
    %add3A_13 = arith.addi %mul3A_11, %add3A_12 : i32
    "tpu.region"() ({
      %run_scoped3A = tpu.sem_alloc : memref<!tpu.dma_semaphore, #tpu.memory_space<semaphore_mem>>
      %dma_start3A_49 = arith.constant 0 : i32
      %dma_start3A_50 = tpu.memref_slice %arg13[%add3A_13, %dma_start3A_49] : memref<5128x128xf32, #tpu.memory_space<vmem_shared>> -> memref<80x128xf32, #tpu.memory_space<vmem_shared>>
      %dma_start3A_51 = arith.constant 0 : i32
      %dma_start3A_52 = tpu.memref_slice %arg13[%add3A_13, %dma_start3A_51] : memref<5128x128xf32, #tpu.memory_space<vmem_shared>> -> memref<80x128xf32, #tpu.memory_space<vmem_shared>>
      tpu.enqueue_dma source(%arg12 : memref<80x128xf32, #tpu.memory_space<vmem>>) target(%dma_start3A_52 : memref<80x128xf32, #tpu.memory_space<vmem_shared>>) target_semaphore(%run_scoped3A : memref<!tpu.dma_semaphore, #tpu.memory_space<semaphore_mem>>)
      %dma_wait3A_53 = arith.constant 0 : i32
      %dma_wait3A_54 = tpu.memref_slice %arg13[%add3A_13, %dma_wait3A_53] : memref<5128x128xf32, #tpu.memory_space<vmem_shared>> -> memref<80x128xf32, #tpu.memory_space<vmem_shared>>
      %dma_wait3A_55 = arith.constant 0 : i32
      %dma_wait3A_56 = tpu.memref_slice %arg13[%add3A_13, %dma_wait3A_55] : memref<5128x128xf32, #tpu.memory_space<vmem_shared>> -> memref<80x128xf32, #tpu.memory_space<vmem_shared>>
      tpu.wait_dma2 semaphore(%run_scoped3A : memref<!tpu.dma_semaphore, #tpu.memory_space<semaphore_mem>>) src(%arg12 : memref<80x128xf32, #tpu.memory_space<vmem>>) dst(%dma_wait3A_56 : memref<80x128xf32, #tpu.memory_space<vmem_shared>>)
      tpu.yield
    }) : () -> ()
    %mul3A_14 = arith.constant 320 : i32
    %mul3A_15 = arith.muli %arg1, %mul3A_14 : i32
    %add3A_16 = arith.constant 160 : i32
    %add3A_17 = arith.addi %mul3A_15, %add3A_16 : i32
    "tpu.region"() ({
      %run_scoped3A = tpu.sem_alloc : memref<!tpu.dma_semaphore, #tpu.memory_space<semaphore_mem>>
      %dma_start3A_49 = arith.constant 0 : i32
      %dma_start3A_50 = tpu.memref_slice %arg13[%add3A_17, %dma_start3A_49] : memref<5128x128xf32, #tpu.memory_space<vmem_shared>> -> memref<80x128xf32, #tpu.memory_space<vmem_shared>>
      %dma_start3A_51 = arith.constant 0 : i32
      %dma_start3A_52 = tpu.memref_slice %arg13[%add3A_17, %dma_start3A_51] : memref<5128x128xf32, #tpu.memory_space<vmem_shared>> -> memref<80x128xf32, #tpu.memory_space<vmem_shared>>
      tpu.enqueue_dma source(%arg12 : memref<80x128xf32, #tpu.memory_space<vmem>>) target(%dma_start3A_52 : memref<80x128xf32, #tpu.memory_space<vmem_shared>>) target_semaphore(%run_scoped3A : memref<!tpu.dma_semaphore, #tpu.memory_space<semaphore_mem>>)
      %dma_wait3A_53 = arith.constant 0 : i32
      %dma_wait3A_54 = tpu.memref_slice %arg13[%add3A_17, %dma_wait3A_53] : memref<5128x128xf32, #tpu.memory_space<vmem_shared>> -> memref<80x128xf32, #tpu.memory_space<vmem_shared>>
      %dma_wait3A_55 = arith.constant 0 : i32
      %dma_wait3A_56 = tpu.memref_slice %arg13[%add3A_17, %dma_wait3A_55] : memref<5128x128xf32, #tpu.memory_space<vmem_shared>> -> memref<80x128xf32, #tpu.memory_space<vmem_shared>>
      tpu.wait_dma2 semaphore(%run_scoped3A : memref<!tpu.dma_semaphore, #tpu.memory_space<semaphore_mem>>) src(%arg12 : memref<80x128xf32, #tpu.memory_space<vmem>>) dst(%dma_wait3A_56 : memref<80x128xf32, #tpu.memory_space<vmem_shared>>)
      tpu.yield
    }) : () -> ()
    %mul3A_18 = arith.constant 320 : i32
    %mul3A_19 = arith.muli %arg1, %mul3A_18 : i32
    %add3A_20 = arith.constant 240 : i32
    %add3A_21 = arith.addi %mul3A_19, %add3A_20 : i32
    "tpu.region"() ({
      %run_scoped3A = tpu.sem_alloc : memref<!tpu.dma_semaphore, #tpu.memory_space<semaphore_mem>>
      %dma_start3A_49 = arith.constant 0 : i32
      %dma_start3A_50 = tpu.memref_slice %arg13[%add3A_21, %dma_start3A_49] : memref<5128x128xf32, #tpu.memory_space<vmem_shared>> -> memref<80x128xf32, #tpu.memory_space<vmem_shared>>
      %dma_start3A_51 = arith.constant 0 : i32
      %dma_start3A_52 = tpu.memref_slice %arg13[%add3A_21, %dma_start3A_51] : memref<5128x128xf32, #tpu.memory_space<vmem_shared>> -> memref<80x128xf32, #tpu.memory_space<vmem_shared>>
      tpu.enqueue_dma source(%arg12 : memref<80x128xf32, #tpu.memory_space<vmem>>) target(%dma_start3A_52 : memref<80x128xf32, #tpu.memory_space<vmem_shared>>) target_semaphore(%run_scoped3A : memref<!tpu.dma_semaphore, #tpu.memory_space<semaphore_mem>>)
      %dma_wait3A_53 = arith.constant 0 : i32
      %dma_wait3A_54 = tpu.memref_slice %arg13[%add3A_21, %dma_wait3A_53] : memref<5128x128xf32, #tpu.memory_space<vmem_shared>> -> memref<80x128xf32, #tpu.memory_space<vmem_shared>>
      %dma_wait3A_55 = arith.constant 0 : i32
      %dma_wait3A_56 = tpu.memref_slice %arg13[%add3A_21, %dma_wait3A_55] : memref<5128x128xf32, #tpu.memory_space<vmem_shared>> -> memref<80x128xf32, #tpu.memory_space<vmem_shared>>
      tpu.wait_dma2 semaphore(%run_scoped3A : memref<!tpu.dma_semaphore, #tpu.memory_space<semaphore_mem>>) src(%arg12 : memref<80x128xf32, #tpu.memory_space<vmem>>) dst(%dma_wait3A_56 : memref<80x128xf32, #tpu.memory_space<vmem_shared>>)
      tpu.yield
    }) : () -> ()
    %mul3A_22 = arith.constant 20000 : i32
    %mul3A_23 = arith.muli %arg1, %mul3A_22 : i32
    "tpu.region"() ({
      %run_scoped3A = tpu.sem_alloc : memref<!tpu.dma_semaphore, #tpu.memory_space<semaphore_mem>>
      %dma_start3A_49 = tpu.memref_slice %arg3[%mul3A_23] : memref<320000xi32, #tpu.memory_space<hbm>> -> memref<20000xi32, #tpu.memory_space<hbm>>
      %dma_start3A_50 = tpu.memref_slice %arg3[%mul3A_23] : memref<320000xi32, #tpu.memory_space<hbm>> -> memref<20000xi32, #tpu.memory_space<hbm>>
      tpu.enqueue_dma source(%dma_start3A_50 : memref<20000xi32, #tpu.memory_space<hbm>>) target(%arg6 : memref<20000xi32, #tpu.memory_space<vmem>>) target_semaphore(%run_scoped3A : memref<!tpu.dma_semaphore, #tpu.memory_space<semaphore_mem>>)
      %dma_wait3A_51 = tpu.memref_slice %arg3[%mul3A_23] : memref<320000xi32, #tpu.memory_space<hbm>> -> memref<20000xi32, #tpu.memory_space<hbm>>
      %dma_wait3A_52 = tpu.memref_slice %arg3[%mul3A_23] : memref<320000xi32, #tpu.memory_space<hbm>> -> memref<20000xi32, #tpu.memory_space<hbm>>
      tpu.wait_dma2 semaphore(%run_scoped3A : memref<!tpu.dma_semaphore, #tpu.memory_space<semaphore_mem>>) src(%dma_wait3A_52 : memref<20000xi32, #tpu.memory_space<hbm>>) dst(%arg6 : memref<20000xi32, #tpu.memory_space<vmem>>)
      tpu.yield
    }) : () -> ()
    %mul3A_24 = arith.constant 20000 : i32
    %mul3A_25 = arith.muli %arg1, %mul3A_24 : i32
    "tpu.region"() ({
      %run_scoped3A = tpu.sem_alloc : memref<!tpu.dma_semaphore, #tpu.memory_space<semaphore_mem>>
      %dma_start3A_49 = tpu.memref_slice %arg4[%mul3A_25] : memref<320000xi32, #tpu.memory_space<hbm>> -> memref<20000xi32, #tpu.memory_space<hbm>>
      %dma_start3A_50 = tpu.memref_slice %arg4[%mul3A_25] : memref<320000xi32, #tpu.memory_space<hbm>> -> memref<20000xi32, #tpu.memory_space<hbm>>
      tpu.enqueue_dma source(%dma_start3A_50 : memref<20000xi32, #tpu.memory_space<hbm>>) target(%arg7 : memref<20000xi32, #tpu.memory_space<vmem>>) target_semaphore(%run_scoped3A : memref<!tpu.dma_semaphore, #tpu.memory_space<semaphore_mem>>)
      %dma_wait3A_51 = tpu.memref_slice %arg4[%mul3A_25] : memref<320000xi32, #tpu.memory_space<hbm>> -> memref<20000xi32, #tpu.memory_space<hbm>>
      %dma_wait3A_52 = tpu.memref_slice %arg4[%mul3A_25] : memref<320000xi32, #tpu.memory_space<hbm>> -> memref<20000xi32, #tpu.memory_space<hbm>>
      tpu.wait_dma2 semaphore(%run_scoped3A : memref<!tpu.dma_semaphore, #tpu.memory_space<semaphore_mem>>) src(%dma_wait3A_52 : memref<20000xi32, #tpu.memory_space<hbm>>) dst(%arg7 : memref<20000xi32, #tpu.memory_space<vmem>>)
      tpu.yield
    }) : () -> ()
    %barrier3A = arith.constant 0 : index
    tpu.barrier barrier_id(%barrier3A)
    %dma_start3A = arith.constant 0 : i32
    %dma_start3A_26 = tpu.memref_slice %arg6[%dma_start3A] : memref<20000xi32, #tpu.memory_space<vmem>> -> memref<80xi32, #tpu.memory_space<vmem>>
    %dma_start3A_27 = arith.constant 0 : i32
    %dma_start3A_28 = arith.constant 0 : i32
    %dma_start3A_29 = tpu.memref_slice %arg2[%dma_start3A_27, %dma_start3A_28] : memref<10240x128xf32, #tpu.memory_space<hbm>> -> memref<10240x128xf32, #tpu.memory_space<hbm>>
    tpu.enqueue_indirect_dma source(%dma_start3A_29 : memref<10240x128xf32, #tpu.memory_space<hbm>>) target(%arg10 : memref<80x128xf32, #tpu.memory_space<vmem>>) offsets(%dma_start3A_26 : memref<80xi32, #tpu.memory_space<vmem>>) semaphore(%arg14 : memref<!tpu.dma_semaphore, #tpu.memory_space<semaphore_mem>>)
    %scan3A_30 = arith.constant 0 : i32
    %scan3A_31 = arith.constant 0 : i32
    %scan3A_32 = arith.constant 125 : i32
    %scan3A_33 = arith.addi %scan3A_31, %scan3A_32 : i32
    %scan3A_34 = arith.constant 1 : i32
    scf.for %scan3A_49 = %scan3A_31 to %scan3A_33 step %scan3A_34  : i32 {
      %mul3A_50 = arith.constant 2 : i32
      %mul3A_51 = arith.muli %mul3A_50, %scan3A_49 : i32
      %add3A_52 = arith.constant 1 : i32
      %add3A_53 = arith.addi %mul3A_51, %add3A_52 : i32
      %gt3A = arith.constant 0 : i32
      %gt3A_54 = arith.cmpi sgt, %scan3A_49, %gt3A : i32
      %convert_element_type3A = arith.extui %gt3A_54 : i1 to i32
      %cond3A = arith.constant 0 : i32
      %cond3A_55 = arith.cmpi ne, %convert_element_type3A, %cond3A : i32
      scf.if %cond3A_55 {
        %dma_wait3A_307 = arith.constant 0 : i32
        %dma_wait3A_308 = arith.constant 0 : i32
        %dma_wait3A_309 = tpu.memref_slice %arg13[%dma_wait3A_307, %dma_wait3A_308] : memref<5128x128xf32, #tpu.memory_space<vmem_shared>> -> memref<5128x128xf32, #tpu.memory_space<vmem_shared>>
        tpu.wait_indirect_dma semaphore(%arg17 : memref<!tpu.dma_semaphore, #tpu.memory_space<semaphore_mem>>) src(%arg11 : memref<80x128xf32, #tpu.memory_space<vmem>>) dst(%dma_wait3A_309 : memref<5128x128xf32, #tpu.memory_space<vmem_shared>>)
      } else {
      }
      %mul3A_56 = arith.constant 80 : i32
      %mul3A_57 = arith.muli %add3A_53, %mul3A_56 : i32
      %dma_start3A_58 = tpu.memref_slice %arg6[%mul3A_57] : memref<20000xi32, #tpu.memory_space<vmem>> -> memref<80xi32, #tpu.memory_space<vmem>>
      %dma_start3A_59 = arith.constant 0 : i32
      %dma_start3A_60 = arith.constant 0 : i32
      %dma_start3A_61 = tpu.memref_slice %arg2[%dma_start3A_59, %dma_start3A_60] : memref<10240x128xf32, #tpu.memory_space<hbm>> -> memref<10240x128xf32, #tpu.memory_space<hbm>>
      tpu.enqueue_indirect_dma source(%dma_start3A_61 : memref<10240x128xf32, #tpu.memory_space<hbm>>) target(%arg11 : memref<80x128xf32, #tpu.memory_space<vmem>>) offsets(%dma_start3A_58 : memref<80xi32, #tpu.memory_space<vmem>>) semaphore(%arg15 : memref<!tpu.dma_semaphore, #tpu.memory_space<semaphore_mem>>)
      %mul3A_62 = arith.constant 80 : i32
      %mul3A_63 = arith.muli %mul3A_51, %mul3A_62 : i32
      %dma_wait3A_64 = tpu.memref_slice %arg6[%mul3A_63] : memref<20000xi32, #tpu.memory_space<vmem>> -> memref<80xi32, #tpu.memory_space<vmem>>
      %dma_wait3A_65 = arith.constant 0 : i32
      %dma_wait3A_66 = arith.constant 0 : i32
      %dma_wait3A_67 = tpu.memref_slice %arg2[%dma_wait3A_65, %dma_wait3A_66] : memref<10240x128xf32, #tpu.memory_space<hbm>> -> memref<10240x128xf32, #tpu.memory_space<hbm>>
      tpu.wait_indirect_dma semaphore(%arg14 : memref<!tpu.dma_semaphore, #tpu.memory_space<semaphore_mem>>) src(%dma_wait3A_67 : memref<10240x128xf32, #tpu.memory_space<hbm>>) dst(%arg10 : memref<80x128xf32, #tpu.memory_space<vmem>>)
      %mul3A_68 = arith.constant 80 : i32
      %mul3A_69 = arith.muli %mul3A_51, %mul3A_68 : i32
      %add3A_70 = arith.constant 0 : i32
      %add3A_71 = arith.addi %mul3A_69, %add3A_70 : i32
      %get3A = arith.index_cast %add3A_71 : i32 to index
      %get3A_72 = tpu.vector_load %arg7[%get3A] {strides = array<i32>} : memref<20000xi32, #tpu.memory_space<vmem>>, vector<16xi32>,
      %get3A_73 = vector.shape_cast %get3A_72 : vector<16xi32> to vector<16xi32>
      %sub3A = vector.broadcast %mul3A_0 : i32 to vector<16xi32>
      %sub3A_74 = arith.subi %get3A_73, %sub3A : vector<16xi32>
      %lt3A = arith.constant 0 : i32
      %lt3A_75 = vector.broadcast %lt3A : i32 to vector<16xi32>
      %lt3A_76 = arith.cmpi slt, %sub3A_74, %lt3A_75 : vector<16xi32>
      %ge3A = arith.constant 5120 : i32
      %ge3A_77 = vector.broadcast %ge3A : i32 to vector<16xi32>
      %ge3A_78 = arith.cmpi sge, %sub3A_74, %ge3A_77 : vector<16xi32>
      %or3A = arith.ori %lt3A_76, %ge3A_78 : vector<16xi1>
      %jit3A = arith.constant 5120 : i32
      %broadcast_in_dim3A_79 = vector.broadcast %jit3A : i32 to vector<16xi32>
      %select_n3A = arith.select %or3A, %broadcast_in_dim3A_79, %sub3A_74 : vector<16xi1>, vector<16xi32>
      %swap3A = arith.constant 0 : index
      %swap3A_80 = tpu.vector_load %arg8[%swap3A] {strides = array<i32>} : memref<80xi32, #tpu.memory_space<vmem>>, vector<16xi32>,
      %swap3A_81 = vector.shape_cast %swap3A_80 : vector<16xi32> to vector<16xi32>
      %swap3A_82 = vector.shape_cast %select_n3A : vector<16xi32> to vector<16xi32>
      tpu.vector_store %arg8[%swap3A], %swap3A_82 {strides = array<i32>} : memref<80xi32, #tpu.memory_space<vmem>>, vector<16xi32>,
      %mul3A_83 = arith.constant 80 : i32
      %mul3A_84 = arith.muli %mul3A_51, %mul3A_83 : i32
      %add3A_85 = arith.constant 16 : i32
      %add3A_86 = arith.addi %mul3A_84, %add3A_85 : i32
      %get3A_87 = arith.index_cast %add3A_86 : i32 to index
      %get3A_88 = tpu.vector_load %arg7[%get3A_87] {strides = array<i32>} : memref<20000xi32, #tpu.memory_space<vmem>>, vector<16xi32>,
      %get3A_89 = vector.shape_cast %get3A_88 : vector<16xi32> to vector<16xi32>
      %sub3A_90 = vector.broadcast %mul3A_0 : i32 to vector<16xi32>
      %sub3A_91 = arith.subi %get3A_89, %sub3A_90 : vector<16xi32>
      %lt3A_92 = arith.constant 0 : i32
      %lt3A_93 = vector.broadcast %lt3A_92 : i32 to vector<16xi32>
      %lt3A_94 = arith.cmpi slt, %sub3A_91, %lt3A_93 : vector<16xi32>
      %ge3A_95 = arith.constant 5120 : i32
      %ge3A_96 = vector.broadcast %ge3A_95 : i32 to vector<16xi32>
      %ge3A_97 = arith.cmpi sge, %sub3A_91, %ge3A_96 : vector<16xi32>
      %or3A_98 = arith.ori %lt3A_94, %ge3A_97 : vector<16xi1>
      %jit3A_99 = arith.constant 5120 : i32
      %broadcast_in_dim3A_100 = vector.broadcast %jit3A_99 : i32 to vector<16xi32>
      %select_n3A_101 = arith.select %or3A_98, %broadcast_in_dim3A_100, %sub3A_91 : vector<16xi1>, vector<16xi32>
      %swap3A_102 = arith.constant 16 : index
      %swap3A_103 = tpu.vector_load %arg8[%swap3A_102] {strides = array<i32>} : memref<80xi32, #tpu.memory_space<vmem>>, vector<16xi32>,
      %swap3A_104 = vector.shape_cast %swap3A_103 : vector<16xi32> to vector<16xi32>
      %swap3A_105 = vector.shape_cast %select_n3A_101 : vector<16xi32> to vector<16xi32>
      tpu.vector_store %arg8[%swap3A_102], %swap3A_105 {strides = array<i32>} : memref<80xi32, #tpu.memory_space<vmem>>, vector<16xi32>,
      %mul3A_106 = arith.constant 80 : i32
      %mul3A_107 = arith.muli %mul3A_51, %mul3A_106 : i32
      %add3A_108 = arith.constant 32 : i32
      %add3A_109 = arith.addi %mul3A_107, %add3A_108 : i32
      %get3A_110 = arith.index_cast %add3A_109 : i32 to index
      %get3A_111 = tpu.vector_load %arg7[%get3A_110] {strides = array<i32>} : memref<20000xi32, #tpu.memory_space<vmem>>, vector<16xi32>,
      %get3A_112 = vector.shape_cast %get3A_111 : vector<16xi32> to vector<16xi32>
      %sub3A_113 = vector.broadcast %mul3A_0 : i32 to vector<16xi32>
      %sub3A_114 = arith.subi %get3A_112, %sub3A_113 : vector<16xi32>
      %lt3A_115 = arith.constant 0 : i32
      %lt3A_116 = vector.broadcast %lt3A_115 : i32 to vector<16xi32>
      %lt3A_117 = arith.cmpi slt, %sub3A_114, %lt3A_116 : vector<16xi32>
      %ge3A_118 = arith.constant 5120 : i32
      %ge3A_119 = vector.broadcast %ge3A_118 : i32 to vector<16xi32>
      %ge3A_120 = arith.cmpi sge, %sub3A_114, %ge3A_119 : vector<16xi32>
      %or3A_121 = arith.ori %lt3A_117, %ge3A_120 : vector<16xi1>
      %jit3A_122 = arith.constant 5120 : i32
      %broadcast_in_dim3A_123 = vector.broadcast %jit3A_122 : i32 to vector<16xi32>
      %select_n3A_124 = arith.select %or3A_121, %broadcast_in_dim3A_123, %sub3A_114 : vector<16xi1>, vector<16xi32>
      %swap3A_125 = arith.constant 32 : index
      %swap3A_126 = tpu.vector_load %arg8[%swap3A_125] {strides = array<i32>} : memref<80xi32, #tpu.memory_space<vmem>>, vector<16xi32>,
      %swap3A_127 = vector.shape_cast %swap3A_126 : vector<16xi32> to vector<16xi32>
      %swap3A_128 = vector.shape_cast %select_n3A_124 : vector<16xi32> to vector<16xi32>
      tpu.vector_store %arg8[%swap3A_125], %swap3A_128 {strides = array<i32>} : memref<80xi32, #tpu.memory_space<vmem>>, vector<16xi32>,
      %mul3A_129 = arith.constant 80 : i32
      %mul3A_130 = arith.muli %mul3A_51, %mul3A_129 : i32
      %add3A_131 = arith.constant 48 : i32
      %add3A_132 = arith.addi %mul3A_130, %add3A_131 : i32
      %get3A_133 = arith.index_cast %add3A_132 : i32 to index
      %get3A_134 = tpu.vector_load %arg7[%get3A_133] {strides = array<i32>} : memref<20000xi32, #tpu.memory_space<vmem>>, vector<16xi32>,
      %get3A_135 = vector.shape_cast %get3A_134 : vector<16xi32> to vector<16xi32>
      %sub3A_136 = vector.broadcast %mul3A_0 : i32 to vector<16xi32>
      %sub3A_137 = arith.subi %get3A_135, %sub3A_136 : vector<16xi32>
      %lt3A_138 = arith.constant 0 : i32
      %lt3A_139 = vector.broadcast %lt3A_138 : i32 to vector<16xi32>
      %lt3A_140 = arith.cmpi slt, %sub3A_137, %lt3A_139 : vector<16xi32>
      %ge3A_141 = arith.constant 5120 : i32
      %ge3A_142 = vector.broadcast %ge3A_141 : i32 to vector<16xi32>
      %ge3A_143 = arith.cmpi sge, %sub3A_137, %ge3A_142 : vector<16xi32>
      %or3A_144 = arith.ori %lt3A_140, %ge3A_143 : vector<16xi1>
      %jit3A_145 = arith.constant 5120 : i32
      %broadcast_in_dim3A_146 = vector.broadcast %jit3A_145 : i32 to vector<16xi32>
      %select_n3A_147 = arith.select %or3A_144, %broadcast_in_dim3A_146, %sub3A_137 : vector<16xi1>, vector<16xi32>
      %swap3A_148 = arith.constant 48 : index
      %swap3A_149 = tpu.vector_load %arg8[%swap3A_148] {strides = array<i32>} : memref<80xi32, #tpu.memory_space<vmem>>, vector<16xi32>,
      %swap3A_150 = vector.shape_cast %swap3A_149 : vector<16xi32> to vector<16xi32>
      %swap3A_151 = vector.shape_cast %select_n3A_147 : vector<16xi32> to vector<16xi32>
      tpu.vector_store %arg8[%swap3A_148], %swap3A_151 {strides = array<i32>} : memref<80xi32, #tpu.memory_space<vmem>>, vector<16xi32>,
      %mul3A_152 = arith.constant 80 : i32
      %mul3A_153 = arith.muli %mul3A_51, %mul3A_152 : i32
      %add3A_154 = arith.constant 64 : i32
      %add3A_155 = arith.addi %mul3A_153, %add3A_154 : i32
      %get3A_156 = arith.index_cast %add3A_155 : i32 to index
      %get3A_157 = tpu.vector_load %arg7[%get3A_156] {strides = array<i32>} : memref<20000xi32, #tpu.memory_space<vmem>>, vector<16xi32>,
      %get3A_158 = vector.shape_cast %get3A_157 : vector<16xi32> to vector<16xi32>
      %sub3A_159 = vector.broadcast %mul3A_0 : i32 to vector<16xi32>
      %sub3A_160 = arith.subi %get3A_158, %sub3A_159 : vector<16xi32>
      %lt3A_161 = arith.constant 0 : i32
      %lt3A_162 = vector.broadcast %lt3A_161 : i32 to vector<16xi32>
      %lt3A_163 = arith.cmpi slt, %sub3A_160, %lt3A_162 : vector<16xi32>
      %ge3A_164 = arith.constant 5120 : i32
      %ge3A_165 = vector.broadcast %ge3A_164 : i32 to vector<16xi32>
      %ge3A_166 = arith.cmpi sge, %sub3A_160, %ge3A_165 : vector<16xi32>
      %or3A_167 = arith.ori %lt3A_163, %ge3A_166 : vector<16xi1>
      %jit3A_168 = arith.constant 5120 : i32
      %broadcast_in_dim3A_169 = vector.broadcast %jit3A_168 : i32 to vector<16xi32>
      %select_n3A_170 = arith.select %or3A_167, %broadcast_in_dim3A_169, %sub3A_160 : vector<16xi1>, vector<16xi32>
      %swap3A_171 = arith.constant 64 : index
      %swap3A_172 = tpu.vector_load %arg8[%swap3A_171] {strides = array<i32>} : memref<80xi32, #tpu.memory_space<vmem>>, vector<16xi32>,
      %swap3A_173 = vector.shape_cast %swap3A_172 : vector<16xi32> to vector<16xi32>
      %swap3A_174 = vector.shape_cast %select_n3A_170 : vector<16xi32> to vector<16xi32>
      tpu.vector_store %arg8[%swap3A_171], %swap3A_174 {strides = array<i32>} : memref<80xi32, #tpu.memory_space<vmem>>, vector<16xi32>,
      %dma_start3A_175 = arith.constant 0 : i32
      %dma_start3A_176 = arith.constant 0 : i32
      %dma_start3A_177 = tpu.memref_slice %arg13[%dma_start3A_175, %dma_start3A_176] : memref<5128x128xf32, #tpu.memory_space<vmem_shared>> -> memref<5128x128xf32, #tpu.memory_space<vmem_shared>>
      tpu.enqueue_indirect_dma source(%arg10 : memref<80x128xf32, #tpu.memory_space<vmem>>) target(%dma_start3A_177 : memref<5128x128xf32, #tpu.memory_space<vmem_shared>>) offsets(%arg8 : memref<80xi32, #tpu.memory_space<vmem>>) semaphore(%arg16 : memref<!tpu.dma_semaphore, #tpu.memory_space<semaphore_mem>>) {add = true}
      %mul3A_178 = arith.constant 80 : i32
      %mul3A_179 = arith.muli %add3A_53, %mul3A_178 : i32
      %dma_wait3A_180 = tpu.memref_slice %arg6[%mul3A_179] : memref<20000xi32, #tpu.memory_space<vmem>> -> memref<80xi32, #tpu.memory_space<vmem>>
      %dma_wait3A_181 = arith.constant 0 : i32
      %dma_wait3A_182 = arith.constant 0 : i32
      %dma_wait3A_183 = tpu.memref_slice %arg2[%dma_wait3A_181, %dma_wait3A_182] : memref<10240x128xf32, #tpu.memory_space<hbm>> -> memref<10240x128xf32, #tpu.memory_space<hbm>>
      tpu.wait_indirect_dma semaphore(%arg15 : memref<!tpu.dma_semaphore, #tpu.memory_space<semaphore_mem>>) src(%dma_wait3A_183 : memref<10240x128xf32, #tpu.memory_space<hbm>>) dst(%arg11 : memref<80x128xf32, #tpu.memory_space<vmem>>)
      %mul3A_184 = arith.constant 80 : i32
      %mul3A_185 = arith.muli %add3A_53, %mul3A_184 : i32
      %add3A_186 = arith.constant 0 : i32
      %add3A_187 = arith.addi %mul3A_185, %add3A_186 : i32
      %get3A_188 = arith.index_cast %add3A_187 : i32 to index
      %get3A_189 = tpu.vector_load %arg7[%get3A_188] {strides = array<i32>} : memref<20000xi32, #tpu.memory_space<vmem>>, vector<16xi32>,
      %get3A_190 = vector.shape_cast %get3A_189 : vector<16xi32> to vector<16xi32>
      %sub3A_191 = vector.broadcast %mul3A_0 : i32 to vector<16xi32>
      %sub3A_192 = arith.subi %get3A_190, %sub3A_191 : vector<16xi32>
      %lt3A_193 = arith.constant 0 : i32
      %lt3A_194 = vector.broadcast %lt3A_193 : i32 to vector<16xi32>
      %lt3A_195 = arith.cmpi slt, %sub3A_192, %lt3A_194 : vector<16xi32>
      %ge3A_196 = arith.constant 5120 : i32
      %ge3A_197 = vector.broadcast %ge3A_196 : i32 to vector<16xi32>
      %ge3A_198 = arith.cmpi sge, %sub3A_192, %ge3A_197 : vector<16xi32>
      %or3A_199 = arith.ori %lt3A_195, %ge3A_198 : vector<16xi1>
      %jit3A_200 = arith.constant 5120 : i32
      %broadcast_in_dim3A_201 = vector.broadcast %jit3A_200 : i32 to vector<16xi32>
      %select_n3A_202 = arith.select %or3A_199, %broadcast_in_dim3A_201, %sub3A_192 : vector<16xi1>, vector<16xi32>
      %swap3A_203 = arith.constant 0 : index
      %swap3A_204 = tpu.vector_load %arg9[%swap3A_203] {strides = array<i32>} : memref<80xi32, #tpu.memory_space<vmem>>, vector<16xi32>,
      %swap3A_205 = vector.shape_cast %swap3A_204 : vector<16xi32> to vector<16xi32>
      %swap3A_206 = vector.shape_cast %select_n3A_202 : vector<16xi32> to vector<16xi32>
      tpu.vector_store %arg9[%swap3A_203], %swap3A_206 {strides = array<i32>} : memref<80xi32, #tpu.memory_space<vmem>>, vector<16xi32>,
      %mul3A_207 = arith.constant 80 : i32
      %mul3A_208 = arith.muli %add3A_53, %mul3A_207 : i32
      %add3A_209 = arith.constant 16 : i32
      %add3A_210 = arith.addi %mul3A_208, %add3A_209 : i32
      %get3A_211 = arith.index_cast %add3A_210 : i32 to index
      %get3A_212 = tpu.vector_load %arg7[%get3A_211] {strides = array<i32>} : memref<20000xi32, #tpu.memory_space<vmem>>, vector<16xi32>,
      %get3A_213 = vector.shape_cast %get3A_212 : vector<16xi32> to vector<16xi32>
      %sub3A_214 = vector.broadcast %mul3A_0 : i32 to vector<16xi32>
      %sub3A_215 = arith.subi %get3A_213, %sub3A_214 : vector<16xi32>
      %lt3A_216 = arith.constant 0 : i32
      %lt3A_217 = vector.broadcast %lt3A_216 : i32 to vector<16xi32>
      %lt3A_218 = arith.cmpi slt, %sub3A_215, %lt3A_217 : vector<16xi32>
      %ge3A_219 = arith.constant 5120 : i32
      %ge3A_220 = vector.broadcast %ge3A_219 : i32 to vector<16xi32>
      %ge3A_221 = arith.cmpi sge, %sub3A_215, %ge3A_220 : vector<16xi32>
      %or3A_222 = arith.ori %lt3A_218, %ge3A_221 : vector<16xi1>
      %jit3A_223 = arith.constant 5120 : i32
      %broadcast_in_dim3A_224 = vector.broadcast %jit3A_223 : i32 to vector<16xi32>
      %select_n3A_225 = arith.select %or3A_222, %broadcast_in_dim3A_224, %sub3A_215 : vector<16xi1>, vector<16xi32>
      %swap3A_226 = arith.constant 16 : index
      %swap3A_227 = tpu.vector_load %arg9[%swap3A_226] {strides = array<i32>} : memref<80xi32, #tpu.memory_space<vmem>>, vector<16xi32>,
      %swap3A_228 = vector.shape_cast %swap3A_227 : vector<16xi32> to vector<16xi32>
      %swap3A_229 = vector.shape_cast %select_n3A_225 : vector<16xi32> to vector<16xi32>
      tpu.vector_store %arg9[%swap3A_226], %swap3A_229 {strides = array<i32>} : memref<80xi32, #tpu.memory_space<vmem>>, vector<16xi32>,
      %mul3A_230 = arith.constant 80 : i32
      %mul3A_231 = arith.muli %add3A_53, %mul3A_230 : i32
      %add3A_232 = arith.constant 32 : i32
      %add3A_233 = arith.addi %mul3A_231, %add3A_232 : i32
      %get3A_234 = arith.index_cast %add3A_233 : i32 to index
      %get3A_235 = tpu.vector_load %arg7[%get3A_234] {strides = array<i32>} : memref<20000xi32, #tpu.memory_space<vmem>>, vector<16xi32>,
      %get3A_236 = vector.shape_cast %get3A_235 : vector<16xi32> to vector<16xi32>
      %sub3A_237 = vector.broadcast %mul3A_0 : i32 to vector<16xi32>
      %sub3A_238 = arith.subi %get3A_236, %sub3A_237 : vector<16xi32>
      %lt3A_239 = arith.constant 0 : i32
      %lt3A_240 = vector.broadcast %lt3A_239 : i32 to vector<16xi32>
      %lt3A_241 = arith.cmpi slt, %sub3A_238, %lt3A_240 : vector<16xi32>
      %ge3A_242 = arith.constant 5120 : i32
      %ge3A_243 = vector.broadcast %ge3A_242 : i32 to vector<16xi32>
      %ge3A_244 = arith.cmpi sge, %sub3A_238, %ge3A_243 : vector<16xi32>
      %or3A_245 = arith.ori %lt3A_241, %ge3A_244 : vector<16xi1>
      %jit3A_246 = arith.constant 5120 : i32
      %broadcast_in_dim3A_247 = vector.broadcast %jit3A_246 : i32 to vector<16xi32>
      %select_n3A_248 = arith.select %or3A_245, %broadcast_in_dim3A_247, %sub3A_238 : vector<16xi1>, vector<16xi32>
      %swap3A_249 = arith.constant 32 : index
      %swap3A_250 = tpu.vector_load %arg9[%swap3A_249] {strides = array<i32>} : memref<80xi32, #tpu.memory_space<vmem>>, vector<16xi32>,
      %swap3A_251 = vector.shape_cast %swap3A_250 : vector<16xi32> to vector<16xi32>
      %swap3A_252 = vector.shape_cast %select_n3A_248 : vector<16xi32> to vector<16xi32>
      tpu.vector_store %arg9[%swap3A_249], %swap3A_252 {strides = array<i32>} : memref<80xi32, #tpu.memory_space<vmem>>, vector<16xi32>,
      %mul3A_253 = arith.constant 80 : i32
      %mul3A_254 = arith.muli %add3A_53, %mul3A_253 : i32
      %add3A_255 = arith.constant 48 : i32
      %add3A_256 = arith.addi %mul3A_254, %add3A_255 : i32
      %get3A_257 = arith.index_cast %add3A_256 : i32 to index
      %get3A_258 = tpu.vector_load %arg7[%get3A_257] {strides = array<i32>} : memref<20000xi32, #tpu.memory_space<vmem>>, vector<16xi32>,
      %get3A_259 = vector.shape_cast %get3A_258 : vector<16xi32> to vector<16xi32>
      %sub3A_260 = vector.broadcast %mul3A_0 : i32 to vector<16xi32>
      %sub3A_261 = arith.subi %get3A_259, %sub3A_260 : vector<16xi32>
      %lt3A_262 = arith.constant 0 : i32
      %lt3A_263 = vector.broadcast %lt3A_262 : i32 to vector<16xi32>
      %lt3A_264 = arith.cmpi slt, %sub3A_261, %lt3A_263 : vector<16xi32>
      %ge3A_265 = arith.constant 5120 : i32
      %ge3A_266 = vector.broadcast %ge3A_265 : i32 to vector<16xi32>
      %ge3A_267 = arith.cmpi sge, %sub3A_261, %ge3A_266 : vector<16xi32>
      %or3A_268 = arith.ori %lt3A_264, %ge3A_267 : vector<16xi1>
      %jit3A_269 = arith.constant 5120 : i32
      %broadcast_in_dim3A_270 = vector.broadcast %jit3A_269 : i32 to vector<16xi32>
      %select_n3A_271 = arith.select %or3A_268, %broadcast_in_dim3A_270, %sub3A_261 : vector<16xi1>, vector<16xi32>
      %swap3A_272 = arith.constant 48 : index
      %swap3A_273 = tpu.vector_load %arg9[%swap3A_272] {strides = array<i32>} : memref<80xi32, #tpu.memory_space<vmem>>, vector<16xi32>,
      %swap3A_274 = vector.shape_cast %swap3A_273 : vector<16xi32> to vector<16xi32>
      %swap3A_275 = vector.shape_cast %select_n3A_271 : vector<16xi32> to vector<16xi32>
      tpu.vector_store %arg9[%swap3A_272], %swap3A_275 {strides = array<i32>} : memref<80xi32, #tpu.memory_space<vmem>>, vector<16xi32>,
      %mul3A_276 = arith.constant 80 : i32
      %mul3A_277 = arith.muli %add3A_53, %mul3A_276 : i32
      %add3A_278 = arith.constant 64 : i32
      %add3A_279 = arith.addi %mul3A_277, %add3A_278 : i32
      %get3A_280 = arith.index_cast %add3A_279 : i32 to index
      %get3A_281 = tpu.vector_load %arg7[%get3A_280] {strides = array<i32>} : memref<20000xi32, #tpu.memory_space<vmem>>, vector<16xi32>,
      %get3A_282 = vector.shape_cast %get3A_281 : vector<16xi32> to vector<16xi32>
      %sub3A_283 = vector.broadcast %mul3A_0 : i32 to vector<16xi32>
      %sub3A_284 = arith.subi %get3A_282, %sub3A_283 : vector<16xi32>
      %lt3A_285 = arith.constant 0 : i32
      %lt3A_286 = vector.broadcast %lt3A_285 : i32 to vector<16xi32>
      %lt3A_287 = arith.cmpi slt, %sub3A_284, %lt3A_286 : vector<16xi32>
      %ge3A_288 = arith.constant 5120 : i32
      %ge3A_289 = vector.broadcast %ge3A_288 : i32 to vector<16xi32>
      %ge3A_290 = arith.cmpi sge, %sub3A_284, %ge3A_289 : vector<16xi32>
      %or3A_291 = arith.ori %lt3A_287, %ge3A_290 : vector<16xi1>
      %jit3A_292 = arith.constant 5120 : i32
      %broadcast_in_dim3A_293 = vector.broadcast %jit3A_292 : i32 to vector<16xi32>
      %select_n3A_294 = arith.select %or3A_291, %broadcast_in_dim3A_293, %sub3A_284 : vector<16xi1>, vector<16xi32>
      %swap3A_295 = arith.constant 64 : index
      %swap3A_296 = tpu.vector_load %arg9[%swap3A_295] {strides = array<i32>} : memref<80xi32, #tpu.memory_space<vmem>>, vector<16xi32>,
      %swap3A_297 = vector.shape_cast %swap3A_296 : vector<16xi32> to vector<16xi32>
      %swap3A_298 = vector.shape_cast %select_n3A_294 : vector<16xi32> to vector<16xi32>
      tpu.vector_store %arg9[%swap3A_295], %swap3A_298 {strides = array<i32>} : memref<80xi32, #tpu.memory_space<vmem>>, vector<16xi32>,
      %lt3A_299 = arith.constant 124 : i32
      %lt3A_300 = arith.cmpi slt, %scan3A_49, %lt3A_299 : i32
      %convert_element_type3A_301 = arith.extui %lt3A_300 : i1 to i32
      %cond3A_302 = arith.constant 0 : i32
      %cond3A_303 = arith.cmpi ne, %convert_element_type3A_301, %cond3A_302 : i32
      scf.if %cond3A_303 {
        %dma_wait3A_307 = arith.constant 0 : i32
        %dma_wait3A_308 = arith.constant 0 : i32
        %dma_wait3A_309 = tpu.memref_slice %arg13[%dma_wait3A_307, %dma_wait3A_308] : memref<5128x128xf32, #tpu.memory_space<vmem_shared>> -> memref<5128x128xf32, #tpu.memory_space<vmem_shared>>
        tpu.wait_indirect_dma semaphore(%arg16 : memref<!tpu.dma_semaphore, #tpu.memory_space<semaphore_mem>>) src(%arg10 : memref<80x128xf32, #tpu.memory_space<vmem>>) dst(%dma_wait3A_309 : memref<5128x128xf32, #tpu.memory_space<vmem_shared>>)
        %add3A_310 = arith.constant 2 : i32
        %add3A_311 = arith.addi %mul3A_51, %add3A_310 : i32
        %mul3A_312 = arith.constant 80 : i32
        %mul3A_313 = arith.muli %add3A_311, %mul3A_312 : i32
        %dma_start3A_314 = tpu.memref_slice %arg6[%mul3A_313] : memref<20000xi32, #tpu.memory_space<vmem>> -> memref<80xi32, #tpu.memory_space<vmem>>
        %dma_start3A_315 = arith.constant 0 : i32
        %dma_start3A_316 = arith.constant 0 : i32
        %dma_start3A_317 = tpu.memref_slice %arg2[%dma_start3A_315, %dma_start3A_316] : memref<10240x128xf32, #tpu.memory_space<hbm>> -> memref<10240x128xf32, #tpu.memory_space<hbm>>
        tpu.enqueue_indirect_dma source(%dma_start3A_317 : memref<10240x128xf32, #tpu.memory_space<hbm>>) target(%arg10 : memref<80x128xf32, #tpu.memory_space<vmem>>) offsets(%dma_start3A_314 : memref<80xi32, #tpu.memory_space<vmem>>) semaphore(%arg14 : memref<!tpu.dma_semaphore, #tpu.memory_space<semaphore_mem>>)
      } else {
      }
      %dma_start3A_304 = arith.constant 0 : i32
      %dma_start3A_305 = arith.constant 0 : i32
      %dma_start3A_306 = tpu.memref_slice %arg13[%dma_start3A_304, %dma_start3A_305] : memref<5128x128xf32, #tpu.memory_space<vmem_shared>> -> memref<5128x128xf32, #tpu.memory_space<vmem_shared>>
      tpu.enqueue_indirect_dma source(%arg11 : memref<80x128xf32, #tpu.memory_space<vmem>>) target(%dma_start3A_306 : memref<5128x128xf32, #tpu.memory_space<vmem_shared>>) offsets(%arg9 : memref<80xi32, #tpu.memory_space<vmem>>) semaphore(%arg17 : memref<!tpu.dma_semaphore, #tpu.memory_space<semaphore_mem>>) {add = true}
    }
    %scan3A_35 = arith.constant 125 : i32
    %dma_wait3A = arith.constant 0 : i32
    %dma_wait3A_36 = arith.constant 0 : i32
    %dma_wait3A_37 = tpu.memref_slice %arg13[%dma_wait3A, %dma_wait3A_36] : memref<5128x128xf32, #tpu.memory_space<vmem_shared>> -> memref<5128x128xf32, #tpu.memory_space<vmem_shared>>
    tpu.wait_indirect_dma semaphore(%arg16 : memref<!tpu.dma_semaphore, #tpu.memory_space<semaphore_mem>>) src(%arg10 : memref<80x128xf32, #tpu.memory_space<vmem>>) dst(%dma_wait3A_37 : memref<5128x128xf32, #tpu.memory_space<vmem_shared>>)
    %dma_wait3A_38 = arith.constant 0 : i32
    %dma_wait3A_39 = arith.constant 0 : i32
    %dma_wait3A_40 = tpu.memref_slice %arg13[%dma_wait3A_38, %dma_wait3A_39] : memref<5128x128xf32, #tpu.memory_space<vmem_shared>> -> memref<5128x128xf32, #tpu.memory_space<vmem_shared>>
    tpu.wait_indirect_dma semaphore(%arg17 : memref<!tpu.dma_semaphore, #tpu.memory_space<semaphore_mem>>) src(%arg11 : memref<80x128xf32, #tpu.memory_space<vmem>>) dst(%dma_wait3A_40 : memref<5128x128xf32, #tpu.memory_space<vmem_shared>>)
    %barrier3A_41 = arith.constant 0 : index
    tpu.barrier barrier_id(%barrier3A_41)
    %mul3A_42 = arith.constant 320 : i32
    %mul3A_43 = arith.muli %arg1, %mul3A_42 : i32
    %mul3A_44 = arith.constant 5120 : i32
    %mul3A_45 = arith.muli %arg0, %mul3A_44 : i32
    %mul3A_46 = arith.constant 320 : i32
    %mul3A_47 = arith.muli %arg1, %mul3A_46 : i32
    %add3A_48 = arith.addi %mul3A_45, %mul3A_47 : i32
    "tpu.region"() ({
      %run_scoped3A = tpu.sem_alloc : memref<!tpu.dma_semaphore, #tpu.memory_space<semaphore_mem>>
      %dma_start3A_49 = arith.constant 0 : i32
      %dma_start3A_50 = tpu.memref_slice %arg5[%add3A_48, %dma_start3A_49] : memref<10240x128xf32, #tpu.memory_space<hbm>> -> memref<320x128xf32, #tpu.memory_space<hbm>>
      %dma_start3A_51 = arith.constant 0 : i32
      %dma_start3A_52 = tpu.memref_slice %arg13[%mul3A_43, %dma_start3A_51] : memref<5128x128xf32, #tpu.memory_space<vmem_shared>> -> memref<320x128xf32, #tpu.memory_space<vmem_shared>>
      tpu.enqueue_dma source(%dma_start3A_52 : memref<320x128xf32, #tpu.memory_space<vmem_shared>>) target(%dma_start3A_50 : memref<320x128xf32, #tpu.memory_space<hbm>>) target_semaphore(%run_scoped3A : memref<!tpu.dma_semaphore, #tpu.memory_space<semaphore_mem>>)
      %dma_wait3A_53 = arith.constant 0 : i32
      %dma_wait3A_54 = tpu.memref_slice %arg5[%add3A_48, %dma_wait3A_53] : memref<10240x128xf32, #tpu.memory_space<hbm>> -> memref<320x128xf32, #tpu.memory_space<hbm>>
      %dma_wait3A_55 = arith.constant 0 : i32
      %dma_wait3A_56 = tpu.memref_slice %arg13[%mul3A_43, %dma_wait3A_55] : memref<5128x128xf32, #tpu.memory_space<vmem_shared>> -> memref<320x128xf32, #tpu.memory_space<vmem_shared>>
      tpu.wait_dma2 semaphore(%run_scoped3A : memref<!tpu.dma_semaphore, #tpu.memory_space<semaphore_mem>>) src(%dma_wait3A_56 : memref<320x128xf32, #tpu.memory_space<vmem_shared>>) dst(%dma_wait3A_54 : memref<320x128xf32, #tpu.memory_space<hbm>>)
      tpu.yield
    }) : () -> ()
    return
  }
}

#map = affine_map<(d0, d1) -> (0)>
#map1 = affine_map<(d0, d1) -> (0, 0)>
module attributes {stable_mosaic.version = 14 : i64} {
  func.func @_deg_body(%arg0: i32, %arg1: i32, %arg2: memref<320000xi32, #tpu.memory_space<hbm>>, %arg3: memref<10240x128xf32, #tpu.memory_space<hbm>>, %arg4: memref<20000xi32, #tpu.memory_space<vmem>>, %arg5: memref<80xi32, #tpu.memory_space<vmem>>, %arg6: memref<80xi32, #tpu.memory_space<vmem>>, %arg7: memref<80x128xf32, #tpu.memory_space<vmem>>, %arg8: memref<80x128xf32, #tpu.memory_space<vmem>>, %arg9: memref<5128x128xf32, #tpu.memory_space<vmem_shared>>, %arg10: memref<!tpu.dma_semaphore, #tpu.memory_space<semaphore_mem>>, %arg11: memref<!tpu.dma_semaphore, #tpu.memory_space<semaphore_mem>>) attributes {dimension_semantics = [#tpu.dimension_semantics<core_parallel>, #tpu.dimension_semantics<subcore_parallel>], iteration_bounds = array<i64: 2, 16>, scalar_prefetch = 0 : i64, scratch_operands = 8 : i64, tpu.core_type = #tpu.core_type<sc_vector_subcore>, window_params = [{transform_indices = #map}, {transform_indices = #map1}]} {
    %mul3A = arith.constant 5120 : i32
    %mul3A_0 = arith.muli %arg0, %mul3A : i32
    %broadcast_in_dim3A = arith.constant 1.000000e+00 : f32
    %broadcast_in_dim3A_1 = vector.broadcast %broadcast_in_dim3A : f32 to vector<16xf32>
    %scan3A = arith.constant 0 : i32
    %scan3A_2 = arith.constant 0 : i32
    %scan3A_3 = arith.constant 640 : i32
    %scan3A_4 = arith.addi %scan3A_2, %scan3A_3 : i32
    %scan3A_5 = arith.constant 1 : i32
    scf.for %scan3A_51 = %scan3A_2 to %scan3A_4 step %scan3A_5  : i32 {
      %jit3A = arith.constant 8 : i32
      %div3A = arith.divsi %scan3A_51, %jit3A : i32
      %sign3A = arith.constant 0 : i32
      %sign3A_52 = arith.cmpi sgt, %scan3A_51, %sign3A : i32
      %sign3A_53 = arith.extui %sign3A_52 : i1 to i32
      %sign3A_54 = arith.constant 0 : i32
      %sign3A_55 = arith.cmpi slt, %scan3A_51, %sign3A_54 : i32
      %sign3A_56 = arith.extui %sign3A_55 : i1 to i32
      %sign3A_57 = arith.subi %sign3A_53, %sign3A_56 : i32
      %sign3A_58 = arith.constant 0 : i32
      %sign3A_59 = arith.cmpi sgt, %jit3A, %sign3A_58 : i32
      %sign3A_60 = arith.extui %sign3A_59 : i1 to i32
      %sign3A_61 = arith.constant 0 : i32
      %sign3A_62 = arith.cmpi slt, %jit3A, %sign3A_61 : i32
      %sign3A_63 = arith.extui %sign3A_62 : i1 to i32
      %sign3A_64 = arith.subi %sign3A_60, %sign3A_63 : i32
      %ne3A = arith.cmpi ne, %sign3A_57, %sign3A_64 : i32
      %rem3A = arith.remsi %scan3A_51, %jit3A : i32
      %ne3A_65 = arith.constant 0 : i32
      %ne3A_66 = arith.cmpi ne, %rem3A, %ne3A_65 : i32
      %and3A = arith.andi %ne3A, %ne3A_66 : i1
      %sub3A = arith.constant 1 : i32
      %sub3A_67 = arith.subi %div3A, %sub3A : i32
      %select_n3A = arith.select %and3A, %sub3A_67, %div3A : i32
      %jit3A_68 = arith.constant 8 : i32
      %eq3A = arith.constant 0 : i32
      %eq3A_69 = arith.cmpi eq, %jit3A_68, %eq3A : i32
      %jit3A_70 = arith.constant 1 : i32
      %select_n3A_71 = arith.select %eq3A_69, %jit3A_70, %jit3A_68 : i32
      %rem3A_72 = arith.remsi %scan3A_51, %select_n3A_71 : i32
      %ne3A_73 = arith.constant 0 : i32
      %ne3A_74 = arith.cmpi ne, %rem3A_72, %ne3A_73 : i32
      %lt3A = arith.constant 0 : i32
      %lt3A_75 = arith.cmpi slt, %rem3A_72, %lt3A : i32
      %lt3A_76 = arith.constant 0 : i32
      %lt3A_77 = arith.cmpi slt, %select_n3A_71, %lt3A_76 : i32
      %ne3A_78 = arith.xori %lt3A_75, %lt3A_77 : i1
      %and3A_79 = arith.andi %ne3A_78, %ne3A_74 : i1
      %add3A_80 = arith.addi %rem3A_72, %select_n3A_71 : i32
      %select_n3A_81 = arith.select %and3A_79, %add3A_80, %rem3A_72 : i32
      %mul3A_82 = arith.constant 16 : i32
      %mul3A_83 = arith.muli %select_n3A_81, %mul3A_82 : i32
      %swap3A = arith.index_cast %select_n3A : i32 to index
      %swap3A_84 = arith.index_cast %mul3A_83 : i32 to index
      %swap3A_85 = tpu.vector_load %arg7[%swap3A, %swap3A_84] {strides = array<i32>} : memref<80x128xf32, #tpu.memory_space<vmem>>, vector<1x16xf32>,
      %swap3A_86 = vector.shape_cast %swap3A_85 : vector<1x16xf32> to vector<16xf32>
      %swap3A_87 = vector.shape_cast %broadcast_in_dim3A_1 : vector<16xf32> to vector<1x16xf32>
      tpu.vector_store %arg7[%swap3A, %swap3A_84], %swap3A_87 {strides = array<i32>} : memref<80x128xf32, #tpu.memory_space<vmem>>, vector<1x16xf32>,
    }
    %scan3A_6 = arith.constant 640 : i32
    %broadcast_in_dim3A_7 = arith.constant 0.000000e+00 : f32
    %broadcast_in_dim3A_8 = vector.broadcast %broadcast_in_dim3A_7 : f32 to vector<16xf32>
    %scan3A_9 = arith.constant 0 : i32
    %scan3A_10 = arith.constant 0 : i32
    %scan3A_11 = arith.constant 640 : i32
    %scan3A_12 = arith.addi %scan3A_10, %scan3A_11 : i32
    %scan3A_13 = arith.constant 1 : i32
    scf.for %scan3A_51 = %scan3A_10 to %scan3A_12 step %scan3A_13  : i32 {
      %jit3A = arith.constant 8 : i32
      %div3A = arith.divsi %scan3A_51, %jit3A : i32
      %sign3A = arith.constant 0 : i32
      %sign3A_52 = arith.cmpi sgt, %scan3A_51, %sign3A : i32
      %sign3A_53 = arith.extui %sign3A_52 : i1 to i32
      %sign3A_54 = arith.constant 0 : i32
      %sign3A_55 = arith.cmpi slt, %scan3A_51, %sign3A_54 : i32
      %sign3A_56 = arith.extui %sign3A_55 : i1 to i32
      %sign3A_57 = arith.subi %sign3A_53, %sign3A_56 : i32
      %sign3A_58 = arith.constant 0 : i32
      %sign3A_59 = arith.cmpi sgt, %jit3A, %sign3A_58 : i32
      %sign3A_60 = arith.extui %sign3A_59 : i1 to i32
      %sign3A_61 = arith.constant 0 : i32
      %sign3A_62 = arith.cmpi slt, %jit3A, %sign3A_61 : i32
      %sign3A_63 = arith.extui %sign3A_62 : i1 to i32
      %sign3A_64 = arith.subi %sign3A_60, %sign3A_63 : i32
      %ne3A = arith.cmpi ne, %sign3A_57, %sign3A_64 : i32
      %rem3A = arith.remsi %scan3A_51, %jit3A : i32
      %ne3A_65 = arith.constant 0 : i32
      %ne3A_66 = arith.cmpi ne, %rem3A, %ne3A_65 : i32
      %and3A = arith.andi %ne3A, %ne3A_66 : i1
      %sub3A = arith.constant 1 : i32
      %sub3A_67 = arith.subi %div3A, %sub3A : i32
      %select_n3A = arith.select %and3A, %sub3A_67, %div3A : i32
      %jit3A_68 = arith.constant 8 : i32
      %eq3A = arith.constant 0 : i32
      %eq3A_69 = arith.cmpi eq, %jit3A_68, %eq3A : i32
      %jit3A_70 = arith.constant 1 : i32
      %select_n3A_71 = arith.select %eq3A_69, %jit3A_70, %jit3A_68 : i32
      %rem3A_72 = arith.remsi %scan3A_51, %select_n3A_71 : i32
      %ne3A_73 = arith.constant 0 : i32
      %ne3A_74 = arith.cmpi ne, %rem3A_72, %ne3A_73 : i32
      %lt3A = arith.constant 0 : i32
      %lt3A_75 = arith.cmpi slt, %rem3A_72, %lt3A : i32
      %lt3A_76 = arith.constant 0 : i32
      %lt3A_77 = arith.cmpi slt, %select_n3A_71, %lt3A_76 : i32
      %ne3A_78 = arith.xori %lt3A_75, %lt3A_77 : i1
      %and3A_79 = arith.andi %ne3A_78, %ne3A_74 : i1
      %add3A_80 = arith.addi %rem3A_72, %select_n3A_71 : i32
      %select_n3A_81 = arith.select %and3A_79, %add3A_80, %rem3A_72 : i32
      %mul3A_82 = arith.constant 16 : i32
      %mul3A_83 = arith.muli %select_n3A_81, %mul3A_82 : i32
      %swap3A = arith.index_cast %select_n3A : i32 to index
      %swap3A_84 = arith.index_cast %mul3A_83 : i32 to index
      %swap3A_85 = tpu.vector_load %arg8[%swap3A, %swap3A_84] {strides = array<i32>} : memref<80x128xf32, #tpu.memory_space<vmem>>, vector<1x16xf32>,
      %swap3A_86 = vector.shape_cast %swap3A_85 : vector<1x16xf32> to vector<16xf32>
      %swap3A_87 = vector.shape_cast %broadcast_in_dim3A_8 : vector<16xf32> to vector<1x16xf32>
      tpu.vector_store %arg8[%swap3A, %swap3A_84], %swap3A_87 {strides = array<i32>} : memref<80x128xf32, #tpu.memory_space<vmem>>, vector<1x16xf32>,
    }
    %scan3A_14 = arith.constant 640 : i32
    %mul3A_15 = arith.constant 320 : i32
    %mul3A_16 = arith.muli %arg1, %mul3A_15 : i32
    %add3A = arith.constant 0 : i32
    %add3A_17 = arith.addi %mul3A_16, %add3A : i32
    "tpu.region"() ({
      %run_scoped3A = tpu.sem_alloc : memref<!tpu.dma_semaphore, #tpu.memory_space<semaphore_mem>>
      %dma_start3A = arith.constant 0 : i32
      %dma_start3A_51 = tpu.memref_slice %arg9[%add3A_17, %dma_start3A] : memref<5128x128xf32, #tpu.memory_space<vmem_shared>> -> memref<80x128xf32, #tpu.memory_space<vmem_shared>>
      %dma_start3A_52 = arith.constant 0 : i32
      %dma_start3A_53 = tpu.memref_slice %arg9[%add3A_17, %dma_start3A_52] : memref<5128x128xf32, #tpu.memory_space<vmem_shared>> -> memref<80x128xf32, #tpu.memory_space<vmem_shared>>
      tpu.enqueue_dma source(%arg8 : memref<80x128xf32, #tpu.memory_space<vmem>>) target(%dma_start3A_53 : memref<80x128xf32, #tpu.memory_space<vmem_shared>>) target_semaphore(%run_scoped3A : memref<!tpu.dma_semaphore, #tpu.memory_space<semaphore_mem>>)
      %dma_wait3A_54 = arith.constant 0 : i32
      %dma_wait3A_55 = tpu.memref_slice %arg9[%add3A_17, %dma_wait3A_54] : memref<5128x128xf32, #tpu.memory_space<vmem_shared>> -> memref<80x128xf32, #tpu.memory_space<vmem_shared>>
      %dma_wait3A_56 = arith.constant 0 : i32
      %dma_wait3A_57 = tpu.memref_slice %arg9[%add3A_17, %dma_wait3A_56] : memref<5128x128xf32, #tpu.memory_space<vmem_shared>> -> memref<80x128xf32, #tpu.memory_space<vmem_shared>>
      tpu.wait_dma2 semaphore(%run_scoped3A : memref<!tpu.dma_semaphore, #tpu.memory_space<semaphore_mem>>) src(%arg8 : memref<80x128xf32, #tpu.memory_space<vmem>>) dst(%dma_wait3A_57 : memref<80x128xf32, #tpu.memory_space<vmem_shared>>)
      tpu.yield
    }) : () -> ()
    %mul3A_18 = arith.constant 320 : i32
    %mul3A_19 = arith.muli %arg1, %mul3A_18 : i32
    %add3A_20 = arith.constant 80 : i32
    %add3A_21 = arith.addi %mul3A_19, %add3A_20 : i32
    "tpu.region"() ({
      %run_scoped3A = tpu.sem_alloc : memref<!tpu.dma_semaphore, #tpu.memory_space<semaphore_mem>>
      %dma_start3A = arith.constant 0 : i32
      %dma_start3A_51 = tpu.memref_slice %arg9[%add3A_21, %dma_start3A] : memref<5128x128xf32, #tpu.memory_space<vmem_shared>> -> memref<80x128xf32, #tpu.memory_space<vmem_shared>>
      %dma_start3A_52 = arith.constant 0 : i32
      %dma_start3A_53 = tpu.memref_slice %arg9[%add3A_21, %dma_start3A_52] : memref<5128x128xf32, #tpu.memory_space<vmem_shared>> -> memref<80x128xf32, #tpu.memory_space<vmem_shared>>
      tpu.enqueue_dma source(%arg8 : memref<80x128xf32, #tpu.memory_space<vmem>>) target(%dma_start3A_53 : memref<80x128xf32, #tpu.memory_space<vmem_shared>>) target_semaphore(%run_scoped3A : memref<!tpu.dma_semaphore, #tpu.memory_space<semaphore_mem>>)
      %dma_wait3A_54 = arith.constant 0 : i32
      %dma_wait3A_55 = tpu.memref_slice %arg9[%add3A_21, %dma_wait3A_54] : memref<5128x128xf32, #tpu.memory_space<vmem_shared>> -> memref<80x128xf32, #tpu.memory_space<vmem_shared>>
      %dma_wait3A_56 = arith.constant 0 : i32
      %dma_wait3A_57 = tpu.memref_slice %arg9[%add3A_21, %dma_wait3A_56] : memref<5128x128xf32, #tpu.memory_space<vmem_shared>> -> memref<80x128xf32, #tpu.memory_space<vmem_shared>>
      tpu.wait_dma2 semaphore(%run_scoped3A : memref<!tpu.dma_semaphore, #tpu.memory_space<semaphore_mem>>) src(%arg8 : memref<80x128xf32, #tpu.memory_space<vmem>>) dst(%dma_wait3A_57 : memref<80x128xf32, #tpu.memory_space<vmem_shared>>)
      tpu.yield
    }) : () -> ()
    %mul3A_22 = arith.constant 320 : i32
    %mul3A_23 = arith.muli %arg1, %mul3A_22 : i32
    %add3A_24 = arith.constant 160 : i32
    %add3A_25 = arith.addi %mul3A_23, %add3A_24 : i32
    "tpu.region"() ({
      %run_scoped3A = tpu.sem_alloc : memref<!tpu.dma_semaphore, #tpu.memory_space<semaphore_mem>>
      %dma_start3A = arith.constant 0 : i32
      %dma_start3A_51 = tpu.memref_slice %arg9[%add3A_25, %dma_start3A] : memref<5128x128xf32, #tpu.memory_space<vmem_shared>> -> memref<80x128xf32, #tpu.memory_space<vmem_shared>>
      %dma_start3A_52 = arith.constant 0 : i32
      %dma_start3A_53 = tpu.memref_slice %arg9[%add3A_25, %dma_start3A_52] : memref<5128x128xf32, #tpu.memory_space<vmem_shared>> -> memref<80x128xf32, #tpu.memory_space<vmem_shared>>
      tpu.enqueue_dma source(%arg8 : memref<80x128xf32, #tpu.memory_space<vmem>>) target(%dma_start3A_53 : memref<80x128xf32, #tpu.memory_space<vmem_shared>>) target_semaphore(%run_scoped3A : memref<!tpu.dma_semaphore, #tpu.memory_space<semaphore_mem>>)
      %dma_wait3A_54 = arith.constant 0 : i32
      %dma_wait3A_55 = tpu.memref_slice %arg9[%add3A_25, %dma_wait3A_54] : memref<5128x128xf32, #tpu.memory_space<vmem_shared>> -> memref<80x128xf32, #tpu.memory_space<vmem_shared>>
      %dma_wait3A_56 = arith.constant 0 : i32
      %dma_wait3A_57 = tpu.memref_slice %arg9[%add3A_25, %dma_wait3A_56] : memref<5128x128xf32, #tpu.memory_space<vmem_shared>> -> memref<80x128xf32, #tpu.memory_space<vmem_shared>>
      tpu.wait_dma2 semaphore(%run_scoped3A : memref<!tpu.dma_semaphore, #tpu.memory_space<semaphore_mem>>) src(%arg8 : memref<80x128xf32, #tpu.memory_space<vmem>>) dst(%dma_wait3A_57 : memref<80x128xf32, #tpu.memory_space<vmem_shared>>)
      tpu.yield
    }) : () -> ()
    %mul3A_26 = arith.constant 320 : i32
    %mul3A_27 = arith.muli %arg1, %mul3A_26 : i32
    %add3A_28 = arith.constant 240 : i32
    %add3A_29 = arith.addi %mul3A_27, %add3A_28 : i32
    "tpu.region"() ({
      %run_scoped3A = tpu.sem_alloc : memref<!tpu.dma_semaphore, #tpu.memory_space<semaphore_mem>>
      %dma_start3A = arith.constant 0 : i32
      %dma_start3A_51 = tpu.memref_slice %arg9[%add3A_29, %dma_start3A] : memref<5128x128xf32, #tpu.memory_space<vmem_shared>> -> memref<80x128xf32, #tpu.memory_space<vmem_shared>>
      %dma_start3A_52 = arith.constant 0 : i32
      %dma_start3A_53 = tpu.memref_slice %arg9[%add3A_29, %dma_start3A_52] : memref<5128x128xf32, #tpu.memory_space<vmem_shared>> -> memref<80x128xf32, #tpu.memory_space<vmem_shared>>
      tpu.enqueue_dma source(%arg8 : memref<80x128xf32, #tpu.memory_space<vmem>>) target(%dma_start3A_53 : memref<80x128xf32, #tpu.memory_space<vmem_shared>>) target_semaphore(%run_scoped3A : memref<!tpu.dma_semaphore, #tpu.memory_space<semaphore_mem>>)
      %dma_wait3A_54 = arith.constant 0 : i32
      %dma_wait3A_55 = tpu.memref_slice %arg9[%add3A_29, %dma_wait3A_54] : memref<5128x128xf32, #tpu.memory_space<vmem_shared>> -> memref<80x128xf32, #tpu.memory_space<vmem_shared>>
      %dma_wait3A_56 = arith.constant 0 : i32
      %dma_wait3A_57 = tpu.memref_slice %arg9[%add3A_29, %dma_wait3A_56] : memref<5128x128xf32, #tpu.memory_space<vmem_shared>> -> memref<80x128xf32, #tpu.memory_space<vmem_shared>>
      tpu.wait_dma2 semaphore(%run_scoped3A : memref<!tpu.dma_semaphore, #tpu.memory_space<semaphore_mem>>) src(%arg8 : memref<80x128xf32, #tpu.memory_space<vmem>>) dst(%dma_wait3A_57 : memref<80x128xf32, #tpu.memory_space<vmem_shared>>)
      tpu.yield
    }) : () -> ()
    %mul3A_30 = arith.constant 20000 : i32
    %mul3A_31 = arith.muli %arg1, %mul3A_30 : i32
    "tpu.region"() ({
      %run_scoped3A = tpu.sem_alloc : memref<!tpu.dma_semaphore, #tpu.memory_space<semaphore_mem>>
      %dma_start3A = tpu.memref_slice %arg2[%mul3A_31] : memref<320000xi32, #tpu.memory_space<hbm>> -> memref<20000xi32, #tpu.memory_space<hbm>>
      %dma_start3A_51 = tpu.memref_slice %arg2[%mul3A_31] : memref<320000xi32, #tpu.memory_space<hbm>> -> memref<20000xi32, #tpu.memory_space<hbm>>
      tpu.enqueue_dma source(%dma_start3A_51 : memref<20000xi32, #tpu.memory_space<hbm>>) target(%arg4 : memref<20000xi32, #tpu.memory_space<vmem>>) target_semaphore(%run_scoped3A : memref<!tpu.dma_semaphore, #tpu.memory_space<semaphore_mem>>)
      %dma_wait3A_52 = tpu.memref_slice %arg2[%mul3A_31] : memref<320000xi32, #tpu.memory_space<hbm>> -> memref<20000xi32, #tpu.memory_space<hbm>>
      %dma_wait3A_53 = tpu.memref_slice %arg2[%mul3A_31] : memref<320000xi32, #tpu.memory_space<hbm>> -> memref<20000xi32, #tpu.memory_space<hbm>>
      tpu.wait_dma2 semaphore(%run_scoped3A : memref<!tpu.dma_semaphore, #tpu.memory_space<semaphore_mem>>) src(%dma_wait3A_53 : memref<20000xi32, #tpu.memory_space<hbm>>) dst(%arg4 : memref<20000xi32, #tpu.memory_space<vmem>>)
      tpu.yield
    }) : () -> ()
    %barrier3A = arith.constant 0 : index
    tpu.barrier barrier_id(%barrier3A)
    %scan3A_32 = arith.constant 0 : i32
    %scan3A_33 = arith.constant 0 : i32
    %scan3A_34 = arith.constant 125 : i32
    %scan3A_35 = arith.addi %scan3A_33, %scan3A_34 : i32
    %scan3A_36 = arith.constant 1 : i32
    scf.for %scan3A_51 = %scan3A_33 to %scan3A_35 step %scan3A_36  : i32 {
      %mul3A_52 = arith.constant 2 : i32
      %mul3A_53 = arith.muli %mul3A_52, %scan3A_51 : i32
      %add3A_54 = arith.constant 1 : i32
      %add3A_55 = arith.addi %mul3A_53, %add3A_54 : i32
      %gt3A = arith.constant 0 : i32
      %gt3A_56 = arith.cmpi sgt, %scan3A_51, %gt3A : i32
      %convert_element_type3A = arith.extui %gt3A_56 : i1 to i32
      %cond3A = arith.constant 0 : i32
      %cond3A_57 = arith.cmpi ne, %convert_element_type3A, %cond3A : i32
      scf.if %cond3A_57 {
        %dma_wait3A_290 = arith.constant 0 : i32
        %dma_wait3A_291 = arith.constant 0 : i32
        %dma_wait3A_292 = tpu.memref_slice %arg9[%dma_wait3A_290, %dma_wait3A_291] : memref<5128x128xf32, #tpu.memory_space<vmem_shared>> -> memref<5128x128xf32, #tpu.memory_space<vmem_shared>>
        tpu.wait_indirect_dma semaphore(%arg10 : memref<!tpu.dma_semaphore, #tpu.memory_space<semaphore_mem>>) src(%arg7 : memref<80x128xf32, #tpu.memory_space<vmem>>) dst(%dma_wait3A_292 : memref<5128x128xf32, #tpu.memory_space<vmem_shared>>)
      } else {
      }
      %mul3A_58 = arith.constant 80 : i32
      %mul3A_59 = arith.muli %mul3A_53, %mul3A_58 : i32
      %add3A_60 = arith.constant 0 : i32
      %add3A_61 = arith.addi %mul3A_59, %add3A_60 : i32
      %get3A = arith.index_cast %add3A_61 : i32 to index
      %get3A_62 = tpu.vector_load %arg4[%get3A] {strides = array<i32>} : memref<20000xi32, #tpu.memory_space<vmem>>, vector<16xi32>,
      %get3A_63 = vector.shape_cast %get3A_62 : vector<16xi32> to vector<16xi32>
      %sub3A = vector.broadcast %mul3A_0 : i32 to vector<16xi32>
      %sub3A_64 = arith.subi %get3A_63, %sub3A : vector<16xi32>
      %lt3A = arith.constant 0 : i32
      %lt3A_65 = vector.broadcast %lt3A : i32 to vector<16xi32>
      %lt3A_66 = arith.cmpi slt, %sub3A_64, %lt3A_65 : vector<16xi32>
      %ge3A = arith.constant 5120 : i32
      %ge3A_67 = vector.broadcast %ge3A : i32 to vector<16xi32>
      %ge3A_68 = arith.cmpi sge, %sub3A_64, %ge3A_67 : vector<16xi32>
      %or3A = arith.ori %lt3A_66, %ge3A_68 : vector<16xi1>
      %jit3A = arith.constant 5120 : i32
      %broadcast_in_dim3A_69 = vector.broadcast %jit3A : i32 to vector<16xi32>
      %select_n3A = arith.select %or3A, %broadcast_in_dim3A_69, %sub3A_64 : vector<16xi1>, vector<16xi32>
      %swap3A = arith.constant 0 : index
      %swap3A_70 = tpu.vector_load %arg5[%swap3A] {strides = array<i32>} : memref<80xi32, #tpu.memory_space<vmem>>, vector<16xi32>,
      %swap3A_71 = vector.shape_cast %swap3A_70 : vector<16xi32> to vector<16xi32>
      %swap3A_72 = vector.shape_cast %select_n3A : vector<16xi32> to vector<16xi32>
      tpu.vector_store %arg5[%swap3A], %swap3A_72 {strides = array<i32>} : memref<80xi32, #tpu.memory_space<vmem>>, vector<16xi32>,
      %mul3A_73 = arith.constant 80 : i32
      %mul3A_74 = arith.muli %mul3A_53, %mul3A_73 : i32
      %add3A_75 = arith.constant 16 : i32
      %add3A_76 = arith.addi %mul3A_74, %add3A_75 : i32
      %get3A_77 = arith.index_cast %add3A_76 : i32 to index
      %get3A_78 = tpu.vector_load %arg4[%get3A_77] {strides = array<i32>} : memref<20000xi32, #tpu.memory_space<vmem>>, vector<16xi32>,
      %get3A_79 = vector.shape_cast %get3A_78 : vector<16xi32> to vector<16xi32>
      %sub3A_80 = vector.broadcast %mul3A_0 : i32 to vector<16xi32>
      %sub3A_81 = arith.subi %get3A_79, %sub3A_80 : vector<16xi32>
      %lt3A_82 = arith.constant 0 : i32
      %lt3A_83 = vector.broadcast %lt3A_82 : i32 to vector<16xi32>
      %lt3A_84 = arith.cmpi slt, %sub3A_81, %lt3A_83 : vector<16xi32>
      %ge3A_85 = arith.constant 5120 : i32
      %ge3A_86 = vector.broadcast %ge3A_85 : i32 to vector<16xi32>
      %ge3A_87 = arith.cmpi sge, %sub3A_81, %ge3A_86 : vector<16xi32>
      %or3A_88 = arith.ori %lt3A_84, %ge3A_87 : vector<16xi1>
      %jit3A_89 = arith.constant 5120 : i32
      %broadcast_in_dim3A_90 = vector.broadcast %jit3A_89 : i32 to vector<16xi32>
      %select_n3A_91 = arith.select %or3A_88, %broadcast_in_dim3A_90, %sub3A_81 : vector<16xi1>, vector<16xi32>
      %swap3A_92 = arith.constant 16 : index
      %swap3A_93 = tpu.vector_load %arg5[%swap3A_92] {strides = array<i32>} : memref<80xi32, #tpu.memory_space<vmem>>, vector<16xi32>,
      %swap3A_94 = vector.shape_cast %swap3A_93 : vector<16xi32> to vector<16xi32>
      %swap3A_95 = vector.shape_cast %select_n3A_91 : vector<16xi32> to vector<16xi32>
      tpu.vector_store %arg5[%swap3A_92], %swap3A_95 {strides = array<i32>} : memref<80xi32, #tpu.memory_space<vmem>>, vector<16xi32>,
      %mul3A_96 = arith.constant 80 : i32
      %mul3A_97 = arith.muli %mul3A_53, %mul3A_96 : i32
      %add3A_98 = arith.constant 32 : i32
      %add3A_99 = arith.addi %mul3A_97, %add3A_98 : i32
      %get3A_100 = arith.index_cast %add3A_99 : i32 to index
      %get3A_101 = tpu.vector_load %arg4[%get3A_100] {strides = array<i32>} : memref<20000xi32, #tpu.memory_space<vmem>>, vector<16xi32>,
      %get3A_102 = vector.shape_cast %get3A_101 : vector<16xi32> to vector<16xi32>
      %sub3A_103 = vector.broadcast %mul3A_0 : i32 to vector<16xi32>
      %sub3A_104 = arith.subi %get3A_102, %sub3A_103 : vector<16xi32>
      %lt3A_105 = arith.constant 0 : i32
      %lt3A_106 = vector.broadcast %lt3A_105 : i32 to vector<16xi32>
      %lt3A_107 = arith.cmpi slt, %sub3A_104, %lt3A_106 : vector<16xi32>
      %ge3A_108 = arith.constant 5120 : i32
      %ge3A_109 = vector.broadcast %ge3A_108 : i32 to vector<16xi32>
      %ge3A_110 = arith.cmpi sge, %sub3A_104, %ge3A_109 : vector<16xi32>
      %or3A_111 = arith.ori %lt3A_107, %ge3A_110 : vector<16xi1>
      %jit3A_112 = arith.constant 5120 : i32
      %broadcast_in_dim3A_113 = vector.broadcast %jit3A_112 : i32 to vector<16xi32>
      %select_n3A_114 = arith.select %or3A_111, %broadcast_in_dim3A_113, %sub3A_104 : vector<16xi1>, vector<16xi32>
      %swap3A_115 = arith.constant 32 : index
      %swap3A_116 = tpu.vector_load %arg5[%swap3A_115] {strides = array<i32>} : memref<80xi32, #tpu.memory_space<vmem>>, vector<16xi32>,
      %swap3A_117 = vector.shape_cast %swap3A_116 : vector<16xi32> to vector<16xi32>
      %swap3A_118 = vector.shape_cast %select_n3A_114 : vector<16xi32> to vector<16xi32>
      tpu.vector_store %arg5[%swap3A_115], %swap3A_118 {strides = array<i32>} : memref<80xi32, #tpu.memory_space<vmem>>, vector<16xi32>,
      %mul3A_119 = arith.constant 80 : i32
      %mul3A_120 = arith.muli %mul3A_53, %mul3A_119 : i32
      %add3A_121 = arith.constant 48 : i32
      %add3A_122 = arith.addi %mul3A_120, %add3A_121 : i32
      %get3A_123 = arith.index_cast %add3A_122 : i32 to index
      %get3A_124 = tpu.vector_load %arg4[%get3A_123] {strides = array<i32>} : memref<20000xi32, #tpu.memory_space<vmem>>, vector<16xi32>,
      %get3A_125 = vector.shape_cast %get3A_124 : vector<16xi32> to vector<16xi32>
      %sub3A_126 = vector.broadcast %mul3A_0 : i32 to vector<16xi32>
      %sub3A_127 = arith.subi %get3A_125, %sub3A_126 : vector<16xi32>
      %lt3A_128 = arith.constant 0 : i32
      %lt3A_129 = vector.broadcast %lt3A_128 : i32 to vector<16xi32>
      %lt3A_130 = arith.cmpi slt, %sub3A_127, %lt3A_129 : vector<16xi32>
      %ge3A_131 = arith.constant 5120 : i32
      %ge3A_132 = vector.broadcast %ge3A_131 : i32 to vector<16xi32>
      %ge3A_133 = arith.cmpi sge, %sub3A_127, %ge3A_132 : vector<16xi32>
      %or3A_134 = arith.ori %lt3A_130, %ge3A_133 : vector<16xi1>
      %jit3A_135 = arith.constant 5120 : i32
      %broadcast_in_dim3A_136 = vector.broadcast %jit3A_135 : i32 to vector<16xi32>
      %select_n3A_137 = arith.select %or3A_134, %broadcast_in_dim3A_136, %sub3A_127 : vector<16xi1>, vector<16xi32>
      %swap3A_138 = arith.constant 48 : index
      %swap3A_139 = tpu.vector_load %arg5[%swap3A_138] {strides = array<i32>} : memref<80xi32, #tpu.memory_space<vmem>>, vector<16xi32>,
      %swap3A_140 = vector.shape_cast %swap3A_139 : vector<16xi32> to vector<16xi32>
      %swap3A_141 = vector.shape_cast %select_n3A_137 : vector<16xi32> to vector<16xi32>
      tpu.vector_store %arg5[%swap3A_138], %swap3A_141 {strides = array<i32>} : memref<80xi32, #tpu.memory_space<vmem>>, vector<16xi32>,
      %mul3A_142 = arith.constant 80 : i32
      %mul3A_143 = arith.muli %mul3A_53, %mul3A_142 : i32
      %add3A_144 = arith.constant 64 : i32
      %add3A_145 = arith.addi %mul3A_143, %add3A_144 : i32
      %get3A_146 = arith.index_cast %add3A_145 : i32 to index
      %get3A_147 = tpu.vector_load %arg4[%get3A_146] {strides = array<i32>} : memref<20000xi32, #tpu.memory_space<vmem>>, vector<16xi32>,
      %get3A_148 = vector.shape_cast %get3A_147 : vector<16xi32> to vector<16xi32>
      %sub3A_149 = vector.broadcast %mul3A_0 : i32 to vector<16xi32>
      %sub3A_150 = arith.subi %get3A_148, %sub3A_149 : vector<16xi32>
      %lt3A_151 = arith.constant 0 : i32
      %lt3A_152 = vector.broadcast %lt3A_151 : i32 to vector<16xi32>
      %lt3A_153 = arith.cmpi slt, %sub3A_150, %lt3A_152 : vector<16xi32>
      %ge3A_154 = arith.constant 5120 : i32
      %ge3A_155 = vector.broadcast %ge3A_154 : i32 to vector<16xi32>
      %ge3A_156 = arith.cmpi sge, %sub3A_150, %ge3A_155 : vector<16xi32>
      %or3A_157 = arith.ori %lt3A_153, %ge3A_156 : vector<16xi1>
      %jit3A_158 = arith.constant 5120 : i32
      %broadcast_in_dim3A_159 = vector.broadcast %jit3A_158 : i32 to vector<16xi32>
      %select_n3A_160 = arith.select %or3A_157, %broadcast_in_dim3A_159, %sub3A_150 : vector<16xi1>, vector<16xi32>
      %swap3A_161 = arith.constant 64 : index
      %swap3A_162 = tpu.vector_load %arg5[%swap3A_161] {strides = array<i32>} : memref<80xi32, #tpu.memory_space<vmem>>, vector<16xi32>,
      %swap3A_163 = vector.shape_cast %swap3A_162 : vector<16xi32> to vector<16xi32>
      %swap3A_164 = vector.shape_cast %select_n3A_160 : vector<16xi32> to vector<16xi32>
      tpu.vector_store %arg5[%swap3A_161], %swap3A_164 {strides = array<i32>} : memref<80xi32, #tpu.memory_space<vmem>>, vector<16xi32>,
      %dma_start3A = arith.constant 0 : i32
      %dma_start3A_165 = arith.constant 0 : i32
      %dma_start3A_166 = tpu.memref_slice %arg9[%dma_start3A, %dma_start3A_165] : memref<5128x128xf32, #tpu.memory_space<vmem_shared>> -> memref<5128x128xf32, #tpu.memory_space<vmem_shared>>
      tpu.enqueue_indirect_dma source(%arg7 : memref<80x128xf32, #tpu.memory_space<vmem>>) target(%dma_start3A_166 : memref<5128x128xf32, #tpu.memory_space<vmem_shared>>) offsets(%arg5 : memref<80xi32, #tpu.memory_space<vmem>>) semaphore(%arg10 : memref<!tpu.dma_semaphore, #tpu.memory_space<semaphore_mem>>) {add = true}
      %gt3A_167 = arith.constant 0 : i32
      %gt3A_168 = arith.cmpi sgt, %scan3A_51, %gt3A_167 : i32
      %convert_element_type3A_169 = arith.extui %gt3A_168 : i1 to i32
      %cond3A_170 = arith.constant 0 : i32
      %cond3A_171 = arith.cmpi ne, %convert_element_type3A_169, %cond3A_170 : i32
      scf.if %cond3A_171 {
        %dma_wait3A_290 = arith.constant 0 : i32
        %dma_wait3A_291 = arith.constant 0 : i32
        %dma_wait3A_292 = tpu.memref_slice %arg9[%dma_wait3A_290, %dma_wait3A_291] : memref<5128x128xf32, #tpu.memory_space<vmem_shared>> -> memref<5128x128xf32, #tpu.memory_space<vmem_shared>>
        tpu.wait_indirect_dma semaphore(%arg11 : memref<!tpu.dma_semaphore, #tpu.memory_space<semaphore_mem>>) src(%arg7 : memref<80x128xf32, #tpu.memory_space<vmem>>) dst(%dma_wait3A_292 : memref<5128x128xf32, #tpu.memory_space<vmem_shared>>)
      } else {
      }
      %mul3A_172 = arith.constant 80 : i32
      %mul3A_173 = arith.muli %add3A_55, %mul3A_172 : i32
      %add3A_174 = arith.constant 0 : i32
      %add3A_175 = arith.addi %mul3A_173, %add3A_174 : i32
      %get3A_176 = arith.index_cast %add3A_175 : i32 to index
      %get3A_177 = tpu.vector_load %arg4[%get3A_176] {strides = array<i32>} : memref<20000xi32, #tpu.memory_space<vmem>>, vector<16xi32>,
      %get3A_178 = vector.shape_cast %get3A_177 : vector<16xi32> to vector<16xi32>
      %sub3A_179 = vector.broadcast %mul3A_0 : i32 to vector<16xi32>
      %sub3A_180 = arith.subi %get3A_178, %sub3A_179 : vector<16xi32>
      %lt3A_181 = arith.constant 0 : i32
      %lt3A_182 = vector.broadcast %lt3A_181 : i32 to vector<16xi32>
      %lt3A_183 = arith.cmpi slt, %sub3A_180, %lt3A_182 : vector<16xi32>
      %ge3A_184 = arith.constant 5120 : i32
      %ge3A_185 = vector.broadcast %ge3A_184 : i32 to vector<16xi32>
      %ge3A_186 = arith.cmpi sge, %sub3A_180, %ge3A_185 : vector<16xi32>
      %or3A_187 = arith.ori %lt3A_183, %ge3A_186 : vector<16xi1>
      %jit3A_188 = arith.constant 5120 : i32
      %broadcast_in_dim3A_189 = vector.broadcast %jit3A_188 : i32 to vector<16xi32>
      %select_n3A_190 = arith.select %or3A_187, %broadcast_in_dim3A_189, %sub3A_180 : vector<16xi1>, vector<16xi32>
      %swap3A_191 = arith.constant 0 : index
      %swap3A_192 = tpu.vector_load %arg6[%swap3A_191] {strides = array<i32>} : memref<80xi32, #tpu.memory_space<vmem>>, vector<16xi32>,
      %swap3A_193 = vector.shape_cast %swap3A_192 : vector<16xi32> to vector<16xi32>
      %swap3A_194 = vector.shape_cast %select_n3A_190 : vector<16xi32> to vector<16xi32>
      tpu.vector_store %arg6[%swap3A_191], %swap3A_194 {strides = array<i32>} : memref<80xi32, #tpu.memory_space<vmem>>, vector<16xi32>,
      %mul3A_195 = arith.constant 80 : i32
      %mul3A_196 = arith.muli %add3A_55, %mul3A_195 : i32
      %add3A_197 = arith.constant 16 : i32
      %add3A_198 = arith.addi %mul3A_196, %add3A_197 : i32
      %get3A_199 = arith.index_cast %add3A_198 : i32 to index
      %get3A_200 = tpu.vector_load %arg4[%get3A_199] {strides = array<i32>} : memref<20000xi32, #tpu.memory_space<vmem>>, vector<16xi32>,
      %get3A_201 = vector.shape_cast %get3A_200 : vector<16xi32> to vector<16xi32>
      %sub3A_202 = vector.broadcast %mul3A_0 : i32 to vector<16xi32>
      %sub3A_203 = arith.subi %get3A_201, %sub3A_202 : vector<16xi32>
      %lt3A_204 = arith.constant 0 : i32
      %lt3A_205 = vector.broadcast %lt3A_204 : i32 to vector<16xi32>
      %lt3A_206 = arith.cmpi slt, %sub3A_203, %lt3A_205 : vector<16xi32>
      %ge3A_207 = arith.constant 5120 : i32
      %ge3A_208 = vector.broadcast %ge3A_207 : i32 to vector<16xi32>
      %ge3A_209 = arith.cmpi sge, %sub3A_203, %ge3A_208 : vector<16xi32>
      %or3A_210 = arith.ori %lt3A_206, %ge3A_209 : vector<16xi1>
      %jit3A_211 = arith.constant 5120 : i32
      %broadcast_in_dim3A_212 = vector.broadcast %jit3A_211 : i32 to vector<16xi32>
      %select_n3A_213 = arith.select %or3A_210, %broadcast_in_dim3A_212, %sub3A_203 : vector<16xi1>, vector<16xi32>
      %swap3A_214 = arith.constant 16 : index
      %swap3A_215 = tpu.vector_load %arg6[%swap3A_214] {strides = array<i32>} : memref<80xi32, #tpu.memory_space<vmem>>, vector<16xi32>,
      %swap3A_216 = vector.shape_cast %swap3A_215 : vector<16xi32> to vector<16xi32>
      %swap3A_217 = vector.shape_cast %select_n3A_213 : vector<16xi32> to vector<16xi32>
      tpu.vector_store %arg6[%swap3A_214], %swap3A_217 {strides = array<i32>} : memref<80xi32, #tpu.memory_space<vmem>>, vector<16xi32>,
      %mul3A_218 = arith.constant 80 : i32
      %mul3A_219 = arith.muli %add3A_55, %mul3A_218 : i32
      %add3A_220 = arith.constant 32 : i32
      %add3A_221 = arith.addi %mul3A_219, %add3A_220 : i32
      %get3A_222 = arith.index_cast %add3A_221 : i32 to index
      %get3A_223 = tpu.vector_load %arg4[%get3A_222] {strides = array<i32>} : memref<20000xi32, #tpu.memory_space<vmem>>, vector<16xi32>,
      %get3A_224 = vector.shape_cast %get3A_223 : vector<16xi32> to vector<16xi32>
      %sub3A_225 = vector.broadcast %mul3A_0 : i32 to vector<16xi32>
      %sub3A_226 = arith.subi %get3A_224, %sub3A_225 : vector<16xi32>
      %lt3A_227 = arith.constant 0 : i32
      %lt3A_228 = vector.broadcast %lt3A_227 : i32 to vector<16xi32>
      %lt3A_229 = arith.cmpi slt, %sub3A_226, %lt3A_228 : vector<16xi32>
      %ge3A_230 = arith.constant 5120 : i32
      %ge3A_231 = vector.broadcast %ge3A_230 : i32 to vector<16xi32>
      %ge3A_232 = arith.cmpi sge, %sub3A_226, %ge3A_231 : vector<16xi32>
      %or3A_233 = arith.ori %lt3A_229, %ge3A_232 : vector<16xi1>
      %jit3A_234 = arith.constant 5120 : i32
      %broadcast_in_dim3A_235 = vector.broadcast %jit3A_234 : i32 to vector<16xi32>
      %select_n3A_236 = arith.select %or3A_233, %broadcast_in_dim3A_235, %sub3A_226 : vector<16xi1>, vector<16xi32>
      %swap3A_237 = arith.constant 32 : index
      %swap3A_238 = tpu.vector_load %arg6[%swap3A_237] {strides = array<i32>} : memref<80xi32, #tpu.memory_space<vmem>>, vector<16xi32>,
      %swap3A_239 = vector.shape_cast %swap3A_238 : vector<16xi32> to vector<16xi32>
      %swap3A_240 = vector.shape_cast %select_n3A_236 : vector<16xi32> to vector<16xi32>
      tpu.vector_store %arg6[%swap3A_237], %swap3A_240 {strides = array<i32>} : memref<80xi32, #tpu.memory_space<vmem>>, vector<16xi32>,
      %mul3A_241 = arith.constant 80 : i32
      %mul3A_242 = arith.muli %add3A_55, %mul3A_241 : i32
      %add3A_243 = arith.constant 48 : i32
      %add3A_244 = arith.addi %mul3A_242, %add3A_243 : i32
      %get3A_245 = arith.index_cast %add3A_244 : i32 to index
      %get3A_246 = tpu.vector_load %arg4[%get3A_245] {strides = array<i32>} : memref<20000xi32, #tpu.memory_space<vmem>>, vector<16xi32>,
      %get3A_247 = vector.shape_cast %get3A_246 : vector<16xi32> to vector<16xi32>
      %sub3A_248 = vector.broadcast %mul3A_0 : i32 to vector<16xi32>
      %sub3A_249 = arith.subi %get3A_247, %sub3A_248 : vector<16xi32>
      %lt3A_250 = arith.constant 0 : i32
      %lt3A_251 = vector.broadcast %lt3A_250 : i32 to vector<16xi32>
      %lt3A_252 = arith.cmpi slt, %sub3A_249, %lt3A_251 : vector<16xi32>
      %ge3A_253 = arith.constant 5120 : i32
      %ge3A_254 = vector.broadcast %ge3A_253 : i32 to vector<16xi32>
      %ge3A_255 = arith.cmpi sge, %sub3A_249, %ge3A_254 : vector<16xi32>
      %or3A_256 = arith.ori %lt3A_252, %ge3A_255 : vector<16xi1>
      %jit3A_257 = arith.constant 5120 : i32
      %broadcast_in_dim3A_258 = vector.broadcast %jit3A_257 : i32 to vector<16xi32>
      %select_n3A_259 = arith.select %or3A_256, %broadcast_in_dim3A_258, %sub3A_249 : vector<16xi1>, vector<16xi32>
      %swap3A_260 = arith.constant 48 : index
      %swap3A_261 = tpu.vector_load %arg6[%swap3A_260] {strides = array<i32>} : memref<80xi32, #tpu.memory_space<vmem>>, vector<16xi32>,
      %swap3A_262 = vector.shape_cast %swap3A_261 : vector<16xi32> to vector<16xi32>
      %swap3A_263 = vector.shape_cast %select_n3A_259 : vector<16xi32> to vector<16xi32>
      tpu.vector_store %arg6[%swap3A_260], %swap3A_263 {strides = array<i32>} : memref<80xi32, #tpu.memory_space<vmem>>, vector<16xi32>,
      %mul3A_264 = arith.constant 80 : i32
      %mul3A_265 = arith.muli %add3A_55, %mul3A_264 : i32
      %add3A_266 = arith.constant 64 : i32
      %add3A_267 = arith.addi %mul3A_265, %add3A_266 : i32
      %get3A_268 = arith.index_cast %add3A_267 : i32 to index
      %get3A_269 = tpu.vector_load %arg4[%get3A_268] {strides = array<i32>} : memref<20000xi32, #tpu.memory_space<vmem>>, vector<16xi32>,
      %get3A_270 = vector.shape_cast %get3A_269 : vector<16xi32> to vector<16xi32>
      %sub3A_271 = vector.broadcast %mul3A_0 : i32 to vector<16xi32>
      %sub3A_272 = arith.subi %get3A_270, %sub3A_271 : vector<16xi32>
      %lt3A_273 = arith.constant 0 : i32
      %lt3A_274 = vector.broadcast %lt3A_273 : i32 to vector<16xi32>
      %lt3A_275 = arith.cmpi slt, %sub3A_272, %lt3A_274 : vector<16xi32>
      %ge3A_276 = arith.constant 5120 : i32
      %ge3A_277 = vector.broadcast %ge3A_276 : i32 to vector<16xi32>
      %ge3A_278 = arith.cmpi sge, %sub3A_272, %ge3A_277 : vector<16xi32>
      %or3A_279 = arith.ori %lt3A_275, %ge3A_278 : vector<16xi1>
      %jit3A_280 = arith.constant 5120 : i32
      %broadcast_in_dim3A_281 = vector.broadcast %jit3A_280 : i32 to vector<16xi32>
      %select_n3A_282 = arith.select %or3A_279, %broadcast_in_dim3A_281, %sub3A_272 : vector<16xi1>, vector<16xi32>
      %swap3A_283 = arith.constant 64 : index
      %swap3A_284 = tpu.vector_load %arg6[%swap3A_283] {strides = array<i32>} : memref<80xi32, #tpu.memory_space<vmem>>, vector<16xi32>,
      %swap3A_285 = vector.shape_cast %swap3A_284 : vector<16xi32> to vector<16xi32>
      %swap3A_286 = vector.shape_cast %select_n3A_282 : vector<16xi32> to vector<16xi32>
      tpu.vector_store %arg6[%swap3A_283], %swap3A_286 {strides = array<i32>} : memref<80xi32, #tpu.memory_space<vmem>>, vector<16xi32>,
      %dma_start3A_287 = arith.constant 0 : i32
      %dma_start3A_288 = arith.constant 0 : i32
      %dma_start3A_289 = tpu.memref_slice %arg9[%dma_start3A_287, %dma_start3A_288] : memref<5128x128xf32, #tpu.memory_space<vmem_shared>> -> memref<5128x128xf32, #tpu.memory_space<vmem_shared>>
      tpu.enqueue_indirect_dma source(%arg7 : memref<80x128xf32, #tpu.memory_space<vmem>>) target(%dma_start3A_289 : memref<5128x128xf32, #tpu.memory_space<vmem_shared>>) offsets(%arg6 : memref<80xi32, #tpu.memory_space<vmem>>) semaphore(%arg11 : memref<!tpu.dma_semaphore, #tpu.memory_space<semaphore_mem>>) {add = true}
    }
    %scan3A_37 = arith.constant 125 : i32
    %dma_wait3A = arith.constant 0 : i32
    %dma_wait3A_38 = arith.constant 0 : i32
    %dma_wait3A_39 = tpu.memref_slice %arg9[%dma_wait3A, %dma_wait3A_38] : memref<5128x128xf32, #tpu.memory_space<vmem_shared>> -> memref<5128x128xf32, #tpu.memory_space<vmem_shared>>
    tpu.wait_indirect_dma semaphore(%arg10 : memref<!tpu.dma_semaphore, #tpu.memory_space<semaphore_mem>>) src(%arg7 : memref<80x128xf32, #tpu.memory_space<vmem>>) dst(%dma_wait3A_39 : memref<5128x128xf32, #tpu.memory_space<vmem_shared>>)
    %dma_wait3A_40 = arith.constant 0 : i32
    %dma_wait3A_41 = arith.constant 0 : i32
    %dma_wait3A_42 = tpu.memref_slice %arg9[%dma_wait3A_40, %dma_wait3A_41] : memref<5128x128xf32, #tpu.memory_space<vmem_shared>> -> memref<5128x128xf32, #tpu.memory_space<vmem_shared>>
    tpu.wait_indirect_dma semaphore(%arg11 : memref<!tpu.dma_semaphore, #tpu.memory_space<semaphore_mem>>) src(%arg7 : memref<80x128xf32, #tpu.memory_space<vmem>>) dst(%dma_wait3A_42 : memref<5128x128xf32, #tpu.memory_space<vmem_shared>>)
    %barrier3A_43 = arith.constant 0 : index
    tpu.barrier barrier_id(%barrier3A_43)
    %mul3A_44 = arith.constant 320 : i32
    %mul3A_45 = arith.muli %arg1, %mul3A_44 : i32
    %mul3A_46 = arith.constant 5120 : i32
    %mul3A_47 = arith.muli %arg0, %mul3A_46 : i32
    %mul3A_48 = arith.constant 320 : i32
    %mul3A_49 = arith.muli %arg1, %mul3A_48 : i32
    %add3A_50 = arith.addi %mul3A_47, %mul3A_49 : i32
    "tpu.region"() ({
      %run_scoped3A = tpu.sem_alloc : memref<!tpu.dma_semaphore, #tpu.memory_space<semaphore_mem>>
      %dma_start3A = arith.constant 0 : i32
      %dma_start3A_51 = tpu.memref_slice %arg3[%add3A_50, %dma_start3A] : memref<10240x128xf32, #tpu.memory_space<hbm>> -> memref<320x128xf32, #tpu.memory_space<hbm>>
      %dma_start3A_52 = arith.constant 0 : i32
      %dma_start3A_53 = tpu.memref_slice %arg9[%mul3A_45, %dma_start3A_52] : memref<5128x128xf32, #tpu.memory_space<vmem_shared>> -> memref<320x128xf32, #tpu.memory_space<vmem_shared>>
      tpu.enqueue_dma source(%dma_start3A_53 : memref<320x128xf32, #tpu.memory_space<vmem_shared>>) target(%dma_start3A_51 : memref<320x128xf32, #tpu.memory_space<hbm>>) target_semaphore(%run_scoped3A : memref<!tpu.dma_semaphore, #tpu.memory_space<semaphore_mem>>)
      %dma_wait3A_54 = arith.constant 0 : i32
      %dma_wait3A_55 = tpu.memref_slice %arg3[%add3A_50, %dma_wait3A_54] : memref<10240x128xf32, #tpu.memory_space<hbm>> -> memref<320x128xf32, #tpu.memory_space<hbm>>
      %dma_wait3A_56 = arith.constant 0 : i32
      %dma_wait3A_57 = tpu.memref_slice %arg9[%mul3A_45, %dma_wait3A_56] : memref<5128x128xf32, #tpu.memory_space<vmem_shared>> -> memref<320x128xf32, #tpu.memory_space<vmem_shared>>
      tpu.wait_dma2 semaphore(%run_scoped3A : memref<!tpu.dma_semaphore, #tpu.memory_space<semaphore_mem>>) src(%dma_wait3A_57 : memref<320x128xf32, #tpu.memory_space<vmem_shared>>) dst(%dma_wait3A_55 : memref<320x128xf32, #tpu.memory_space<hbm>>)
      tpu.yield
    }) : () -> ()
    return
  }
}

#map = affine_map<(d0, d1) -> (0, 0)>
#map1 = affine_map<(d0, d1) -> (0)>
module attributes {stable_mosaic.version = 14 : i64} {
  func.func @_dot_body(%arg0: i32, %arg1: i32, %arg2: memref<10240x128xf32, #tpu.memory_space<hbm>>, %arg3: memref<320000xi32, #tpu.memory_space<hbm>>, %arg4: memref<320000xi32, #tpu.memory_space<hbm>>, %arg5: memref<1600000xi32, #tpu.memory_space<hbm>>, %arg6: memref<320000x128xf32, #tpu.memory_space<hbm>>, %arg7: memref<10000xi32, #tpu.memory_space<vmem>>, %arg8: memref<10000xi32, #tpu.memory_space<vmem>>, %arg9: memref<200xi32, #tpu.memory_space<vmem>>, %arg10: memref<40x128xf32, #tpu.memory_space<vmem>>, %arg11: memref<40x128xf32, #tpu.memory_space<vmem>>, %arg12: memref<200x128xf32, #tpu.memory_space<vmem>>, %arg13: memref<40x128xf32, #tpu.memory_space<vmem>>, %arg14: memref<200xi32, #tpu.memory_space<vmem>>, %arg15: memref<40x128xf32, #tpu.memory_space<vmem>>, %arg16: memref<40x128xf32, #tpu.memory_space<vmem>>, %arg17: memref<200x128xf32, #tpu.memory_space<vmem>>, %arg18: memref<40x128xf32, #tpu.memory_space<vmem>>, %arg19: memref<!tpu.dma_semaphore, #tpu.memory_space<semaphore_mem>>, %arg20: memref<!tpu.dma_semaphore, #tpu.memory_space<semaphore_mem>>, %arg21: memref<!tpu.dma_semaphore, #tpu.memory_space<semaphore_mem>>, %arg22: memref<!tpu.dma_semaphore, #tpu.memory_space<semaphore_mem>>, %arg23: memref<!tpu.dma_semaphore, #tpu.memory_space<semaphore_mem>>, %arg24: memref<!tpu.dma_semaphore, #tpu.memory_space<semaphore_mem>>) attributes {dimension_semantics = [#tpu.dimension_semantics<core_parallel>, #tpu.dimension_semantics<subcore_parallel>], iteration_bounds = array<i64: 2, 16>, scalar_prefetch = 0 : i64, scratch_operands = 18 : i64, tpu.core_type = #tpu.core_type<sc_vector_subcore>, window_params = [{transform_indices = #map}, {transform_indices = #map1}, {transform_indices = #map1}, {transform_indices = #map1}, {transform_indices = #map}]} {
    %mul3A = arith.constant 16 : i32
    %mul3A_0 = arith.muli %arg0, %mul3A : i32
    %add3A = arith.addi %mul3A_0, %arg1 : i32
    %broadcast_in_dim3A = arith.constant 0.000000e+00 : f32
    %broadcast_in_dim3A_1 = vector.broadcast %broadcast_in_dim3A : f32 to vector<16xf32>
    %mul3A_2 = arith.constant 10000 : i32
    %mul3A_3 = arith.muli %add3A, %mul3A_2 : i32
    "tpu.region"() ({
      %run_scoped3A = tpu.sem_alloc : memref<!tpu.dma_semaphore, #tpu.memory_space<semaphore_mem>>
      %dma_start3A_143 = tpu.memref_slice %arg3[%mul3A_3] : memref<320000xi32, #tpu.memory_space<hbm>> -> memref<10000xi32, #tpu.memory_space<hbm>>
      %dma_start3A_144 = tpu.memref_slice %arg3[%mul3A_3] : memref<320000xi32, #tpu.memory_space<hbm>> -> memref<10000xi32, #tpu.memory_space<hbm>>
      tpu.enqueue_dma source(%dma_start3A_144 : memref<10000xi32, #tpu.memory_space<hbm>>) target(%arg7 : memref<10000xi32, #tpu.memory_space<vmem>>) target_semaphore(%run_scoped3A : memref<!tpu.dma_semaphore, #tpu.memory_space<semaphore_mem>>)
      %dma_wait3A_145 = tpu.memref_slice %arg3[%mul3A_3] : memref<320000xi32, #tpu.memory_space<hbm>> -> memref<10000xi32, #tpu.memory_space<hbm>>
      %dma_wait3A_146 = tpu.memref_slice %arg3[%mul3A_3] : memref<320000xi32, #tpu.memory_space<hbm>> -> memref<10000xi32, #tpu.memory_space<hbm>>
      tpu.wait_dma2 semaphore(%run_scoped3A : memref<!tpu.dma_semaphore, #tpu.memory_space<semaphore_mem>>) src(%dma_wait3A_146 : memref<10000xi32, #tpu.memory_space<hbm>>) dst(%arg7 : memref<10000xi32, #tpu.memory_space<vmem>>)
      tpu.yield
    }) : () -> ()
    %mul3A_4 = arith.constant 10000 : i32
    %mul3A_5 = arith.muli %add3A, %mul3A_4 : i32
    "tpu.region"() ({
      %run_scoped3A = tpu.sem_alloc : memref<!tpu.dma_semaphore, #tpu.memory_space<semaphore_mem>>
      %dma_start3A_143 = tpu.memref_slice %arg4[%mul3A_5] : memref<320000xi32, #tpu.memory_space<hbm>> -> memref<10000xi32, #tpu.memory_space<hbm>>
      %dma_start3A_144 = tpu.memref_slice %arg4[%mul3A_5] : memref<320000xi32, #tpu.memory_space<hbm>> -> memref<10000xi32, #tpu.memory_space<hbm>>
      tpu.enqueue_dma source(%dma_start3A_144 : memref<10000xi32, #tpu.memory_space<hbm>>) target(%arg8 : memref<10000xi32, #tpu.memory_space<vmem>>) target_semaphore(%run_scoped3A : memref<!tpu.dma_semaphore, #tpu.memory_space<semaphore_mem>>)
      %dma_wait3A_145 = tpu.memref_slice %arg4[%mul3A_5] : memref<320000xi32, #tpu.memory_space<hbm>> -> memref<10000xi32, #tpu.memory_space<hbm>>
      %dma_wait3A_146 = tpu.memref_slice %arg4[%mul3A_5] : memref<320000xi32, #tpu.memory_space<hbm>> -> memref<10000xi32, #tpu.memory_space<hbm>>
      tpu.wait_dma2 semaphore(%run_scoped3A : memref<!tpu.dma_semaphore, #tpu.memory_space<semaphore_mem>>) src(%dma_wait3A_146 : memref<10000xi32, #tpu.memory_space<hbm>>) dst(%arg8 : memref<10000xi32, #tpu.memory_space<vmem>>)
      tpu.yield
    }) : () -> ()
    %scan3A = arith.constant 0 : i32
    %scan3A_6 = arith.constant 0 : i32
    %scan3A_7 = arith.constant 40 : i32
    %scan3A_8 = arith.addi %scan3A_6, %scan3A_7 : i32
    %scan3A_9 = arith.constant 1 : i32
    scf.for %scan3A_143 = %scan3A_6 to %scan3A_8 step %scan3A_9  : i32 {
      %swap3A = arith.index_cast %scan3A_143 : i32 to index
      %swap3A_144 = arith.constant 96 : index
      %swap3A_145 = tpu.vector_load %arg13[%swap3A, %swap3A_144] {strides = array<i32>} : memref<40x128xf32, #tpu.memory_space<vmem>>, vector<1x16xf32>,
      %swap3A_146 = vector.shape_cast %swap3A_145 : vector<1x16xf32> to vector<16xf32>
      %swap3A_147 = vector.shape_cast %broadcast_in_dim3A_1 : vector<16xf32> to vector<1x16xf32>
      tpu.vector_store %arg13[%swap3A, %swap3A_144], %swap3A_147 {strides = array<i32>} : memref<40x128xf32, #tpu.memory_space<vmem>>, vector<1x16xf32>,
      %swap3A_148 = arith.index_cast %scan3A_143 : i32 to index
      %swap3A_149 = arith.constant 112 : index
      %swap3A_150 = tpu.vector_load %arg13[%swap3A_148, %swap3A_149] {strides = array<i32>} : memref<40x128xf32, #tpu.memory_space<vmem>>, vector<1x16xf32>,
      %swap3A_151 = vector.shape_cast %swap3A_150 : vector<1x16xf32> to vector<16xf32>
      %swap3A_152 = vector.shape_cast %broadcast_in_dim3A_1 : vector<16xf32> to vector<1x16xf32>
      tpu.vector_store %arg13[%swap3A_148, %swap3A_149], %swap3A_152 {strides = array<i32>} : memref<40x128xf32, #tpu.memory_space<vmem>>, vector<1x16xf32>,
      %swap3A_153 = arith.index_cast %scan3A_143 : i32 to index
      %swap3A_154 = arith.constant 96 : index
      %swap3A_155 = tpu.vector_load %arg18[%swap3A_153, %swap3A_154] {strides = array<i32>} : memref<40x128xf32, #tpu.memory_space<vmem>>, vector<1x16xf32>,
      %swap3A_156 = vector.shape_cast %swap3A_155 : vector<1x16xf32> to vector<16xf32>
      %swap3A_157 = vector.shape_cast %broadcast_in_dim3A_1 : vector<16xf32> to vector<1x16xf32>
      tpu.vector_store %arg18[%swap3A_153, %swap3A_154], %swap3A_157 {strides = array<i32>} : memref<40x128xf32, #tpu.memory_space<vmem>>, vector<1x16xf32>,
      %swap3A_158 = arith.index_cast %scan3A_143 : i32 to index
      %swap3A_159 = arith.constant 112 : index
      %swap3A_160 = tpu.vector_load %arg18[%swap3A_158, %swap3A_159] {strides = array<i32>} : memref<40x128xf32, #tpu.memory_space<vmem>>, vector<1x16xf32>,
      %swap3A_161 = vector.shape_cast %swap3A_160 : vector<1x16xf32> to vector<16xf32>
      %swap3A_162 = vector.shape_cast %broadcast_in_dim3A_1 : vector<16xf32> to vector<1x16xf32>
      tpu.vector_store %arg18[%swap3A_158, %swap3A_159], %swap3A_162 {strides = array<i32>} : memref<40x128xf32, #tpu.memory_space<vmem>>, vector<1x16xf32>,
    }
    %scan3A_10 = arith.constant 40 : i32
    %mul3A_11 = arith.constant 10000 : i32
    %mul3A_12 = arith.muli %add3A, %mul3A_11 : i32
    %add3A_13 = arith.constant 0 : i32
    %add3A_14 = arith.addi %mul3A_12, %add3A_13 : i32
    %mul3A_15 = arith.constant 5 : i32
    %mul3A_16 = arith.muli %add3A_14, %mul3A_15 : i32
    "tpu.region"() ({
      %run_scoped3A = tpu.sem_alloc : memref<!tpu.dma_semaphore, #tpu.memory_space<semaphore_mem>>
      %dma_start3A_143 = tpu.memref_slice %arg5[%mul3A_16] : memref<1600000xi32, #tpu.memory_space<hbm>> -> memref<200xi32, #tpu.memory_space<hbm>>
      %dma_start3A_144 = tpu.memref_slice %arg5[%mul3A_16] : memref<1600000xi32, #tpu.memory_space<hbm>> -> memref<200xi32, #tpu.memory_space<hbm>>
      tpu.enqueue_dma source(%dma_start3A_144 : memref<200xi32, #tpu.memory_space<hbm>>) target(%arg9 : memref<200xi32, #tpu.memory_space<vmem>>) target_semaphore(%run_scoped3A : memref<!tpu.dma_semaphore, #tpu.memory_space<semaphore_mem>>)
      %dma_wait3A_145 = tpu.memref_slice %arg5[%mul3A_16] : memref<1600000xi32, #tpu.memory_space<hbm>> -> memref<200xi32, #tpu.memory_space<hbm>>
      %dma_wait3A_146 = tpu.memref_slice %arg5[%mul3A_16] : memref<1600000xi32, #tpu.memory_space<hbm>> -> memref<200xi32, #tpu.memory_space<hbm>>
      tpu.wait_dma2 semaphore(%run_scoped3A : memref<!tpu.dma_semaphore, #tpu.memory_space<semaphore_mem>>) src(%dma_wait3A_146 : memref<200xi32, #tpu.memory_space<hbm>>) dst(%arg9 : memref<200xi32, #tpu.memory_space<vmem>>)
      tpu.yield
    }) : () -> ()
    %dma_start3A = arith.constant 0 : i32
    %dma_start3A_17 = tpu.memref_slice %arg7[%dma_start3A] : memref<10000xi32, #tpu.memory_space<vmem>> -> memref<40xi32, #tpu.memory_space<vmem>>
    %dma_start3A_18 = arith.constant 0 : i32
    %dma_start3A_19 = arith.constant 0 : i32
    %dma_start3A_20 = tpu.memref_slice %arg2[%dma_start3A_18, %dma_start3A_19] : memref<10240x128xf32, #tpu.memory_space<hbm>> -> memref<10240x128xf32, #tpu.memory_space<hbm>>
    tpu.enqueue_indirect_dma source(%dma_start3A_20 : memref<10240x128xf32, #tpu.memory_space<hbm>>) target(%arg10 : memref<40x128xf32, #tpu.memory_space<vmem>>) offsets(%dma_start3A_17 : memref<40xi32, #tpu.memory_space<vmem>>) semaphore(%arg19 : memref<!tpu.dma_semaphore, #tpu.memory_space<semaphore_mem>>)
    %dma_start3A_21 = arith.constant 0 : i32
    %dma_start3A_22 = tpu.memref_slice %arg8[%dma_start3A_21] : memref<10000xi32, #tpu.memory_space<vmem>> -> memref<40xi32, #tpu.memory_space<vmem>>
    %dma_start3A_23 = arith.constant 0 : i32
    %dma_start3A_24 = arith.constant 0 : i32
    %dma_start3A_25 = tpu.memref_slice %arg2[%dma_start3A_23, %dma_start3A_24] : memref<10240x128xf32, #tpu.memory_space<hbm>> -> memref<10240x128xf32, #tpu.memory_space<hbm>>
    tpu.enqueue_indirect_dma source(%dma_start3A_25 : memref<10240x128xf32, #tpu.memory_space<hbm>>) target(%arg11 : memref<40x128xf32, #tpu.memory_space<vmem>>) offsets(%dma_start3A_22 : memref<40xi32, #tpu.memory_space<vmem>>) semaphore(%arg19 : memref<!tpu.dma_semaphore, #tpu.memory_space<semaphore_mem>>)
    %dma_start3A_26 = arith.constant 0 : i32
    %dma_start3A_27 = arith.constant 0 : i32
    %dma_start3A_28 = tpu.memref_slice %arg12[%dma_start3A_26, %dma_start3A_27] : memref<200x128xf32, #tpu.memory_space<vmem>> -> memref<40x128xf32, #tpu.memory_space<vmem>>
    %dma_start3A_29 = arith.constant 0 : i32
    %dma_start3A_30 = tpu.memref_slice %arg9[%dma_start3A_29] : memref<200xi32, #tpu.memory_space<vmem>> -> memref<40xi32, #tpu.memory_space<vmem>>
    %dma_start3A_31 = arith.constant 0 : i32
    %dma_start3A_32 = arith.constant 0 : i32
    %dma_start3A_33 = tpu.memref_slice %arg2[%dma_start3A_31, %dma_start3A_32] : memref<10240x128xf32, #tpu.memory_space<hbm>> -> memref<10240x128xf32, #tpu.memory_space<hbm>>
    tpu.enqueue_indirect_dma source(%dma_start3A_33 : memref<10240x128xf32, #tpu.memory_space<hbm>>) target(%dma_start3A_28 : memref<40x128xf32, #tpu.memory_space<vmem>>) offsets(%dma_start3A_30 : memref<40xi32, #tpu.memory_space<vmem>>) semaphore(%arg19 : memref<!tpu.dma_semaphore, #tpu.memory_space<semaphore_mem>>)
    %dma_start3A_34 = arith.constant 40 : i32
    %dma_start3A_35 = arith.constant 0 : i32
    %dma_start3A_36 = tpu.memref_slice %arg12[%dma_start3A_34, %dma_start3A_35] : memref<200x128xf32, #tpu.memory_space<vmem>> -> memref<40x128xf32, #tpu.memory_space<vmem>>
    %dma_start3A_37 = arith.constant 40 : i32
    %dma_start3A_38 = tpu.memref_slice %arg9[%dma_start3A_37] : memref<200xi32, #tpu.memory_space<vmem>> -> memref<40xi32, #tpu.memory_space<vmem>>
    %dma_start3A_39 = arith.constant 0 : i32
    %dma_start3A_40 = arith.constant 0 : i32
    %dma_start3A_41 = tpu.memref_slice %arg2[%dma_start3A_39, %dma_start3A_40] : memref<10240x128xf32, #tpu.memory_space<hbm>> -> memref<10240x128xf32, #tpu.memory_space<hbm>>
    tpu.enqueue_indirect_dma source(%dma_start3A_41 : memref<10240x128xf32, #tpu.memory_space<hbm>>) target(%dma_start3A_36 : memref<40x128xf32, #tpu.memory_space<vmem>>) offsets(%dma_start3A_38 : memref<40xi32, #tpu.memory_space<vmem>>) semaphore(%arg19 : memref<!tpu.dma_semaphore, #tpu.memory_space<semaphore_mem>>)
    %dma_start3A_42 = arith.constant 80 : i32
    %dma_start3A_43 = arith.constant 0 : i32
    %dma_start3A_44 = tpu.memref_slice %arg12[%dma_start3A_42, %dma_start3A_43] : memref<200x128xf32, #tpu.memory_space<vmem>> -> memref<40x128xf32, #tpu.memory_space<vmem>>
    %dma_start3A_45 = arith.constant 80 : i32
    %dma_start3A_46 = tpu.memref_slice %arg9[%dma_start3A_45] : memref<200xi32, #tpu.memory_space<vmem>> -> memref<40xi32, #tpu.memory_space<vmem>>
    %dma_start3A_47 = arith.constant 0 : i32
    %dma_start3A_48 = arith.constant 0 : i32
    %dma_start3A_49 = tpu.memref_slice %arg2[%dma_start3A_47, %dma_start3A_48] : memref<10240x128xf32, #tpu.memory_space<hbm>> -> memref<10240x128xf32, #tpu.memory_space<hbm>>
    tpu.enqueue_indirect_dma source(%dma_start3A_49 : memref<10240x128xf32, #tpu.memory_space<hbm>>) target(%dma_start3A_44 : memref<40x128xf32, #tpu.memory_space<vmem>>) offsets(%dma_start3A_46 : memref<40xi32, #tpu.memory_space<vmem>>) semaphore(%arg19 : memref<!tpu.dma_semaphore, #tpu.memory_space<semaphore_mem>>)
    %dma_start3A_50 = arith.constant 120 : i32
    %dma_start3A_51 = arith.constant 0 : i32
    %dma_start3A_52 = tpu.memref_slice %arg12[%dma_start3A_50, %dma_start3A_51] : memref<200x128xf32, #tpu.memory_space<vmem>> -> memref<40x128xf32, #tpu.memory_space<vmem>>
    %dma_start3A_53 = arith.constant 120 : i32
    %dma_start3A_54 = tpu.memref_slice %arg9[%dma_start3A_53] : memref<200xi32, #tpu.memory_space<vmem>> -> memref<40xi32, #tpu.memory_space<vmem>>
    %dma_start3A_55 = arith.constant 0 : i32
    %dma_start3A_56 = arith.constant 0 : i32
    %dma_start3A_57 = tpu.memref_slice %arg2[%dma_start3A_55, %dma_start3A_56] : memref<10240x128xf32, #tpu.memory_space<hbm>> -> memref<10240x128xf32, #tpu.memory_space<hbm>>
    tpu.enqueue_indirect_dma source(%dma_start3A_57 : memref<10240x128xf32, #tpu.memory_space<hbm>>) target(%dma_start3A_52 : memref<40x128xf32, #tpu.memory_space<vmem>>) offsets(%dma_start3A_54 : memref<40xi32, #tpu.memory_space<vmem>>) semaphore(%arg19 : memref<!tpu.dma_semaphore, #tpu.memory_space<semaphore_mem>>)
    %dma_start3A_58 = arith.constant 160 : i32
    %dma_start3A_59 = arith.constant 0 : i32
    %dma_start3A_60 = tpu.memref_slice %arg12[%dma_start3A_58, %dma_start3A_59] : memref<200x128xf32, #tpu.memory_space<vmem>> -> memref<40x128xf32, #tpu.memory_space<vmem>>
    %dma_start3A_61 = arith.constant 160 : i32
    %dma_start3A_62 = tpu.memref_slice %arg9[%dma_start3A_61] : memref<200xi32, #tpu.memory_space<vmem>> -> memref<40xi32, #tpu.memory_space<vmem>>
    %dma_start3A_63 = arith.constant 0 : i32
    %dma_start3A_64 = arith.constant 0 : i32
    %dma_start3A_65 = tpu.memref_slice %arg2[%dma_start3A_63, %dma_start3A_64] : memref<10240x128xf32, #tpu.memory_space<hbm>> -> memref<10240x128xf32, #tpu.memory_space<hbm>>
    tpu.enqueue_indirect_dma source(%dma_start3A_65 : memref<10240x128xf32, #tpu.memory_space<hbm>>) target(%dma_start3A_60 : memref<40x128xf32, #tpu.memory_space<vmem>>) offsets(%dma_start3A_62 : memref<40xi32, #tpu.memory_space<vmem>>) semaphore(%arg19 : memref<!tpu.dma_semaphore, #tpu.memory_space<semaphore_mem>>)
    %mul3A_66 = arith.constant 10000 : i32
    %mul3A_67 = arith.muli %add3A, %mul3A_66 : i32
    %add3A_68 = arith.constant 40 : i32
    %add3A_69 = arith.addi %mul3A_67, %add3A_68 : i32
    %mul3A_70 = arith.constant 5 : i32
    %mul3A_71 = arith.muli %add3A_69, %mul3A_70 : i32
    "tpu.region"() ({
      %run_scoped3A = tpu.sem_alloc : memref<!tpu.dma_semaphore, #tpu.memory_space<semaphore_mem>>
      %dma_start3A_143 = tpu.memref_slice %arg5[%mul3A_71] : memref<1600000xi32, #tpu.memory_space<hbm>> -> memref<200xi32, #tpu.memory_space<hbm>>
      %dma_start3A_144 = tpu.memref_slice %arg5[%mul3A_71] : memref<1600000xi32, #tpu.memory_space<hbm>> -> memref<200xi32, #tpu.memory_space<hbm>>
      tpu.enqueue_dma source(%dma_start3A_144 : memref<200xi32, #tpu.memory_space<hbm>>) target(%arg14 : memref<200xi32, #tpu.memory_space<vmem>>) target_semaphore(%run_scoped3A : memref<!tpu.dma_semaphore, #tpu.memory_space<semaphore_mem>>)
      %dma_wait3A_145 = tpu.memref_slice %arg5[%mul3A_71] : memref<1600000xi32, #tpu.memory_space<hbm>> -> memref<200xi32, #tpu.memory_space<hbm>>
      %dma_wait3A_146 = tpu.memref_slice %arg5[%mul3A_71] : memref<1600000xi32, #tpu.memory_space<hbm>> -> memref<200xi32, #tpu.memory_space<hbm>>
      tpu.wait_dma2 semaphore(%run_scoped3A : memref<!tpu.dma_semaphore, #tpu.memory_space<semaphore_mem>>) src(%dma_wait3A_146 : memref<200xi32, #tpu.memory_space<hbm>>) dst(%arg14 : memref<200xi32, #tpu.memory_space<vmem>>)
      tpu.yield
    }) : () -> ()
    %dma_start3A_72 = arith.constant 40 : i32
    %dma_start3A_73 = tpu.memref_slice %arg7[%dma_start3A_72] : memref<10000xi32, #tpu.memory_space<vmem>> -> memref<40xi32, #tpu.memory_space<vmem>>
    %dma_start3A_74 = arith.constant 0 : i32
    %dma_start3A_75 = arith.constant 0 : i32
    %dma_start3A_76 = tpu.memref_slice %arg2[%dma_start3A_74, %dma_start3A_75] : memref<10240x128xf32, #tpu.memory_space<hbm>> -> memref<10240x128xf32, #tpu.memory_space<hbm>>
    tpu.enqueue_indirect_dma source(%dma_start3A_76 : memref<10240x128xf32, #tpu.memory_space<hbm>>) target(%arg15 : memref<40x128xf32, #tpu.memory_space<vmem>>) offsets(%dma_start3A_73 : memref<40xi32, #tpu.memory_space<vmem>>) semaphore(%arg20 : memref<!tpu.dma_semaphore, #tpu.memory_space<semaphore_mem>>)
    %dma_start3A_77 = arith.constant 40 : i32
    %dma_start3A_78 = tpu.memref_slice %arg8[%dma_start3A_77] : memref<10000xi32, #tpu.memory_space<vmem>> -> memref<40xi32, #tpu.memory_space<vmem>>
    %dma_start3A_79 = arith.constant 0 : i32
    %dma_start3A_80 = arith.constant 0 : i32
    %dma_start3A_81 = tpu.memref_slice %arg2[%dma_start3A_79, %dma_start3A_80] : memref<10240x128xf32, #tpu.memory_space<hbm>> -> memref<10240x128xf32, #tpu.memory_space<hbm>>
    tpu.enqueue_indirect_dma source(%dma_start3A_81 : memref<10240x128xf32, #tpu.memory_space<hbm>>) target(%arg16 : memref<40x128xf32, #tpu.memory_space<vmem>>) offsets(%dma_start3A_78 : memref<40xi32, #tpu.memory_space<vmem>>) semaphore(%arg20 : memref<!tpu.dma_semaphore, #tpu.memory_space<semaphore_mem>>)
    %dma_start3A_82 = arith.constant 0 : i32
    %dma_start3A_83 = arith.constant 0 : i32
    %dma_start3A_84 = tpu.memref_slice %arg17[%dma_start3A_82, %dma_start3A_83] : memref<200x128xf32, #tpu.memory_space<vmem>> -> memref<40x128xf32, #tpu.memory_space<vmem>>
    %dma_start3A_85 = arith.constant 0 : i32
    %dma_start3A_86 = tpu.memref_slice %arg14[%dma_start3A_85] : memref<200xi32, #tpu.memory_space<vmem>> -> memref<40xi32, #tpu.memory_space<vmem>>
    %dma_start3A_87 = arith.constant 0 : i32
    %dma_start3A_88 = arith.constant 0 : i32
    %dma_start3A_89 = tpu.memref_slice %arg2[%dma_start3A_87, %dma_start3A_88] : memref<10240x128xf32, #tpu.memory_space<hbm>> -> memref<10240x128xf32, #tpu.memory_space<hbm>>
    tpu.enqueue_indirect_dma source(%dma_start3A_89 : memref<10240x128xf32, #tpu.memory_space<hbm>>) target(%dma_start3A_84 : memref<40x128xf32, #tpu.memory_space<vmem>>) offsets(%dma_start3A_86 : memref<40xi32, #tpu.memory_space<vmem>>) semaphore(%arg20 : memref<!tpu.dma_semaphore, #tpu.memory_space<semaphore_mem>>)
    %dma_start3A_90 = arith.constant 40 : i32
    %dma_start3A_91 = arith.constant 0 : i32
    %dma_start3A_92 = tpu.memref_slice %arg17[%dma_start3A_90, %dma_start3A_91] : memref<200x128xf32, #tpu.memory_space<vmem>> -> memref<40x128xf32, #tpu.memory_space<vmem>>
    %dma_start3A_93 = arith.constant 40 : i32
    %dma_start3A_94 = tpu.memref_slice %arg14[%dma_start3A_93] : memref<200xi32, #tpu.memory_space<vmem>> -> memref<40xi32, #tpu.memory_space<vmem>>
    %dma_start3A_95 = arith.constant 0 : i32
    %dma_start3A_96 = arith.constant 0 : i32
    %dma_start3A_97 = tpu.memref_slice %arg2[%dma_start3A_95, %dma_start3A_96] : memref<10240x128xf32, #tpu.memory_space<hbm>> -> memref<10240x128xf32, #tpu.memory_space<hbm>>
    tpu.enqueue_indirect_dma source(%dma_start3A_97 : memref<10240x128xf32, #tpu.memory_space<hbm>>) target(%dma_start3A_92 : memref<40x128xf32, #tpu.memory_space<vmem>>) offsets(%dma_start3A_94 : memref<40xi32, #tpu.memory_space<vmem>>) semaphore(%arg20 : memref<!tpu.dma_semaphore, #tpu.memory_space<semaphore_mem>>)
    %dma_start3A_98 = arith.constant 80 : i32
    %dma_start3A_99 = arith.constant 0 : i32
    %dma_start3A_100 = tpu.memref_slice %arg17[%dma_start3A_98, %dma_start3A_99] : memref<200x128xf32, #tpu.memory_space<vmem>> -> memref<40x128xf32, #tpu.memory_space<vmem>>
    %dma_start3A_101 = arith.constant 80 : i32
    %dma_start3A_102 = tpu.memref_slice %arg14[%dma_start3A_101] : memref<200xi32, #tpu.memory_space<vmem>> -> memref<40xi32, #tpu.memory_space<vmem>>
    %dma_start3A_103 = arith.constant 0 : i32
    %dma_start3A_104 = arith.constant 0 : i32
    %dma_start3A_105 = tpu.memref_slice %arg2[%dma_start3A_103, %dma_start3A_104] : memref<10240x128xf32, #tpu.memory_space<hbm>> -> memref<10240x128xf32, #tpu.memory_space<hbm>>
    tpu.enqueue_indirect_dma source(%dma_start3A_105 : memref<10240x128xf32, #tpu.memory_space<hbm>>) target(%dma_start3A_100 : memref<40x128xf32, #tpu.memory_space<vmem>>) offsets(%dma_start3A_102 : memref<40xi32, #tpu.memory_space<vmem>>) semaphore(%arg20 : memref<!tpu.dma_semaphore, #tpu.memory_space<semaphore_mem>>)
    %dma_start3A_106 = arith.constant 120 : i32
    %dma_start3A_107 = arith.constant 0 : i32
    %dma_start3A_108 = tpu.memref_slice %arg17[%dma_start3A_106, %dma_start3A_107] : memref<200x128xf32, #tpu.memory_space<vmem>> -> memref<40x128xf32, #tpu.memory_space<vmem>>
    %dma_start3A_109 = arith.constant 120 : i32
    %dma_start3A_110 = tpu.memref_slice %arg14[%dma_start3A_109] : memref<200xi32, #tpu.memory_space<vmem>> -> memref<40xi32, #tpu.memory_space<vmem>>
    %dma_start3A_111 = arith.constant 0 : i32
    %dma_start3A_112 = arith.constant 0 : i32
    %dma_start3A_113 = tpu.memref_slice %arg2[%dma_start3A_111, %dma_start3A_112] : memref<10240x128xf32, #tpu.memory_space<hbm>> -> memref<10240x128xf32, #tpu.memory_space<hbm>>
    tpu.enqueue_indirect_dma source(%dma_start3A_113 : memref<10240x128xf32, #tpu.memory_space<hbm>>) target(%dma_start3A_108 : memref<40x128xf32, #tpu.memory_space<vmem>>) offsets(%dma_start3A_110 : memref<40xi32, #tpu.memory_space<vmem>>) semaphore(%arg20 : memref<!tpu.dma_semaphore, #tpu.memory_space<semaphore_mem>>)
    %dma_start3A_114 = arith.constant 160 : i32
    %dma_start3A_115 = arith.constant 0 : i32
    %dma_start3A_116 = tpu.memref_slice %arg17[%dma_start3A_114, %dma_start3A_115] : memref<200x128xf32, #tpu.memory_space<vmem>> -> memref<40x128xf32, #tpu.memory_space<vmem>>
    %dma_start3A_117 = arith.constant 160 : i32
    %dma_start3A_118 = tpu.memref_slice %arg14[%dma_start3A_117] : memref<200xi32, #tpu.memory_space<vmem>> -> memref<40xi32, #tpu.memory_space<vmem>>
    %dma_start3A_119 = arith.constant 0 : i32
    %dma_start3A_120 = arith.constant 0 : i32
    %dma_start3A_121 = tpu.memref_slice %arg2[%dma_start3A_119, %dma_start3A_120] : memref<10240x128xf32, #tpu.memory_space<hbm>> -> memref<10240x128xf32, #tpu.memory_space<hbm>>
    tpu.enqueue_indirect_dma source(%dma_start3A_121 : memref<10240x128xf32, #tpu.memory_space<hbm>>) target(%dma_start3A_116 : memref<40x128xf32, #tpu.memory_space<vmem>>) offsets(%dma_start3A_118 : memref<40xi32, #tpu.memory_space<vmem>>) semaphore(%arg20 : memref<!tpu.dma_semaphore, #tpu.memory_space<semaphore_mem>>)
    %scan3A_122 = arith.constant 0 : i32
    %scan3A_123 = arith.constant 0 : i32
    %scan3A_124 = arith.constant 125 : i32
    %scan3A_125 = arith.addi %scan3A_123, %scan3A_124 : i32
    %scan3A_126 = arith.constant 1 : i32
    scf.for %scan3A_143 = %scan3A_123 to %scan3A_125 step %scan3A_126  : i32 {
      %mul3A_144 = arith.constant 2 : i32
      %mul3A_145 = arith.muli %mul3A_144, %scan3A_143 : i32
      %add3A_146 = arith.constant 1 : i32
      %add3A_147 = arith.addi %mul3A_145, %add3A_146 : i32
      %mul3A_148 = arith.constant 40 : i32
      %mul3A_149 = arith.muli %mul3A_145, %mul3A_148 : i32
      %dma_wait3A_150 = tpu.memref_slice %arg7[%mul3A_149] : memref<10000xi32, #tpu.memory_space<vmem>> -> memref<40xi32, #tpu.memory_space<vmem>>
      %dma_wait3A_151 = arith.constant 0 : i32
      %dma_wait3A_152 = arith.constant 0 : i32
      %dma_wait3A_153 = tpu.memref_slice %arg2[%dma_wait3A_151, %dma_wait3A_152] : memref<10240x128xf32, #tpu.memory_space<hbm>> -> memref<10240x128xf32, #tpu.memory_space<hbm>>
      tpu.wait_indirect_dma semaphore(%arg19 : memref<!tpu.dma_semaphore, #tpu.memory_space<semaphore_mem>>) src(%dma_wait3A_153 : memref<10240x128xf32, #tpu.memory_space<hbm>>) dst(%arg10 : memref<40x128xf32, #tpu.memory_space<vmem>>)
      %mul3A_154 = arith.constant 40 : i32
      %mul3A_155 = arith.muli %mul3A_145, %mul3A_154 : i32
      %dma_wait3A_156 = tpu.memref_slice %arg8[%mul3A_155] : memref<10000xi32, #tpu.memory_space<vmem>> -> memref<40xi32, #tpu.memory_space<vmem>>
      %dma_wait3A_157 = arith.constant 0 : i32
      %dma_wait3A_158 = arith.constant 0 : i32
      %dma_wait3A_159 = tpu.memref_slice %arg2[%dma_wait3A_157, %dma_wait3A_158] : memref<10240x128xf32, #tpu.memory_space<hbm>> -> memref<10240x128xf32, #tpu.memory_space<hbm>>
      tpu.wait_indirect_dma semaphore(%arg19 : memref<!tpu.dma_semaphore, #tpu.memory_space<semaphore_mem>>) src(%dma_wait3A_159 : memref<10240x128xf32, #tpu.memory_space<hbm>>) dst(%arg11 : memref<40x128xf32, #tpu.memory_space<vmem>>)
      %dma_wait3A_160 = arith.constant 0 : i32
      %dma_wait3A_161 = arith.constant 0 : i32
      %dma_wait3A_162 = tpu.memref_slice %arg12[%dma_wait3A_160, %dma_wait3A_161] : memref<200x128xf32, #tpu.memory_space<vmem>> -> memref<40x128xf32, #tpu.memory_space<vmem>>
      %dma_wait3A_163 = arith.constant 0 : i32
      %dma_wait3A_164 = tpu.memref_slice %arg9[%dma_wait3A_163] : memref<200xi32, #tpu.memory_space<vmem>> -> memref<40xi32, #tpu.memory_space<vmem>>
      %dma_wait3A_165 = arith.constant 0 : i32
      %dma_wait3A_166 = arith.constant 0 : i32
      %dma_wait3A_167 = tpu.memref_slice %arg2[%dma_wait3A_165, %dma_wait3A_166] : memref<10240x128xf32, #tpu.memory_space<hbm>> -> memref<10240x128xf32, #tpu.memory_space<hbm>>
      tpu.wait_indirect_dma semaphore(%arg19 : memref<!tpu.dma_semaphore, #tpu.memory_space<semaphore_mem>>) src(%dma_wait3A_167 : memref<10240x128xf32, #tpu.memory_space<hbm>>) dst(%dma_wait3A_162 : memref<40x128xf32, #tpu.memory_space<vmem>>)
      %dma_wait3A_168 = arith.constant 40 : i32
      %dma_wait3A_169 = arith.constant 0 : i32
      %dma_wait3A_170 = tpu.memref_slice %arg12[%dma_wait3A_168, %dma_wait3A_169] : memref<200x128xf32, #tpu.memory_space<vmem>> -> memref<40x128xf32, #tpu.memory_space<vmem>>
      %dma_wait3A_171 = arith.constant 40 : i32
      %dma_wait3A_172 = tpu.memref_slice %arg9[%dma_wait3A_171] : memref<200xi32, #tpu.memory_space<vmem>> -> memref<40xi32, #tpu.memory_space<vmem>>
      %dma_wait3A_173 = arith.constant 0 : i32
      %dma_wait3A_174 = arith.constant 0 : i32
      %dma_wait3A_175 = tpu.memref_slice %arg2[%dma_wait3A_173, %dma_wait3A_174] : memref<10240x128xf32, #tpu.memory_space<hbm>> -> memref<10240x128xf32, #tpu.memory_space<hbm>>
      tpu.wait_indirect_dma semaphore(%arg19 : memref<!tpu.dma_semaphore, #tpu.memory_space<semaphore_mem>>) src(%dma_wait3A_175 : memref<10240x128xf32, #tpu.memory_space<hbm>>) dst(%dma_wait3A_170 : memref<40x128xf32, #tpu.memory_space<vmem>>)
      %dma_wait3A_176 = arith.constant 80 : i32
      %dma_wait3A_177 = arith.constant 0 : i32
      %dma_wait3A_178 = tpu.memref_slice %arg12[%dma_wait3A_176, %dma_wait3A_177] : memref<200x128xf32, #tpu.memory_space<vmem>> -> memref<40x128xf32, #tpu.memory_space<vmem>>
      %dma_wait3A_179 = arith.constant 80 : i32
      %dma_wait3A_180 = tpu.memref_slice %arg9[%dma_wait3A_179] : memref<200xi32, #tpu.memory_space<vmem>> -> memref<40xi32, #tpu.memory_space<vmem>>
      %dma_wait3A_181 = arith.constant 0 : i32
      %dma_wait3A_182 = arith.constant 0 : i32
      %dma_wait3A_183 = tpu.memref_slice %arg2[%dma_wait3A_181, %dma_wait3A_182] : memref<10240x128xf32, #tpu.memory_space<hbm>> -> memref<10240x128xf32, #tpu.memory_space<hbm>>
      tpu.wait_indirect_dma semaphore(%arg19 : memref<!tpu.dma_semaphore, #tpu.memory_space<semaphore_mem>>) src(%dma_wait3A_183 : memref<10240x128xf32, #tpu.memory_space<hbm>>) dst(%dma_wait3A_178 : memref<40x128xf32, #tpu.memory_space<vmem>>)
      %dma_wait3A_184 = arith.constant 120 : i32
      %dma_wait3A_185 = arith.constant 0 : i32
      %dma_wait3A_186 = tpu.memref_slice %arg12[%dma_wait3A_184, %dma_wait3A_185] : memref<200x128xf32, #tpu.memory_space<vmem>> -> memref<40x128xf32, #tpu.memory_space<vmem>>
      %dma_wait3A_187 = arith.constant 120 : i32
      %dma_wait3A_188 = tpu.memref_slice %arg9[%dma_wait3A_187] : memref<200xi32, #tpu.memory_space<vmem>> -> memref<40xi32, #tpu.memory_space<vmem>>
      %dma_wait3A_189 = arith.constant 0 : i32
      %dma_wait3A_190 = arith.constant 0 : i32
      %dma_wait3A_191 = tpu.memref_slice %arg2[%dma_wait3A_189, %dma_wait3A_190] : memref<10240x128xf32, #tpu.memory_space<hbm>> -> memref<10240x128xf32, #tpu.memory_space<hbm>>
      tpu.wait_indirect_dma semaphore(%arg19 : memref<!tpu.dma_semaphore, #tpu.memory_space<semaphore_mem>>) src(%dma_wait3A_191 : memref<10240x128xf32, #tpu.memory_space<hbm>>) dst(%dma_wait3A_186 : memref<40x128xf32, #tpu.memory_space<vmem>>)
      %dma_wait3A_192 = arith.constant 160 : i32
      %dma_wait3A_193 = arith.constant 0 : i32
      %dma_wait3A_194 = tpu.memref_slice %arg12[%dma_wait3A_192, %dma_wait3A_193] : memref<200x128xf32, #tpu.memory_space<vmem>> -> memref<40x128xf32, #tpu.memory_space<vmem>>
      %dma_wait3A_195 = arith.constant 160 : i32
      %dma_wait3A_196 = tpu.memref_slice %arg9[%dma_wait3A_195] : memref<200xi32, #tpu.memory_space<vmem>> -> memref<40xi32, #tpu.memory_space<vmem>>
      %dma_wait3A_197 = arith.constant 0 : i32
      %dma_wait3A_198 = arith.constant 0 : i32
      %dma_wait3A_199 = tpu.memref_slice %arg2[%dma_wait3A_197, %dma_wait3A_198] : memref<10240x128xf32, #tpu.memory_space<hbm>> -> memref<10240x128xf32, #tpu.memory_space<hbm>>
      tpu.wait_indirect_dma semaphore(%arg19 : memref<!tpu.dma_semaphore, #tpu.memory_space<semaphore_mem>>) src(%dma_wait3A_199 : memref<10240x128xf32, #tpu.memory_space<hbm>>) dst(%dma_wait3A_194 : memref<40x128xf32, #tpu.memory_space<vmem>>)
      %lt3A = arith.constant 124 : i32
      %lt3A_200 = arith.cmpi slt, %scan3A_143, %lt3A : i32
      %convert_element_type3A = arith.extui %lt3A_200 : i1 to i32
      %cond3A = arith.constant 0 : i32
      %cond3A_201 = arith.cmpi ne, %convert_element_type3A, %cond3A : i32
      scf.if %cond3A_201 {
        %add3A_301 = arith.constant 2 : i32
        %add3A_302 = arith.addi %mul3A_145, %add3A_301 : i32
        %mul3A_303 = arith.constant 10000 : i32
        %mul3A_304 = arith.muli %add3A, %mul3A_303 : i32
        %mul3A_305 = arith.constant 40 : i32
        %mul3A_306 = arith.muli %add3A_302, %mul3A_305 : i32
        %add3A_307 = arith.addi %mul3A_304, %mul3A_306 : i32
        %mul3A_308 = arith.constant 5 : i32
        %mul3A_309 = arith.muli %add3A_307, %mul3A_308 : i32
        %dma_start3A_310 = tpu.memref_slice %arg5[%mul3A_309] : memref<1600000xi32, #tpu.memory_space<hbm>> -> memref<200xi32, #tpu.memory_space<hbm>>
        %dma_start3A_311 = tpu.memref_slice %arg5[%mul3A_309] : memref<1600000xi32, #tpu.memory_space<hbm>> -> memref<200xi32, #tpu.memory_space<hbm>>
        tpu.enqueue_dma source(%dma_start3A_311 : memref<200xi32, #tpu.memory_space<hbm>>) target(%arg9 : memref<200xi32, #tpu.memory_space<vmem>>) target_semaphore(%arg21 : memref<!tpu.dma_semaphore, #tpu.memory_space<semaphore_mem>>)
      } else {
      }
      %gt3A = arith.constant 0 : i32
      %gt3A_202 = arith.cmpi sgt, %scan3A_143, %gt3A : i32
      %convert_element_type3A_203 = arith.extui %gt3A_202 : i1 to i32
      %cond3A_204 = arith.constant 0 : i32
      %cond3A_205 = arith.cmpi ne, %convert_element_type3A_203, %cond3A_204 : i32
      scf.if %cond3A_205 {
        %mul3A_301 = arith.constant 10000 : i32
        %mul3A_302 = arith.muli %add3A, %mul3A_301 : i32
        %add3A_303 = arith.constant 0 : i32
        %add3A_304 = arith.addi %mul3A_302, %add3A_303 : i32
        %dma_wait3A_305 = arith.constant 0 : i32
        %dma_wait3A_306 = tpu.memref_slice %arg6[%add3A_304, %dma_wait3A_305] : memref<320000x128xf32, #tpu.memory_space<hbm>> -> memref<40x128xf32, #tpu.memory_space<hbm>>
        %dma_wait3A_307 = arith.constant 0 : i32
        %dma_wait3A_308 = tpu.memref_slice %arg6[%add3A_304, %dma_wait3A_307] : memref<320000x128xf32, #tpu.memory_space<hbm>> -> memref<40x128xf32, #tpu.memory_space<hbm>>
        tpu.wait_dma2 semaphore(%arg23 : memref<!tpu.dma_semaphore, #tpu.memory_space<semaphore_mem>>) src(%arg13 : memref<40x128xf32, #tpu.memory_space<vmem>>) dst(%dma_wait3A_308 : memref<40x128xf32, #tpu.memory_space<hbm>>)
      } else {
      }
      %parallel_loop3A = arith.constant 0 : i32
      %parallel_loop3A_206 = arith.constant 40 : i32
      %parallel_loop3A_207 = arith.constant 1 : i32
      scf.for %parallel_loop3A_301 = %parallel_loop3A to %parallel_loop3A_206 step %parallel_loop3A_207  : i32 {
        %parallel_loop3A_302 = arith.index_cast %parallel_loop3A_301 : i32 to index
        %parallel_loop3A_303 = arith.constant 0 : index
        %parallel_loop3A_304 = tpu.vector_load %arg10[%parallel_loop3A_302, %parallel_loop3A_303] {strides = array<i32>} : memref<40x128xf32, #tpu.memory_space<vmem>>, vector<1x16xf32>,
        %parallel_loop3A_305 = vector.shape_cast %parallel_loop3A_304 : vector<1x16xf32> to vector<16xf32>
        %parallel_loop3A_306 = arith.index_cast %parallel_loop3A_301 : i32 to index
        %parallel_loop3A_307 = arith.constant 16 : index
        %parallel_loop3A_308 = tpu.vector_load %arg10[%parallel_loop3A_306, %parallel_loop3A_307] {strides = array<i32>} : memref<40x128xf32, #tpu.memory_space<vmem>>, vector<1x16xf32>,
        %parallel_loop3A_309 = vector.shape_cast %parallel_loop3A_308 : vector<1x16xf32> to vector<16xf32>
        %parallel_loop3A_310 = arith.index_cast %parallel_loop3A_301 : i32 to index
        %parallel_loop3A_311 = arith.constant 32 : index
        %parallel_loop3A_312 = tpu.vector_load %arg10[%parallel_loop3A_310, %parallel_loop3A_311] {strides = array<i32>} : memref<40x128xf32, #tpu.memory_space<vmem>>, vector<1x16xf32>,
        %parallel_loop3A_313 = vector.shape_cast %parallel_loop3A_312 : vector<1x16xf32> to vector<16xf32>
        %parallel_loop3A_314 = arith.index_cast %parallel_loop3A_301 : i32 to index
        %parallel_loop3A_315 = arith.constant 48 : index
        %parallel_loop3A_316 = tpu.vector_load %arg10[%parallel_loop3A_314, %parallel_loop3A_315] {strides = array<i32>} : memref<40x128xf32, #tpu.memory_space<vmem>>, vector<1x16xf32>,
        %parallel_loop3A_317 = vector.shape_cast %parallel_loop3A_316 : vector<1x16xf32> to vector<16xf32>
        %parallel_loop3A_318 = arith.index_cast %parallel_loop3A_301 : i32 to index
        %parallel_loop3A_319 = arith.constant 64 : index
        %parallel_loop3A_320 = tpu.vector_load %arg10[%parallel_loop3A_318, %parallel_loop3A_319] {strides = array<i32>} : memref<40x128xf32, #tpu.memory_space<vmem>>, vector<1x16xf32>,
        %parallel_loop3A_321 = vector.shape_cast %parallel_loop3A_320 : vector<1x16xf32> to vector<16xf32>
        %parallel_loop3A_322 = arith.index_cast %parallel_loop3A_301 : i32 to index
        %parallel_loop3A_323 = arith.constant 80 : index
        %parallel_loop3A_324 = tpu.vector_load %arg10[%parallel_loop3A_322, %parallel_loop3A_323] {strides = array<i32>} : memref<40x128xf32, #tpu.memory_space<vmem>>, vector<1x16xf32>,
        %parallel_loop3A_325 = vector.shape_cast %parallel_loop3A_324 : vector<1x16xf32> to vector<16xf32>
        %parallel_loop3A_326 = arith.index_cast %parallel_loop3A_301 : i32 to index
        %parallel_loop3A_327 = arith.constant 96 : index
        %parallel_loop3A_328 = tpu.vector_load %arg10[%parallel_loop3A_326, %parallel_loop3A_327] {strides = array<i32>} : memref<40x128xf32, #tpu.memory_space<vmem>>, vector<1x16xf32>,
        %parallel_loop3A_329 = vector.shape_cast %parallel_loop3A_328 : vector<1x16xf32> to vector<16xf32>
        %parallel_loop3A_330 = arith.index_cast %parallel_loop3A_301 : i32 to index
        %parallel_loop3A_331 = arith.constant 112 : index
        %parallel_loop3A_332 = tpu.vector_load %arg10[%parallel_loop3A_330, %parallel_loop3A_331] {strides = array<i32>} : memref<40x128xf32, #tpu.memory_space<vmem>>, vector<1x16xf32>,
        %parallel_loop3A_333 = vector.shape_cast %parallel_loop3A_332 : vector<1x16xf32> to vector<16xf32>
        %parallel_loop3A_334 = arith.index_cast %parallel_loop3A_301 : i32 to index
        %parallel_loop3A_335 = arith.constant 0 : index
        %parallel_loop3A_336 = tpu.vector_load %arg11[%parallel_loop3A_334, %parallel_loop3A_335] {strides = array<i32>} : memref<40x128xf32, #tpu.memory_space<vmem>>, vector<1x16xf32>,
        %parallel_loop3A_337 = vector.shape_cast %parallel_loop3A_336 : vector<1x16xf32> to vector<16xf32>
        %parallel_loop3A_338 = arith.mulf %parallel_loop3A_305, %parallel_loop3A_337 : vector<16xf32>
        %parallel_loop3A_339 = arith.index_cast %parallel_loop3A_301 : i32 to index
        %parallel_loop3A_340 = arith.constant 16 : index
        %parallel_loop3A_341 = tpu.vector_load %arg11[%parallel_loop3A_339, %parallel_loop3A_340] {strides = array<i32>} : memref<40x128xf32, #tpu.memory_space<vmem>>, vector<1x16xf32>,
        %parallel_loop3A_342 = vector.shape_cast %parallel_loop3A_341 : vector<1x16xf32> to vector<16xf32>
        %parallel_loop3A_343 = arith.mulf %parallel_loop3A_309, %parallel_loop3A_342 : vector<16xf32>
        %parallel_loop3A_344 = arith.index_cast %parallel_loop3A_301 : i32 to index
        %parallel_loop3A_345 = arith.constant 32 : index
        %parallel_loop3A_346 = tpu.vector_load %arg11[%parallel_loop3A_344, %parallel_loop3A_345] {strides = array<i32>} : memref<40x128xf32, #tpu.memory_space<vmem>>, vector<1x16xf32>,
        %parallel_loop3A_347 = vector.shape_cast %parallel_loop3A_346 : vector<1x16xf32> to vector<16xf32>
        %parallel_loop3A_348 = arith.mulf %parallel_loop3A_313, %parallel_loop3A_347 : vector<16xf32>
        %parallel_loop3A_349 = arith.addf %parallel_loop3A_338, %parallel_loop3A_348 : vector<16xf32>
        %parallel_loop3A_350 = arith.index_cast %parallel_loop3A_301 : i32 to index
        %parallel_loop3A_351 = arith.constant 48 : index
        %parallel_loop3A_352 = tpu.vector_load %arg11[%parallel_loop3A_350, %parallel_loop3A_351] {strides = array<i32>} : memref<40x128xf32, #tpu.memory_space<vmem>>, vector<1x16xf32>,
        %parallel_loop3A_353 = vector.shape_cast %parallel_loop3A_352 : vector<1x16xf32> to vector<16xf32>
        %parallel_loop3A_354 = arith.mulf %parallel_loop3A_317, %parallel_loop3A_353 : vector<16xf32>
        %parallel_loop3A_355 = arith.addf %parallel_loop3A_343, %parallel_loop3A_354 : vector<16xf32>
        %parallel_loop3A_356 = arith.index_cast %parallel_loop3A_301 : i32 to index
        %parallel_loop3A_357 = arith.constant 64 : index
        %parallel_loop3A_358 = tpu.vector_load %arg11[%parallel_loop3A_356, %parallel_loop3A_357] {strides = array<i32>} : memref<40x128xf32, #tpu.memory_space<vmem>>, vector<1x16xf32>,
        %parallel_loop3A_359 = vector.shape_cast %parallel_loop3A_358 : vector<1x16xf32> to vector<16xf32>
        %parallel_loop3A_360 = arith.mulf %parallel_loop3A_321, %parallel_loop3A_359 : vector<16xf32>
        %parallel_loop3A_361 = arith.addf %parallel_loop3A_349, %parallel_loop3A_360 : vector<16xf32>
        %parallel_loop3A_362 = arith.index_cast %parallel_loop3A_301 : i32 to index
        %parallel_loop3A_363 = arith.constant 80 : index
        %parallel_loop3A_364 = tpu.vector_load %arg11[%parallel_loop3A_362, %parallel_loop3A_363] {strides = array<i32>} : memref<40x128xf32, #tpu.memory_space<vmem>>, vector<1x16xf32>,
        %parallel_loop3A_365 = vector.shape_cast %parallel_loop3A_364 : vector<1x16xf32> to vector<16xf32>
        %parallel_loop3A_366 = arith.mulf %parallel_loop3A_325, %parallel_loop3A_365 : vector<16xf32>
        %parallel_loop3A_367 = arith.addf %parallel_loop3A_355, %parallel_loop3A_366 : vector<16xf32>
        %parallel_loop3A_368 = arith.index_cast %parallel_loop3A_301 : i32 to index
        %parallel_loop3A_369 = arith.constant 96 : index
        %parallel_loop3A_370 = tpu.vector_load %arg11[%parallel_loop3A_368, %parallel_loop3A_369] {strides = array<i32>} : memref<40x128xf32, #tpu.memory_space<vmem>>, vector<1x16xf32>,
        %parallel_loop3A_371 = vector.shape_cast %parallel_loop3A_370 : vector<1x16xf32> to vector<16xf32>
        %parallel_loop3A_372 = arith.mulf %parallel_loop3A_329, %parallel_loop3A_371 : vector<16xf32>
        %parallel_loop3A_373 = arith.addf %parallel_loop3A_361, %parallel_loop3A_372 : vector<16xf32>
        %parallel_loop3A_374 = arith.index_cast %parallel_loop3A_301 : i32 to index
        %parallel_loop3A_375 = arith.constant 112 : index
        %parallel_loop3A_376 = tpu.vector_load %arg11[%parallel_loop3A_374, %parallel_loop3A_375] {strides = array<i32>} : memref<40x128xf32, #tpu.memory_space<vmem>>, vector<1x16xf32>,
        %parallel_loop3A_377 = vector.shape_cast %parallel_loop3A_376 : vector<1x16xf32> to vector<16xf32>
        %parallel_loop3A_378 = arith.mulf %parallel_loop3A_333, %parallel_loop3A_377 : vector<16xf32>
        %parallel_loop3A_379 = arith.addf %parallel_loop3A_367, %parallel_loop3A_378 : vector<16xf32>
        %parallel_loop3A_380 = arith.addf %parallel_loop3A_373, %parallel_loop3A_379 : vector<16xf32>
        %parallel_loop3A_381 = arith.index_cast %parallel_loop3A_301 : i32 to index
        %parallel_loop3A_382 = arith.constant 0 : index
        %parallel_loop3A_383 = tpu.vector_load %arg13[%parallel_loop3A_381, %parallel_loop3A_382] {strides = array<i32>} : memref<40x128xf32, #tpu.memory_space<vmem>>, vector<1x16xf32>,
        %parallel_loop3A_384 = vector.shape_cast %parallel_loop3A_383 : vector<1x16xf32> to vector<16xf32>
        %parallel_loop3A_385 = vector.shape_cast %parallel_loop3A_380 : vector<16xf32> to vector<1x16xf32>
        tpu.vector_store %arg13[%parallel_loop3A_381, %parallel_loop3A_382], %parallel_loop3A_385 {strides = array<i32>} : memref<40x128xf32, #tpu.memory_space<vmem>>, vector<1x16xf32>,
        %parallel_loop3A_386 = arith.constant 5 : i32
        %parallel_loop3A_387 = arith.muli %parallel_loop3A_301, %parallel_loop3A_386 : i32
        %parallel_loop3A_388 = arith.constant 0 : i32
        %parallel_loop3A_389 = arith.addi %parallel_loop3A_387, %parallel_loop3A_388 : i32
        %parallel_loop3A_390 = arith.index_cast %parallel_loop3A_389 : i32 to index
        %parallel_loop3A_391 = arith.constant 0 : index
        %parallel_loop3A_392 = tpu.vector_load %arg12[%parallel_loop3A_390, %parallel_loop3A_391] {strides = array<i32>} : memref<200x128xf32, #tpu.memory_space<vmem>>, vector<1x16xf32>,
        %parallel_loop3A_393 = vector.shape_cast %parallel_loop3A_392 : vector<1x16xf32> to vector<16xf32>
        %parallel_loop3A_394 = arith.mulf %parallel_loop3A_305, %parallel_loop3A_393 : vector<16xf32>
        %parallel_loop3A_395 = arith.index_cast %parallel_loop3A_389 : i32 to index
        %parallel_loop3A_396 = arith.constant 16 : index
        %parallel_loop3A_397 = tpu.vector_load %arg12[%parallel_loop3A_395, %parallel_loop3A_396] {strides = array<i32>} : memref<200x128xf32, #tpu.memory_space<vmem>>, vector<1x16xf32>,
        %parallel_loop3A_398 = vector.shape_cast %parallel_loop3A_397 : vector<1x16xf32> to vector<16xf32>
        %parallel_loop3A_399 = arith.mulf %parallel_loop3A_309, %parallel_loop3A_398 : vector<16xf32>
        %parallel_loop3A_400 = arith.index_cast %parallel_loop3A_389 : i32 to index
        %parallel_loop3A_401 = arith.constant 32 : index
        %parallel_loop3A_402 = tpu.vector_load %arg12[%parallel_loop3A_400, %parallel_loop3A_401] {strides = array<i32>} : memref<200x128xf32, #tpu.memory_space<vmem>>, vector<1x16xf32>,
        %parallel_loop3A_403 = vector.shape_cast %parallel_loop3A_402 : vector<1x16xf32> to vector<16xf32>
        %parallel_loop3A_404 = arith.mulf %parallel_loop3A_313, %parallel_loop3A_403 : vector<16xf32>
        %parallel_loop3A_405 = arith.addf %parallel_loop3A_394, %parallel_loop3A_404 : vector<16xf32>
        %parallel_loop3A_406 = arith.index_cast %parallel_loop3A_389 : i32 to index
        %parallel_loop3A_407 = arith.constant 48 : index
        %parallel_loop3A_408 = tpu.vector_load %arg12[%parallel_loop3A_406, %parallel_loop3A_407] {strides = array<i32>} : memref<200x128xf32, #tpu.memory_space<vmem>>, vector<1x16xf32>,
        %parallel_loop3A_409 = vector.shape_cast %parallel_loop3A_408 : vector<1x16xf32> to vector<16xf32>
        %parallel_loop3A_410 = arith.mulf %parallel_loop3A_317, %parallel_loop3A_409 : vector<16xf32>
        %parallel_loop3A_411 = arith.addf %parallel_loop3A_399, %parallel_loop3A_410 : vector<16xf32>
        %parallel_loop3A_412 = arith.index_cast %parallel_loop3A_389 : i32 to index
        %parallel_loop3A_413 = arith.constant 64 : index
        %parallel_loop3A_414 = tpu.vector_load %arg12[%parallel_loop3A_412, %parallel_loop3A_413] {strides = array<i32>} : memref<200x128xf32, #tpu.memory_space<vmem>>, vector<1x16xf32>,
        %parallel_loop3A_415 = vector.shape_cast %parallel_loop3A_414 : vector<1x16xf32> to vector<16xf32>
        %parallel_loop3A_416 = arith.mulf %parallel_loop3A_321, %parallel_loop3A_415 : vector<16xf32>
        %parallel_loop3A_417 = arith.addf %parallel_loop3A_405, %parallel_loop3A_416 : vector<16xf32>
        %parallel_loop3A_418 = arith.index_cast %parallel_loop3A_389 : i32 to index
        %parallel_loop3A_419 = arith.constant 80 : index
        %parallel_loop3A_420 = tpu.vector_load %arg12[%parallel_loop3A_418, %parallel_loop3A_419] {strides = array<i32>} : memref<200x128xf32, #tpu.memory_space<vmem>>, vector<1x16xf32>,
        %parallel_loop3A_421 = vector.shape_cast %parallel_loop3A_420 : vector<1x16xf32> to vector<16xf32>
        %parallel_loop3A_422 = arith.mulf %parallel_loop3A_325, %parallel_loop3A_421 : vector<16xf32>
        %parallel_loop3A_423 = arith.addf %parallel_loop3A_411, %parallel_loop3A_422 : vector<16xf32>
        %parallel_loop3A_424 = arith.index_cast %parallel_loop3A_389 : i32 to index
        %parallel_loop3A_425 = arith.constant 96 : index
        %parallel_loop3A_426 = tpu.vector_load %arg12[%parallel_loop3A_424, %parallel_loop3A_425] {strides = array<i32>} : memref<200x128xf32, #tpu.memory_space<vmem>>, vector<1x16xf32>,
        %parallel_loop3A_427 = vector.shape_cast %parallel_loop3A_426 : vector<1x16xf32> to vector<16xf32>
        %parallel_loop3A_428 = arith.mulf %parallel_loop3A_329, %parallel_loop3A_427 : vector<16xf32>
        %parallel_loop3A_429 = arith.addf %parallel_loop3A_417, %parallel_loop3A_428 : vector<16xf32>
        %parallel_loop3A_430 = arith.index_cast %parallel_loop3A_389 : i32 to index
        %parallel_loop3A_431 = arith.constant 112 : index
        %parallel_loop3A_432 = tpu.vector_load %arg12[%parallel_loop3A_430, %parallel_loop3A_431] {strides = array<i32>} : memref<200x128xf32, #tpu.memory_space<vmem>>, vector<1x16xf32>,
        %parallel_loop3A_433 = vector.shape_cast %parallel_loop3A_432 : vector<1x16xf32> to vector<16xf32>
        %parallel_loop3A_434 = arith.mulf %parallel_loop3A_333, %parallel_loop3A_433 : vector<16xf32>
        %parallel_loop3A_435 = arith.addf %parallel_loop3A_423, %parallel_loop3A_434 : vector<16xf32>
        %parallel_loop3A_436 = arith.addf %parallel_loop3A_429, %parallel_loop3A_435 : vector<16xf32>
        %parallel_loop3A_437 = arith.index_cast %parallel_loop3A_301 : i32 to index
        %parallel_loop3A_438 = arith.constant 16 : index
        %parallel_loop3A_439 = tpu.vector_load %arg13[%parallel_loop3A_437, %parallel_loop3A_438] {strides = array<i32>} : memref<40x128xf32, #tpu.memory_space<vmem>>, vector<1x16xf32>,
        %parallel_loop3A_440 = vector.shape_cast %parallel_loop3A_439 : vector<1x16xf32> to vector<16xf32>
        %parallel_loop3A_441 = vector.shape_cast %parallel_loop3A_436 : vector<16xf32> to vector<1x16xf32>
        tpu.vector_store %arg13[%parallel_loop3A_437, %parallel_loop3A_438], %parallel_loop3A_441 {strides = array<i32>} : memref<40x128xf32, #tpu.memory_space<vmem>>, vector<1x16xf32>,
        %parallel_loop3A_442 = arith.constant 1 : i32
        %parallel_loop3A_443 = arith.addi %parallel_loop3A_387, %parallel_loop3A_442 : i32
        %parallel_loop3A_444 = arith.index_cast %parallel_loop3A_443 : i32 to index
        %parallel_loop3A_445 = arith.constant 0 : index
        %parallel_loop3A_446 = tpu.vector_load %arg12[%parallel_loop3A_444, %parallel_loop3A_445] {strides = array<i32>} : memref<200x128xf32, #tpu.memory_space<vmem>>, vector<1x16xf32>,
        %parallel_loop3A_447 = vector.shape_cast %parallel_loop3A_446 : vector<1x16xf32> to vector<16xf32>
        %parallel_loop3A_448 = arith.mulf %parallel_loop3A_305, %parallel_loop3A_447 : vector<16xf32>
        %parallel_loop3A_449 = arith.index_cast %parallel_loop3A_443 : i32 to index
        %parallel_loop3A_450 = arith.constant 16 : index
        %parallel_loop3A_451 = tpu.vector_load %arg12[%parallel_loop3A_449, %parallel_loop3A_450] {strides = array<i32>} : memref<200x128xf32, #tpu.memory_space<vmem>>, vector<1x16xf32>,
        %parallel_loop3A_452 = vector.shape_cast %parallel_loop3A_451 : vector<1x16xf32> to vector<16xf32>
        %parallel_loop3A_453 = arith.mulf %parallel_loop3A_309, %parallel_loop3A_452 : vector<16xf32>
        %parallel_loop3A_454 = arith.index_cast %parallel_loop3A_443 : i32 to index
        %parallel_loop3A_455 = arith.constant 32 : index
        %parallel_loop3A_456 = tpu.vector_load %arg12[%parallel_loop3A_454, %parallel_loop3A_455] {strides = array<i32>} : memref<200x128xf32, #tpu.memory_space<vmem>>, vector<1x16xf32>,
        %parallel_loop3A_457 = vector.shape_cast %parallel_loop3A_456 : vector<1x16xf32> to vector<16xf32>
        %parallel_loop3A_458 = arith.mulf %parallel_loop3A_313, %parallel_loop3A_457 : vector<16xf32>
        %parallel_loop3A_459 = arith.addf %parallel_loop3A_448, %parallel_loop3A_458 : vector<16xf32>
        %parallel_loop3A_460 = arith.index_cast %parallel_loop3A_443 : i32 to index
        %parallel_loop3A_461 = arith.constant 48 : index
        %parallel_loop3A_462 = tpu.vector_load %arg12[%parallel_loop3A_460, %parallel_loop3A_461] {strides = array<i32>} : memref<200x128xf32, #tpu.memory_space<vmem>>, vector<1x16xf32>,
        %parallel_loop3A_463 = vector.shape_cast %parallel_loop3A_462 : vector<1x16xf32> to vector<16xf32>
        %parallel_loop3A_464 = arith.mulf %parallel_loop3A_317, %parallel_loop3A_463 : vector<16xf32>
        %parallel_loop3A_465 = arith.addf %parallel_loop3A_453, %parallel_loop3A_464 : vector<16xf32>
        %parallel_loop3A_466 = arith.index_cast %parallel_loop3A_443 : i32 to index
        %parallel_loop3A_467 = arith.constant 64 : index
        %parallel_loop3A_468 = tpu.vector_load %arg12[%parallel_loop3A_466, %parallel_loop3A_467] {strides = array<i32>} : memref<200x128xf32, #tpu.memory_space<vmem>>, vector<1x16xf32>,
        %parallel_loop3A_469 = vector.shape_cast %parallel_loop3A_468 : vector<1x16xf32> to vector<16xf32>
        %parallel_loop3A_470 = arith.mulf %parallel_loop3A_321, %parallel_loop3A_469 : vector<16xf32>
        %parallel_loop3A_471 = arith.addf %parallel_loop3A_459, %parallel_loop3A_470 : vector<16xf32>
        %parallel_loop3A_472 = arith.index_cast %parallel_loop3A_443 : i32 to index
        %parallel_loop3A_473 = arith.constant 80 : index
        %parallel_loop3A_474 = tpu.vector_load %arg12[%parallel_loop3A_472, %parallel_loop3A_473] {strides = array<i32>} : memref<200x128xf32, #tpu.memory_space<vmem>>, vector<1x16xf32>,
        %parallel_loop3A_475 = vector.shape_cast %parallel_loop3A_474 : vector<1x16xf32> to vector<16xf32>
        %parallel_loop3A_476 = arith.mulf %parallel_loop3A_325, %parallel_loop3A_475 : vector<16xf32>
        %parallel_loop3A_477 = arith.addf %parallel_loop3A_465, %parallel_loop3A_476 : vector<16xf32>
        %parallel_loop3A_478 = arith.index_cast %parallel_loop3A_443 : i32 to index
        %parallel_loop3A_479 = arith.constant 96 : index
        %parallel_loop3A_480 = tpu.vector_load %arg12[%parallel_loop3A_478, %parallel_loop3A_479] {strides = array<i32>} : memref<200x128xf32, #tpu.memory_space<vmem>>, vector<1x16xf32>,
        %parallel_loop3A_481 = vector.shape_cast %parallel_loop3A_480 : vector<1x16xf32> to vector<16xf32>
        %parallel_loop3A_482 = arith.mulf %parallel_loop3A_329, %parallel_loop3A_481 : vector<16xf32>
        %parallel_loop3A_483 = arith.addf %parallel_loop3A_471, %parallel_loop3A_482 : vector<16xf32>
        %parallel_loop3A_484 = arith.index_cast %parallel_loop3A_443 : i32 to index
        %parallel_loop3A_485 = arith.constant 112 : index
        %parallel_loop3A_486 = tpu.vector_load %arg12[%parallel_loop3A_484, %parallel_loop3A_485] {strides = array<i32>} : memref<200x128xf32, #tpu.memory_space<vmem>>, vector<1x16xf32>,
        %parallel_loop3A_487 = vector.shape_cast %parallel_loop3A_486 : vector<1x16xf32> to vector<16xf32>
        %parallel_loop3A_488 = arith.mulf %parallel_loop3A_333, %parallel_loop3A_487 : vector<16xf32>
        %parallel_loop3A_489 = arith.addf %parallel_loop3A_477, %parallel_loop3A_488 : vector<16xf32>
        %parallel_loop3A_490 = arith.addf %parallel_loop3A_483, %parallel_loop3A_489 : vector<16xf32>
        %parallel_loop3A_491 = arith.index_cast %parallel_loop3A_301 : i32 to index
        %parallel_loop3A_492 = arith.constant 32 : index
        %parallel_loop3A_493 = tpu.vector_load %arg13[%parallel_loop3A_491, %parallel_loop3A_492] {strides = array<i32>} : memref<40x128xf32, #tpu.memory_space<vmem>>, vector<1x16xf32>,
        %parallel_loop3A_494 = vector.shape_cast %parallel_loop3A_493 : vector<1x16xf32> to vector<16xf32>
        %parallel_loop3A_495 = vector.shape_cast %parallel_loop3A_490 : vector<16xf32> to vector<1x16xf32>
        tpu.vector_store %arg13[%parallel_loop3A_491, %parallel_loop3A_492], %parallel_loop3A_495 {strides = array<i32>} : memref<40x128xf32, #tpu.memory_space<vmem>>, vector<1x16xf32>,
        %parallel_loop3A_496 = arith.constant 2 : i32
        %parallel_loop3A_497 = arith.addi %parallel_loop3A_387, %parallel_loop3A_496 : i32
        %parallel_loop3A_498 = arith.index_cast %parallel_loop3A_497 : i32 to index
        %parallel_loop3A_499 = arith.constant 0 : index
        %parallel_loop3A_500 = tpu.vector_load %arg12[%parallel_loop3A_498, %parallel_loop3A_499] {strides = array<i32>} : memref<200x128xf32, #tpu.memory_space<vmem>>, vector<1x16xf32>,
        %parallel_loop3A_501 = vector.shape_cast %parallel_loop3A_500 : vector<1x16xf32> to vector<16xf32>
        %parallel_loop3A_502 = arith.mulf %parallel_loop3A_305, %parallel_loop3A_501 : vector<16xf32>
        %parallel_loop3A_503 = arith.index_cast %parallel_loop3A_497 : i32 to index
        %parallel_loop3A_504 = arith.constant 16 : index
        %parallel_loop3A_505 = tpu.vector_load %arg12[%parallel_loop3A_503, %parallel_loop3A_504] {strides = array<i32>} : memref<200x128xf32, #tpu.memory_space<vmem>>, vector<1x16xf32>,
        %parallel_loop3A_506 = vector.shape_cast %parallel_loop3A_505 : vector<1x16xf32> to vector<16xf32>
        %parallel_loop3A_507 = arith.mulf %parallel_loop3A_309, %parallel_loop3A_506 : vector<16xf32>
        %parallel_loop3A_508 = arith.index_cast %parallel_loop3A_497 : i32 to index
        %parallel_loop3A_509 = arith.constant 32 : index
        %parallel_loop3A_510 = tpu.vector_load %arg12[%parallel_loop3A_508, %parallel_loop3A_509] {strides = array<i32>} : memref<200x128xf32, #tpu.memory_space<vmem>>, vector<1x16xf32>,
        %parallel_loop3A_511 = vector.shape_cast %parallel_loop3A_510 : vector<1x16xf32> to vector<16xf32>
        %parallel_loop3A_512 = arith.mulf %parallel_loop3A_313, %parallel_loop3A_511 : vector<16xf32>
        %parallel_loop3A_513 = arith.addf %parallel_loop3A_502, %parallel_loop3A_512 : vector<16xf32>
        %parallel_loop3A_514 = arith.index_cast %parallel_loop3A_497 : i32 to index
        %parallel_loop3A_515 = arith.constant 48 : index
        %parallel_loop3A_516 = tpu.vector_load %arg12[%parallel_loop3A_514, %parallel_loop3A_515] {strides = array<i32>} : memref<200x128xf32, #tpu.memory_space<vmem>>, vector<1x16xf32>,
        %parallel_loop3A_517 = vector.shape_cast %parallel_loop3A_516 : vector<1x16xf32> to vector<16xf32>
        %parallel_loop3A_518 = arith.mulf %parallel_loop3A_317, %parallel_loop3A_517 : vector<16xf32>
        %parallel_loop3A_519 = arith.addf %parallel_loop3A_507, %parallel_loop3A_518 : vector<16xf32>
        %parallel_loop3A_520 = arith.index_cast %parallel_loop3A_497 : i32 to index
        %parallel_loop3A_521 = arith.constant 64 : index
        %parallel_loop3A_522 = tpu.vector_load %arg12[%parallel_loop3A_520, %parallel_loop3A_521] {strides = array<i32>} : memref<200x128xf32, #tpu.memory_space<vmem>>, vector<1x16xf32>,
        %parallel_loop3A_523 = vector.shape_cast %parallel_loop3A_522 : vector<1x16xf32> to vector<16xf32>
        %parallel_loop3A_524 = arith.mulf %parallel_loop3A_321, %parallel_loop3A_523 : vector<16xf32>
        %parallel_loop3A_525 = arith.addf %parallel_loop3A_513, %parallel_loop3A_524 : vector<16xf32>
        %parallel_loop3A_526 = arith.index_cast %parallel_loop3A_497 : i32 to index
        %parallel_loop3A_527 = arith.constant 80 : index
        %parallel_loop3A_528 = tpu.vector_load %arg12[%parallel_loop3A_526, %parallel_loop3A_527] {strides = array<i32>} : memref<200x128xf32, #tpu.memory_space<vmem>>, vector<1x16xf32>,
        %parallel_loop3A_529 = vector.shape_cast %parallel_loop3A_528 : vector<1x16xf32> to vector<16xf32>
        %parallel_loop3A_530 = arith.mulf %parallel_loop3A_325, %parallel_loop3A_529 : vector<16xf32>
        %parallel_loop3A_531 = arith.addf %parallel_loop3A_519, %parallel_loop3A_530 : vector<16xf32>
        %parallel_loop3A_532 = arith.index_cast %parallel_loop3A_497 : i32 to index
        %parallel_loop3A_533 = arith.constant 96 : index
        %parallel_loop3A_534 = tpu.vector_load %arg12[%parallel_loop3A_532, %parallel_loop3A_533] {strides = array<i32>} : memref<200x128xf32, #tpu.memory_space<vmem>>, vector<1x16xf32>,
        %parallel_loop3A_535 = vector.shape_cast %parallel_loop3A_534 : vector<1x16xf32> to vector<16xf32>
        %parallel_loop3A_536 = arith.mulf %parallel_loop3A_329, %parallel_loop3A_535 : vector<16xf32>
        %parallel_loop3A_537 = arith.addf %parallel_loop3A_525, %parallel_loop3A_536 : vector<16xf32>
        %parallel_loop3A_538 = arith.index_cast %parallel_loop3A_497 : i32 to index
        %parallel_loop3A_539 = arith.constant 112 : index
        %parallel_loop3A_540 = tpu.vector_load %arg12[%parallel_loop3A_538, %parallel_loop3A_539] {strides = array<i32>} : memref<200x128xf32, #tpu.memory_space<vmem>>, vector<1x16xf32>,
        %parallel_loop3A_541 = vector.shape_cast %parallel_loop3A_540 : vector<1x16xf32> to vector<16xf32>
        %parallel_loop3A_542 = arith.mulf %parallel_loop3A_333, %parallel_loop3A_541 : vector<16xf32>
        %parallel_loop3A_543 = arith.addf %parallel_loop3A_531, %parallel_loop3A_542 : vector<16xf32>
        %parallel_loop3A_544 = arith.addf %parallel_loop3A_537, %parallel_loop3A_543 : vector<16xf32>
        %parallel_loop3A_545 = arith.index_cast %parallel_loop3A_301 : i32 to index
        %parallel_loop3A_546 = arith.constant 48 : index
        %parallel_loop3A_547 = tpu.vector_load %arg13[%parallel_loop3A_545, %parallel_loop3A_546] {strides = array<i32>} : memref<40x128xf32, #tpu.memory_space<vmem>>, vector<1x16xf32>,
        %parallel_loop3A_548 = vector.shape_cast %parallel_loop3A_547 : vector<1x16xf32> to vector<16xf32>
        %parallel_loop3A_549 = vector.shape_cast %parallel_loop3A_544 : vector<16xf32> to vector<1x16xf32>
        tpu.vector_store %arg13[%parallel_loop3A_545, %parallel_loop3A_546], %parallel_loop3A_549 {strides = array<i32>} : memref<40x128xf32, #tpu.memory_space<vmem>>, vector<1x16xf32>,
        %parallel_loop3A_550 = arith.constant 3 : i32
        %parallel_loop3A_551 = arith.addi %parallel_loop3A_387, %parallel_loop3A_550 : i32
        %parallel_loop3A_552 = arith.index_cast %parallel_loop3A_551 : i32 to index
        %parallel_loop3A_553 = arith.constant 0 : index
        %parallel_loop3A_554 = tpu.vector_load %arg12[%parallel_loop3A_552, %parallel_loop3A_553] {strides = array<i32>} : memref<200x128xf32, #tpu.memory_space<vmem>>, vector<1x16xf32>,
        %parallel_loop3A_555 = vector.shape_cast %parallel_loop3A_554 : vector<1x16xf32> to vector<16xf32>
        %parallel_loop3A_556 = arith.mulf %parallel_loop3A_305, %parallel_loop3A_555 : vector<16xf32>
        %parallel_loop3A_557 = arith.index_cast %parallel_loop3A_551 : i32 to index
        %parallel_loop3A_558 = arith.constant 16 : index
        %parallel_loop3A_559 = tpu.vector_load %arg12[%parallel_loop3A_557, %parallel_loop3A_558] {strides = array<i32>} : memref<200x128xf32, #tpu.memory_space<vmem>>, vector<1x16xf32>,
        %parallel_loop3A_560 = vector.shape_cast %parallel_loop3A_559 : vector<1x16xf32> to vector<16xf32>
        %parallel_loop3A_561 = arith.mulf %parallel_loop3A_309, %parallel_loop3A_560 : vector<16xf32>
        %parallel_loop3A_562 = arith.index_cast %parallel_loop3A_551 : i32 to index
        %parallel_loop3A_563 = arith.constant 32 : index
        %parallel_loop3A_564 = tpu.vector_load %arg12[%parallel_loop3A_562, %parallel_loop3A_563] {strides = array<i32>} : memref<200x128xf32, #tpu.memory_space<vmem>>, vector<1x16xf32>,
        %parallel_loop3A_565 = vector.shape_cast %parallel_loop3A_564 : vector<1x16xf32> to vector<16xf32>
        %parallel_loop3A_566 = arith.mulf %parallel_loop3A_313, %parallel_loop3A_565 : vector<16xf32>
        %parallel_loop3A_567 = arith.addf %parallel_loop3A_556, %parallel_loop3A_566 : vector<16xf32>
        %parallel_loop3A_568 = arith.index_cast %parallel_loop3A_551 : i32 to index
        %parallel_loop3A_569 = arith.constant 48 : index
        %parallel_loop3A_570 = tpu.vector_load %arg12[%parallel_loop3A_568, %parallel_loop3A_569] {strides = array<i32>} : memref<200x128xf32, #tpu.memory_space<vmem>>, vector<1x16xf32>,
        %parallel_loop3A_571 = vector.shape_cast %parallel_loop3A_570 : vector<1x16xf32> to vector<16xf32>
        %parallel_loop3A_572 = arith.mulf %parallel_loop3A_317, %parallel_loop3A_571 : vector<16xf32>
        %parallel_loop3A_573 = arith.addf %parallel_loop3A_561, %parallel_loop3A_572 : vector<16xf32>
        %parallel_loop3A_574 = arith.index_cast %parallel_loop3A_551 : i32 to index
        %parallel_loop3A_575 = arith.constant 64 : index
        %parallel_loop3A_576 = tpu.vector_load %arg12[%parallel_loop3A_574, %parallel_loop3A_575] {strides = array<i32>} : memref<200x128xf32, #tpu.memory_space<vmem>>, vector<1x16xf32>,
        %parallel_loop3A_577 = vector.shape_cast %parallel_loop3A_576 : vector<1x16xf32> to vector<16xf32>
        %parallel_loop3A_578 = arith.mulf %parallel_loop3A_321, %parallel_loop3A_577 : vector<16xf32>
        %parallel_loop3A_579 = arith.addf %parallel_loop3A_567, %parallel_loop3A_578 : vector<16xf32>
        %parallel_loop3A_580 = arith.index_cast %parallel_loop3A_551 : i32 to index
        %parallel_loop3A_581 = arith.constant 80 : index
        %parallel_loop3A_582 = tpu.vector_load %arg12[%parallel_loop3A_580, %parallel_loop3A_581] {strides = array<i32>} : memref<200x128xf32, #tpu.memory_space<vmem>>, vector<1x16xf32>,
        %parallel_loop3A_583 = vector.shape_cast %parallel_loop3A_582 : vector<1x16xf32> to vector<16xf32>
        %parallel_loop3A_584 = arith.mulf %parallel_loop3A_325, %parallel_loop3A_583 : vector<16xf32>
        %parallel_loop3A_585 = arith.addf %parallel_loop3A_573, %parallel_loop3A_584 : vector<16xf32>
        %parallel_loop3A_586 = arith.index_cast %parallel_loop3A_551 : i32 to index
        %parallel_loop3A_587 = arith.constant 96 : index
        %parallel_loop3A_588 = tpu.vector_load %arg12[%parallel_loop3A_586, %parallel_loop3A_587] {strides = array<i32>} : memref<200x128xf32, #tpu.memory_space<vmem>>, vector<1x16xf32>,
        %parallel_loop3A_589 = vector.shape_cast %parallel_loop3A_588 : vector<1x16xf32> to vector<16xf32>
        %parallel_loop3A_590 = arith.mulf %parallel_loop3A_329, %parallel_loop3A_589 : vector<16xf32>
        %parallel_loop3A_591 = arith.addf %parallel_loop3A_579, %parallel_loop3A_590 : vector<16xf32>
        %parallel_loop3A_592 = arith.index_cast %parallel_loop3A_551 : i32 to index
        %parallel_loop3A_593 = arith.constant 112 : index
        %parallel_loop3A_594 = tpu.vector_load %arg12[%parallel_loop3A_592, %parallel_loop3A_593] {strides = array<i32>} : memref<200x128xf32, #tpu.memory_space<vmem>>, vector<1x16xf32>,
        %parallel_loop3A_595 = vector.shape_cast %parallel_loop3A_594 : vector<1x16xf32> to vector<16xf32>
        %parallel_loop3A_596 = arith.mulf %parallel_loop3A_333, %parallel_loop3A_595 : vector<16xf32>
        %parallel_loop3A_597 = arith.addf %parallel_loop3A_585, %parallel_loop3A_596 : vector<16xf32>
        %parallel_loop3A_598 = arith.addf %parallel_loop3A_591, %parallel_loop3A_597 : vector<16xf32>
        %parallel_loop3A_599 = arith.index_cast %parallel_loop3A_301 : i32 to index
        %parallel_loop3A_600 = arith.constant 64 : index
        %parallel_loop3A_601 = tpu.vector_load %arg13[%parallel_loop3A_599, %parallel_loop3A_600] {strides = array<i32>} : memref<40x128xf32, #tpu.memory_space<vmem>>, vector<1x16xf32>,
        %parallel_loop3A_602 = vector.shape_cast %parallel_loop3A_601 : vector<1x16xf32> to vector<16xf32>
        %parallel_loop3A_603 = vector.shape_cast %parallel_loop3A_598 : vector<16xf32> to vector<1x16xf32>
        tpu.vector_store %arg13[%parallel_loop3A_599, %parallel_loop3A_600], %parallel_loop3A_603 {strides = array<i32>} : memref<40x128xf32, #tpu.memory_space<vmem>>, vector<1x16xf32>,
        %parallel_loop3A_604 = arith.constant 4 : i32
        %parallel_loop3A_605 = arith.addi %parallel_loop3A_387, %parallel_loop3A_604 : i32
        %parallel_loop3A_606 = arith.index_cast %parallel_loop3A_605 : i32 to index
        %parallel_loop3A_607 = arith.constant 0 : index
        %parallel_loop3A_608 = tpu.vector_load %arg12[%parallel_loop3A_606, %parallel_loop3A_607] {strides = array<i32>} : memref<200x128xf32, #tpu.memory_space<vmem>>, vector<1x16xf32>,
        %parallel_loop3A_609 = vector.shape_cast %parallel_loop3A_608 : vector<1x16xf32> to vector<16xf32>
        %parallel_loop3A_610 = arith.mulf %parallel_loop3A_305, %parallel_loop3A_609 : vector<16xf32>
        %parallel_loop3A_611 = arith.index_cast %parallel_loop3A_605 : i32 to index
        %parallel_loop3A_612 = arith.constant 16 : index
        %parallel_loop3A_613 = tpu.vector_load %arg12[%parallel_loop3A_611, %parallel_loop3A_612] {strides = array<i32>} : memref<200x128xf32, #tpu.memory_space<vmem>>, vector<1x16xf32>,
        %parallel_loop3A_614 = vector.shape_cast %parallel_loop3A_613 : vector<1x16xf32> to vector<16xf32>
        %parallel_loop3A_615 = arith.mulf %parallel_loop3A_309, %parallel_loop3A_614 : vector<16xf32>
        %parallel_loop3A_616 = arith.index_cast %parallel_loop3A_605 : i32 to index
        %parallel_loop3A_617 = arith.constant 32 : index
        %parallel_loop3A_618 = tpu.vector_load %arg12[%parallel_loop3A_616, %parallel_loop3A_617] {strides = array<i32>} : memref<200x128xf32, #tpu.memory_space<vmem>>, vector<1x16xf32>,
        %parallel_loop3A_619 = vector.shape_cast %parallel_loop3A_618 : vector<1x16xf32> to vector<16xf32>
        %parallel_loop3A_620 = arith.mulf %parallel_loop3A_313, %parallel_loop3A_619 : vector<16xf32>
        %parallel_loop3A_621 = arith.addf %parallel_loop3A_610, %parallel_loop3A_620 : vector<16xf32>
        %parallel_loop3A_622 = arith.index_cast %parallel_loop3A_605 : i32 to index
        %parallel_loop3A_623 = arith.constant 48 : index
        %parallel_loop3A_624 = tpu.vector_load %arg12[%parallel_loop3A_622, %parallel_loop3A_623] {strides = array<i32>} : memref<200x128xf32, #tpu.memory_space<vmem>>, vector<1x16xf32>,
        %parallel_loop3A_625 = vector.shape_cast %parallel_loop3A_624 : vector<1x16xf32> to vector<16xf32>
        %parallel_loop3A_626 = arith.mulf %parallel_loop3A_317, %parallel_loop3A_625 : vector<16xf32>
        %parallel_loop3A_627 = arith.addf %parallel_loop3A_615, %parallel_loop3A_626 : vector<16xf32>
        %parallel_loop3A_628 = arith.index_cast %parallel_loop3A_605 : i32 to index
        %parallel_loop3A_629 = arith.constant 64 : index
        %parallel_loop3A_630 = tpu.vector_load %arg12[%parallel_loop3A_628, %parallel_loop3A_629] {strides = array<i32>} : memref<200x128xf32, #tpu.memory_space<vmem>>, vector<1x16xf32>,
        %parallel_loop3A_631 = vector.shape_cast %parallel_loop3A_630 : vector<1x16xf32> to vector<16xf32>
        %parallel_loop3A_632 = arith.mulf %parallel_loop3A_321, %parallel_loop3A_631 : vector<16xf32>
        %parallel_loop3A_633 = arith.addf %parallel_loop3A_621, %parallel_loop3A_632 : vector<16xf32>
        %parallel_loop3A_634 = arith.index_cast %parallel_loop3A_605 : i32 to index
        %parallel_loop3A_635 = arith.constant 80 : index
        %parallel_loop3A_636 = tpu.vector_load %arg12[%parallel_loop3A_634, %parallel_loop3A_635] {strides = array<i32>} : memref<200x128xf32, #tpu.memory_space<vmem>>, vector<1x16xf32>,
        %parallel_loop3A_637 = vector.shape_cast %parallel_loop3A_636 : vector<1x16xf32> to vector<16xf32>
        %parallel_loop3A_638 = arith.mulf %parallel_loop3A_325, %parallel_loop3A_637 : vector<16xf32>
        %parallel_loop3A_639 = arith.addf %parallel_loop3A_627, %parallel_loop3A_638 : vector<16xf32>
        %parallel_loop3A_640 = arith.index_cast %parallel_loop3A_605 : i32 to index
        %parallel_loop3A_641 = arith.constant 96 : index
        %parallel_loop3A_642 = tpu.vector_load %arg12[%parallel_loop3A_640, %parallel_loop3A_641] {strides = array<i32>} : memref<200x128xf32, #tpu.memory_space<vmem>>, vector<1x16xf32>,
        %parallel_loop3A_643 = vector.shape_cast %parallel_loop3A_642 : vector<1x16xf32> to vector<16xf32>
        %parallel_loop3A_644 = arith.mulf %parallel_loop3A_329, %parallel_loop3A_643 : vector<16xf32>
        %parallel_loop3A_645 = arith.addf %parallel_loop3A_633, %parallel_loop3A_644 : vector<16xf32>
        %parallel_loop3A_646 = arith.index_cast %parallel_loop3A_605 : i32 to index
        %parallel_loop3A_647 = arith.constant 112 : index
        %parallel_loop3A_648 = tpu.vector_load %arg12[%parallel_loop3A_646, %parallel_loop3A_647] {strides = array<i32>} : memref<200x128xf32, #tpu.memory_space<vmem>>, vector<1x16xf32>,
        %parallel_loop3A_649 = vector.shape_cast %parallel_loop3A_648 : vector<1x16xf32> to vector<16xf32>
        %parallel_loop3A_650 = arith.mulf %parallel_loop3A_333, %parallel_loop3A_649 : vector<16xf32>
        %parallel_loop3A_651 = arith.addf %parallel_loop3A_639, %parallel_loop3A_650 : vector<16xf32>
        %parallel_loop3A_652 = arith.addf %parallel_loop3A_645, %parallel_loop3A_651 : vector<16xf32>
        %parallel_loop3A_653 = arith.index_cast %parallel_loop3A_301 : i32 to index
        %parallel_loop3A_654 = arith.constant 80 : index
        %parallel_loop3A_655 = tpu.vector_load %arg13[%parallel_loop3A_653, %parallel_loop3A_654] {strides = array<i32>} : memref<40x128xf32, #tpu.memory_space<vmem>>, vector<1x16xf32>,
        %parallel_loop3A_656 = vector.shape_cast %parallel_loop3A_655 : vector<1x16xf32> to vector<16xf32>
        %parallel_loop3A_657 = vector.shape_cast %parallel_loop3A_652 : vector<16xf32> to vector<1x16xf32>
        tpu.vector_store %arg13[%parallel_loop3A_653, %parallel_loop3A_654], %parallel_loop3A_657 {strides = array<i32>} : memref<40x128xf32, #tpu.memory_space<vmem>>, vector<1x16xf32>,
      } {sc.loop_unroll_factor = 2 : i64, sc.parallel_access}
      %mul3A_208 = arith.constant 10000 : i32
      %mul3A_209 = arith.muli %add3A, %mul3A_208 : i32
      %mul3A_210 = arith.constant 40 : i32
      %mul3A_211 = arith.muli %mul3A_145, %mul3A_210 : i32
      %add3A_212 = arith.addi %mul3A_209, %mul3A_211 : i32
      %dma_start3A_213 = arith.constant 0 : i32
      %dma_start3A_214 = tpu.memref_slice %arg6[%add3A_212, %dma_start3A_213] : memref<320000x128xf32, #tpu.memory_space<hbm>> -> memref<40x128xf32, #tpu.memory_space<hbm>>
      %dma_start3A_215 = arith.constant 0 : i32
      %dma_start3A_216 = tpu.memref_slice %arg6[%add3A_212, %dma_start3A_215] : memref<320000x128xf32, #tpu.memory_space<hbm>> -> memref<40x128xf32, #tpu.memory_space<hbm>>
      tpu.enqueue_dma source(%arg13 : memref<40x128xf32, #tpu.memory_space<vmem>>) target(%dma_start3A_216 : memref<40x128xf32, #tpu.memory_space<hbm>>) target_semaphore(%arg23 : memref<!tpu.dma_semaphore, #tpu.memory_space<semaphore_mem>>)
      %lt3A_217 = arith.constant 124 : i32
      %lt3A_218 = arith.cmpi slt, %scan3A_143, %lt3A_217 : i32
      %convert_element_type3A_219 = arith.extui %lt3A_218 : i1 to i32
      %cond3A_220 = arith.constant 0 : i32
      %cond3A_221 = arith.cmpi ne, %convert_element_type3A_219, %cond3A_220 : i32
      scf.if %cond3A_221 {
        %add3A_301 = arith.constant 2 : i32
        %add3A_302 = arith.addi %mul3A_145, %add3A_301 : i32
        %mul3A_303 = arith.constant 10000 : i32
        %mul3A_304 = arith.muli %add3A, %mul3A_303 : i32
        %mul3A_305 = arith.constant 40 : i32
        %mul3A_306 = arith.muli %add3A_302, %mul3A_305 : i32
        %add3A_307 = arith.addi %mul3A_304, %mul3A_306 : i32
        %mul3A_308 = arith.constant 5 : i32
        %mul3A_309 = arith.muli %add3A_307, %mul3A_308 : i32
        %dma_wait3A_310 = tpu.memref_slice %arg5[%mul3A_309] : memref<1600000xi32, #tpu.memory_space<hbm>> -> memref<200xi32, #tpu.memory_space<hbm>>
        %dma_wait3A_311 = tpu.memref_slice %arg5[%mul3A_309] : memref<1600000xi32, #tpu.memory_space<hbm>> -> memref<200xi32, #tpu.memory_space<hbm>>
        tpu.wait_dma2 semaphore(%arg21 : memref<!tpu.dma_semaphore, #tpu.memory_space<semaphore_mem>>) src(%dma_wait3A_311 : memref<200xi32, #tpu.memory_space<hbm>>) dst(%arg9 : memref<200xi32, #tpu.memory_space<vmem>>)
        %add3A_312 = arith.constant 2 : i32
        %add3A_313 = arith.addi %mul3A_145, %add3A_312 : i32
        %mul3A_314 = arith.constant 40 : i32
        %mul3A_315 = arith.muli %add3A_313, %mul3A_314 : i32
        %dma_start3A_316 = tpu.memref_slice %arg7[%mul3A_315] : memref<10000xi32, #tpu.memory_space<vmem>> -> memref<40xi32, #tpu.memory_space<vmem>>
        %dma_start3A_317 = arith.constant 0 : i32
        %dma_start3A_318 = arith.constant 0 : i32
        %dma_start3A_319 = tpu.memref_slice %arg2[%dma_start3A_317, %dma_start3A_318] : memref<10240x128xf32, #tpu.memory_space<hbm>> -> memref<10240x128xf32, #tpu.memory_space<hbm>>
        tpu.enqueue_indirect_dma source(%dma_start3A_319 : memref<10240x128xf32, #tpu.memory_space<hbm>>) target(%arg10 : memref<40x128xf32, #tpu.memory_space<vmem>>) offsets(%dma_start3A_316 : memref<40xi32, #tpu.memory_space<vmem>>) semaphore(%arg19 : memref<!tpu.dma_semaphore, #tpu.memory_space<semaphore_mem>>)
        %mul3A_320 = arith.constant 40 : i32
        %mul3A_321 = arith.muli %add3A_313, %mul3A_320 : i32
        %dma_start3A_322 = tpu.memref_slice %arg8[%mul3A_321] : memref<10000xi32, #tpu.memory_space<vmem>> -> memref<40xi32, #tpu.memory_space<vmem>>
        %dma_start3A_323 = arith.constant 0 : i32
        %dma_start3A_324 = arith.constant 0 : i32
        %dma_start3A_325 = tpu.memref_slice %arg2[%dma_start3A_323, %dma_start3A_324] : memref<10240x128xf32, #tpu.memory_space<hbm>> -> memref<10240x128xf32, #tpu.memory_space<hbm>>
        tpu.enqueue_indirect_dma source(%dma_start3A_325 : memref<10240x128xf32, #tpu.memory_space<hbm>>) target(%arg11 : memref<40x128xf32, #tpu.memory_space<vmem>>) offsets(%dma_start3A_322 : memref<40xi32, #tpu.memory_space<vmem>>) semaphore(%arg19 : memref<!tpu.dma_semaphore, #tpu.memory_space<semaphore_mem>>)
        %dma_start3A_326 = arith.constant 0 : i32
        %dma_start3A_327 = arith.constant 0 : i32
        %dma_start3A_328 = tpu.memref_slice %arg12[%dma_start3A_326, %dma_start3A_327] : memref<200x128xf32, #tpu.memory_space<vmem>> -> memref<40x128xf32, #tpu.memory_space<vmem>>
        %dma_start3A_329 = arith.constant 0 : i32
        %dma_start3A_330 = tpu.memref_slice %arg9[%dma_start3A_329] : memref<200xi32, #tpu.memory_space<vmem>> -> memref<40xi32, #tpu.memory_space<vmem>>
        %dma_start3A_331 = arith.constant 0 : i32
        %dma_start3A_332 = arith.constant 0 : i32
        %dma_start3A_333 = tpu.memref_slice %arg2[%dma_start3A_331, %dma_start3A_332] : memref<10240x128xf32, #tpu.memory_space<hbm>> -> memref<10240x128xf32, #tpu.memory_space<hbm>>
        tpu.enqueue_indirect_dma source(%dma_start3A_333 : memref<10240x128xf32, #tpu.memory_space<hbm>>) target(%dma_start3A_328 : memref<40x128xf32, #tpu.memory_space<vmem>>) offsets(%dma_start3A_330 : memref<40xi32, #tpu.memory_space<vmem>>) semaphore(%arg19 : memref<!tpu.dma_semaphore, #tpu.memory_space<semaphore_mem>>)
        %dma_start3A_334 = arith.constant 40 : i32
        %dma_start3A_335 = arith.constant 0 : i32
        %dma_start3A_336 = tpu.memref_slice %arg12[%dma_start3A_334, %dma_start3A_335] : memref<200x128xf32, #tpu.memory_space<vmem>> -> memref<40x128xf32, #tpu.memory_space<vmem>>
        %dma_start3A_337 = arith.constant 40 : i32
        %dma_start3A_338 = tpu.memref_slice %arg9[%dma_start3A_337] : memref<200xi32, #tpu.memory_space<vmem>> -> memref<40xi32, #tpu.memory_space<vmem>>
        %dma_start3A_339 = arith.constant 0 : i32
        %dma_start3A_340 = arith.constant 0 : i32
        %dma_start3A_341 = tpu.memref_slice %arg2[%dma_start3A_339, %dma_start3A_340] : memref<10240x128xf32, #tpu.memory_space<hbm>> -> memref<10240x128xf32, #tpu.memory_space<hbm>>
        tpu.enqueue_indirect_dma source(%dma_start3A_341 : memref<10240x128xf32, #tpu.memory_space<hbm>>) target(%dma_start3A_336 : memref<40x128xf32, #tpu.memory_space<vmem>>) offsets(%dma_start3A_338 : memref<40xi32, #tpu.memory_space<vmem>>) semaphore(%arg19 : memref<!tpu.dma_semaphore, #tpu.memory_space<semaphore_mem>>)
        %dma_start3A_342 = arith.constant 80 : i32
        %dma_start3A_343 = arith.constant 0 : i32
        %dma_start3A_344 = tpu.memref_slice %arg12[%dma_start3A_342, %dma_start3A_343] : memref<200x128xf32, #tpu.memory_space<vmem>> -> memref<40x128xf32, #tpu.memory_space<vmem>>
        %dma_start3A_345 = arith.constant 80 : i32
        %dma_start3A_346 = tpu.memref_slice %arg9[%dma_start3A_345] : memref<200xi32, #tpu.memory_space<vmem>> -> memref<40xi32, #tpu.memory_space<vmem>>
        %dma_start3A_347 = arith.constant 0 : i32
        %dma_start3A_348 = arith.constant 0 : i32
        %dma_start3A_349 = tpu.memref_slice %arg2[%dma_start3A_347, %dma_start3A_348] : memref<10240x128xf32, #tpu.memory_space<hbm>> -> memref<10240x128xf32, #tpu.memory_space<hbm>>
        tpu.enqueue_indirect_dma source(%dma_start3A_349 : memref<10240x128xf32, #tpu.memory_space<hbm>>) target(%dma_start3A_344 : memref<40x128xf32, #tpu.memory_space<vmem>>) offsets(%dma_start3A_346 : memref<40xi32, #tpu.memory_space<vmem>>) semaphore(%arg19 : memref<!tpu.dma_semaphore, #tpu.memory_space<semaphore_mem>>)
        %dma_start3A_350 = arith.constant 120 : i32
        %dma_start3A_351 = arith.constant 0 : i32
        %dma_start3A_352 = tpu.memref_slice %arg12[%dma_start3A_350, %dma_start3A_351] : memref<200x128xf32, #tpu.memory_space<vmem>> -> memref<40x128xf32, #tpu.memory_space<vmem>>
        %dma_start3A_353 = arith.constant 120 : i32
        %dma_start3A_354 = tpu.memref_slice %arg9[%dma_start3A_353] : memref<200xi32, #tpu.memory_space<vmem>> -> memref<40xi32, #tpu.memory_space<vmem>>
        %dma_start3A_355 = arith.constant 0 : i32
        %dma_start3A_356 = arith.constant 0 : i32
        %dma_start3A_357 = tpu.memref_slice %arg2[%dma_start3A_355, %dma_start3A_356] : memref<10240x128xf32, #tpu.memory_space<hbm>> -> memref<10240x128xf32, #tpu.memory_space<hbm>>
        tpu.enqueue_indirect_dma source(%dma_start3A_357 : memref<10240x128xf32, #tpu.memory_space<hbm>>) target(%dma_start3A_352 : memref<40x128xf32, #tpu.memory_space<vmem>>) offsets(%dma_start3A_354 : memref<40xi32, #tpu.memory_space<vmem>>) semaphore(%arg19 : memref<!tpu.dma_semaphore, #tpu.memory_space<semaphore_mem>>)
        %dma_start3A_358 = arith.constant 160 : i32
        %dma_start3A_359 = arith.constant 0 : i32
        %dma_start3A_360 = tpu.memref_slice %arg12[%dma_start3A_358, %dma_start3A_359] : memref<200x128xf32, #tpu.memory_space<vmem>> -> memref<40x128xf32, #tpu.memory_space<vmem>>
        %dma_start3A_361 = arith.constant 160 : i32
        %dma_start3A_362 = tpu.memref_slice %arg9[%dma_start3A_361] : memref<200xi32, #tpu.memory_space<vmem>> -> memref<40xi32, #tpu.memory_space<vmem>>
        %dma_start3A_363 = arith.constant 0 : i32
        %dma_start3A_364 = arith.constant 0 : i32
        %dma_start3A_365 = tpu.memref_slice %arg2[%dma_start3A_363, %dma_start3A_364] : memref<10240x128xf32, #tpu.memory_space<hbm>> -> memref<10240x128xf32, #tpu.memory_space<hbm>>
        tpu.enqueue_indirect_dma source(%dma_start3A_365 : memref<10240x128xf32, #tpu.memory_space<hbm>>) target(%dma_start3A_360 : memref<40x128xf32, #tpu.memory_space<vmem>>) offsets(%dma_start3A_362 : memref<40xi32, #tpu.memory_space<vmem>>) semaphore(%arg19 : memref<!tpu.dma_semaphore, #tpu.memory_space<semaphore_mem>>)
      } else {
      }
      %mul3A_222 = arith.constant 40 : i32
      %mul3A_223 = arith.muli %add3A_147, %mul3A_222 : i32
      %dma_wait3A_224 = tpu.memref_slice %arg7[%mul3A_223] : memref<10000xi32, #tpu.memory_space<vmem>> -> memref<40xi32, #tpu.memory_space<vmem>>
      %dma_wait3A_225 = arith.constant 0 : i32
      %dma_wait3A_226 = arith.constant 0 : i32
      %dma_wait3A_227 = tpu.memref_slice %arg2[%dma_wait3A_225, %dma_wait3A_226] : memref<10240x128xf32, #tpu.memory_space<hbm>> -> memref<10240x128xf32, #tpu.memory_space<hbm>>
      tpu.wait_indirect_dma semaphore(%arg20 : memref<!tpu.dma_semaphore, #tpu.memory_space<semaphore_mem>>) src(%dma_wait3A_227 : memref<10240x128xf32, #tpu.memory_space<hbm>>) dst(%arg15 : memref<40x128xf32, #tpu.memory_space<vmem>>)
      %mul3A_228 = arith.constant 40 : i32
      %mul3A_229 = arith.muli %add3A_147, %mul3A_228 : i32
      %dma_wait3A_230 = tpu.memref_slice %arg8[%mul3A_229] : memref<10000xi32, #tpu.memory_space<vmem>> -> memref<40xi32, #tpu.memory_space<vmem>>
      %dma_wait3A_231 = arith.constant 0 : i32
      %dma_wait3A_232 = arith.constant 0 : i32
      %dma_wait3A_233 = tpu.memref_slice %arg2[%dma_wait3A_231, %dma_wait3A_232] : memref<10240x128xf32, #tpu.memory_space<hbm>> -> memref<10240x128xf32, #tpu.memory_space<hbm>>
      tpu.wait_indirect_dma semaphore(%arg20 : memref<!tpu.dma_semaphore, #tpu.memory_space<semaphore_mem>>) src(%dma_wait3A_233 : memref<10240x128xf32, #tpu.memory_space<hbm>>) dst(%arg16 : memref<40x128xf32, #tpu.memory_space<vmem>>)
      %dma_wait3A_234 = arith.constant 0 : i32
      %dma_wait3A_235 = arith.constant 0 : i32
      %dma_wait3A_236 = tpu.memref_slice %arg17[%dma_wait3A_234, %dma_wait3A_235] : memref<200x128xf32, #tpu.memory_space<vmem>> -> memref<40x128xf32, #tpu.memory_space<vmem>>
      %dma_wait3A_237 = arith.constant 0 : i32
      %dma_wait3A_238 = tpu.memref_slice %arg14[%dma_wait3A_237] : memref<200xi32, #tpu.memory_space<vmem>> -> memref<40xi32, #tpu.memory_space<vmem>>
      %dma_wait3A_239 = arith.constant 0 : i32
      %dma_wait3A_240 = arith.constant 0 : i32
      %dma_wait3A_241 = tpu.memref_slice %arg2[%dma_wait3A_239, %dma_wait3A_240] : memref<10240x128xf32, #tpu.memory_space<hbm>> -> memref<10240x128xf32, #tpu.memory_space<hbm>>
      tpu.wait_indirect_dma semaphore(%arg20 : memref<!tpu.dma_semaphore, #tpu.memory_space<semaphore_mem>>) src(%dma_wait3A_241 : memref<10240x128xf32, #tpu.memory_space<hbm>>) dst(%dma_wait3A_236 : memref<40x128xf32, #tpu.memory_space<vmem>>)
      %dma_wait3A_242 = arith.constant 40 : i32
      %dma_wait3A_243 = arith.constant 0 : i32
      %dma_wait3A_244 = tpu.memref_slice %arg17[%dma_wait3A_242, %dma_wait3A_243] : memref<200x128xf32, #tpu.memory_space<vmem>> -> memref<40x128xf32, #tpu.memory_space<vmem>>
      %dma_wait3A_245 = arith.constant 40 : i32
      %dma_wait3A_246 = tpu.memref_slice %arg14[%dma_wait3A_245] : memref<200xi32, #tpu.memory_space<vmem>> -> memref<40xi32, #tpu.memory_space<vmem>>
      %dma_wait3A_247 = arith.constant 0 : i32
      %dma_wait3A_248 = arith.constant 0 : i32
      %dma_wait3A_249 = tpu.memref_slice %arg2[%dma_wait3A_247, %dma_wait3A_248] : memref<10240x128xf32, #tpu.memory_space<hbm>> -> memref<10240x128xf32, #tpu.memory_space<hbm>>
      tpu.wait_indirect_dma semaphore(%arg20 : memref<!tpu.dma_semaphore, #tpu.memory_space<semaphore_mem>>) src(%dma_wait3A_249 : memref<10240x128xf32, #tpu.memory_space<hbm>>) dst(%dma_wait3A_244 : memref<40x128xf32, #tpu.memory_space<vmem>>)
      %dma_wait3A_250 = arith.constant 80 : i32
      %dma_wait3A_251 = arith.constant 0 : i32
      %dma_wait3A_252 = tpu.memref_slice %arg17[%dma_wait3A_250, %dma_wait3A_251] : memref<200x128xf32, #tpu.memory_space<vmem>> -> memref<40x128xf32, #tpu.memory_space<vmem>>
      %dma_wait3A_253 = arith.constant 80 : i32
      %dma_wait3A_254 = tpu.memref_slice %arg14[%dma_wait3A_253] : memref<200xi32, #tpu.memory_space<vmem>> -> memref<40xi32, #tpu.memory_space<vmem>>
      %dma_wait3A_255 = arith.constant 0 : i32
      %dma_wait3A_256 = arith.constant 0 : i32
      %dma_wait3A_257 = tpu.memref_slice %arg2[%dma_wait3A_255, %dma_wait3A_256] : memref<10240x128xf32, #tpu.memory_space<hbm>> -> memref<10240x128xf32, #tpu.memory_space<hbm>>
      tpu.wait_indirect_dma semaphore(%arg20 : memref<!tpu.dma_semaphore, #tpu.memory_space<semaphore_mem>>) src(%dma_wait3A_257 : memref<10240x128xf32, #tpu.memory_space<hbm>>) dst(%dma_wait3A_252 : memref<40x128xf32, #tpu.memory_space<vmem>>)
      %dma_wait3A_258 = arith.constant 120 : i32
      %dma_wait3A_259 = arith.constant 0 : i32
      %dma_wait3A_260 = tpu.memref_slice %arg17[%dma_wait3A_258, %dma_wait3A_259] : memref<200x128xf32, #tpu.memory_space<vmem>> -> memref<40x128xf32, #tpu.memory_space<vmem>>
      %dma_wait3A_261 = arith.constant 120 : i32
      %dma_wait3A_262 = tpu.memref_slice %arg14[%dma_wait3A_261] : memref<200xi32, #tpu.memory_space<vmem>> -> memref<40xi32, #tpu.memory_space<vmem>>
      %dma_wait3A_263 = arith.constant 0 : i32
      %dma_wait3A_264 = arith.constant 0 : i32
      %dma_wait3A_265 = tpu.memref_slice %arg2[%dma_wait3A_263, %dma_wait3A_264] : memref<10240x128xf32, #tpu.memory_space<hbm>> -> memref<10240x128xf32, #tpu.memory_space<hbm>>
      tpu.wait_indirect_dma semaphore(%arg20 : memref<!tpu.dma_semaphore, #tpu.memory_space<semaphore_mem>>) src(%dma_wait3A_265 : memref<10240x128xf32, #tpu.memory_space<hbm>>) dst(%dma_wait3A_260 : memref<40x128xf32, #tpu.memory_space<vmem>>)
      %dma_wait3A_266 = arith.constant 160 : i32
      %dma_wait3A_267 = arith.constant 0 : i32
      %dma_wait3A_268 = tpu.memref_slice %arg17[%dma_wait3A_266, %dma_wait3A_267] : memref<200x128xf32, #tpu.memory_space<vmem>> -> memref<40x128xf32, #tpu.memory_space<vmem>>
      %dma_wait3A_269 = arith.constant 160 : i32
      %dma_wait3A_270 = tpu.memref_slice %arg14[%dma_wait3A_269] : memref<200xi32, #tpu.memory_space<vmem>> -> memref<40xi32, #tpu.memory_space<vmem>>
      %dma_wait3A_271 = arith.constant 0 : i32
      %dma_wait3A_272 = arith.constant 0 : i32
      %dma_wait3A_273 = tpu.memref_slice %arg2[%dma_wait3A_271, %dma_wait3A_272] : memref<10240x128xf32, #tpu.memory_space<hbm>> -> memref<10240x128xf32, #tpu.memory_space<hbm>>
      tpu.wait_indirect_dma semaphore(%arg20 : memref<!tpu.dma_semaphore, #tpu.memory_space<semaphore_mem>>) src(%dma_wait3A_273 : memref<10240x128xf32, #tpu.memory_space<hbm>>) dst(%dma_wait3A_268 : memref<40x128xf32, #tpu.memory_space<vmem>>)
      %lt3A_274 = arith.constant 124 : i32
      %lt3A_275 = arith.cmpi slt, %scan3A_143, %lt3A_274 : i32
      %convert_element_type3A_276 = arith.extui %lt3A_275 : i1 to i32
      %cond3A_277 = arith.constant 0 : i32
      %cond3A_278 = arith.cmpi ne, %convert_element_type3A_276, %cond3A_277 : i32
      scf.if %cond3A_278 {
        %add3A_301 = arith.constant 2 : i32
        %add3A_302 = arith.addi %add3A_147, %add3A_301 : i32
        %mul3A_303 = arith.constant 10000 : i32
        %mul3A_304 = arith.muli %add3A, %mul3A_303 : i32
        %mul3A_305 = arith.constant 40 : i32
        %mul3A_306 = arith.muli %add3A_302, %mul3A_305 : i32
        %add3A_307 = arith.addi %mul3A_304, %mul3A_306 : i32
        %mul3A_308 = arith.constant 5 : i32
        %mul3A_309 = arith.muli %add3A_307, %mul3A_308 : i32
        %dma_start3A_310 = tpu.memref_slice %arg5[%mul3A_309] : memref<1600000xi32, #tpu.memory_space<hbm>> -> memref<200xi32, #tpu.memory_space<hbm>>
        %dma_start3A_311 = tpu.memref_slice %arg5[%mul3A_309] : memref<1600000xi32, #tpu.memory_space<hbm>> -> memref<200xi32, #tpu.memory_space<hbm>>
        tpu.enqueue_dma source(%dma_start3A_311 : memref<200xi32, #tpu.memory_space<hbm>>) target(%arg14 : memref<200xi32, #tpu.memory_space<vmem>>) target_semaphore(%arg22 : memref<!tpu.dma_semaphore, #tpu.memory_space<semaphore_mem>>)
      } else {
      }
      %gt3A_279 = arith.constant 0 : i32
      %gt3A_280 = arith.cmpi sgt, %scan3A_143, %gt3A_279 : i32
      %convert_element_type3A_281 = arith.extui %gt3A_280 : i1 to i32
      %cond3A_282 = arith.constant 0 : i32
      %cond3A_283 = arith.cmpi ne, %convert_element_type3A_281, %cond3A_282 : i32
      scf.if %cond3A_283 {
        %mul3A_301 = arith.constant 10000 : i32
        %mul3A_302 = arith.muli %add3A, %mul3A_301 : i32
        %add3A_303 = arith.constant 0 : i32
        %add3A_304 = arith.addi %mul3A_302, %add3A_303 : i32
        %dma_wait3A_305 = arith.constant 0 : i32
        %dma_wait3A_306 = tpu.memref_slice %arg6[%add3A_304, %dma_wait3A_305] : memref<320000x128xf32, #tpu.memory_space<hbm>> -> memref<40x128xf32, #tpu.memory_space<hbm>>
        %dma_wait3A_307 = arith.constant 0 : i32
        %dma_wait3A_308 = tpu.memref_slice %arg6[%add3A_304, %dma_wait3A_307] : memref<320000x128xf32, #tpu.memory_space<hbm>> -> memref<40x128xf32, #tpu.memory_space<hbm>>
        tpu.wait_dma2 semaphore(%arg24 : memref<!tpu.dma_semaphore, #tpu.memory_space<semaphore_mem>>) src(%arg18 : memref<40x128xf32, #tpu.memory_space<vmem>>) dst(%dma_wait3A_308 : memref<40x128xf32, #tpu.memory_space<hbm>>)
      } else {
      }
      %parallel_loop3A_284 = arith.constant 0 : i32
      %parallel_loop3A_285 = arith.constant 40 : i32
      %parallel_loop3A_286 = arith.constant 1 : i32
      scf.for %parallel_loop3A_301 = %parallel_loop3A_284 to %parallel_loop3A_285 step %parallel_loop3A_286  : i32 {
        %parallel_loop3A_302 = arith.index_cast %parallel_loop3A_301 : i32 to index
        %parallel_loop3A_303 = arith.constant 0 : index
        %parallel_loop3A_304 = tpu.vector_load %arg15[%parallel_loop3A_302, %parallel_loop3A_303] {strides = array<i32>} : memref<40x128xf32, #tpu.memory_space<vmem>>, vector<1x16xf32>,
        %parallel_loop3A_305 = vector.shape_cast %parallel_loop3A_304 : vector<1x16xf32> to vector<16xf32>
        %parallel_loop3A_306 = arith.index_cast %parallel_loop3A_301 : i32 to index
        %parallel_loop3A_307 = arith.constant 16 : index
        %parallel_loop3A_308 = tpu.vector_load %arg15[%parallel_loop3A_306, %parallel_loop3A_307] {strides = array<i32>} : memref<40x128xf32, #tpu.memory_space<vmem>>, vector<1x16xf32>,
        %parallel_loop3A_309 = vector.shape_cast %parallel_loop3A_308 : vector<1x16xf32> to vector<16xf32>
        %parallel_loop3A_310 = arith.index_cast %parallel_loop3A_301 : i32 to index
        %parallel_loop3A_311 = arith.constant 32 : index
        %parallel_loop3A_312 = tpu.vector_load %arg15[%parallel_loop3A_310, %parallel_loop3A_311] {strides = array<i32>} : memref<40x128xf32, #tpu.memory_space<vmem>>, vector<1x16xf32>,
        %parallel_loop3A_313 = vector.shape_cast %parallel_loop3A_312 : vector<1x16xf32> to vector<16xf32>
        %parallel_loop3A_314 = arith.index_cast %parallel_loop3A_301 : i32 to index
        %parallel_loop3A_315 = arith.constant 48 : index
        %parallel_loop3A_316 = tpu.vector_load %arg15[%parallel_loop3A_314, %parallel_loop3A_315] {strides = array<i32>} : memref<40x128xf32, #tpu.memory_space<vmem>>, vector<1x16xf32>,
        %parallel_loop3A_317 = vector.shape_cast %parallel_loop3A_316 : vector<1x16xf32> to vector<16xf32>
        %parallel_loop3A_318 = arith.index_cast %parallel_loop3A_301 : i32 to index
        %parallel_loop3A_319 = arith.constant 64 : index
        %parallel_loop3A_320 = tpu.vector_load %arg15[%parallel_loop3A_318, %parallel_loop3A_319] {strides = array<i32>} : memref<40x128xf32, #tpu.memory_space<vmem>>, vector<1x16xf32>,
        %parallel_loop3A_321 = vector.shape_cast %parallel_loop3A_320 : vector<1x16xf32> to vector<16xf32>
        %parallel_loop3A_322 = arith.index_cast %parallel_loop3A_301 : i32 to index
        %parallel_loop3A_323 = arith.constant 80 : index
        %parallel_loop3A_324 = tpu.vector_load %arg15[%parallel_loop3A_322, %parallel_loop3A_323] {strides = array<i32>} : memref<40x128xf32, #tpu.memory_space<vmem>>, vector<1x16xf32>,
        %parallel_loop3A_325 = vector.shape_cast %parallel_loop3A_324 : vector<1x16xf32> to vector<16xf32>
        %parallel_loop3A_326 = arith.index_cast %parallel_loop3A_301 : i32 to index
        %parallel_loop3A_327 = arith.constant 96 : index
        %parallel_loop3A_328 = tpu.vector_load %arg15[%parallel_loop3A_326, %parallel_loop3A_327] {strides = array<i32>} : memref<40x128xf32, #tpu.memory_space<vmem>>, vector<1x16xf32>,
        %parallel_loop3A_329 = vector.shape_cast %parallel_loop3A_328 : vector<1x16xf32> to vector<16xf32>
        %parallel_loop3A_330 = arith.index_cast %parallel_loop3A_301 : i32 to index
        %parallel_loop3A_331 = arith.constant 112 : index
        %parallel_loop3A_332 = tpu.vector_load %arg15[%parallel_loop3A_330, %parallel_loop3A_331] {strides = array<i32>} : memref<40x128xf32, #tpu.memory_space<vmem>>, vector<1x16xf32>,
        %parallel_loop3A_333 = vector.shape_cast %parallel_loop3A_332 : vector<1x16xf32> to vector<16xf32>
        %parallel_loop3A_334 = arith.index_cast %parallel_loop3A_301 : i32 to index
        %parallel_loop3A_335 = arith.constant 0 : index
        %parallel_loop3A_336 = tpu.vector_load %arg16[%parallel_loop3A_334, %parallel_loop3A_335] {strides = array<i32>} : memref<40x128xf32, #tpu.memory_space<vmem>>, vector<1x16xf32>,
        %parallel_loop3A_337 = vector.shape_cast %parallel_loop3A_336 : vector<1x16xf32> to vector<16xf32>
        %parallel_loop3A_338 = arith.mulf %parallel_loop3A_305, %parallel_loop3A_337 : vector<16xf32>
        %parallel_loop3A_339 = arith.index_cast %parallel_loop3A_301 : i32 to index
        %parallel_loop3A_340 = arith.constant 16 : index
        %parallel_loop3A_341 = tpu.vector_load %arg16[%parallel_loop3A_339, %parallel_loop3A_340] {strides = array<i32>} : memref<40x128xf32, #tpu.memory_space<vmem>>, vector<1x16xf32>,
        %parallel_loop3A_342 = vector.shape_cast %parallel_loop3A_341 : vector<1x16xf32> to vector<16xf32>
        %parallel_loop3A_343 = arith.mulf %parallel_loop3A_309, %parallel_loop3A_342 : vector<16xf32>
        %parallel_loop3A_344 = arith.index_cast %parallel_loop3A_301 : i32 to index
        %parallel_loop3A_345 = arith.constant 32 : index
        %parallel_loop3A_346 = tpu.vector_load %arg16[%parallel_loop3A_344, %parallel_loop3A_345] {strides = array<i32>} : memref<40x128xf32, #tpu.memory_space<vmem>>, vector<1x16xf32>,
        %parallel_loop3A_347 = vector.shape_cast %parallel_loop3A_346 : vector<1x16xf32> to vector<16xf32>
        %parallel_loop3A_348 = arith.mulf %parallel_loop3A_313, %parallel_loop3A_347 : vector<16xf32>
        %parallel_loop3A_349 = arith.addf %parallel_loop3A_338, %parallel_loop3A_348 : vector<16xf32>
        %parallel_loop3A_350 = arith.index_cast %parallel_loop3A_301 : i32 to index
        %parallel_loop3A_351 = arith.constant 48 : index
        %parallel_loop3A_352 = tpu.vector_load %arg16[%parallel_loop3A_350, %parallel_loop3A_351] {strides = array<i32>} : memref<40x128xf32, #tpu.memory_space<vmem>>, vector<1x16xf32>,
        %parallel_loop3A_353 = vector.shape_cast %parallel_loop3A_352 : vector<1x16xf32> to vector<16xf32>
        %parallel_loop3A_354 = arith.mulf %parallel_loop3A_317, %parallel_loop3A_353 : vector<16xf32>
        %parallel_loop3A_355 = arith.addf %parallel_loop3A_343, %parallel_loop3A_354 : vector<16xf32>
        %parallel_loop3A_356 = arith.index_cast %parallel_loop3A_301 : i32 to index
        %parallel_loop3A_357 = arith.constant 64 : index
        %parallel_loop3A_358 = tpu.vector_load %arg16[%parallel_loop3A_356, %parallel_loop3A_357] {strides = array<i32>} : memref<40x128xf32, #tpu.memory_space<vmem>>, vector<1x16xf32>,
        %parallel_loop3A_359 = vector.shape_cast %parallel_loop3A_358 : vector<1x16xf32> to vector<16xf32>
        %parallel_loop3A_360 = arith.mulf %parallel_loop3A_321, %parallel_loop3A_359 : vector<16xf32>
        %parallel_loop3A_361 = arith.addf %parallel_loop3A_349, %parallel_loop3A_360 : vector<16xf32>
        %parallel_loop3A_362 = arith.index_cast %parallel_loop3A_301 : i32 to index
        %parallel_loop3A_363 = arith.constant 80 : index
        %parallel_loop3A_364 = tpu.vector_load %arg16[%parallel_loop3A_362, %parallel_loop3A_363] {strides = array<i32>} : memref<40x128xf32, #tpu.memory_space<vmem>>, vector<1x16xf32>,
        %parallel_loop3A_365 = vector.shape_cast %parallel_loop3A_364 : vector<1x16xf32> to vector<16xf32>
        %parallel_loop3A_366 = arith.mulf %parallel_loop3A_325, %parallel_loop3A_365 : vector<16xf32>
        %parallel_loop3A_367 = arith.addf %parallel_loop3A_355, %parallel_loop3A_366 : vector<16xf32>
        %parallel_loop3A_368 = arith.index_cast %parallel_loop3A_301 : i32 to index
        %parallel_loop3A_369 = arith.constant 96 : index
        %parallel_loop3A_370 = tpu.vector_load %arg16[%parallel_loop3A_368, %parallel_loop3A_369] {strides = array<i32>} : memref<40x128xf32, #tpu.memory_space<vmem>>, vector<1x16xf32>,
        %parallel_loop3A_371 = vector.shape_cast %parallel_loop3A_370 : vector<1x16xf32> to vector<16xf32>
        %parallel_loop3A_372 = arith.mulf %parallel_loop3A_329, %parallel_loop3A_371 : vector<16xf32>
        %parallel_loop3A_373 = arith.addf %parallel_loop3A_361, %parallel_loop3A_372 : vector<16xf32>
        %parallel_loop3A_374 = arith.index_cast %parallel_loop3A_301 : i32 to index
        %parallel_loop3A_375 = arith.constant 112 : index
        %parallel_loop3A_376 = tpu.vector_load %arg16[%parallel_loop3A_374, %parallel_loop3A_375] {strides = array<i32>} : memref<40x128xf32, #tpu.memory_space<vmem>>, vector<1x16xf32>,
        %parallel_loop3A_377 = vector.shape_cast %parallel_loop3A_376 : vector<1x16xf32> to vector<16xf32>
        %parallel_loop3A_378 = arith.mulf %parallel_loop3A_333, %parallel_loop3A_377 : vector<16xf32>
        %parallel_loop3A_379 = arith.addf %parallel_loop3A_367, %parallel_loop3A_378 : vector<16xf32>
        %parallel_loop3A_380 = arith.addf %parallel_loop3A_373, %parallel_loop3A_379 : vector<16xf32>
        %parallel_loop3A_381 = arith.index_cast %parallel_loop3A_301 : i32 to index
        %parallel_loop3A_382 = arith.constant 0 : index
        %parallel_loop3A_383 = tpu.vector_load %arg18[%parallel_loop3A_381, %parallel_loop3A_382] {strides = array<i32>} : memref<40x128xf32, #tpu.memory_space<vmem>>, vector<1x16xf32>,
        %parallel_loop3A_384 = vector.shape_cast %parallel_loop3A_383 : vector<1x16xf32> to vector<16xf32>
        %parallel_loop3A_385 = vector.shape_cast %parallel_loop3A_380 : vector<16xf32> to vector<1x16xf32>
        tpu.vector_store %arg18[%parallel_loop3A_381, %parallel_loop3A_382], %parallel_loop3A_385 {strides = array<i32>} : memref<40x128xf32, #tpu.memory_space<vmem>>, vector<1x16xf32>,
        %parallel_loop3A_386 = arith.constant 5 : i32
        %parallel_loop3A_387 = arith.muli %parallel_loop3A_301, %parallel_loop3A_386 : i32
        %parallel_loop3A_388 = arith.constant 0 : i32
        %parallel_loop3A_389 = arith.addi %parallel_loop3A_387, %parallel_loop3A_388 : i32
        %parallel_loop3A_390 = arith.index_cast %parallel_loop3A_389 : i32 to index
        %parallel_loop3A_391 = arith.constant 0 : index
        %parallel_loop3A_392 = tpu.vector_load %arg17[%parallel_loop3A_390, %parallel_loop3A_391] {strides = array<i32>} : memref<200x128xf32, #tpu.memory_space<vmem>>, vector<1x16xf32>,
        %parallel_loop3A_393 = vector.shape_cast %parallel_loop3A_392 : vector<1x16xf32> to vector<16xf32>
        %parallel_loop3A_394 = arith.mulf %parallel_loop3A_305, %parallel_loop3A_393 : vector<16xf32>
        %parallel_loop3A_395 = arith.index_cast %parallel_loop3A_389 : i32 to index
        %parallel_loop3A_396 = arith.constant 16 : index
        %parallel_loop3A_397 = tpu.vector_load %arg17[%parallel_loop3A_395, %parallel_loop3A_396] {strides = array<i32>} : memref<200x128xf32, #tpu.memory_space<vmem>>, vector<1x16xf32>,
        %parallel_loop3A_398 = vector.shape_cast %parallel_loop3A_397 : vector<1x16xf32> to vector<16xf32>
        %parallel_loop3A_399 = arith.mulf %parallel_loop3A_309, %parallel_loop3A_398 : vector<16xf32>
        %parallel_loop3A_400 = arith.index_cast %parallel_loop3A_389 : i32 to index
        %parallel_loop3A_401 = arith.constant 32 : index
        %parallel_loop3A_402 = tpu.vector_load %arg17[%parallel_loop3A_400, %parallel_loop3A_401] {strides = array<i32>} : memref<200x128xf32, #tpu.memory_space<vmem>>, vector<1x16xf32>,
        %parallel_loop3A_403 = vector.shape_cast %parallel_loop3A_402 : vector<1x16xf32> to vector<16xf32>
        %parallel_loop3A_404 = arith.mulf %parallel_loop3A_313, %parallel_loop3A_403 : vector<16xf32>
        %parallel_loop3A_405 = arith.addf %parallel_loop3A_394, %parallel_loop3A_404 : vector<16xf32>
        %parallel_loop3A_406 = arith.index_cast %parallel_loop3A_389 : i32 to index
        %parallel_loop3A_407 = arith.constant 48 : index
        %parallel_loop3A_408 = tpu.vector_load %arg17[%parallel_loop3A_406, %parallel_loop3A_407] {strides = array<i32>} : memref<200x128xf32, #tpu.memory_space<vmem>>, vector<1x16xf32>,
        %parallel_loop3A_409 = vector.shape_cast %parallel_loop3A_408 : vector<1x16xf32> to vector<16xf32>
        %parallel_loop3A_410 = arith.mulf %parallel_loop3A_317, %parallel_loop3A_409 : vector<16xf32>
        %parallel_loop3A_411 = arith.addf %parallel_loop3A_399, %parallel_loop3A_410 : vector<16xf32>
        %parallel_loop3A_412 = arith.index_cast %parallel_loop3A_389 : i32 to index
        %parallel_loop3A_413 = arith.constant 64 : index
        %parallel_loop3A_414 = tpu.vector_load %arg17[%parallel_loop3A_412, %parallel_loop3A_413] {strides = array<i32>} : memref<200x128xf32, #tpu.memory_space<vmem>>, vector<1x16xf32>,
        %parallel_loop3A_415 = vector.shape_cast %parallel_loop3A_414 : vector<1x16xf32> to vector<16xf32>
        %parallel_loop3A_416 = arith.mulf %parallel_loop3A_321, %parallel_loop3A_415 : vector<16xf32>
        %parallel_loop3A_417 = arith.addf %parallel_loop3A_405, %parallel_loop3A_416 : vector<16xf32>
        %parallel_loop3A_418 = arith.index_cast %parallel_loop3A_389 : i32 to index
        %parallel_loop3A_419 = arith.constant 80 : index
        %parallel_loop3A_420 = tpu.vector_load %arg17[%parallel_loop3A_418, %parallel_loop3A_419] {strides = array<i32>} : memref<200x128xf32, #tpu.memory_space<vmem>>, vector<1x16xf32>,
        %parallel_loop3A_421 = vector.shape_cast %parallel_loop3A_420 : vector<1x16xf32> to vector<16xf32>
        %parallel_loop3A_422 = arith.mulf %parallel_loop3A_325, %parallel_loop3A_421 : vector<16xf32>
        %parallel_loop3A_423 = arith.addf %parallel_loop3A_411, %parallel_loop3A_422 : vector<16xf32>
        %parallel_loop3A_424 = arith.index_cast %parallel_loop3A_389 : i32 to index
        %parallel_loop3A_425 = arith.constant 96 : index
        %parallel_loop3A_426 = tpu.vector_load %arg17[%parallel_loop3A_424, %parallel_loop3A_425] {strides = array<i32>} : memref<200x128xf32, #tpu.memory_space<vmem>>, vector<1x16xf32>,
        %parallel_loop3A_427 = vector.shape_cast %parallel_loop3A_426 : vector<1x16xf32> to vector<16xf32>
        %parallel_loop3A_428 = arith.mulf %parallel_loop3A_329, %parallel_loop3A_427 : vector<16xf32>
        %parallel_loop3A_429 = arith.addf %parallel_loop3A_417, %parallel_loop3A_428 : vector<16xf32>
        %parallel_loop3A_430 = arith.index_cast %parallel_loop3A_389 : i32 to index
        %parallel_loop3A_431 = arith.constant 112 : index
        %parallel_loop3A_432 = tpu.vector_load %arg17[%parallel_loop3A_430, %parallel_loop3A_431] {strides = array<i32>} : memref<200x128xf32, #tpu.memory_space<vmem>>, vector<1x16xf32>,
        %parallel_loop3A_433 = vector.shape_cast %parallel_loop3A_432 : vector<1x16xf32> to vector<16xf32>
        %parallel_loop3A_434 = arith.mulf %parallel_loop3A_333, %parallel_loop3A_433 : vector<16xf32>
        %parallel_loop3A_435 = arith.addf %parallel_loop3A_423, %parallel_loop3A_434 : vector<16xf32>
        %parallel_loop3A_436 = arith.addf %parallel_loop3A_429, %parallel_loop3A_435 : vector<16xf32>
        %parallel_loop3A_437 = arith.index_cast %parallel_loop3A_301 : i32 to index
        %parallel_loop3A_438 = arith.constant 16 : index
        %parallel_loop3A_439 = tpu.vector_load %arg18[%parallel_loop3A_437, %parallel_loop3A_438] {strides = array<i32>} : memref<40x128xf32, #tpu.memory_space<vmem>>, vector<1x16xf32>,
        %parallel_loop3A_440 = vector.shape_cast %parallel_loop3A_439 : vector<1x16xf32> to vector<16xf32>
        %parallel_loop3A_441 = vector.shape_cast %parallel_loop3A_436 : vector<16xf32> to vector<1x16xf32>
        tpu.vector_store %arg18[%parallel_loop3A_437, %parallel_loop3A_438], %parallel_loop3A_441 {strides = array<i32>} : memref<40x128xf32, #tpu.memory_space<vmem>>, vector<1x16xf32>,
        %parallel_loop3A_442 = arith.constant 1 : i32
        %parallel_loop3A_443 = arith.addi %parallel_loop3A_387, %parallel_loop3A_442 : i32
        %parallel_loop3A_444 = arith.index_cast %parallel_loop3A_443 : i32 to index
        %parallel_loop3A_445 = arith.constant 0 : index
        %parallel_loop3A_446 = tpu.vector_load %arg17[%parallel_loop3A_444, %parallel_loop3A_445] {strides = array<i32>} : memref<200x128xf32, #tpu.memory_space<vmem>>, vector<1x16xf32>,
        %parallel_loop3A_447 = vector.shape_cast %parallel_loop3A_446 : vector<1x16xf32> to vector<16xf32>
        %parallel_loop3A_448 = arith.mulf %parallel_loop3A_305, %parallel_loop3A_447 : vector<16xf32>
        %parallel_loop3A_449 = arith.index_cast %parallel_loop3A_443 : i32 to index
        %parallel_loop3A_450 = arith.constant 16 : index
        %parallel_loop3A_451 = tpu.vector_load %arg17[%parallel_loop3A_449, %parallel_loop3A_450] {strides = array<i32>} : memref<200x128xf32, #tpu.memory_space<vmem>>, vector<1x16xf32>,
        %parallel_loop3A_452 = vector.shape_cast %parallel_loop3A_451 : vector<1x16xf32> to vector<16xf32>
        %parallel_loop3A_453 = arith.mulf %parallel_loop3A_309, %parallel_loop3A_452 : vector<16xf32>
        %parallel_loop3A_454 = arith.index_cast %parallel_loop3A_443 : i32 to index
        %parallel_loop3A_455 = arith.constant 32 : index
        %parallel_loop3A_456 = tpu.vector_load %arg17[%parallel_loop3A_454, %parallel_loop3A_455] {strides = array<i32>} : memref<200x128xf32, #tpu.memory_space<vmem>>, vector<1x16xf32>,
        %parallel_loop3A_457 = vector.shape_cast %parallel_loop3A_456 : vector<1x16xf32> to vector<16xf32>
        %parallel_loop3A_458 = arith.mulf %parallel_loop3A_313, %parallel_loop3A_457 : vector<16xf32>
        %parallel_loop3A_459 = arith.addf %parallel_loop3A_448, %parallel_loop3A_458 : vector<16xf32>
        %parallel_loop3A_460 = arith.index_cast %parallel_loop3A_443 : i32 to index
        %parallel_loop3A_461 = arith.constant 48 : index
        %parallel_loop3A_462 = tpu.vector_load %arg17[%parallel_loop3A_460, %parallel_loop3A_461] {strides = array<i32>} : memref<200x128xf32, #tpu.memory_space<vmem>>, vector<1x16xf32>,
        %parallel_loop3A_463 = vector.shape_cast %parallel_loop3A_462 : vector<1x16xf32> to vector<16xf32>
        %parallel_loop3A_464 = arith.mulf %parallel_loop3A_317, %parallel_loop3A_463 : vector<16xf32>
        %parallel_loop3A_465 = arith.addf %parallel_loop3A_453, %parallel_loop3A_464 : vector<16xf32>
        %parallel_loop3A_466 = arith.index_cast %parallel_loop3A_443 : i32 to index
        %parallel_loop3A_467 = arith.constant 64 : index
        %parallel_loop3A_468 = tpu.vector_load %arg17[%parallel_loop3A_466, %parallel_loop3A_467] {strides = array<i32>} : memref<200x128xf32, #tpu.memory_space<vmem>>, vector<1x16xf32>,
        %parallel_loop3A_469 = vector.shape_cast %parallel_loop3A_468 : vector<1x16xf32> to vector<16xf32>
        %parallel_loop3A_470 = arith.mulf %parallel_loop3A_321, %parallel_loop3A_469 : vector<16xf32>
        %parallel_loop3A_471 = arith.addf %parallel_loop3A_459, %parallel_loop3A_470 : vector<16xf32>
        %parallel_loop3A_472 = arith.index_cast %parallel_loop3A_443 : i32 to index
        %parallel_loop3A_473 = arith.constant 80 : index
        %parallel_loop3A_474 = tpu.vector_load %arg17[%parallel_loop3A_472, %parallel_loop3A_473] {strides = array<i32>} : memref<200x128xf32, #tpu.memory_space<vmem>>, vector<1x16xf32>,
        %parallel_loop3A_475 = vector.shape_cast %parallel_loop3A_474 : vector<1x16xf32> to vector<16xf32>
        %parallel_loop3A_476 = arith.mulf %parallel_loop3A_325, %parallel_loop3A_475 : vector<16xf32>
        %parallel_loop3A_477 = arith.addf %parallel_loop3A_465, %parallel_loop3A_476 : vector<16xf32>
        %parallel_loop3A_478 = arith.index_cast %parallel_loop3A_443 : i32 to index
        %parallel_loop3A_479 = arith.constant 96 : index
        %parallel_loop3A_480 = tpu.vector_load %arg17[%parallel_loop3A_478, %parallel_loop3A_479] {strides = array<i32>} : memref<200x128xf32, #tpu.memory_space<vmem>>, vector<1x16xf32>,
        %parallel_loop3A_481 = vector.shape_cast %parallel_loop3A_480 : vector<1x16xf32> to vector<16xf32>
        %parallel_loop3A_482 = arith.mulf %parallel_loop3A_329, %parallel_loop3A_481 : vector<16xf32>
        %parallel_loop3A_483 = arith.addf %parallel_loop3A_471, %parallel_loop3A_482 : vector<16xf32>
        %parallel_loop3A_484 = arith.index_cast %parallel_loop3A_443 : i32 to index
        %parallel_loop3A_485 = arith.constant 112 : index
        %parallel_loop3A_486 = tpu.vector_load %arg17[%parallel_loop3A_484, %parallel_loop3A_485] {strides = array<i32>} : memref<200x128xf32, #tpu.memory_space<vmem>>, vector<1x16xf32>,
        %parallel_loop3A_487 = vector.shape_cast %parallel_loop3A_486 : vector<1x16xf32> to vector<16xf32>
        %parallel_loop3A_488 = arith.mulf %parallel_loop3A_333, %parallel_loop3A_487 : vector<16xf32>
        %parallel_loop3A_489 = arith.addf %parallel_loop3A_477, %parallel_loop3A_488 : vector<16xf32>
        %parallel_loop3A_490 = arith.addf %parallel_loop3A_483, %parallel_loop3A_489 : vector<16xf32>
        %parallel_loop3A_491 = arith.index_cast %parallel_loop3A_301 : i32 to index
        %parallel_loop3A_492 = arith.constant 32 : index
        %parallel_loop3A_493 = tpu.vector_load %arg18[%parallel_loop3A_491, %parallel_loop3A_492] {strides = array<i32>} : memref<40x128xf32, #tpu.memory_space<vmem>>, vector<1x16xf32>,
        %parallel_loop3A_494 = vector.shape_cast %parallel_loop3A_493 : vector<1x16xf32> to vector<16xf32>
        %parallel_loop3A_495 = vector.shape_cast %parallel_loop3A_490 : vector<16xf32> to vector<1x16xf32>
        tpu.vector_store %arg18[%parallel_loop3A_491, %parallel_loop3A_492], %parallel_loop3A_495 {strides = array<i32>} : memref<40x128xf32, #tpu.memory_space<vmem>>, vector<1x16xf32>,
        %parallel_loop3A_496 = arith.constant 2 : i32
        %parallel_loop3A_497 = arith.addi %parallel_loop3A_387, %parallel_loop3A_496 : i32
        %parallel_loop3A_498 = arith.index_cast %parallel_loop3A_497 : i32 to index
        %parallel_loop3A_499 = arith.constant 0 : index
        %parallel_loop3A_500 = tpu.vector_load %arg17[%parallel_loop3A_498, %parallel_loop3A_499] {strides = array<i32>} : memref<200x128xf32, #tpu.memory_space<vmem>>, vector<1x16xf32>,
        %parallel_loop3A_501 = vector.shape_cast %parallel_loop3A_500 : vector<1x16xf32> to vector<16xf32>
        %parallel_loop3A_502 = arith.mulf %parallel_loop3A_305, %parallel_loop3A_501 : vector<16xf32>
        %parallel_loop3A_503 = arith.index_cast %parallel_loop3A_497 : i32 to index
        %parallel_loop3A_504 = arith.constant 16 : index
        %parallel_loop3A_505 = tpu.vector_load %arg17[%parallel_loop3A_503, %parallel_loop3A_504] {strides = array<i32>} : memref<200x128xf32, #tpu.memory_space<vmem>>, vector<1x16xf32>,
        %parallel_loop3A_506 = vector.shape_cast %parallel_loop3A_505 : vector<1x16xf32> to vector<16xf32>
        %parallel_loop3A_507 = arith.mulf %parallel_loop3A_309, %parallel_loop3A_506 : vector<16xf32>
        %parallel_loop3A_508 = arith.index_cast %parallel_loop3A_497 : i32 to index
        %parallel_loop3A_509 = arith.constant 32 : index
        %parallel_loop3A_510 = tpu.vector_load %arg17[%parallel_loop3A_508, %parallel_loop3A_509] {strides = array<i32>} : memref<200x128xf32, #tpu.memory_space<vmem>>, vector<1x16xf32>,
        %parallel_loop3A_511 = vector.shape_cast %parallel_loop3A_510 : vector<1x16xf32> to vector<16xf32>
        %parallel_loop3A_512 = arith.mulf %parallel_loop3A_313, %parallel_loop3A_511 : vector<16xf32>
        %parallel_loop3A_513 = arith.addf %parallel_loop3A_502, %parallel_loop3A_512 : vector<16xf32>
        %parallel_loop3A_514 = arith.index_cast %parallel_loop3A_497 : i32 to index
        %parallel_loop3A_515 = arith.constant 48 : index
        %parallel_loop3A_516 = tpu.vector_load %arg17[%parallel_loop3A_514, %parallel_loop3A_515] {strides = array<i32>} : memref<200x128xf32, #tpu.memory_space<vmem>>, vector<1x16xf32>,
        %parallel_loop3A_517 = vector.shape_cast %parallel_loop3A_516 : vector<1x16xf32> to vector<16xf32>
        %parallel_loop3A_518 = arith.mulf %parallel_loop3A_317, %parallel_loop3A_517 : vector<16xf32>
        %parallel_loop3A_519 = arith.addf %parallel_loop3A_507, %parallel_loop3A_518 : vector<16xf32>
        %parallel_loop3A_520 = arith.index_cast %parallel_loop3A_497 : i32 to index
        %parallel_loop3A_521 = arith.constant 64 : index
        %parallel_loop3A_522 = tpu.vector_load %arg17[%parallel_loop3A_520, %parallel_loop3A_521] {strides = array<i32>} : memref<200x128xf32, #tpu.memory_space<vmem>>, vector<1x16xf32>,
        %parallel_loop3A_523 = vector.shape_cast %parallel_loop3A_522 : vector<1x16xf32> to vector<16xf32>
        %parallel_loop3A_524 = arith.mulf %parallel_loop3A_321, %parallel_loop3A_523 : vector<16xf32>
        %parallel_loop3A_525 = arith.addf %parallel_loop3A_513, %parallel_loop3A_524 : vector<16xf32>
        %parallel_loop3A_526 = arith.index_cast %parallel_loop3A_497 : i32 to index
        %parallel_loop3A_527 = arith.constant 80 : index
        %parallel_loop3A_528 = tpu.vector_load %arg17[%parallel_loop3A_526, %parallel_loop3A_527] {strides = array<i32>} : memref<200x128xf32, #tpu.memory_space<vmem>>, vector<1x16xf32>,
        %parallel_loop3A_529 = vector.shape_cast %parallel_loop3A_528 : vector<1x16xf32> to vector<16xf32>
        %parallel_loop3A_530 = arith.mulf %parallel_loop3A_325, %parallel_loop3A_529 : vector<16xf32>
        %parallel_loop3A_531 = arith.addf %parallel_loop3A_519, %parallel_loop3A_530 : vector<16xf32>
        %parallel_loop3A_532 = arith.index_cast %parallel_loop3A_497 : i32 to index
        %parallel_loop3A_533 = arith.constant 96 : index
        %parallel_loop3A_534 = tpu.vector_load %arg17[%parallel_loop3A_532, %parallel_loop3A_533] {strides = array<i32>} : memref<200x128xf32, #tpu.memory_space<vmem>>, vector<1x16xf32>,
        %parallel_loop3A_535 = vector.shape_cast %parallel_loop3A_534 : vector<1x16xf32> to vector<16xf32>
        %parallel_loop3A_536 = arith.mulf %parallel_loop3A_329, %parallel_loop3A_535 : vector<16xf32>
        %parallel_loop3A_537 = arith.addf %parallel_loop3A_525, %parallel_loop3A_536 : vector<16xf32>
        %parallel_loop3A_538 = arith.index_cast %parallel_loop3A_497 : i32 to index
        %parallel_loop3A_539 = arith.constant 112 : index
        %parallel_loop3A_540 = tpu.vector_load %arg17[%parallel_loop3A_538, %parallel_loop3A_539] {strides = array<i32>} : memref<200x128xf32, #tpu.memory_space<vmem>>, vector<1x16xf32>,
        %parallel_loop3A_541 = vector.shape_cast %parallel_loop3A_540 : vector<1x16xf32> to vector<16xf32>
        %parallel_loop3A_542 = arith.mulf %parallel_loop3A_333, %parallel_loop3A_541 : vector<16xf32>
        %parallel_loop3A_543 = arith.addf %parallel_loop3A_531, %parallel_loop3A_542 : vector<16xf32>
        %parallel_loop3A_544 = arith.addf %parallel_loop3A_537, %parallel_loop3A_543 : vector<16xf32>
        %parallel_loop3A_545 = arith.index_cast %parallel_loop3A_301 : i32 to index
        %parallel_loop3A_546 = arith.constant 48 : index
        %parallel_loop3A_547 = tpu.vector_load %arg18[%parallel_loop3A_545, %parallel_loop3A_546] {strides = array<i32>} : memref<40x128xf32, #tpu.memory_space<vmem>>, vector<1x16xf32>,
        %parallel_loop3A_548 = vector.shape_cast %parallel_loop3A_547 : vector<1x16xf32> to vector<16xf32>
        %parallel_loop3A_549 = vector.shape_cast %parallel_loop3A_544 : vector<16xf32> to vector<1x16xf32>
        tpu.vector_store %arg18[%parallel_loop3A_545, %parallel_loop3A_546], %parallel_loop3A_549 {strides = array<i32>} : memref<40x128xf32, #tpu.memory_space<vmem>>, vector<1x16xf32>,
        %parallel_loop3A_550 = arith.constant 3 : i32
        %parallel_loop3A_551 = arith.addi %parallel_loop3A_387, %parallel_loop3A_550 : i32
        %parallel_loop3A_552 = arith.index_cast %parallel_loop3A_551 : i32 to index
        %parallel_loop3A_553 = arith.constant 0 : index
        %parallel_loop3A_554 = tpu.vector_load %arg17[%parallel_loop3A_552, %parallel_loop3A_553] {strides = array<i32>} : memref<200x128xf32, #tpu.memory_space<vmem>>, vector<1x16xf32>,
        %parallel_loop3A_555 = vector.shape_cast %parallel_loop3A_554 : vector<1x16xf32> to vector<16xf32>
        %parallel_loop3A_556 = arith.mulf %parallel_loop3A_305, %parallel_loop3A_555 : vector<16xf32>
        %parallel_loop3A_557 = arith.index_cast %parallel_loop3A_551 : i32 to index
        %parallel_loop3A_558 = arith.constant 16 : index
        %parallel_loop3A_559 = tpu.vector_load %arg17[%parallel_loop3A_557, %parallel_loop3A_558] {strides = array<i32>} : memref<200x128xf32, #tpu.memory_space<vmem>>, vector<1x16xf32>,
        %parallel_loop3A_560 = vector.shape_cast %parallel_loop3A_559 : vector<1x16xf32> to vector<16xf32>
        %parallel_loop3A_561 = arith.mulf %parallel_loop3A_309, %parallel_loop3A_560 : vector<16xf32>
        %parallel_loop3A_562 = arith.index_cast %parallel_loop3A_551 : i32 to index
        %parallel_loop3A_563 = arith.constant 32 : index
        %parallel_loop3A_564 = tpu.vector_load %arg17[%parallel_loop3A_562, %parallel_loop3A_563] {strides = array<i32>} : memref<200x128xf32, #tpu.memory_space<vmem>>, vector<1x16xf32>,
        %parallel_loop3A_565 = vector.shape_cast %parallel_loop3A_564 : vector<1x16xf32> to vector<16xf32>
        %parallel_loop3A_566 = arith.mulf %parallel_loop3A_313, %parallel_loop3A_565 : vector<16xf32>
        %parallel_loop3A_567 = arith.addf %parallel_loop3A_556, %parallel_loop3A_566 : vector<16xf32>
        %parallel_loop3A_568 = arith.index_cast %parallel_loop3A_551 : i32 to index
        %parallel_loop3A_569 = arith.constant 48 : index
        %parallel_loop3A_570 = tpu.vector_load %arg17[%parallel_loop3A_568, %parallel_loop3A_569] {strides = array<i32>} : memref<200x128xf32, #tpu.memory_space<vmem>>, vector<1x16xf32>,
        %parallel_loop3A_571 = vector.shape_cast %parallel_loop3A_570 : vector<1x16xf32> to vector<16xf32>
        %parallel_loop3A_572 = arith.mulf %parallel_loop3A_317, %parallel_loop3A_571 : vector<16xf32>
        %parallel_loop3A_573 = arith.addf %parallel_loop3A_561, %parallel_loop3A_572 : vector<16xf32>
        %parallel_loop3A_574 = arith.index_cast %parallel_loop3A_551 : i32 to index
        %parallel_loop3A_575 = arith.constant 64 : index
        %parallel_loop3A_576 = tpu.vector_load %arg17[%parallel_loop3A_574, %parallel_loop3A_575] {strides = array<i32>} : memref<200x128xf32, #tpu.memory_space<vmem>>, vector<1x16xf32>,
        %parallel_loop3A_577 = vector.shape_cast %parallel_loop3A_576 : vector<1x16xf32> to vector<16xf32>
        %parallel_loop3A_578 = arith.mulf %parallel_loop3A_321, %parallel_loop3A_577 : vector<16xf32>
        %parallel_loop3A_579 = arith.addf %parallel_loop3A_567, %parallel_loop3A_578 : vector<16xf32>
        %parallel_loop3A_580 = arith.index_cast %parallel_loop3A_551 : i32 to index
        %parallel_loop3A_581 = arith.constant 80 : index
        %parallel_loop3A_582 = tpu.vector_load %arg17[%parallel_loop3A_580, %parallel_loop3A_581] {strides = array<i32>} : memref<200x128xf32, #tpu.memory_space<vmem>>, vector<1x16xf32>,
        %parallel_loop3A_583 = vector.shape_cast %parallel_loop3A_582 : vector<1x16xf32> to vector<16xf32>
        %parallel_loop3A_584 = arith.mulf %parallel_loop3A_325, %parallel_loop3A_583 : vector<16xf32>
        %parallel_loop3A_585 = arith.addf %parallel_loop3A_573, %parallel_loop3A_584 : vector<16xf32>
        %parallel_loop3A_586 = arith.index_cast %parallel_loop3A_551 : i32 to index
        %parallel_loop3A_587 = arith.constant 96 : index
        %parallel_loop3A_588 = tpu.vector_load %arg17[%parallel_loop3A_586, %parallel_loop3A_587] {strides = array<i32>} : memref<200x128xf32, #tpu.memory_space<vmem>>, vector<1x16xf32>,
        %parallel_loop3A_589 = vector.shape_cast %parallel_loop3A_588 : vector<1x16xf32> to vector<16xf32>
        %parallel_loop3A_590 = arith.mulf %parallel_loop3A_329, %parallel_loop3A_589 : vector<16xf32>
        %parallel_loop3A_591 = arith.addf %parallel_loop3A_579, %parallel_loop3A_590 : vector<16xf32>
        %parallel_loop3A_592 = arith.index_cast %parallel_loop3A_551 : i32 to index
        %parallel_loop3A_593 = arith.constant 112 : index
        %parallel_loop3A_594 = tpu.vector_load %arg17[%parallel_loop3A_592, %parallel_loop3A_593] {strides = array<i32>} : memref<200x128xf32, #tpu.memory_space<vmem>>, vector<1x16xf32>,
        %parallel_loop3A_595 = vector.shape_cast %parallel_loop3A_594 : vector<1x16xf32> to vector<16xf32>
        %parallel_loop3A_596 = arith.mulf %parallel_loop3A_333, %parallel_loop3A_595 : vector<16xf32>
        %parallel_loop3A_597 = arith.addf %parallel_loop3A_585, %parallel_loop3A_596 : vector<16xf32>
        %parallel_loop3A_598 = arith.addf %parallel_loop3A_591, %parallel_loop3A_597 : vector<16xf32>
        %parallel_loop3A_599 = arith.index_cast %parallel_loop3A_301 : i32 to index
        %parallel_loop3A_600 = arith.constant 64 : index
        %parallel_loop3A_601 = tpu.vector_load %arg18[%parallel_loop3A_599, %parallel_loop3A_600] {strides = array<i32>} : memref<40x128xf32, #tpu.memory_space<vmem>>, vector<1x16xf32>,
        %parallel_loop3A_602 = vector.shape_cast %parallel_loop3A_601 : vector<1x16xf32> to vector<16xf32>
        %parallel_loop3A_603 = vector.shape_cast %parallel_loop3A_598 : vector<16xf32> to vector<1x16xf32>
        tpu.vector_store %arg18[%parallel_loop3A_599, %parallel_loop3A_600], %parallel_loop3A_603 {strides = array<i32>} : memref<40x128xf32, #tpu.memory_space<vmem>>, vector<1x16xf32>,
        %parallel_loop3A_604 = arith.constant 4 : i32
        %parallel_loop3A_605 = arith.addi %parallel_loop3A_387, %parallel_loop3A_604 : i32
        %parallel_loop3A_606 = arith.index_cast %parallel_loop3A_605 : i32 to index
        %parallel_loop3A_607 = arith.constant 0 : index
        %parallel_loop3A_608 = tpu.vector_load %arg17[%parallel_loop3A_606, %parallel_loop3A_607] {strides = array<i32>} : memref<200x128xf32, #tpu.memory_space<vmem>>, vector<1x16xf32>,
        %parallel_loop3A_609 = vector.shape_cast %parallel_loop3A_608 : vector<1x16xf32> to vector<16xf32>
        %parallel_loop3A_610 = arith.mulf %parallel_loop3A_305, %parallel_loop3A_609 : vector<16xf32>
        %parallel_loop3A_611 = arith.index_cast %parallel_loop3A_605 : i32 to index
        %parallel_loop3A_612 = arith.constant 16 : index
        %parallel_loop3A_613 = tpu.vector_load %arg17[%parallel_loop3A_611, %parallel_loop3A_612] {strides = array<i32>} : memref<200x128xf32, #tpu.memory_space<vmem>>, vector<1x16xf32>,
        %parallel_loop3A_614 = vector.shape_cast %parallel_loop3A_613 : vector<1x16xf32> to vector<16xf32>
        %parallel_loop3A_615 = arith.mulf %parallel_loop3A_309, %parallel_loop3A_614 : vector<16xf32>
        %parallel_loop3A_616 = arith.index_cast %parallel_loop3A_605 : i32 to index
        %parallel_loop3A_617 = arith.constant 32 : index
        %parallel_loop3A_618 = tpu.vector_load %arg17[%parallel_loop3A_616, %parallel_loop3A_617] {strides = array<i32>} : memref<200x128xf32, #tpu.memory_space<vmem>>, vector<1x16xf32>,
        %parallel_loop3A_619 = vector.shape_cast %parallel_loop3A_618 : vector<1x16xf32> to vector<16xf32>
        %parallel_loop3A_620 = arith.mulf %parallel_loop3A_313, %parallel_loop3A_619 : vector<16xf32>
        %parallel_loop3A_621 = arith.addf %parallel_loop3A_610, %parallel_loop3A_620 : vector<16xf32>
        %parallel_loop3A_622 = arith.index_cast %parallel_loop3A_605 : i32 to index
        %parallel_loop3A_623 = arith.constant 48 : index
        %parallel_loop3A_624 = tpu.vector_load %arg17[%parallel_loop3A_622, %parallel_loop3A_623] {strides = array<i32>} : memref<200x128xf32, #tpu.memory_space<vmem>>, vector<1x16xf32>,
        %parallel_loop3A_625 = vector.shape_cast %parallel_loop3A_624 : vector<1x16xf32> to vector<16xf32>
        %parallel_loop3A_626 = arith.mulf %parallel_loop3A_317, %parallel_loop3A_625 : vector<16xf32>
        %parallel_loop3A_627 = arith.addf %parallel_loop3A_615, %parallel_loop3A_626 : vector<16xf32>
        %parallel_loop3A_628 = arith.index_cast %parallel_loop3A_605 : i32 to index
        %parallel_loop3A_629 = arith.constant 64 : index
        %parallel_loop3A_630 = tpu.vector_load %arg17[%parallel_loop3A_628, %parallel_loop3A_629] {strides = array<i32>} : memref<200x128xf32, #tpu.memory_space<vmem>>, vector<1x16xf32>,
        %parallel_loop3A_631 = vector.shape_cast %parallel_loop3A_630 : vector<1x16xf32> to vector<16xf32>
        %parallel_loop3A_632 = arith.mulf %parallel_loop3A_321, %parallel_loop3A_631 : vector<16xf32>
        %parallel_loop3A_633 = arith.addf %parallel_loop3A_621, %parallel_loop3A_632 : vector<16xf32>
        %parallel_loop3A_634 = arith.index_cast %parallel_loop3A_605 : i32 to index
        %parallel_loop3A_635 = arith.constant 80 : index
        %parallel_loop3A_636 = tpu.vector_load %arg17[%parallel_loop3A_634, %parallel_loop3A_635] {strides = array<i32>} : memref<200x128xf32, #tpu.memory_space<vmem>>, vector<1x16xf32>,
        %parallel_loop3A_637 = vector.shape_cast %parallel_loop3A_636 : vector<1x16xf32> to vector<16xf32>
        %parallel_loop3A_638 = arith.mulf %parallel_loop3A_325, %parallel_loop3A_637 : vector<16xf32>
        %parallel_loop3A_639 = arith.addf %parallel_loop3A_627, %parallel_loop3A_638 : vector<16xf32>
        %parallel_loop3A_640 = arith.index_cast %parallel_loop3A_605 : i32 to index
        %parallel_loop3A_641 = arith.constant 96 : index
        %parallel_loop3A_642 = tpu.vector_load %arg17[%parallel_loop3A_640, %parallel_loop3A_641] {strides = array<i32>} : memref<200x128xf32, #tpu.memory_space<vmem>>, vector<1x16xf32>,
        %parallel_loop3A_643 = vector.shape_cast %parallel_loop3A_642 : vector<1x16xf32> to vector<16xf32>
        %parallel_loop3A_644 = arith.mulf %parallel_loop3A_329, %parallel_loop3A_643 : vector<16xf32>
        %parallel_loop3A_645 = arith.addf %parallel_loop3A_633, %parallel_loop3A_644 : vector<16xf32>
        %parallel_loop3A_646 = arith.index_cast %parallel_loop3A_605 : i32 to index
        %parallel_loop3A_647 = arith.constant 112 : index
        %parallel_loop3A_648 = tpu.vector_load %arg17[%parallel_loop3A_646, %parallel_loop3A_647] {strides = array<i32>} : memref<200x128xf32, #tpu.memory_space<vmem>>, vector<1x16xf32>,
        %parallel_loop3A_649 = vector.shape_cast %parallel_loop3A_648 : vector<1x16xf32> to vector<16xf32>
        %parallel_loop3A_650 = arith.mulf %parallel_loop3A_333, %parallel_loop3A_649 : vector<16xf32>
        %parallel_loop3A_651 = arith.addf %parallel_loop3A_639, %parallel_loop3A_650 : vector<16xf32>
        %parallel_loop3A_652 = arith.addf %parallel_loop3A_645, %parallel_loop3A_651 : vector<16xf32>
        %parallel_loop3A_653 = arith.index_cast %parallel_loop3A_301 : i32 to index
        %parallel_loop3A_654 = arith.constant 80 : index
        %parallel_loop3A_655 = tpu.vector_load %arg18[%parallel_loop3A_653, %parallel_loop3A_654] {strides = array<i32>} : memref<40x128xf32, #tpu.memory_space<vmem>>, vector<1x16xf32>,
        %parallel_loop3A_656 = vector.shape_cast %parallel_loop3A_655 : vector<1x16xf32> to vector<16xf32>
        %parallel_loop3A_657 = vector.shape_cast %parallel_loop3A_652 : vector<16xf32> to vector<1x16xf32>
        tpu.vector_store %arg18[%parallel_loop3A_653, %parallel_loop3A_654], %parallel_loop3A_657 {strides = array<i32>} : memref<40x128xf32, #tpu.memory_space<vmem>>, vector<1x16xf32>,
      } {sc.loop_unroll_factor = 2 : i64, sc.parallel_access}
      %mul3A_287 = arith.constant 10000 : i32
      %mul3A_288 = arith.muli %add3A, %mul3A_287 : i32
      %mul3A_289 = arith.constant 40 : i32
      %mul3A_290 = arith.muli %add3A_147, %mul3A_289 : i32
      %add3A_291 = arith.addi %mul3A_288, %mul3A_290 : i32
      %dma_start3A_292 = arith.constant 0 : i32
      %dma_start3A_293 = tpu.memref_slice %arg6[%add3A_291, %dma_start3A_292] : memref<320000x128xf32, #tpu.memory_space<hbm>> -> memref<40x128xf32, #tpu.memory_space<hbm>>
      %dma_start3A_294 = arith.constant 0 : i32
      %dma_start3A_295 = tpu.memref_slice %arg6[%add3A_291, %dma_start3A_294] : memref<320000x128xf32, #tpu.memory_space<hbm>> -> memref<40x128xf32, #tpu.memory_space<hbm>>
      tpu.enqueue_dma source(%arg18 : memref<40x128xf32, #tpu.memory_space<vmem>>) target(%dma_start3A_295 : memref<40x128xf32, #tpu.memory_space<hbm>>) target_semaphore(%arg24 : memref<!tpu.dma_semaphore, #tpu.memory_space<semaphore_mem>>)
      %lt3A_296 = arith.constant 124 : i32
      %lt3A_297 = arith.cmpi slt, %scan3A_143, %lt3A_296 : i32
      %convert_element_type3A_298 = arith.extui %lt3A_297 : i1 to i32
      %cond3A_299 = arith.constant 0 : i32
      %cond3A_300 = arith.cmpi ne, %convert_element_type3A_298, %cond3A_299 : i32
      scf.if %cond3A_300 {
        %add3A_301 = arith.constant 2 : i32
        %add3A_302 = arith.addi %add3A_147, %add3A_301 : i32
        %mul3A_303 = arith.constant 10000 : i32
        %mul3A_304 = arith.muli %add3A, %mul3A_303 : i32
        %mul3A_305 = arith.constant 40 : i32
        %mul3A_306 = arith.muli %add3A_302, %mul3A_305 : i32
        %add3A_307 = arith.addi %mul3A_304, %mul3A_306 : i32
        %mul3A_308 = arith.constant 5 : i32
        %mul3A_309 = arith.muli %add3A_307, %mul3A_308 : i32
        %dma_wait3A_310 = tpu.memref_slice %arg5[%mul3A_309] : memref<1600000xi32, #tpu.memory_space<hbm>> -> memref<200xi32, #tpu.memory_space<hbm>>
        %dma_wait3A_311 = tpu.memref_slice %arg5[%mul3A_309] : memref<1600000xi32, #tpu.memory_space<hbm>> -> memref<200xi32, #tpu.memory_space<hbm>>
        tpu.wait_dma2 semaphore(%arg22 : memref<!tpu.dma_semaphore, #tpu.memory_space<semaphore_mem>>) src(%dma_wait3A_311 : memref<200xi32, #tpu.memory_space<hbm>>) dst(%arg14 : memref<200xi32, #tpu.memory_space<vmem>>)
        %add3A_312 = arith.constant 2 : i32
        %add3A_313 = arith.addi %add3A_147, %add3A_312 : i32
        %mul3A_314 = arith.constant 40 : i32
        %mul3A_315 = arith.muli %add3A_313, %mul3A_314 : i32
        %dma_start3A_316 = tpu.memref_slice %arg7[%mul3A_315] : memref<10000xi32, #tpu.memory_space<vmem>> -> memref<40xi32, #tpu.memory_space<vmem>>
        %dma_start3A_317 = arith.constant 0 : i32
        %dma_start3A_318 = arith.constant 0 : i32
        %dma_start3A_319 = tpu.memref_slice %arg2[%dma_start3A_317, %dma_start3A_318] : memref<10240x128xf32, #tpu.memory_space<hbm>> -> memref<10240x128xf32, #tpu.memory_space<hbm>>
        tpu.enqueue_indirect_dma source(%dma_start3A_319 : memref<10240x128xf32, #tpu.memory_space<hbm>>) target(%arg15 : memref<40x128xf32, #tpu.memory_space<vmem>>) offsets(%dma_start3A_316 : memref<40xi32, #tpu.memory_space<vmem>>) semaphore(%arg20 : memref<!tpu.dma_semaphore, #tpu.memory_space<semaphore_mem>>)
        %mul3A_320 = arith.constant 40 : i32
        %mul3A_321 = arith.muli %add3A_313, %mul3A_320 : i32
        %dma_start3A_322 = tpu.memref_slice %arg8[%mul3A_321] : memref<10000xi32, #tpu.memory_space<vmem>> -> memref<40xi32, #tpu.memory_space<vmem>>
        %dma_start3A_323 = arith.constant 0 : i32
        %dma_start3A_324 = arith.constant 0 : i32
        %dma_start3A_325 = tpu.memref_slice %arg2[%dma_start3A_323, %dma_start3A_324] : memref<10240x128xf32, #tpu.memory_space<hbm>> -> memref<10240x128xf32, #tpu.memory_space<hbm>>
        tpu.enqueue_indirect_dma source(%dma_start3A_325 : memref<10240x128xf32, #tpu.memory_space<hbm>>) target(%arg16 : memref<40x128xf32, #tpu.memory_space<vmem>>) offsets(%dma_start3A_322 : memref<40xi32, #tpu.memory_space<vmem>>) semaphore(%arg20 : memref<!tpu.dma_semaphore, #tpu.memory_space<semaphore_mem>>)
        %dma_start3A_326 = arith.constant 0 : i32
        %dma_start3A_327 = arith.constant 0 : i32
        %dma_start3A_328 = tpu.memref_slice %arg17[%dma_start3A_326, %dma_start3A_327] : memref<200x128xf32, #tpu.memory_space<vmem>> -> memref<40x128xf32, #tpu.memory_space<vmem>>
        %dma_start3A_329 = arith.constant 0 : i32
        %dma_start3A_330 = tpu.memref_slice %arg14[%dma_start3A_329] : memref<200xi32, #tpu.memory_space<vmem>> -> memref<40xi32, #tpu.memory_space<vmem>>
        %dma_start3A_331 = arith.constant 0 : i32
        %dma_start3A_332 = arith.constant 0 : i32
        %dma_start3A_333 = tpu.memref_slice %arg2[%dma_start3A_331, %dma_start3A_332] : memref<10240x128xf32, #tpu.memory_space<hbm>> -> memref<10240x128xf32, #tpu.memory_space<hbm>>
        tpu.enqueue_indirect_dma source(%dma_start3A_333 : memref<10240x128xf32, #tpu.memory_space<hbm>>) target(%dma_start3A_328 : memref<40x128xf32, #tpu.memory_space<vmem>>) offsets(%dma_start3A_330 : memref<40xi32, #tpu.memory_space<vmem>>) semaphore(%arg20 : memref<!tpu.dma_semaphore, #tpu.memory_space<semaphore_mem>>)
        %dma_start3A_334 = arith.constant 40 : i32
        %dma_start3A_335 = arith.constant 0 : i32
        %dma_start3A_336 = tpu.memref_slice %arg17[%dma_start3A_334, %dma_start3A_335] : memref<200x128xf32, #tpu.memory_space<vmem>> -> memref<40x128xf32, #tpu.memory_space<vmem>>
        %dma_start3A_337 = arith.constant 40 : i32
        %dma_start3A_338 = tpu.memref_slice %arg14[%dma_start3A_337] : memref<200xi32, #tpu.memory_space<vmem>> -> memref<40xi32, #tpu.memory_space<vmem>>
        %dma_start3A_339 = arith.constant 0 : i32
        %dma_start3A_340 = arith.constant 0 : i32
        %dma_start3A_341 = tpu.memref_slice %arg2[%dma_start3A_339, %dma_start3A_340] : memref<10240x128xf32, #tpu.memory_space<hbm>> -> memref<10240x128xf32, #tpu.memory_space<hbm>>
        tpu.enqueue_indirect_dma source(%dma_start3A_341 : memref<10240x128xf32, #tpu.memory_space<hbm>>) target(%dma_start3A_336 : memref<40x128xf32, #tpu.memory_space<vmem>>) offsets(%dma_start3A_338 : memref<40xi32, #tpu.memory_space<vmem>>) semaphore(%arg20 : memref<!tpu.dma_semaphore, #tpu.memory_space<semaphore_mem>>)
        %dma_start3A_342 = arith.constant 80 : i32
        %dma_start3A_343 = arith.constant 0 : i32
        %dma_start3A_344 = tpu.memref_slice %arg17[%dma_start3A_342, %dma_start3A_343] : memref<200x128xf32, #tpu.memory_space<vmem>> -> memref<40x128xf32, #tpu.memory_space<vmem>>
        %dma_start3A_345 = arith.constant 80 : i32
        %dma_start3A_346 = tpu.memref_slice %arg14[%dma_start3A_345] : memref<200xi32, #tpu.memory_space<vmem>> -> memref<40xi32, #tpu.memory_space<vmem>>
        %dma_start3A_347 = arith.constant 0 : i32
        %dma_start3A_348 = arith.constant 0 : i32
        %dma_start3A_349 = tpu.memref_slice %arg2[%dma_start3A_347, %dma_start3A_348] : memref<10240x128xf32, #tpu.memory_space<hbm>> -> memref<10240x128xf32, #tpu.memory_space<hbm>>
        tpu.enqueue_indirect_dma source(%dma_start3A_349 : memref<10240x128xf32, #tpu.memory_space<hbm>>) target(%dma_start3A_344 : memref<40x128xf32, #tpu.memory_space<vmem>>) offsets(%dma_start3A_346 : memref<40xi32, #tpu.memory_space<vmem>>) semaphore(%arg20 : memref<!tpu.dma_semaphore, #tpu.memory_space<semaphore_mem>>)
        %dma_start3A_350 = arith.constant 120 : i32
        %dma_start3A_351 = arith.constant 0 : i32
        %dma_start3A_352 = tpu.memref_slice %arg17[%dma_start3A_350, %dma_start3A_351] : memref<200x128xf32, #tpu.memory_space<vmem>> -> memref<40x128xf32, #tpu.memory_space<vmem>>
        %dma_start3A_353 = arith.constant 120 : i32
        %dma_start3A_354 = tpu.memref_slice %arg14[%dma_start3A_353] : memref<200xi32, #tpu.memory_space<vmem>> -> memref<40xi32, #tpu.memory_space<vmem>>
        %dma_start3A_355 = arith.constant 0 : i32
        %dma_start3A_356 = arith.constant 0 : i32
        %dma_start3A_357 = tpu.memref_slice %arg2[%dma_start3A_355, %dma_start3A_356] : memref<10240x128xf32, #tpu.memory_space<hbm>> -> memref<10240x128xf32, #tpu.memory_space<hbm>>
        tpu.enqueue_indirect_dma source(%dma_start3A_357 : memref<10240x128xf32, #tpu.memory_space<hbm>>) target(%dma_start3A_352 : memref<40x128xf32, #tpu.memory_space<vmem>>) offsets(%dma_start3A_354 : memref<40xi32, #tpu.memory_space<vmem>>) semaphore(%arg20 : memref<!tpu.dma_semaphore, #tpu.memory_space<semaphore_mem>>)
        %dma_start3A_358 = arith.constant 160 : i32
        %dma_start3A_359 = arith.constant 0 : i32
        %dma_start3A_360 = tpu.memref_slice %arg17[%dma_start3A_358, %dma_start3A_359] : memref<200x128xf32, #tpu.memory_space<vmem>> -> memref<40x128xf32, #tpu.memory_space<vmem>>
        %dma_start3A_361 = arith.constant 160 : i32
        %dma_start3A_362 = tpu.memref_slice %arg14[%dma_start3A_361] : memref<200xi32, #tpu.memory_space<vmem>> -> memref<40xi32, #tpu.memory_space<vmem>>
        %dma_start3A_363 = arith.constant 0 : i32
        %dma_start3A_364 = arith.constant 0 : i32
        %dma_start3A_365 = tpu.memref_slice %arg2[%dma_start3A_363, %dma_start3A_364] : memref<10240x128xf32, #tpu.memory_space<hbm>> -> memref<10240x128xf32, #tpu.memory_space<hbm>>
        tpu.enqueue_indirect_dma source(%dma_start3A_365 : memref<10240x128xf32, #tpu.memory_space<hbm>>) target(%dma_start3A_360 : memref<40x128xf32, #tpu.memory_space<vmem>>) offsets(%dma_start3A_362 : memref<40xi32, #tpu.memory_space<vmem>>) semaphore(%arg20 : memref<!tpu.dma_semaphore, #tpu.memory_space<semaphore_mem>>)
      } else {
      }
    }
    %scan3A_127 = arith.constant 125 : i32
    %mul3A_128 = arith.constant 10000 : i32
    %mul3A_129 = arith.muli %add3A, %mul3A_128 : i32
    %add3A_130 = arith.constant 0 : i32
    %add3A_131 = arith.addi %mul3A_129, %add3A_130 : i32
    %dma_wait3A = arith.constant 0 : i32
    %dma_wait3A_132 = tpu.memref_slice %arg6[%add3A_131, %dma_wait3A] : memref<320000x128xf32, #tpu.memory_space<hbm>> -> memref<40x128xf32, #tpu.memory_space<hbm>>
    %dma_wait3A_133 = arith.constant 0 : i32
    %dma_wait3A_134 = tpu.memref_slice %arg6[%add3A_131, %dma_wait3A_133] : memref<320000x128xf32, #tpu.memory_space<hbm>> -> memref<40x128xf32, #tpu.memory_space<hbm>>
    tpu.wait_dma2 semaphore(%arg23 : memref<!tpu.dma_semaphore, #tpu.memory_space<semaphore_mem>>) src(%arg13 : memref<40x128xf32, #tpu.memory_space<vmem>>) dst(%dma_wait3A_134 : memref<40x128xf32, #tpu.memory_space<hbm>>)
    %mul3A_135 = arith.constant 10000 : i32
    %mul3A_136 = arith.muli %add3A, %mul3A_135 : i32
    %add3A_137 = arith.constant 0 : i32
    %add3A_138 = arith.addi %mul3A_136, %add3A_137 : i32
    %dma_wait3A_139 = arith.constant 0 : i32
    %dma_wait3A_140 = tpu.memref_slice %arg6[%add3A_138, %dma_wait3A_139] : memref<320000x128xf32, #tpu.memory_space<hbm>> -> memref<40x128xf32, #tpu.memory_space<hbm>>
    %dma_wait3A_141 = arith.constant 0 : i32
    %dma_wait3A_142 = tpu.memref_slice %arg6[%add3A_138, %dma_wait3A_141] : memref<320000x128xf32, #tpu.memory_space<hbm>> -> memref<40x128xf32, #tpu.memory_space<hbm>>
    tpu.wait_dma2 semaphore(%arg24 : memref<!tpu.dma_semaphore, #tpu.memory_space<semaphore_mem>>) src(%arg18 : memref<40x128xf32, #tpu.memory_space<vmem>>) dst(%dma_wait3A_142 : memref<40x128xf32, #tpu.memory_space<hbm>>)
    return
  }
}

module attributes {stable_mosaic.version = 14 : i64} {
  func.func @_dense_body(%arg0: i32, %arg1: memref<1024x128xf32, #tpu.memory_space<vmem>>, %arg2: memref<1024x128xf32, #tpu.memory_space<vmem>>, %arg3: memref<1024x128xf32, #tpu.memory_space<vmem>>, %arg4: memref<128x256xf32, #tpu.memory_space<vmem>>, %arg5: memref<1024x128xf32, #tpu.memory_space<vmem>>) attributes {dimension_semantics = [#tpu.dimension_semantics<arbitrary>], iteration_bounds = array<i64: 10>, scalar_prefetch = 0 : i64, scratch_operands = 0 : i64, tpu.core_type = #tpu.core_type<tc>, window_params = [{transform_indices = @transform_0, window_bounds = array<i64: 1024, 128>}, {transform_indices = @transform_1, window_bounds = array<i64: 1024, 128>}, {transform_indices = @transform_2, window_bounds = array<i64: 1024, 128>}, {pipeline_mode = #tpu.pipeline_mode<synchronous>, transform_indices = @transform_3, window_bounds = array<i64: 128, 256>}, {transform_indices = @transform_4, window_bounds = array<i64: 1024, 128>}]} {
    %get3A = arith.constant 0 : index
    %get3A_0 = arith.constant 0 : index
    %get3A_1 = vector.load %arg2[%get3A, %get3A_0] : memref<1024x128xf32, #tpu.memory_space<vmem>>, vector<1024x128xf32>
    %get3A_2 = arith.constant 0 : index
    %get3A_3 = arith.constant 0 : index
    %get3A_4 = vector.load %arg3[%get3A_2, %get3A_3] : memref<1024x128xf32, #tpu.memory_space<vmem>>, vector<1024x1xf32>
    %get3A_5 = vector.shape_cast %get3A_4 : vector<1024x1xf32> to vector<1024xf32>
    %max3A = arith.constant 1.000000e+00 : f32
    %max3A_6 = vector.broadcast %max3A : f32 to vector<1024xf32>
    %max3A_7 = arith.maximumf %get3A_5, %max3A_6 : vector<1024xf32>
    %broadcast_in_dim3A = vector.shape_cast %max3A_7 : vector<1024xf32> to vector<1024x1xf32>
    %div3A = vector.broadcast %broadcast_in_dim3A : vector<1024x1xf32> to vector<1024x128xf32>
    %div3A_8 = arith.divf %get3A_1, %div3A : vector<1024x128xf32>
    %get3A_9 = arith.constant 0 : index
    %get3A_10 = arith.constant 0 : index
    %get3A_11 = vector.load %arg1[%get3A_9, %get3A_10] : memref<1024x128xf32, #tpu.memory_space<vmem>>, vector<1024x128xf32>
    %concatenate3A = tpu.concatenate %get3A_11, %div3A_8 in 1 : vector<1024x128xf32>, vector<1024x128xf32> -> vector<1024x256xf32>
    %get3A_12 = arith.constant 0 : index
    %get3A_13 = arith.constant 0 : index
    %get3A_14 = vector.load %arg4[%get3A_12, %get3A_13] : memref<128x256xf32, #tpu.memory_space<vmem>>, vector<128x256xf32>
    %dot_general3A = arith.constant dense<0.000000e+00> : vector<1024x128xf32>
    %dot_general3A_15 = tpu.matmul %concatenate3A, %get3A_14, %dot_general3A {dimension_numbers = #tpu.dot_dimension_numbers<[1], [1], [0], [0], [0, 0, 1, 0], [], []>, transpose_lhs_hint = false} : vector<1024x256xf32>, vector<128x256xf32>, vector<1024x128xf32> -> vector<1024x128xf32>
    %neg3A = arith.constant 0.000000e+00 : f32
    %neg3A_16 = vector.broadcast %neg3A : f32 to vector<1024x128xf32>
    %neg3A_17 = arith.subf %neg3A_16, %dot_general3A_15 : vector<1024x128xf32>
    %exp3A = math.exp %neg3A_17 : vector<1024x128xf32>
    %add3A = arith.constant 1.000000e+00 : f32
    %add3A_18 = vector.broadcast %add3A : f32 to vector<1024x128xf32>
    %add3A_19 = arith.addf %add3A_18, %exp3A : vector<1024x128xf32>
    %div3A_20 = arith.constant 1.000000e+00 : f32
    %div3A_21 = vector.broadcast %div3A_20 : f32 to vector<1024x128xf32>
    %div3A_22 = arith.divf %div3A_21, %add3A_19 : vector<1024x128xf32>
    %mul3A = arith.mulf %div3A_22, %div3A_22 : vector<1024x128xf32>
    %reduce_sum3A = arith.constant dense<0.000000e+00> : vector<1024xf32>
    %reduce_sum3A_23 = vector.multi_reduction <add>, %mul3A, %reduce_sum3A [1] : vector<1024x128xf32> to vector<1024xf32>
    %broadcast_in_dim3A_24 = vector.shape_cast %reduce_sum3A_23 : vector<1024xf32> to vector<1024x1xf32>
    %rsqrt3A = math.rsqrt %broadcast_in_dim3A_24 : vector<1024x1xf32>
    %mul3A_25 = vector.broadcast %rsqrt3A : vector<1024x1xf32> to vector<1024x128xf32>
    %mul3A_26 = arith.mulf %div3A_22, %mul3A_25 : vector<1024x128xf32>
    %swap3A = arith.constant 0 : index
    %swap3A_27 = arith.constant 0 : index
    %swap3A_28 = vector.load %arg5[%swap3A, %swap3A_27] : memref<1024x128xf32, #tpu.memory_space<vmem>>, vector<1024x128xf32>
    tpu.vector_store %arg5[%swap3A, %swap3A_27], %mul3A_26 {strides = array<i32>} : memref<1024x128xf32, #tpu.memory_space<vmem>>, vector<1024x128xf32>,
    return
  }
  func.func @transform_0(%arg0: i32) -> (i32, i32) {
    %c0_i32 = arith.constant 0 : i32
    %c0_i32_0 = arith.constant 0 : i32
    return %arg0, %c0_i32 : i32, i32
  }
  func.func @transform_1(%arg0: i32) -> (i32, i32) {
    %c0_i32 = arith.constant 0 : i32
    %c0_i32_0 = arith.constant 0 : i32
    return %arg0, %c0_i32 : i32, i32
  }
  func.func @transform_2(%arg0: i32) -> (i32, i32) {
    %c0_i32 = arith.constant 0 : i32
    %c0_i32_0 = arith.constant 0 : i32
    return %arg0, %c0_i32 : i32, i32
  }
  func.func @transform_3(%arg0: i32) -> (i32, i32) {
    %c0_i32 = arith.constant 0 : i32
    %c0_i32_0 = arith.constant 0 : i32
    %c0_i32_1 = arith.constant 0 : i32
    return %c0_i32, %c0_i32_0 : i32, i32
  }
  func.func @transform_4(%arg0: i32) -> (i32, i32) {
    %c0_i32 = arith.constant 0 : i32
    %c0_i32_0 = arith.constant 0 : i32
    return %arg0, %c0_i32 : i32, i32
  }
}

module attributes {stable_mosaic.version = 14 : i64} {
  func.func @_red_body(%arg0: i32, %arg1: memref<8000x128xf32, #tpu.memory_space<vmem>>, %arg2: memref<1x1xf32, #tpu.memory_space<smem>>) attributes {dimension_semantics = [#tpu.dimension_semantics<arbitrary>], iteration_bounds = array<i64: 40>, scalar_prefetch = 0 : i64, scratch_operands = 0 : i64, tpu.core_type = #tpu.core_type<tc>, window_params = [{transform_indices = @transform_0, window_bounds = array<i64: 8000, 128>}, {transform_indices = @transform_1, window_bounds = array<i64: 1, 1>}]} {
    %get3A = arith.constant 0 : index
    %get3A_0 = arith.constant 0 : index
    %get3A_1 = vector.load %arg1[%get3A, %get3A_0] : memref<8000x128xf32, #tpu.memory_space<vmem>>, vector<8000x128xf32>
    %iota3A = tpu.iota {dimensions = array<i32: 0>} : vector<128x8xi32>
    %jit3A = arith.constant 16 : i32
    %div3A = vector.broadcast %jit3A : i32 to vector<128x8xi32>
    %div3A_2 = arith.divsi %iota3A, %div3A : vector<128x8xi32>
    %sign3A = arith.constant 0 : i32
    %sign3A_3 = vector.broadcast %sign3A : i32 to vector<128x8xi32>
    %sign3A_4 = arith.cmpi sgt, %iota3A, %sign3A_3 : vector<128x8xi32>
    %sign3A_5 = arith.extui %sign3A_4 : vector<128x8xi1> to vector<128x8xi32>
    %sign3A_6 = arith.constant 0 : i32
    %sign3A_7 = vector.broadcast %sign3A_6 : i32 to vector<128x8xi32>
    %sign3A_8 = arith.cmpi slt, %iota3A, %sign3A_7 : vector<128x8xi32>
    %sign3A_9 = arith.extui %sign3A_8 : vector<128x8xi1> to vector<128x8xi32>
    %sign3A_10 = arith.subi %sign3A_5, %sign3A_9 : vector<128x8xi32>
    %sign3A_11 = arith.constant 0 : i32
    %sign3A_12 = arith.cmpi sgt, %jit3A, %sign3A_11 : i32
    %sign3A_13 = arith.extui %sign3A_12 : i1 to i32
    %sign3A_14 = arith.constant 0 : i32
    %sign3A_15 = arith.cmpi slt, %jit3A, %sign3A_14 : i32
    %sign3A_16 = arith.extui %sign3A_15 : i1 to i32
    %sign3A_17 = arith.subi %sign3A_13, %sign3A_16 : i32
    %ne3A = vector.broadcast %sign3A_17 : i32 to vector<128x8xi32>
    %ne3A_18 = arith.cmpi ne, %sign3A_10, %ne3A : vector<128x8xi32>
    %rem3A = vector.broadcast %jit3A : i32 to vector<128x8xi32>
    %rem3A_19 = arith.remsi %iota3A, %rem3A : vector<128x8xi32>
    %ne3A_20 = arith.constant 0 : i32
    %ne3A_21 = vector.broadcast %ne3A_20 : i32 to vector<128x8xi32>
    %ne3A_22 = arith.cmpi ne, %rem3A_19, %ne3A_21 : vector<128x8xi32>
    %and3A = arith.andi %ne3A_18, %ne3A_22 : vector<128x8xi1>
    %sub3A = arith.constant 1 : i32
    %sub3A_23 = vector.broadcast %sub3A : i32 to vector<128x8xi32>
    %sub3A_24 = arith.subi %div3A_2, %sub3A_23 : vector<128x8xi32>
    %select_n3A = arith.select %and3A, %sub3A_24, %div3A_2 : vector<128x8xi1>, vector<128x8xi32>
    %iota3A_25 = tpu.iota {dimensions = array<i32: 1>} : vector<128x8xi32>
    %eq3A = arith.cmpi eq, %select_n3A, %iota3A_25 : vector<128x8xi32>
    %eq3A_26 = arith.constant 0 : i32
    %eq3A_27 = vector.broadcast %eq3A_26 : i32 to vector<128x8xi32>
    %eq3A_28 = arith.cmpi eq, %iota3A_25, %eq3A_27 : vector<128x8xi32>
    %jit3A_29 = arith.constant 1.000000e+00 : f32
    %jit3A_30 = arith.constant -1.000000e+00 : f32
    %broadcast_in_dim3A = vector.broadcast %jit3A_29 : f32 to vector<128x8xf32>
    %broadcast_in_dim3A_31 = vector.broadcast %jit3A_30 : f32 to vector<128x8xf32>
    %select_n3A_32 = arith.select %eq3A_28, %broadcast_in_dim3A, %broadcast_in_dim3A_31 : vector<128x8xi1>, vector<128x8xf32>
    %jit3A_33 = arith.constant 0.000000e+00 : f32
    %broadcast_in_dim3A_34 = vector.broadcast %jit3A_33 : f32 to vector<128x8xf32>
    %select_n3A_35 = arith.select %eq3A, %select_n3A_32, %broadcast_in_dim3A_34 : vector<128x8xi1>, vector<128x8xf32>
    %dot_general3A = arith.constant dense<0.000000e+00> : vector<8000x8xf32>
    %dot_general3A_36 = tpu.matmul %get3A_1, %select_n3A_35, %dot_general3A {dimension_numbers = #tpu.dot_dimension_numbers<[1], [0], [0], [1], [0, 0, 1, 1], [], []>, transpose_lhs_hint = false} : vector<8000x128xf32>, vector<128x8xf32>, vector<8000x8xf32> -> vector<8000x8xf32>
    %iota3A_37 = tpu.iota {dimensions = array<i32: 1>} : vector<8000x8xi32>
    %lt3A = arith.constant 6 : i32
    %lt3A_38 = vector.broadcast %lt3A : i32 to vector<8000x8xi32>
    %lt3A_39 = arith.cmpi slt, %iota3A_37, %lt3A_38 : vector<8000x8xi32>
    %min3A = arith.constant 0.000000e+00 : f32
    %min3A_40 = vector.broadcast %min3A : f32 to vector<8000x8xf32>
    %min3A_41 = arith.minimumf %dot_general3A_36, %min3A_40 : vector<8000x8xf32>
    %abs3A = math.absf %dot_general3A_36 : vector<8000x8xf32>
    %neg3A = arith.constant 0.000000e+00 : f32
    %neg3A_42 = vector.broadcast %neg3A : f32 to vector<8000x8xf32>
    %neg3A_43 = arith.subf %neg3A_42, %abs3A : vector<8000x8xf32>
    %exp3A = math.exp %neg3A_43 : vector<8000x8xf32>
    %log1p3A = math.log1p %exp3A : vector<8000x8xf32>
    %sub3A_44 = arith.subf %min3A_41, %log1p3A : vector<8000x8xf32>
    %jit3A_45 = arith.constant 0.000000e+00 : f32
    %broadcast_in_dim3A_46 = vector.broadcast %jit3A_45 : f32 to vector<8000x8xf32>
    %select_n3A_47 = arith.select %lt3A_39, %sub3A_44, %broadcast_in_dim3A_46 : vector<8000x8xi1>, vector<8000x8xf32>
    %reduce_sum3A = vector.shape_cast %select_n3A_47 : vector<8000x8xf32> to vector<1x8000x8xf32>
    %reduce_sum3A_48 = arith.constant dense<0.000000e+00> : vector<1xf32>
    %reduce_sum3A_49 = vector.multi_reduction <add>, %reduce_sum3A, %reduce_sum3A_48 [1, 2] : vector<1x8000x8xf32> to vector<1xf32>
    %reduce_sum3A_50 = vector.shape_cast %reduce_sum3A_49 : vector<1xf32> to vector<1x1x1xf32>
    %reduce_sum3A_51 = vector.extract %reduce_sum3A_50[0, 0, 0] : f32 from vector<1x1x1xf32>
    %eq3A_52 = arith.constant 0 : i32
    %eq3A_53 = arith.cmpi eq, %arg0, %eq3A_52 : i32
    %convert_element_type3A = arith.extui %eq3A_53 : i1 to i32
    %cond3A = arith.constant 0 : i32
    %cond3A_54 = arith.cmpi ne, %convert_element_type3A, %cond3A : i32
    scf.if %cond3A_54 {
      %swap3A_60 = arith.constant 0.000000e+00 : f32
      %swap3A_61 = arith.constant 0 : index
      %swap3A_62 = arith.constant 0 : index
      %swap3A_63 = memref.load %arg2[%swap3A_61, %swap3A_62] : memref<1x1xf32, #tpu.memory_space<smem>>
      memref.store %swap3A_60, %arg2[%swap3A_61, %swap3A_62] : memref<1x1xf32, #tpu.memory_space<smem>>
    } else {
    }
    %get3A_55 = arith.constant 0 : index
    %get3A_56 = arith.constant 0 : index
    %get3A_57 = memref.load %arg2[%get3A_55, %get3A_56] : memref<1x1xf32, #tpu.memory_space<smem>>
    %add3A = arith.addf %get3A_57, %reduce_sum3A_51 : f32
    %swap3A = arith.constant 0 : index
    %swap3A_58 = arith.constant 0 : index
    %swap3A_59 = memref.load %arg2[%swap3A, %swap3A_58] : memref<1x1xf32, #tpu.memory_space<smem>>
    memref.store %add3A, %arg2[%swap3A, %swap3A_58] : memref<1x1xf32, #tpu.memory_space<smem>>
    return
  }
  func.func @transform_0(%arg0: i32) -> (i32, i32) {
    %c0_i32 = arith.constant 0 : i32
    %c0_i32_0 = arith.constant 0 : i32
    return %arg0, %c0_i32 : i32, i32
  }
  func.func @transform_1(%arg0: i32) -> (i32, i32) {
    %c0_i32 = arith.constant 0 : i32
    %c0_i32_0 = arith.constant 0 : i32
    %c0_i32_1 = arith.constant 0 : i32
    return %c0_i32, %c0_i32_0 : i32, i32
  }
}

</mosaic_0001>

<sc_bundles>
// kernel: kernel.12.cloned.1.call-start
scs
__scs_entry_jumppad:
0x0: {  	(pc) =	sbr.rel $0x88, $3  }
0x1: {  	(tag) =	ssettag $0x0;
	lr =	simm.s32 $0x1  }
0x2: {  	[smem:$0x3F9C] =	sst lr;
	_ =	strace $0xD0000000  }
0x3: {  	_ = 	snop  }
0x4: {  	_ = 	snop  }
0x5: {  	_ = 	snop  }
0x6: {  	_ = 	snop  }
0x7: {  	_ = 	snop  }
__scs_overlays_trampoline_lowered:
0x8: {  	[smem:$0x3FAB] =	sst s0  }
0x9: {  	[smem:$0x3FAC] =	sst s1  }
0xa: {  	[smem:$0x3FAD] =	sst s2  }
0xb: {  	[smem:$0x3FAE] =	sst s3  }
0xc: {  	[smem:$0x3FAF] =	sst s4  }
0xd: {  	[smem:$0x3FB0] =	sst s5  }
0xe: {  	[smem:$0x3FB1] =	sst s6  }
0xf: {  	[smem:$0x3FB2] =	sst s7  }
0x10: {  	[smem:$0x3FB3] =	sst s8  }
0x11: {  	[smem:$0x3FB4] =	sst s9;
	s0 =	simm.s32 @!p0 $0x0  }
0x12: {  	s1 =	sld [smem:$0x3F9A];
	s0 =	simm.s32 @p0 $0x1  }
0x13: {  	[smem:$0x3FB5] =	sst s0;
	s0 =	simm.s32 @!p1 $0x0  }
0x14: {  	s2 =	sld [smem:$0x3F99];
	s0 =	simm.s32 @p1 $0x1  }
0x15: {  	[smem:$0x3FB6] =	sst s0;
	s0 =	simm.s32 @!p2 $0x0  }
0x16: {  	s3 =	sld [smem:$0x3FDB];
	s0 =	simm.s32 @p2 $0x1  }
0x17: {  	s4 =	simm.s32 $0x1BF5;
	[smem:$0x3FB8] =	sst s0  }
0x18: {  	s0 =	sld [smem:$0x3F9B];
	_ =	swait.ge [sflag:s4], $0x0  }
0x19: {  	s7 =	sld [smem:$0x3F9C]  }
0x1a: {  	s8 =	sadd.s32 $0xFFFFE003, lr  }
0x1b: {  	s9 =	sadd.s32 $0xFFFFFEF7, lr;
	s5 =	simm.s32 $0xFFFFFFFF;
	p2 =	slt.u32 s8, $0xFFFFF086  }
0x1c: {  	p1 =	slt.u32 s9, $0xF7A;
	s5 =	simm.s32 @!p2 $0x0  }
0x1d: {  	s5 =	simm.s32 @p1 $0x1;
	p0 =	seq.s32 s7, s2  }
0x1e: {  	s7 =	smul.u32 @!p0 $0xF7A, s2;
	p2 =	seq.s32 @!p0 s5, $0x0  }
0x1f: {  	s9 =	smul.u32 $0xF7A, s1;
	s8 =	simm.s32 @!p0 $0x1BF5;
	p2 =	por !p2, p0  }
0x20: {  	[sflag:s8] =	ssyncset.s32 @!p0 $0xFFFFF086;
	s6 =	sadd.s32 @!p0 s3, s7;
	s7 =	simm.s32 @!p0 $0x108  }
0x21: {  	s3 =	sadd.s32 s3, s9;
	s6 =	sadd.s32 @!p0 $0x88, s6;
	s7 =	simm.s32 @p2 $0x1082  }
0x22: {  	[simem:s7], [sflag:s8] =	dma.local @!p0 [hbm:s6], $0xF7A  }
0x23: {  	s9 =	sor.u32 $0xD0000000, s2;
	s6 =	simm.s32 $0x108;
	_ =	swait.ge @!p0 [sflag:s8], $0x0  }
0x24: {  	s3 =	sadd.s32 $0x88, s3;
	s6 =	simm.s32 @!p1 $0x1082;
	[sflag:s4] =	ssyncset.s32 $0xFFFFF086  }
0x25: {  	[simem:s6], [sflag:s4] =	dma.local [hbm:s3], $0xF7A  }
0x26: {  	[smem:$0x3F9C] =	sst s1;
	(tag) =	ssettag s2;
	_ =	strace s9  }
0x27: {  	s1 =	sld [smem:$0x3FAC]  }
0x28: {  	s2 =	sld [smem:$0x3FAD]  }
0x29: {  	s4 =	sld [smem:$0x3FAF]  }
0x2a: {  	p0 =	seq.s32 s5, $0x0;
	s5 =	sld [smem:$0x3FB0]  }
0x2b: {  	s6 =	sld [smem:$0x3FB1]  }
0x2c: {  	s7 =	sld [smem:$0x3FB2]  }
0x2d: {  	s3 =	simm.s32 $0x108;
	s8 =	sld [smem:$0x3FB3]  }
0x2e: {  	s3 =	simm.s32 @!p0 $0x1082;
	s9 =	sld [smem:$0x3FB4]  }
0x2f: {  	lr =	sadd.s32 s0, s3;
	s0 =	sld [smem:$0x3FAB]  }
0x30: {  	s3 =	sld [smem:$0x3FAE]  }
0x31: {  	[smem:$0x3FB7] =	sst s10  }
0x32: {  	s10 =	sld [smem:$0x3FB5];
	_ =	sdelay $0x3  }
0x33: {  	p0 =	seq.s32 s10, $0x1;
	s10 =	sld [smem:$0x3FB7];
	_ =	sdelay $0x3  }
0x34: {  	[smem:$0x3FB7] =	sst s10  }
0x35: {  	s10 =	sld [smem:$0x3FB6];
	_ =	sdelay $0x3  }
0x36: {  	p1 =	seq.s32 s10, $0x1;
	s10 =	sld [smem:$0x3FB7];
	_ =	sdelay $0x3  }
0x37: {  	[smem:$0x3FB7] =	sst s10  }
0x38: {  	s10 =	sld [smem:$0x3FB8]  }
0x39: {  	_ = 	snop;
	(pc) =	sbr.ind lr, $3  }
0x3a: {  	_ = 	snop  }
0x3b: {  	_ = 	snop  }
0x3c: {  	p2 =	seq.s32 s10, $0x1;
	s10 =	sld [smem:$0x3FB7]  }
0x3d: {  	_ =	shalt  }
0x3e: {  	_ =	shalt  }
0x3f: {  	_ =	shalt  }
0x40: {  	_ =	shalt  }
0x41: {  	_ =	shalt  }
0x42: {  	_ =	shalt  }
0x43: {  	_ =	shalt  }
0x44: {  	_ =	shalt  }
0x45: {  	_ =	shalt  }
0x46: {  	_ =	shalt  }
0x47: {  	_ =	shalt  }
0x48: {  	_ =	shalt  }
0x49: {  	_ =	shalt  }
0x4a: {  	_ =	shalt  }
0x4b: {  	_ =	shalt  }
0x4c: {  	_ =	shalt  }
0x4d: {  	_ =	shalt  }
0x4e: {  	_ =	shalt  }
0x4f: {  	_ =	shalt  }
0x50: {  	_ =	shalt  }
0x51: {  	_ =	shalt  }
0x52: {  	_ =	shalt  }
0x53: {  	_ =	shalt  }
0x54: {  	_ =	shalt  }
0x55: {  	_ =	shalt  }
0x56: {  	_ =	shalt  }
0x57: {  	_ =	shalt  }
0x58: {  	_ =	shalt  }
0x59: {  	_ =	shalt  }
0x5a: {  	_ =	shalt  }
0x5b: {  	_ =	shalt  }
0x5c: {  	_ =	shalt  }
0x5d: {  	_ =	shalt  }
0x5e: {  	_ =	shalt  }
0x5f: {  	_ =	shalt  }
0x60: {  	_ =	shalt  }
0x61: {  	_ =	shalt  }
0x62: {  	_ =	shalt  }
0x63: {  	_ =	shalt  }
0x64: {  	_ =	shalt  }
0x65: {  	_ =	shalt  }
0x66: {  	_ =	shalt  }
0x67: {  	_ =	shalt  }
0x68: {  	_ =	shalt  }
0x69: {  	_ =	shalt  }
0x6a: {  	_ =	shalt  }
0x6b: {  	_ =	shalt  }
0x6c: {  	_ =	shalt  }
0x6d: {  	_ =	shalt  }
0x6e: {  	_ =	shalt  }
0x6f: {  	_ =	shalt  }
0x70: {  	_ =	shalt  }
0x71: {  	_ =	shalt  }
0x72: {  	_ =	shalt  }
0x73: {  	_ =	shalt  }
0x74: {  	_ =	shalt  }
0x75: {  	_ =	shalt  }
0x76: {  	_ =	shalt  }
0x77: {  	_ =	shalt  }
0x78: {  	_ =	shalt  }
0x79: {  	_ =	shalt  }
0x7a: {  	_ =	shalt  }
0x7b: {  	_ =	shalt  }
0x7c: {  	_ =	shalt  }
0x7d: {  	_ =	shalt  }
0x7e: {  	_ =	shalt  }
0x7f: {  	_ =	shalt  }
0x80: {  	_ =	shalt  }
0x81: {  	_ =	shalt  }
0x82: {  	_ =	shalt  }
0x83: {  	_ =	shalt  }
0x84: {  	_ =	shalt  }
0x85: {  	_ =	shalt  }
0x86: {  	_ =	shalt  }
0x87: {  	_ =	shalt  }
.Lfunc_end0:
.L_simem_size_0:
called_computation.1_lowered:
.L_overlay_start_0:
0x88: {  	s2 =	sld [smem:$0x3FD9]  }
0x89: {  	s3 =	sld [smem:$0x3FFE];
	_ =	sdelay $0x1  }
0x8a: {  	s1 =	srdreg.scid  }
0x8b: {  	s0 =	sand.u32 $0x1, s1  }
0x8c: {  	s16 =	sshll.u32 s0, $0xA;
	s2 =	sadd.s32 s3, s2  }
0x8d: {  	s2 =	sadd.s32 s2, s16  }
0x8e: {  	[smem:$0x3FC3] =	sst s2  }
0x8f: {  	_ = 	snop  }
0x90: {  	(tm) =	ssettm $0x1  }
0x91: {  	s17 =	sld [smem:$0x3FFB];
	_ =	sdelay $0x3  }
0x92: {  	_ =	strace s17  }
0x93: {  	s2 =	sld [smem:$0x3FFC];
	_ =	sdelay $0x3  }
0x94: {  	_ =	strace s2  }
0x95: {  	s2 =	sld [smem:$0x3FFD];
	_ =	sdelay $0x3  }
0x96: {  	_ =	strace s2  }
0x97: {  	_ =	strace $0x8FFFFFFF  }
0x98: {  	s18 =	sld [smem:$0x3FDB];
	_ =	sdelay $0x1  }
0x99: {  	s19 =	simm.s32 $_scs_section_size  }
0x9a: {  	s4 =	simm.s32 $_size__tile_overlayer_lowered;
	s5 =	simm.s32 $_tile_overlayer_lowered  }
0x9b: {  	s22 =	simm.s32 $0x1BFF;
	s21 =	sshll.u32 s5, $0x1;
	s2 =	sadd.s32 s19, s18  }
0x9c: {  	s6 =	simm.s32 $0x0;
	s20 =	sshll.u32 s4, $0x1;
	s4 =	sadd.s32 s21, s2  }
0x9d: {  	[timem:s6], [sflag:s22] =	dma.local [hbm:s4], s20  }
0x9e: {  	_ =	swait.ge [sflag:s22], s20  }
0x9f: {  	s3 =	ssub.s32 $0x0, s20;
	[sflag:s22] =	ssyncset.done $0x0  }
0xa0: {  	[sflag:s22] =	ssyncadd.s32 s3;
	_ =	sdelay $0x1  }
0xa1: {  	s23 =	simm.s32 $0x1B8B  }
0xa2: {  	_ =	swait.ge [sflag:s23], $0x1  }
0xa3: {  	[sflag:s23] =	ssyncset.done $0x0  }
0xa4: {  	s25 =	simm.s32 $0x1B8E;
	s24 =	sld [smem:$0x3FFE];
	[sflag:s23] =	ssyncadd.s32 $0xFFFFFFFF  }
0xa5: {  	s26 =	simm.s32 $execute0_lowered;
	[smem:$0x3FD2] =	sst s25  }
0xa6: {  	s4 =	sshll.u32 s26, $0x1;
	_ =	strace $0x80000046;
	[dreg:$0x1] =	wrdreg $0xFFFFFFFF  }
0xa7: {  	s28 =	simm.s32 $_size_execute0_lowered;
	s2 =	sadd.s32 s2, s4;
	[dreg:$0x0] =	wrdreg $0x0  }
0xa8: {  	s4 =	sshll.u32 s28, $0x1;
	[dreg:$0x2] =	wrdreg s2  }
0xa9: {  	[dreg:$0x3] =	wrdreg s4  }
0xaa: {  	[dreg:$0x4] =	wrdreg $0xC0  }
0xab: {  	_ =	task [dreg:s6], $0x5FFFF  }
0xac: {  	[dreg:$0x1] =	wrdreg $0xFFFFFFFF  }
0xad: {  	[dreg:$0x0] =	wrdreg $0x60  }
0xae: {  	[dreg:$0x2] =	wrdreg s24  }
0xaf: {  	[dreg:$0x3] =	wrdreg $0x116000  }
0xb0: {  	[dreg:$0x4] =	wrdreg $0xA  }
0xb1: {  	_ =	task.clear_ibuf [dreg:s6], $0x5FFFF;
	_ =	strace $0x90000046  }
0xb2: {  	s29 =	simm.s32 $0xA;
	_ =	strace $0x80000048  }
0xb3: {  	_ =	swait.ge [sflag:s29], $0x1  }
0xb4: {  	[sflag:s29] =	ssyncadd.s32 $0xFFFFFFFF  }
0xb5: {  	_ =	strace $0x90000048  }
0xb6: {  	_ =	sfence  }
0xb7: {  	s30 =	sld [smem:$0x0];
	_ =	sdelay $0x2  }
0xb8: {  	s31 =	sshll.u32 s1, $0xD;
	s1 =	sshrl.u32 s1, $0x2  }
0xb9: {  	s3 =	sand.u32 $0x4000, s31;
	s1 =	sadd.s32 s1, s30  }
0xba: {  	s0 =	sor.u32 s3, s0;
	s1 =	sshll.u32 s1, $0x11  }
0xbb: {  	s0 =	sor.u32 s1, s0  }
0xbc: {  	s0 =	sadd.s32 $0x8F2B, s0  }
0xbd: {  	[sflag:s0] =	ssyncadd.remote.s32 $0x1  }
0xbe: {  	_ =	sfence.sel $0xFFFF  }
0xbf: {  	[dreg:$0x0] =	wrdreg $0xFFFFFFFF;
	(pc) =	sbr.abs _section_cstart, $3  }
0xc0: {  	[dreg:$0x1] =	wrdreg $0xFFFFFFFF  }
0xc1: {  	_ =	task.clear_ibuf [dreg:s6], $0x2FFFF;
	_ =	strace $0x9FFFFFFF  }
0xc2: {  	(tm) =	ssettm $0x7FFFFFFF  }
0xc3: {  	_ =	shalt  }
tec
execute0_lowered:
.L_overlay_start_1:
0x0: {  	(tag) =	ssettag $0x1  }
0x1: {  	s5 =	rddreg [dreg:$0x0];
	s0 =	stileid.u32  }
0x2: {  	s1 =	srdreg.scid;
	s2 =	rddreg [dreg:$0x1];
	s3 =	simm.s32 $0x0  }
0x3: {  	s13 =	simm.s32 $0xEE00;
	s14 =	simm.s32 $0x5;
	s15 =	simm.s32 $0x4E80  }
0x4: {  	s16 =	simm.s32 $0x50;
	s17 =	simm.s32 $0x9E00;
	s18 =	simm.s32 $0xC600  }
0x5: {  	s19 =	simm.s32 $0x1;
	s20 =	simm.s32 $0x9D00;
	s21 =	simm.s32 $0x2  }
0x6: {  	s22 =	simm.s32 $0x3;
	s24 =	simm.s32 $0x4;
	s6 =	smul.u32 $0x9C4, s0  }
0x7: {  	s7 =	sand.u32 $0x1, s1;
	s1 =	rddreg [dreg:$0x2];
	s8 =	smul.u32 $0x140, s0  }
0x8: {  	s25 =	simm.s32 $0x0;
	[smem:$0x7FF] =	sst s3;
	s9 =	smul.u32 $0x28000, s0  }
0x9: {  	s4 =	sadd.s32 $0x16A00, s5;
	s23 =	smul.u32 $0x1400, s7;
	_ =	strace $0x80000047  }
0xa: {  	s7 =	ssub.s32 $0x2, s7;
	s10 =	sadd.s32 s6, s5;
	s30 =	sshrl.u32 s9, $0x2  }
.Ltmp0:
0xb: {  	s31 =	sshrl.u32 s7, $0x1;
	s29 =	sadd.s32 s8, s23;
	(pc) =	sbr.rel .LBB2_1-.Ltmp0, $4  }
0xc: {  	s12 =	ssub.s32 s7, s31;
	s9 =	sadd.s32 $0xCC00, s10;
	s6 =	sshll.u32 s29, $0x4  }
0xd: {  	s10 =	sadd.s32 $0x2E00, s10;
	s11 =	sadd.s32 s6, s5;
	s5 =	sadd.s32 s30, s2  }
0xe: {  	v0 =	vmov s23;
	s23 =	simm.s32 $0x9D80;
	s12 =	smax.u32 s12, $0x1;
	s6 =	sadd.s32 $0x2800, s5  }
0xf: {  	v1 =	vimm.f32 $0.0e+00;
	s7 =	sadd.s32 $0x5000, s5;
	s8 =	sadd.s32 $0x7800, s5;
	s11 =	sadd.s32 $0x3EA00, s11  }
.LBB2_6:
0x10: {  	[spmem:s2] =	stream.indirect.scatter.add.f32 [tilespmem:s18], [sflag:$0x4], $0x80, s23, s16, $0xb8;
	[tilespmem:$0x1B640] =	vst v63  }
0x11: {  	_ =	swait.ge [sflag:s22], $0x2800  }
0x12: {  	[sflag:s22] =	ssyncset.done $0x0  }
0x13: {  	[sflag:s22] =	ssyncadd.s32 $0xFFFFD800  }
0x14: {  	_ =	swait.ge [sflag:s24], $0x2800  }
0x15: {  	s26 =	sshll.u32 s0, $0x6;
	s25 =	sadd.s32 $0x1, s25;
	[sflag:s24] =	ssyncset.done $0x0  }
0x16: {  	s28 =	sshrl.u32 s5, $0x3;
	p0 =	sne.s32 s25, s12;
	[sflag:s24] =	ssyncadd.s32 $0xFFFFD800  }
.Ltmp1:
0x17: {  	s26 =	sor.u32 $0x1C05, s26;
	[bflag:$0x0] =	sbarrier.arrive $0xFFFF;
	(pc) =	sbr.rel @!p0 .LBB2_7-.Ltmp1, $4  }
0x18: {  	[hbm:s11], [sflag:s26] =	dma.local [spmem:s28], $0x1400  }
0x19: {  	_ =	swait.ge [sflag:s14], $0x1400  }
0x1a: {  	[sflag:s14] =	ssyncset.done $0x0  }
0x1b: {  	[sflag:s14] =	ssyncadd.s32 $0xFFFFEC00  }
.LBB2_1:
0x1c: {  	s26 =	sand.u32 $0xFE00, s3  }
0x1d: {  	s28 =	sand.u32 $0x70, s3;
	s29 =	sshrl.u32 s26, $0x2  }
0x1e: {  	s26 =	simm.s32 $0x40;
	s29 =	sor.u32 s28, s29;
	s28 =	simm.s32 $0x0  }
.LBB2_2:
0x1f: {  	p0 =	sne.s32 s26, $0x9FC0  }
0x20: {  	[tilespmem:s29+$0xEE00] =	vst v1;
	s28 =	sadd.s32 $0x10, s28;
	s29 =	smov.u32 s26;
	s26 =	sadd.s32 $0x40, s26  }
.Ltmp2:
0x21: {  	(pc) =	sbr.rel @p0 .LBB2_2-.Ltmp2, $4  }
0x22: {  	_ = 	snop  }
0x23: {  	s29 =	sand.u32 $0xFE00, s29  }
0x24: {  	s30 =	sand.u32 $0x70, s28;
	s29 =	sshrl.u32 s29, $0x2  }
0x25: {  	s29 =	sor.u32 s30, s29  }
0x26: {  	[tilespmem:s29+$0xEE00] =	vst v1  }
0x27: {  	[spmem:s5] =	stream.linear.scatter [tilespmem:s13], [sflag:$0x5], $0x2800, $0x38;
	[tilespmem:$0x1B640] =	vst v63  }
0x28: {  	_ =	swait.ge [sflag:s14], $0x2800  }
0x29: {  	[sflag:s14] =	ssyncset.done $0x0  }
0x2a: {  	[sflag:s14] =	ssyncadd.s32 $0xFFFFD800  }
0x2b: {  	[spmem:s6] =	stream.linear.scatter [tilespmem:s13], [sflag:$0x5], $0x2800, $0x38;
	[tilespmem:$0x1B640] =	vst v63  }
0x2c: {  	_ =	swait.ge [sflag:s14], $0x2800  }
0x2d: {  	[sflag:s14] =	ssyncset.done $0x0  }
0x2e: {  	[sflag:s14] =	ssyncadd.s32 $0xFFFFD800  }
0x2f: {  	[spmem:s7] =	stream.linear.scatter [tilespmem:s13], [sflag:$0x5], $0x2800, $0x38;
	[tilespmem:$0x1B640] =	vst v63  }
0x30: {  	_ =	swait.ge [sflag:s14], $0x2800  }
0x31: {  	[sflag:s14] =	ssyncset.done $0x0  }
0x32: {  	[sflag:s14] =	ssyncadd.s32 $0xFFFFD800  }
0x33: {  	[spmem:s8] =	stream.linear.scatter [tilespmem:s13], [sflag:$0x5], $0x2800, $0x38;
	[tilespmem:$0x1B640] =	vst v63  }
0x34: {  	_ =	swait.ge [sflag:s14], $0x2800  }
0x35: {  	[sflag:s14] =	ssyncset.done $0x0  }
0x36: {  	[sflag:s14] =	ssyncadd.s32 $0xFFFFD800  }
0x37: {  	[tilespmem:s3], [sflag:$0x5] =	stream.linear.gather [hbm4b:s9+s3], $0x4E20, $0x38;
	[tilespmem:$0x1B640] =	vst v63  }
0x38: {  	_ =	swait.ge [sflag:s14], $0x4E20  }
0x39: {  	[sflag:s14] =	ssyncset.done $0x0  }
0x3a: {  	[sflag:s14] =	ssyncadd.s32 $0xFFFFB1E0  }
0x3b: {  	[tilespmem:s15], [sflag:$0x5] =	stream.linear.gather [hbm4b:s10+s3], $0x4E20, $0x38;
	[tilespmem:$0x1B640] =	vst v63  }
0x3c: {  	_ =	swait.ge [sflag:s14], $0x4E20  }
0x3d: {  	[sflag:s14] =	ssyncset.done $0x0  }
0x3e: {  	[sflag:s14] =	ssyncadd.s32 $0xFFFFB1E0  }
0x3f: {  	[bflag:$0x0] =	sbarrier.arrive $0xFFFF  }
0x40: {  	[tilespmem:s17], [sflag:$0x1] =	stream.indirect.gather [hbm4b:s4+s16], $0x80, s3, s16, $0xb8;
	[tilespmem:$0x1B640] =	vst v63  }
0x41: {  	_ = 	snop  }
0x42: {  	[tilespmem:s18], [sflag:$0x2] =	stream.indirect.gather [hbm4b:s4+s16], $0x80, s16, s16, $0xb8;
	[tilespmem:$0x1B640] =	vst v63  }
0x43: {  	_ =	swait.ge [sflag:s19], $0x2800  }
0x44: {  	[sflag:s19] =	ssyncset.done $0x0  }
0x45: {  	[sflag:s19] =	ssyncadd.s32 $0xFFFFD800  }
0x46: {  	v2 =	vld [tilespmem:$0x4E80]  }
0x47: {  	v3 =	vld [tilespmem:$0x4E90]  }
0x48: {  	v4 =	vld [tilespmem:$0x4EA0]  }
0x49: {  	v5 =	vld [tilespmem:$0x4EB0]  }
0x4a: {  	v6 =	vld [tilespmem:$0x4EC0]  }
0x4b: {  	v2 =	vsub.s32 v2, v0  }
0x4c: {  	v3 =	vsub.s32 v3, v0;
	v2 =	vmin.u32 v2, $0x1400  }
0x4d: {  	[tilespmem:$0x9D00] =	vst v2;
	v2 =	vmin.u32 v3, $0x1400;
	v3 =	vsub.s32 v4, v0  }
0x4e: {  	[tilespmem:$0x9D10] =	vst v2;
	v2 =	vmin.u32 v3, $0x1400;
	v3 =	vsub.s32 v5, v0  }
0x4f: {  	[tilespmem:$0x9D20] =	vst v2;
	v2 =	vmin.u32 v3, $0x1400;
	v3 =	vsub.s32 v6, v0  }
0x50: {  	[tilespmem:$0x9D30] =	vst v2;
	v2 =	vmin.u32 v3, $0x1400  }
0x51: {  	[tilespmem:$0x9D40] =	vst v2  }
0x52: {  	[spmem:s2] =	stream.indirect.scatter.add.f32 [tilespmem:s17], [sflag:$0x3], $0x80, s20, s16, $0xb8;
	[tilespmem:$0x1B640] =	vst v63  }
0x53: {  	_ =	swait.ge [sflag:s21], $0x2800  }
0x54: {  	[sflag:s21] =	ssyncset.done $0x0  }
0x55: {  	[sflag:s21] =	ssyncadd.s32 $0xFFFFD800  }
0x56: {  	v2 =	vld [tilespmem:$0x4ED0]  }
0x57: {  	v3 =	vld [tilespmem:$0x4EE0]  }
0x58: {  	v61 =	vld [tilespmem:$0x4EF0]  }
0x59: {  	v62 =	vld [tilespmem:$0x4F00]  }
0x5a: {  	v63 =	vld [tilespmem:$0x4F10]  }
0x5b: {  	v2 =	vsub.s32 v2, v0  }
0x5c: {  	v3 =	vsub.s32 v3, v0;
	v2 =	vmin.u32 v2, $0x1400  }
0x5d: {  	[tilespmem:$0x9D80] =	vst v2;
	v2 =	vmin.u32 v3, $0x1400;
	v3 =	vsub.s32 v61, v0  }
0x5e: {  	[tilespmem:$0x9D90] =	vst v2;
	v2 =	vmin.u32 v3, $0x1400;
	v3 =	vsub.s32 v62, v0  }
0x5f: {  	[tilespmem:$0x9DA0] =	vst v2;
	v2 =	vmin.u32 v3, $0x1400;
	v3 =	vsub.s32 v63, v0  }
0x60: {  	[tilespmem:$0x9DB0] =	vst v2;
	v2 =	vmin.u32 v3, $0x1400  }
0x61: {  	[tilespmem:$0x9DC0] =	vst v2  }
0x62: {  	_ =	swait.ge [sflag:s22], $0x2800  }
0x63: {  	[sflag:s22] =	ssyncset.done $0x0  }
0x64: {  	s26 =	simm.s32 $0xA0;
	[sflag:s22] =	ssyncadd.s32 $0xFFFFD800  }
0x65: {  	[tilespmem:s17], [sflag:$0x1] =	stream.indirect.gather [hbm4b:s4+s16], $0x80, s26, s16, $0xb8;
	[tilespmem:$0x1B640] =	vst v63  }
0x66: {  	s28 =	simm.s32 $0x140;
	s29 =	simm.s32 $0x4F20  }
0x67: {  	[spmem:s2] =	stream.indirect.scatter.add.f32 [tilespmem:s18], [sflag:$0x4], $0x80, s23, s16, $0xb8;
	[tilespmem:$0x1B640] =	vst v63  }
.LBB2_4:
0x68: {  	_ =	swait.ge [sflag:s24], $0x2800  }
0x69: {  	[sflag:s24] =	ssyncset.done $0x0  }
0x6a: {  	s30 =	sadd.s32 $0xFFFFFFB0, s28;
	[sflag:s24] =	ssyncadd.s32 $0xFFFFD800  }
0x6b: {  	[tilespmem:s18], [sflag:$0x2] =	stream.indirect.gather [hbm4b:s4+s16], $0x80, s30, s16, $0xb8;
	[tilespmem:$0x1B640] =	vst v63  }
0x6c: {  	_ =	swait.ge [sflag:s19], $0x2800  }
0x6d: {  	[sflag:s19] =	ssyncset.done $0x0  }
0x6e: {  	[sflag:s19] =	ssyncadd.s32 $0xFFFFD800  }
0x6f: {  	v2 =	vld [tilespmem:s29+$0x0];
	_ =	sdelay $0x4  }
0x70: {  	v2 =	vsub.s32 v2, v0  }
0x71: {  	v2 =	vmin.u32 v2, $0x1400  }
0x72: {  	[tilespmem:$0x9D00] =	vst v2  }
0x73: {  	v2 =	vld [tilespmem:s29+$0x10];
	_ =	sdelay $0x4  }
0x74: {  	v2 =	vsub.s32 v2, v0  }
0x75: {  	v2 =	vmin.u32 v2, $0x1400  }
0x76: {  	[tilespmem:$0x9D10] =	vst v2  }
0x77: {  	v2 =	vld [tilespmem:s29+$0x20];
	_ =	sdelay $0x4  }
0x78: {  	v2 =	vsub.s32 v2, v0  }
0x79: {  	v2 =	vmin.u32 v2, $0x1400  }
0x7a: {  	[tilespmem:$0x9D20] =	vst v2  }
0x7b: {  	v2 =	vld [tilespmem:s29+$0x30];
	_ =	sdelay $0x4  }
0x7c: {  	v2 =	vsub.s32 v2, v0  }
0x7d: {  	v2 =	vmin.u32 v2, $0x1400  }
0x7e: {  	[tilespmem:$0x9D30] =	vst v2  }
0x7f: {  	v2 =	vld [tilespmem:s29+$0x40];
	_ =	sdelay $0x4  }
0x80: {  	v2 =	vsub.s32 v2, v0  }
0x81: {  	v2 =	vmin.u32 v2, $0x1400  }
0x82: {  	[tilespmem:$0x9D40] =	vst v2  }
0x83: {  	[spmem:s2] =	stream.indirect.scatter.add.f32 [tilespmem:s17], [sflag:$0x3], $0x80, s20, s16, $0xb8;
	[tilespmem:$0x1B640] =	vst v63  }
0x84: {  	_ =	swait.ge [sflag:s21], $0x2800  }
0x85: {  	[sflag:s21] =	ssyncset.done $0x0  }
0x86: {  	[sflag:s21] =	ssyncadd.s32 $0xFFFFD800  }
0x87: {  	v2 =	vld [tilespmem:s29+$0x50];
	_ =	sdelay $0x4  }
0x88: {  	v2 =	vsub.s32 v2, v0  }
0x89: {  	v2 =	vmin.u32 v2, $0x1400  }
0x8a: {  	[tilespmem:$0x9D80] =	vst v2  }
0x8b: {  	v2 =	vld [tilespmem:s29+$0x60];
	_ =	sdelay $0x4  }
0x8c: {  	v2 =	vsub.s32 v2, v0  }
0x8d: {  	v2 =	vmin.u32 v2, $0x1400  }
0x8e: {  	[tilespmem:$0x9D90] =	vst v2  }
0x8f: {  	v2 =	vld [tilespmem:s29+$0x70];
	_ =	sdelay $0x4  }
0x90: {  	v2 =	vsub.s32 v2, v0  }
0x91: {  	v2 =	vmin.u32 v2, $0x1400  }
0x92: {  	s31 =	sand.u32 $0x7FE0, s26;
	[tilespmem:$0x9DA0] =	vst v2  }
0x93: {  	v2 =	vld [tilespmem:s31+$0x4F00];
	_ =	sdelay $0x4  }
0x94: {  	v2 =	vsub.s32 v2, v0  }
0x95: {  	v2 =	vmin.u32 v2, $0x1400  }
0x96: {  	[tilespmem:$0x9DB0] =	vst v2  }
0x97: {  	v2 =	vld [tilespmem:s29+$0x90];
	_ =	sdelay $0x1  }
0x98: {  	p0 =	seq.s32 s26, $0x4D80  }
.Ltmp3:
0x99: {  	_ = 	snop;
	(pc) =	sbr.rel @p0 .LBB2_6-.Ltmp3, $4  }
0x9a: {  	_ = 	snop  }
0x9b: {  	v2 =	vsub.s32 v2, v0  }
0x9c: {  	v2 =	vmin.u32 v2, $0x1400  }
0x9d: {  	[tilespmem:$0x9DC0] =	vst v2  }
0x9e: {  	_ =	swait.ge [sflag:s22], $0x2800  }
.Ltmp4:
0x9f: {  	[sflag:s22] =	ssyncset.done $0x0;
	(pc) =	sbr.rel .LBB2_4-.Ltmp4, $4  }
0xa0: {  	[sflag:s22] =	ssyncadd.s32 $0xFFFFD800  }
0xa1: {  	[tilespmem:s17], [sflag:$0x1] =	stream.indirect.gather [hbm4b:s4+s16], $0x80, s28, s16, $0xb8;
	[tilespmem:$0x1B640] =	vst v63  }
0xa2: {  	s26 =	sadd.s32 $0xA0, s26;
	s29 =	sadd.s32 $0xA0, s29;
	s28 =	sadd.s32 $0xA0, s28  }
0xa3: {  	[spmem:s2] =	stream.indirect.scatter.add.f32 [tilespmem:s18], [sflag:$0x4], $0x80, s23, s16, $0xb8;
	[tilespmem:$0x1B640] =	vst v63  }
.LBB2_7:
0xa4: {  	_ =	sfence.sel $0x180000  }
0xa5: {  	[bflag:$0x0] =	sbarrier.arrive $0xFFFF  }
0xa6: {  	p0 =	sne.s32 s0, $0x0;
	_ =	strace $0x90000047  }
0xa7: {  	s0 =	sadd.s32 @!p0 $0x100000, s1;
	[bflag:$0x2] =	sbarrier.arrive $0xFFFF  }
0xa8: {  	[sflag:s0] =	ssyncadd.tile.s32 @!p0 $0x1;
	_ =	shalt  }
.Lfunc_end2:
_tile_overlayer_lowered:
.L_overlay_start_2:
0xa9: {  	(tag) =	ssettag $0x2  }
0xaa: {  	s0 =	rddreg [dreg:$0x0];
	s2 =	stileid.u32  }
0xab: {  	s1 =	rddreg [dreg:$0x1];
	p0 =	sne.s32 s2, $0x0  }
0xac: {  	s3 =	rddreg [dreg:$0x2];
	[bflag:$0x3] =	sbarrier.arrive $0xFFFF;
	s2 =	simm.s32 @!p0 $0x1C05  }
0xad: {  	[timem:s3], [sflag:s2] =	dma.local @!p0 [hbm:s0], s1  }
0xae: {  	s0 =	simm.s32 @!p0 $0x5  }
0xaf: {  	_ =	swait.ge @!p0 [sflag:s0], s1  }
0xb0: {  	s1 =	ssub.s32 @!p0 $0x0, s1;
	[sflag:s0] =	ssyncset.done @!p0 $0x0  }
0xb1: {  	[sflag:s0] =	ssyncadd.s32 @!p0 s1  }
0xb2: {  	[bflag:$0x3] =	sbarrier.arrive $0xFFFF  }
0xb3: {  	_ =	shalt  }

// kernel: kernel.15.cloned.1.call-start
scs
__scs_entry_jumppad:
0x0: {  	(pc) =	sbr.rel $0x88, $3  }
0x1: {  	(tag) =	ssettag $0x0;
	lr =	simm.s32 $0x1  }
0x2: {  	[smem:$0x3F9C] =	sst lr;
	_ =	strace $0xD0000000  }
0x3: {  	_ = 	snop  }
0x4: {  	_ = 	snop  }
0x5: {  	_ = 	snop  }
0x6: {  	_ = 	snop  }
0x7: {  	_ = 	snop  }
__scs_overlays_trampoline_lowered:
0x8: {  	[smem:$0x3FAB] =	sst s0  }
0x9: {  	[smem:$0x3FAC] =	sst s1  }
0xa: {  	[smem:$0x3FAD] =	sst s2  }
0xb: {  	[smem:$0x3FAE] =	sst s3  }
0xc: {  	[smem:$0x3FAF] =	sst s4  }
0xd: {  	[smem:$0x3FB0] =	sst s5  }
0xe: {  	[smem:$0x3FB1] =	sst s6  }
0xf: {  	[smem:$0x3FB2] =	sst s7  }
0x10: {  	[smem:$0x3FB3] =	sst s8  }
0x11: {  	[smem:$0x3FB4] =	sst s9;
	s0 =	simm.s32 @!p0 $0x0  }
0x12: {  	s1 =	sld [smem:$0x3F9A];
	s0 =	simm.s32 @p0 $0x1  }
0x13: {  	[smem:$0x3FB5] =	sst s0;
	s0 =	simm.s32 @!p1 $0x0  }
0x14: {  	s2 =	sld [smem:$0x3F99];
	s0 =	simm.s32 @p1 $0x1  }
0x15: {  	[smem:$0x3FB6] =	sst s0;
	s0 =	simm.s32 @!p2 $0x0  }
0x16: {  	s3 =	sld [smem:$0x3FDB];
	s0 =	simm.s32 @p2 $0x1  }
0x17: {  	s4 =	simm.s32 $0x1BF5;
	[smem:$0x3FB8] =	sst s0  }
0x18: {  	s0 =	sld [smem:$0x3F9B];
	_ =	swait.ge [sflag:s4], $0x0  }
0x19: {  	s7 =	sld [smem:$0x3F9C]  }
0x1a: {  	s8 =	sadd.s32 $0xFFFFE003, lr  }
0x1b: {  	s9 =	sadd.s32 $0xFFFFFEF7, lr;
	s5 =	simm.s32 $0xFFFFFFFF;
	p2 =	slt.u32 s8, $0xFFFFF086  }
0x1c: {  	p1 =	slt.u32 s9, $0xF7A;
	s5 =	simm.s32 @!p2 $0x0  }
0x1d: {  	s5 =	simm.s32 @p1 $0x1;
	p0 =	seq.s32 s7, s2  }
0x1e: {  	s7 =	smul.u32 @!p0 $0xF7A, s2;
	p2 =	seq.s32 @!p0 s5, $0x0  }
0x1f: {  	s9 =	smul.u32 $0xF7A, s1;
	s8 =	simm.s32 @!p0 $0x1BF5;
	p2 =	por !p2, p0  }
0x20: {  	[sflag:s8] =	ssyncset.s32 @!p0 $0xFFFFF086;
	s6 =	sadd.s32 @!p0 s3, s7;
	s7 =	simm.s32 @!p0 $0x108  }
0x21: {  	s3 =	sadd.s32 s3, s9;
	s6 =	sadd.s32 @!p0 $0x88, s6;
	s7 =	simm.s32 @p2 $0x1082  }
0x22: {  	[simem:s7], [sflag:s8] =	dma.local @!p0 [hbm:s6], $0xF7A  }
0x23: {  	s9 =	sor.u32 $0xD0000000, s2;
	s6 =	simm.s32 $0x108;
	_ =	swait.ge @!p0 [sflag:s8], $0x0  }
0x24: {  	s3 =	sadd.s32 $0x88, s3;
	s6 =	simm.s32 @!p1 $0x1082;
	[sflag:s4] =	ssyncset.s32 $0xFFFFF086  }
0x25: {  	[simem:s6], [sflag:s4] =	dma.local [hbm:s3], $0xF7A  }
0x26: {  	[smem:$0x3F9C] =	sst s1;
	(tag) =	ssettag s2;
	_ =	strace s9  }
0x27: {  	s1 =	sld [smem:$0x3FAC]  }
0x28: {  	s2 =	sld [smem:$0x3FAD]  }
0x29: {  	s4 =	sld [smem:$0x3FAF]  }
0x2a: {  	p0 =	seq.s32 s5, $0x0;
	s5 =	sld [smem:$0x3FB0]  }
0x2b: {  	s6 =	sld [smem:$0x3FB1]  }
0x2c: {  	s7 =	sld [smem:$0x3FB2]  }
0x2d: {  	s3 =	simm.s32 $0x108;
	s8 =	sld [smem:$0x3FB3]  }
0x2e: {  	s3 =	simm.s32 @!p0 $0x1082;
	s9 =	sld [smem:$0x3FB4]  }
0x2f: {  	lr =	sadd.s32 s0, s3;
	s0 =	sld [smem:$0x3FAB]  }
0x30: {  	s3 =	sld [smem:$0x3FAE]  }
0x31: {  	[smem:$0x3FB7] =	sst s10  }
0x32: {  	s10 =	sld [smem:$0x3FB5];
	_ =	sdelay $0x3  }
0x33: {  	p0 =	seq.s32 s10, $0x1;
	s10 =	sld [smem:$0x3FB7];
	_ =	sdelay $0x3  }
0x34: {  	[smem:$0x3FB7] =	sst s10  }
0x35: {  	s10 =	sld [smem:$0x3FB6];
	_ =	sdelay $0x3  }
0x36: {  	p1 =	seq.s32 s10, $0x1;
	s10 =	sld [smem:$0x3FB7];
	_ =	sdelay $0x3  }
0x37: {  	[smem:$0x3FB7] =	sst s10  }
0x38: {  	s10 =	sld [smem:$0x3FB8]  }
0x39: {  	_ = 	snop;
	(pc) =	sbr.ind lr, $3  }
0x3a: {  	_ = 	snop  }
0x3b: {  	_ = 	snop  }
0x3c: {  	p2 =	seq.s32 s10, $0x1;
	s10 =	sld [smem:$0x3FB7]  }
0x3d: {  	_ =	shalt  }
0x3e: {  	_ =	shalt  }
0x3f: {  	_ =	shalt  }
0x40: {  	_ =	shalt  }
0x41: {  	_ =	shalt  }
0x42: {  	_ =	shalt  }
0x43: {  	_ =	shalt  }
0x44: {  	_ =	shalt  }
0x45: {  	_ =	shalt  }
0x46: {  	_ =	shalt  }
0x47: {  	_ =	shalt  }
0x48: {  	_ =	shalt  }
0x49: {  	_ =	shalt  }
0x4a: {  	_ =	shalt  }
0x4b: {  	_ =	shalt  }
0x4c: {  	_ =	shalt  }
0x4d: {  	_ =	shalt  }
0x4e: {  	_ =	shalt  }
0x4f: {  	_ =	shalt  }
0x50: {  	_ =	shalt  }
0x51: {  	_ =	shalt  }
0x52: {  	_ =	shalt  }
0x53: {  	_ =	shalt  }
0x54: {  	_ =	shalt  }
0x55: {  	_ =	shalt  }
0x56: {  	_ =	shalt  }
0x57: {  	_ =	shalt  }
0x58: {  	_ =	shalt  }
0x59: {  	_ =	shalt  }
0x5a: {  	_ =	shalt  }
0x5b: {  	_ =	shalt  }
0x5c: {  	_ =	shalt  }
0x5d: {  	_ =	shalt  }
0x5e: {  	_ =	shalt  }
0x5f: {  	_ =	shalt  }
0x60: {  	_ =	shalt  }
0x61: {  	_ =	shalt  }
0x62: {  	_ =	shalt  }
0x63: {  	_ =	shalt  }
0x64: {  	_ =	shalt  }
0x65: {  	_ =	shalt  }
0x66: {  	_ =	shalt  }
0x67: {  	_ =	shalt  }
0x68: {  	_ =	shalt  }
0x69: {  	_ =	shalt  }
0x6a: {  	_ =	shalt  }
0x6b: {  	_ =	shalt  }
0x6c: {  	_ =	shalt  }
0x6d: {  	_ =	shalt  }
0x6e: {  	_ =	shalt  }
0x6f: {  	_ =	shalt  }
0x70: {  	_ =	shalt  }
0x71: {  	_ =	shalt  }
0x72: {  	_ =	shalt  }
0x73: {  	_ =	shalt  }
0x74: {  	_ =	shalt  }
0x75: {  	_ =	shalt  }
0x76: {  	_ =	shalt  }
0x77: {  	_ =	shalt  }
0x78: {  	_ =	shalt  }
0x79: {  	_ =	shalt  }
0x7a: {  	_ =	shalt  }
0x7b: {  	_ =	shalt  }
0x7c: {  	_ =	shalt  }
0x7d: {  	_ =	shalt  }
0x7e: {  	_ =	shalt  }
0x7f: {  	_ =	shalt  }
0x80: {  	_ =	shalt  }
0x81: {  	_ =	shalt  }
0x82: {  	_ =	shalt  }
0x83: {  	_ =	shalt  }
0x84: {  	_ =	shalt  }
0x85: {  	_ =	shalt  }
0x86: {  	_ =	shalt  }
0x87: {  	_ =	shalt  }
.Lfunc_end0:
.L_simem_size_0:
called_computation.2_lowered:
.L_overlay_start_0:
0x88: {  	s2 =	sld [smem:$0x3FD9]  }
0x89: {  	s3 =	sld [smem:$0x3FFE];
	_ =	sdelay $0x1  }
0x8a: {  	s1 =	srdreg.scid  }
0x8b: {  	s0 =	sand.u32 $0x1, s1  }
0x8c: {  	s16 =	sshll.u32 s0, $0xA;
	s2 =	sadd.s32 s3, s2  }
0x8d: {  	s2 =	sadd.s32 s2, s16  }
0x8e: {  	[smem:$0x3FC3] =	sst s2  }
0x8f: {  	_ = 	snop  }
0x90: {  	(tm) =	ssettm $0x1  }
0x91: {  	s17 =	sld [smem:$0x3FFB];
	_ =	sdelay $0x3  }
0x92: {  	_ =	strace s17  }
0x93: {  	s2 =	sld [smem:$0x3FFC];
	_ =	sdelay $0x3  }
0x94: {  	_ =	strace s2  }
0x95: {  	s2 =	sld [smem:$0x3FFD];
	_ =	sdelay $0x3  }
0x96: {  	_ =	strace s2  }
0x97: {  	_ =	strace $0x8FFFFFFF  }
0x98: {  	s18 =	sld [smem:$0x3FDB];
	_ =	sdelay $0x1  }
0x99: {  	s19 =	simm.s32 $_scs_section_size  }
0x9a: {  	s4 =	simm.s32 $_size__tile_overlayer_lowered;
	s5 =	simm.s32 $_tile_overlayer_lowered  }
0x9b: {  	s22 =	simm.s32 $0x1BFF;
	s21 =	sshll.u32 s5, $0x1;
	s2 =	sadd.s32 s19, s18  }
0x9c: {  	s6 =	simm.s32 $0x0;
	s20 =	sshll.u32 s4, $0x1;
	s4 =	sadd.s32 s21, s2  }
0x9d: {  	[timem:s6], [sflag:s22] =	dma.local [hbm:s4], s20  }
0x9e: {  	_ =	swait.ge [sflag:s22], s20  }
0x9f: {  	s3 =	ssub.s32 $0x0, s20;
	[sflag:s22] =	ssyncset.done $0x0  }
0xa0: {  	[sflag:s22] =	ssyncadd.s32 s3;
	_ =	sdelay $0x1  }
0xa1: {  	s23 =	simm.s32 $0x1B8B  }
0xa2: {  	_ =	swait.ge [sflag:s23], $0x1  }
0xa3: {  	[sflag:s23] =	ssyncset.done $0x0  }
0xa4: {  	s25 =	simm.s32 $0x1B8E;
	s24 =	sld [smem:$0x3FFE];
	[sflag:s23] =	ssyncadd.s32 $0xFFFFFFFF  }
0xa5: {  	s26 =	simm.s32 $execute0_lowered;
	[smem:$0x3FD2] =	sst s25  }
0xa6: {  	s4 =	sshll.u32 s26, $0x1;
	_ =	strace $0x8000004C;
	[dreg:$0x1] =	wrdreg $0xFFFFFFFF  }
0xa7: {  	s28 =	simm.s32 $_size_execute0_lowered;
	s2 =	sadd.s32 s2, s4;
	[dreg:$0x0] =	wrdreg $0x0  }
0xa8: {  	s4 =	sshll.u32 s28, $0x1;
	[dreg:$0x2] =	wrdreg s2  }
0xa9: {  	[dreg:$0x3] =	wrdreg s4  }
0xaa: {  	[dreg:$0x4] =	wrdreg $0xC0  }
0xab: {  	_ =	task [dreg:s6], $0x5FFFF  }
0xac: {  	[dreg:$0x1] =	wrdreg $0xFFFFFFFF  }
0xad: {  	[dreg:$0x0] =	wrdreg $0x60  }
0xae: {  	[dreg:$0x2] =	wrdreg s24  }
0xaf: {  	[dreg:$0x3] =	wrdreg $0x116000  }
0xb0: {  	[dreg:$0x4] =	wrdreg $0x9  }
0xb1: {  	_ =	task.clear_ibuf [dreg:s6], $0x5FFFF;
	_ =	strace $0x9000004C  }
0xb2: {  	s29 =	simm.s32 $0x9;
	_ =	strace $0x8000004E  }
0xb3: {  	_ =	swait.ge [sflag:s29], $0x1  }
0xb4: {  	[sflag:s29] =	ssyncadd.s32 $0xFFFFFFFF  }
0xb5: {  	_ =	strace $0x9000004E  }
0xb6: {  	_ =	sfence  }
0xb7: {  	s30 =	sld [smem:$0x0];
	_ =	sdelay $0x2  }
0xb8: {  	s31 =	sshll.u32 s1, $0xD;
	s1 =	sshrl.u32 s1, $0x2  }
0xb9: {  	s3 =	sand.u32 $0x4000, s31;
	s1 =	sadd.s32 s1, s30  }
0xba: {  	s0 =	sor.u32 s3, s0;
	s1 =	sshll.u32 s1, $0x11  }
0xbb: {  	s0 =	sor.u32 s1, s0  }
0xbc: {  	s0 =	sadd.s32 $0x8F2B, s0  }
0xbd: {  	[sflag:s0] =	ssyncadd.remote.s32 $0x1  }
0xbe: {  	_ =	sfence.sel $0xFFFF  }
0xbf: {  	[dreg:$0x0] =	wrdreg $0xFFFFFFFF;
	(pc) =	sbr.abs _section_cstart, $3  }
0xc0: {  	[dreg:$0x1] =	wrdreg $0xFFFFFFFF  }
0xc1: {  	_ =	task.clear_ibuf [dreg:s6], $0x2FFFF;
	_ =	strace $0x9FFFFFFF  }
0xc2: {  	(tm) =	ssettm $0x7FFFFFFF  }
0xc3: {  	_ =	shalt  }
tec
execute0_lowered:
.L_overlay_start_1:
0x0: {  	(tag) =	ssettag $0x1  }
0x1: {  	s5 =	rddreg [dreg:$0x0];
	s0 =	stileid.u32  }
0x2: {  	s1 =	srdreg.scid;
	s2 =	rddreg [dreg:$0x1];
	s3 =	simm.s32 $0x0  }
0x3: {  	s13 =	simm.s32 $0xEE00;
	s14 =	simm.s32 $0x5;
	s15 =	simm.s32 $0x4E80  }
0x4: {  	s16 =	simm.s32 $0x50;
	s17 =	simm.s32 $0x9E00;
	s18 =	simm.s32 $0xC600  }
0x5: {  	s19 =	simm.s32 $0x1;
	s20 =	simm.s32 $0x9D00;
	s21 =	simm.s32 $0x2  }
0x6: {  	s22 =	simm.s32 $0x3;
	s24 =	simm.s32 $0x4;
	s6 =	smul.u32 $0x9C4, s0  }
0x7: {  	s7 =	sand.u32 $0x1, s1;
	s1 =	rddreg [dreg:$0x2];
	s8 =	smul.u32 $0x140, s0  }
0x8: {  	s25 =	simm.s32 $0x0;
	[smem:$0x7FF] =	sst s3;
	s9 =	smul.u32 $0x28000, s0  }
0x9: {  	s4 =	sadd.s32 $0x16A00, s5;
	s23 =	smul.u32 $0x1400, s7;
	_ =	strace $0x8000004D  }
0xa: {  	s7 =	ssub.s32 $0x2, s7;
	s10 =	sadd.s32 s6, s5;
	s30 =	sshrl.u32 s9, $0x2  }
.Ltmp0:
0xb: {  	s31 =	sshrl.u32 s7, $0x1;
	s29 =	sadd.s32 s8, s23;
	(pc) =	sbr.rel .LBB2_1-.Ltmp0, $4  }
0xc: {  	s12 =	ssub.s32 s7, s31;
	s9 =	sadd.s32 $0xCC00, s10;
	s6 =	sshll.u32 s29, $0x4  }
0xd: {  	s10 =	sadd.s32 $0x2E00, s10;
	s11 =	sadd.s32 s6, s5;
	s5 =	sadd.s32 s30, s2  }
0xe: {  	v0 =	vmov s23;
	s23 =	simm.s32 $0x9D80;
	s12 =	smax.u32 s12, $0x1;
	s6 =	sadd.s32 $0x2800, s5  }
0xf: {  	v1 =	vimm.f32 $0.0e+00;
	s7 =	sadd.s32 $0x5000, s5;
	s8 =	sadd.s32 $0x7800, s5;
	s11 =	sadd.s32 $0x3EA00, s11  }
.LBB2_6:
0x10: {  	[spmem:s2] =	stream.indirect.scatter.add.f32 [tilespmem:s18], [sflag:$0x4], $0x80, s23, s16, $0xb8;
	[tilespmem:$0x1B640] =	vst v63  }
0x11: {  	_ =	swait.ge [sflag:s22], $0x2800  }
0x12: {  	[sflag:s22] =	ssyncset.done $0x0  }
0x13: {  	[sflag:s22] =	ssyncadd.s32 $0xFFFFD800  }
0x14: {  	_ =	swait.ge [sflag:s24], $0x2800  }
0x15: {  	s26 =	sshll.u32 s0, $0x6;
	s25 =	sadd.s32 $0x1, s25;
	[sflag:s24] =	ssyncset.done $0x0  }
0x16: {  	s28 =	sshrl.u32 s5, $0x3;
	p0 =	sne.s32 s25, s12;
	[sflag:s24] =	ssyncadd.s32 $0xFFFFD800  }
.Ltmp1:
0x17: {  	s26 =	sor.u32 $0x1C05, s26;
	[bflag:$0x0] =	sbarrier.arrive $0xFFFF;
	(pc) =	sbr.rel @!p0 .LBB2_7-.Ltmp1, $4  }
0x18: {  	[hbm:s11], [sflag:s26] =	dma.local [spmem:s28], $0x1400  }
0x19: {  	_ =	swait.ge [sflag:s14], $0x1400  }
0x1a: {  	[sflag:s14] =	ssyncset.done $0x0  }
0x1b: {  	[sflag:s14] =	ssyncadd.s32 $0xFFFFEC00  }
.LBB2_1:
0x1c: {  	s26 =	sand.u32 $0xFE00, s3  }
0x1d: {  	s28 =	sand.u32 $0x70, s3;
	s29 =	sshrl.u32 s26, $0x2  }
0x1e: {  	s26 =	simm.s32 $0x40;
	s29 =	sor.u32 s28, s29;
	s28 =	simm.s32 $0x0  }
.LBB2_2:
0x1f: {  	p0 =	sne.s32 s26, $0x9FC0  }
0x20: {  	[tilespmem:s29+$0xEE00] =	vst v1;
	s28 =	sadd.s32 $0x10, s28;
	s29 =	smov.u32 s26;
	s26 =	sadd.s32 $0x40, s26  }
.Ltmp2:
0x21: {  	(pc) =	sbr.rel @p0 .LBB2_2-.Ltmp2, $4  }
0x22: {  	_ = 	snop  }
0x23: {  	s29 =	sand.u32 $0xFE00, s29  }
0x24: {  	s30 =	sand.u32 $0x70, s28;
	s29 =	sshrl.u32 s29, $0x2  }
0x25: {  	s29 =	sor.u32 s30, s29  }
0x26: {  	[tilespmem:s29+$0xEE00] =	vst v1  }
0x27: {  	[spmem:s5] =	stream.linear.scatter [tilespmem:s13], [sflag:$0x5], $0x2800, $0x38;
	[tilespmem:$0x1B640] =	vst v63  }
0x28: {  	_ =	swait.ge [sflag:s14], $0x2800  }
0x29: {  	[sflag:s14] =	ssyncset.done $0x0  }
0x2a: {  	[sflag:s14] =	ssyncadd.s32 $0xFFFFD800  }
0x2b: {  	[spmem:s6] =	stream.linear.scatter [tilespmem:s13], [sflag:$0x5], $0x2800, $0x38;
	[tilespmem:$0x1B640] =	vst v63  }
0x2c: {  	_ =	swait.ge [sflag:s14], $0x2800  }
0x2d: {  	[sflag:s14] =	ssyncset.done $0x0  }
0x2e: {  	[sflag:s14] =	ssyncadd.s32 $0xFFFFD800  }
0x2f: {  	[spmem:s7] =	stream.linear.scatter [tilespmem:s13], [sflag:$0x5], $0x2800, $0x38;
	[tilespmem:$0x1B640] =	vst v63  }
0x30: {  	_ =	swait.ge [sflag:s14], $0x2800  }
0x31: {  	[sflag:s14] =	ssyncset.done $0x0  }
0x32: {  	[sflag:s14] =	ssyncadd.s32 $0xFFFFD800  }
0x33: {  	[spmem:s8] =	stream.linear.scatter [tilespmem:s13], [sflag:$0x5], $0x2800, $0x38;
	[tilespmem:$0x1B640] =	vst v63  }
0x34: {  	_ =	swait.ge [sflag:s14], $0x2800  }
0x35: {  	[sflag:s14] =	ssyncset.done $0x0  }
0x36: {  	[sflag:s14] =	ssyncadd.s32 $0xFFFFD800  }
0x37: {  	[tilespmem:s3], [sflag:$0x5] =	stream.linear.gather [hbm4b:s9+s3], $0x4E20, $0x38;
	[tilespmem:$0x1B640] =	vst v63  }
0x38: {  	_ =	swait.ge [sflag:s14], $0x4E20  }
0x39: {  	[sflag:s14] =	ssyncset.done $0x0  }
0x3a: {  	[sflag:s14] =	ssyncadd.s32 $0xFFFFB1E0  }
0x3b: {  	[tilespmem:s15], [sflag:$0x5] =	stream.linear.gather [hbm4b:s10+s3], $0x4E20, $0x38;
	[tilespmem:$0x1B640] =	vst v63  }
0x3c: {  	_ =	swait.ge [sflag:s14], $0x4E20  }
0x3d: {  	[sflag:s14] =	ssyncset.done $0x0  }
0x3e: {  	[sflag:s14] =	ssyncadd.s32 $0xFFFFB1E0  }
0x3f: {  	[bflag:$0x0] =	sbarrier.arrive $0xFFFF  }
0x40: {  	[tilespmem:s17], [sflag:$0x1] =	stream.indirect.gather [hbm4b:s4+s16], $0x80, s3, s16, $0xb8;
	[tilespmem:$0x1B640] =	vst v63  }
0x41: {  	_ = 	snop  }
0x42: {  	[tilespmem:s18], [sflag:$0x2] =	stream.indirect.gather [hbm4b:s4+s16], $0x80, s16, s16, $0xb8;
	[tilespmem:$0x1B640] =	vst v63  }
0x43: {  	_ =	swait.ge [sflag:s19], $0x2800  }
0x44: {  	[sflag:s19] =	ssyncset.done $0x0  }
0x45: {  	[sflag:s19] =	ssyncadd.s32 $0xFFFFD800  }
0x46: {  	v2 =	vld [tilespmem:$0x4E80]  }
0x47: {  	v3 =	vld [tilespmem:$0x4E90]  }
0x48: {  	v4 =	vld [tilespmem:$0x4EA0]  }
0x49: {  	v5 =	vld [tilespmem:$0x4EB0]  }
0x4a: {  	v6 =	vld [tilespmem:$0x4EC0]  }
0x4b: {  	v2 =	vsub.s32 v2, v0  }
0x4c: {  	v3 =	vsub.s32 v3, v0;
	v2 =	vmin.u32 v2, $0x1400  }
0x4d: {  	[tilespmem:$0x9D00] =	vst v2;
	v2 =	vmin.u32 v3, $0x1400;
	v3 =	vsub.s32 v4, v0  }
0x4e: {  	[tilespmem:$0x9D10] =	vst v2;
	v2 =	vmin.u32 v3, $0x1400;
	v3 =	vsub.s32 v5, v0  }
0x4f: {  	[tilespmem:$0x9D20] =	vst v2;
	v2 =	vmin.u32 v3, $0x1400;
	v3 =	vsub.s32 v6, v0  }
0x50: {  	[tilespmem:$0x9D30] =	vst v2;
	v2 =	vmin.u32 v3, $0x1400  }
0x51: {  	[tilespmem:$0x9D40] =	vst v2  }
0x52: {  	[spmem:s2] =	stream.indirect.scatter.add.f32 [tilespmem:s17], [sflag:$0x3], $0x80, s20, s16, $0xb8;
	[tilespmem:$0x1B640] =	vst v63  }
0x53: {  	_ =	swait.ge [sflag:s21], $0x2800  }
0x54: {  	[sflag:s21] =	ssyncset.done $0x0  }
0x55: {  	[sflag:s21] =	ssyncadd.s32 $0xFFFFD800  }
0x56: {  	v2 =	vld [tilespmem:$0x4ED0]  }
0x57: {  	v3 =	vld [tilespmem:$0x4EE0]  }
0x58: {  	v61 =	vld [tilespmem:$0x4EF0]  }
0x59: {  	v62 =	vld [tilespmem:$0x4F00]  }
0x5a: {  	v63 =	vld [tilespmem:$0x4F10]  }
0x5b: {  	v2 =	vsub.s32 v2, v0  }
0x5c: {  	v3 =	vsub.s32 v3, v0;
	v2 =	vmin.u32 v2, $0x1400  }
0x5d: {  	[tilespmem:$0x9D80] =	vst v2;
	v2 =	vmin.u32 v3, $0x1400;
	v3 =	vsub.s32 v61, v0  }
0x5e: {  	[tilespmem:$0x9D90] =	vst v2;
	v2 =	vmin.u32 v3, $0x1400;
	v3 =	vsub.s32 v62, v0  }
0x5f: {  	[tilespmem:$0x9DA0] =	vst v2;
	v2 =	vmin.u32 v3, $0x1400;
	v3 =	vsub.s32 v63, v0  }
0x60: {  	[tilespmem:$0x9DB0] =	vst v2;
	v2 =	vmin.u32 v3, $0x1400  }
0x61: {  	[tilespmem:$0x9DC0] =	vst v2  }
0x62: {  	_ =	swait.ge [sflag:s22], $0x2800  }
0x63: {  	[sflag:s22] =	ssyncset.done $0x0  }
0x64: {  	s26 =	simm.s32 $0xA0;
	[sflag:s22] =	ssyncadd.s32 $0xFFFFD800  }
0x65: {  	[tilespmem:s17], [sflag:$0x1] =	stream.indirect.gather [hbm4b:s4+s16], $0x80, s26, s16, $0xb8;
	[tilespmem:$0x1B640] =	vst v63  }
0x66: {  	s28 =	simm.s32 $0x140;
	s29 =	simm.s32 $0x4F20  }
0x67: {  	[spmem:s2] =	stream.indirect.scatter.add.f32 [tilespmem:s18], [sflag:$0x4], $0x80, s23, s16, $0xb8;
	[tilespmem:$0x1B640] =	vst v63  }
.LBB2_4:
0x68: {  	_ =	swait.ge [sflag:s24], $0x2800  }
0x69: {  	[sflag:s24] =	ssyncset.done $0x0  }
0x6a: {  	s30 =	sadd.s32 $0xFFFFFFB0, s28;
	[sflag:s24] =	ssyncadd.s32 $0xFFFFD800  }
0x6b: {  	[tilespmem:s18], [sflag:$0x2] =	stream.indirect.gather [hbm4b:s4+s16], $0x80, s30, s16, $0xb8;
	[tilespmem:$0x1B640] =	vst v63  }
0x6c: {  	_ =	swait.ge [sflag:s19], $0x2800  }
0x6d: {  	[sflag:s19] =	ssyncset.done $0x0  }
0x6e: {  	[sflag:s19] =	ssyncadd.s32 $0xFFFFD800  }
0x6f: {  	v2 =	vld [tilespmem:s29+$0x0];
	_ =	sdelay $0x4  }
0x70: {  	v2 =	vsub.s32 v2, v0  }
0x71: {  	v2 =	vmin.u32 v2, $0x1400  }
0x72: {  	[tilespmem:$0x9D00] =	vst v2  }
0x73: {  	v2 =	vld [tilespmem:s29+$0x10];
	_ =	sdelay $0x4  }
0x74: {  	v2 =	vsub.s32 v2, v0  }
0x75: {  	v2 =	vmin.u32 v2, $0x1400  }
0x76: {  	[tilespmem:$0x9D10] =	vst v2  }
0x77: {  	v2 =	vld [tilespmem:s29+$0x20];
	_ =	sdelay $0x4  }
0x78: {  	v2 =	vsub.s32 v2, v0  }
0x79: {  	v2 =	vmin.u32 v2, $0x1400  }
0x7a: {  	[tilespmem:$0x9D20] =	vst v2  }
0x7b: {  	v2 =	vld [tilespmem:s29+$0x30];
	_ =	sdelay $0x4  }
0x7c: {  	v2 =	vsub.s32 v2, v0  }
0x7d: {  	v2 =	vmin.u32 v2, $0x1400  }
0x7e: {  	[tilespmem:$0x9D30] =	vst v2  }
0x7f: {  	v2 =	vld [tilespmem:s29+$0x40];
	_ =	sdelay $0x4  }
0x80: {  	v2 =	vsub.s32 v2, v0  }
0x81: {  	v2 =	vmin.u32 v2, $0x1400  }
0x82: {  	[tilespmem:$0x9D40] =	vst v2  }
0x83: {  	[spmem:s2] =	stream.indirect.scatter.add.f32 [tilespmem:s17], [sflag:$0x3], $0x80, s20, s16, $0xb8;
	[tilespmem:$0x1B640] =	vst v63  }
0x84: {  	_ =	swait.ge [sflag:s21], $0x2800  }
0x85: {  	[sflag:s21] =	ssyncset.done $0x0  }
0x86: {  	[sflag:s21] =	ssyncadd.s32 $0xFFFFD800  }
0x87: {  	v2 =	vld [tilespmem:s29+$0x50];
	_ =	sdelay $0x4  }
0x88: {  	v2 =	vsub.s32 v2, v0  }
0x89: {  	v2 =	vmin.u32 v2, $0x1400  }
0x8a: {  	[tilespmem:$0x9D80] =	vst v2  }
0x8b: {  	v2 =	vld [tilespmem:s29+$0x60];
	_ =	sdelay $0x4  }
0x8c: {  	v2 =	vsub.s32 v2, v0  }
0x8d: {  	v2 =	vmin.u32 v2, $0x1400  }
0x8e: {  	[tilespmem:$0x9D90] =	vst v2  }
0x8f: {  	v2 =	vld [tilespmem:s29+$0x70];
	_ =	sdelay $0x4  }
0x90: {  	v2 =	vsub.s32 v2, v0  }
0x91: {  	v2 =	vmin.u32 v2, $0x1400  }
0x92: {  	s31 =	sand.u32 $0x7FE0, s26;
	[tilespmem:$0x9DA0] =	vst v2  }
0x93: {  	v2 =	vld [tilespmem:s31+$0x4F00];
	_ =	sdelay $0x4  }
0x94: {  	v2 =	vsub.s32 v2, v0  }
0x95: {  	v2 =	vmin.u32 v2, $0x1400  }
0x96: {  	[tilespmem:$0x9DB0] =	vst v2  }
0x97: {  	v2 =	vld [tilespmem:s29+$0x90];
	_ =	sdelay $0x1  }
0x98: {  	p0 =	seq.s32 s26, $0x4D80  }
.Ltmp3:
0x99: {  	_ = 	snop;
	(pc) =	sbr.rel @p0 .LBB2_6-.Ltmp3, $4  }
0x9a: {  	_ = 	snop  }
0x9b: {  	v2 =	vsub.s32 v2, v0  }
0x9c: {  	v2 =	vmin.u32 v2, $0x1400  }
0x9d: {  	[tilespmem:$0x9DC0] =	vst v2  }
0x9e: {  	_ =	swait.ge [sflag:s22], $0x2800  }
.Ltmp4:
0x9f: {  	[sflag:s22] =	ssyncset.done $0x0;
	(pc) =	sbr.rel .LBB2_4-.Ltmp4, $4  }
0xa0: {  	[sflag:s22] =	ssyncadd.s32 $0xFFFFD800  }
0xa1: {  	[tilespmem:s17], [sflag:$0x1] =	stream.indirect.gather [hbm4b:s4+s16], $0x80, s28, s16, $0xb8;
	[tilespmem:$0x1B640] =	vst v63  }
0xa2: {  	s26 =	sadd.s32 $0xA0, s26;
	s29 =	sadd.s32 $0xA0, s29;
	s28 =	sadd.s32 $0xA0, s28  }
0xa3: {  	[spmem:s2] =	stream.indirect.scatter.add.f32 [tilespmem:s18], [sflag:$0x4], $0x80, s23, s16, $0xb8;
	[tilespmem:$0x1B640] =	vst v63  }
.LBB2_7:
0xa4: {  	_ =	sfence.sel $0x180000  }
0xa5: {  	[bflag:$0x0] =	sbarrier.arrive $0xFFFF  }
0xa6: {  	p0 =	sne.s32 s0, $0x0;
	_ =	strace $0x9000004D  }
0xa7: {  	s0 =	sadd.s32 @!p0 $0x100000, s1;
	[bflag:$0x2] =	sbarrier.arrive $0xFFFF  }
0xa8: {  	[sflag:s0] =	ssyncadd.tile.s32 @!p0 $0x1;
	_ =	shalt  }
.Lfunc_end2:
_tile_overlayer_lowered:
.L_overlay_start_2:
0xa9: {  	(tag) =	ssettag $0x2  }
0xaa: {  	s0 =	rddreg [dreg:$0x0];
	s2 =	stileid.u32  }
0xab: {  	s1 =	rddreg [dreg:$0x1];
	p0 =	sne.s32 s2, $0x0  }
0xac: {  	s3 =	rddreg [dreg:$0x2];
	[bflag:$0x3] =	sbarrier.arrive $0xFFFF;
	s2 =	simm.s32 @!p0 $0x1C05  }
0xad: {  	[timem:s3], [sflag:s2] =	dma.local @!p0 [hbm:s0], s1  }
0xae: {  	s0 =	simm.s32 @!p0 $0x5  }
0xaf: {  	_ =	swait.ge @!p0 [sflag:s0], s1  }
0xb0: {  	s1 =	ssub.s32 @!p0 $0x0, s1;
	[sflag:s0] =	ssyncset.done @!p0 $0x0  }
0xb1: {  	[sflag:s0] =	ssyncadd.s32 @!p0 s1  }
0xb2: {  	[bflag:$0x3] =	sbarrier.arrive $0xFFFF  }
0xb3: {  	_ =	shalt  }

// kernel: kernel.18.cloned.1.call-start
scs
__scs_entry_jumppad:
0x0: {  	(pc) =	sbr.rel $0x88, $3  }
0x1: {  	(tag) =	ssettag $0x0;
	lr =	simm.s32 $0x1  }
0x2: {  	[smem:$0x3F9C] =	sst lr;
	_ =	strace $0xD0000000  }
0x3: {  	_ = 	snop  }
0x4: {  	_ = 	snop  }
0x5: {  	_ = 	snop  }
0x6: {  	_ = 	snop  }
0x7: {  	_ = 	snop  }
__scs_overlays_trampoline_lowered:
0x8: {  	[smem:$0x3FAB] =	sst s0  }
0x9: {  	[smem:$0x3FAC] =	sst s1  }
0xa: {  	[smem:$0x3FAD] =	sst s2  }
0xb: {  	[smem:$0x3FAE] =	sst s3  }
0xc: {  	[smem:$0x3FAF] =	sst s4  }
0xd: {  	[smem:$0x3FB0] =	sst s5  }
0xe: {  	[smem:$0x3FB1] =	sst s6  }
0xf: {  	[smem:$0x3FB2] =	sst s7  }
0x10: {  	[smem:$0x3FB3] =	sst s8  }
0x11: {  	[smem:$0x3FB4] =	sst s9;
	s0 =	simm.s32 @!p0 $0x0  }
0x12: {  	s1 =	sld [smem:$0x3F9A];
	s0 =	simm.s32 @p0 $0x1  }
0x13: {  	[smem:$0x3FB5] =	sst s0;
	s0 =	simm.s32 @!p1 $0x0  }
0x14: {  	s2 =	sld [smem:$0x3F99];
	s0 =	simm.s32 @p1 $0x1  }
0x15: {  	[smem:$0x3FB6] =	sst s0;
	s0 =	simm.s32 @!p2 $0x0  }
0x16: {  	s3 =	sld [smem:$0x3FDB];
	s0 =	simm.s32 @p2 $0x1  }
0x17: {  	s4 =	simm.s32 $0x1BF5;
	[smem:$0x3FB8] =	sst s0  }
0x18: {  	s0 =	sld [smem:$0x3F9B];
	_ =	swait.ge [sflag:s4], $0x0  }
0x19: {  	s7 =	sld [smem:$0x3F9C]  }
0x1a: {  	s8 =	sadd.s32 $0xFFFFE003, lr  }
0x1b: {  	s9 =	sadd.s32 $0xFFFFFEF7, lr;
	s5 =	simm.s32 $0xFFFFFFFF;
	p2 =	slt.u32 s8, $0xFFFFF086  }
0x1c: {  	p1 =	slt.u32 s9, $0xF7A;
	s5 =	simm.s32 @!p2 $0x0  }
0x1d: {  	s5 =	simm.s32 @p1 $0x1;
	p0 =	seq.s32 s7, s2  }
0x1e: {  	s7 =	smul.u32 @!p0 $0xF7A, s2;
	p2 =	seq.s32 @!p0 s5, $0x0  }
0x1f: {  	s9 =	smul.u32 $0xF7A, s1;
	s8 =	simm.s32 @!p0 $0x1BF5;
	p2 =	por !p2, p0  }
0x20: {  	[sflag:s8] =	ssyncset.s32 @!p0 $0xFFFFF086;
	s6 =	sadd.s32 @!p0 s3, s7;
	s7 =	simm.s32 @!p0 $0x108  }
0x21: {  	s3 =	sadd.s32 s3, s9;
	s6 =	sadd.s32 @!p0 $0x88, s6;
	s7 =	simm.s32 @p2 $0x1082  }
0x22: {  	[simem:s7], [sflag:s8] =	dma.local @!p0 [hbm:s6], $0xF7A  }
0x23: {  	s9 =	sor.u32 $0xD0000000, s2;
	s6 =	simm.s32 $0x108;
	_ =	swait.ge @!p0 [sflag:s8], $0x0  }
0x24: {  	s3 =	sadd.s32 $0x88, s3;
	s6 =	simm.s32 @!p1 $0x1082;
	[sflag:s4] =	ssyncset.s32 $0xFFFFF086  }
0x25: {  	[simem:s6], [sflag:s4] =	dma.local [hbm:s3], $0xF7A  }
0x26: {  	[smem:$0x3F9C] =	sst s1;
	(tag) =	ssettag s2;
	_ =	strace s9  }
0x27: {  	s1 =	sld [smem:$0x3FAC]  }
0x28: {  	s2 =	sld [smem:$0x3FAD]  }
0x29: {  	s4 =	sld [smem:$0x3FAF]  }
0x2a: {  	p0 =	seq.s32 s5, $0x0;
	s5 =	sld [smem:$0x3FB0]  }
0x2b: {  	s6 =	sld [smem:$0x3FB1]  }
0x2c: {  	s7 =	sld [smem:$0x3FB2]  }
0x2d: {  	s3 =	simm.s32 $0x108;
	s8 =	sld [smem:$0x3FB3]  }
0x2e: {  	s3 =	simm.s32 @!p0 $0x1082;
	s9 =	sld [smem:$0x3FB4]  }
0x2f: {  	lr =	sadd.s32 s0, s3;
	s0 =	sld [smem:$0x3FAB]  }
0x30: {  	s3 =	sld [smem:$0x3FAE]  }
0x31: {  	[smem:$0x3FB7] =	sst s10  }
0x32: {  	s10 =	sld [smem:$0x3FB5];
	_ =	sdelay $0x3  }
0x33: {  	p0 =	seq.s32 s10, $0x1;
	s10 =	sld [smem:$0x3FB7];
	_ =	sdelay $0x3  }
0x34: {  	[smem:$0x3FB7] =	sst s10  }
0x35: {  	s10 =	sld [smem:$0x3FB6];
	_ =	sdelay $0x3  }
0x36: {  	p1 =	seq.s32 s10, $0x1;
	s10 =	sld [smem:$0x3FB7];
	_ =	sdelay $0x3  }
0x37: {  	[smem:$0x3FB7] =	sst s10  }
0x38: {  	s10 =	sld [smem:$0x3FB8]  }
0x39: {  	_ = 	snop;
	(pc) =	sbr.ind lr, $3  }
0x3a: {  	_ = 	snop  }
0x3b: {  	_ = 	snop  }
0x3c: {  	p2 =	seq.s32 s10, $0x1;
	s10 =	sld [smem:$0x3FB7]  }
0x3d: {  	_ =	shalt  }
0x3e: {  	_ =	shalt  }
0x3f: {  	_ =	shalt  }
0x40: {  	_ =	shalt  }
0x41: {  	_ =	shalt  }
0x42: {  	_ =	shalt  }
0x43: {  	_ =	shalt  }
0x44: {  	_ =	shalt  }
0x45: {  	_ =	shalt  }
0x46: {  	_ =	shalt  }
0x47: {  	_ =	shalt  }
0x48: {  	_ =	shalt  }
0x49: {  	_ =	shalt  }
0x4a: {  	_ =	shalt  }
0x4b: {  	_ =	shalt  }
0x4c: {  	_ =	shalt  }
0x4d: {  	_ =	shalt  }
0x4e: {  	_ =	shalt  }
0x4f: {  	_ =	shalt  }
0x50: {  	_ =	shalt  }
0x51: {  	_ =	shalt  }
0x52: {  	_ =	shalt  }
0x53: {  	_ =	shalt  }
0x54: {  	_ =	shalt  }
0x55: {  	_ =	shalt  }
0x56: {  	_ =	shalt  }
0x57: {  	_ =	shalt  }
0x58: {  	_ =	shalt  }
0x59: {  	_ =	shalt  }
0x5a: {  	_ =	shalt  }
0x5b: {  	_ =	shalt  }
0x5c: {  	_ =	shalt  }
0x5d: {  	_ =	shalt  }
0x5e: {  	_ =	shalt  }
0x5f: {  	_ =	shalt  }
0x60: {  	_ =	shalt  }
0x61: {  	_ =	shalt  }
0x62: {  	_ =	shalt  }
0x63: {  	_ =	shalt  }
0x64: {  	_ =	shalt  }
0x65: {  	_ =	shalt  }
0x66: {  	_ =	shalt  }
0x67: {  	_ =	shalt  }
0x68: {  	_ =	shalt  }
0x69: {  	_ =	shalt  }
0x6a: {  	_ =	shalt  }
0x6b: {  	_ =	shalt  }
0x6c: {  	_ =	shalt  }
0x6d: {  	_ =	shalt  }
0x6e: {  	_ =	shalt  }
0x6f: {  	_ =	shalt  }
0x70: {  	_ =	shalt  }
0x71: {  	_ =	shalt  }
0x72: {  	_ =	shalt  }
0x73: {  	_ =	shalt  }
0x74: {  	_ =	shalt  }
0x75: {  	_ =	shalt  }
0x76: {  	_ =	shalt  }
0x77: {  	_ =	shalt  }
0x78: {  	_ =	shalt  }
0x79: {  	_ =	shalt  }
0x7a: {  	_ =	shalt  }
0x7b: {  	_ =	shalt  }
0x7c: {  	_ =	shalt  }
0x7d: {  	_ =	shalt  }
0x7e: {  	_ =	shalt  }
0x7f: {  	_ =	shalt  }
0x80: {  	_ =	shalt  }
0x81: {  	_ =	shalt  }
0x82: {  	_ =	shalt  }
0x83: {  	_ =	shalt  }
0x84: {  	_ =	shalt  }
0x85: {  	_ =	shalt  }
0x86: {  	_ =	shalt  }
0x87: {  	_ =	shalt  }
.Lfunc_end0:
.L_simem_size_0:
called_computation.3_lowered:
.L_overlay_start_0:
0x88: {  	s2 =	sld [smem:$0x3FD9]  }
0x89: {  	s3 =	sld [smem:$0x3FFE];
	_ =	sdelay $0x1  }
0x8a: {  	s1 =	srdreg.scid  }
0x8b: {  	s0 =	sand.u32 $0x1, s1  }
0x8c: {  	s16 =	sshll.u32 s0, $0xA;
	s2 =	sadd.s32 s3, s2  }
0x8d: {  	s2 =	sadd.s32 s2, s16  }
0x8e: {  	[smem:$0x3FC3] =	sst s2  }
0x8f: {  	_ = 	snop  }
0x90: {  	(tm) =	ssettm $0x1  }
0x91: {  	s17 =	sld [smem:$0x3FFB];
	_ =	sdelay $0x3  }
0x92: {  	_ =	strace s17  }
0x93: {  	s2 =	sld [smem:$0x3FFC];
	_ =	sdelay $0x3  }
0x94: {  	_ =	strace s2  }
0x95: {  	s2 =	sld [smem:$0x3FFD];
	_ =	sdelay $0x3  }
0x96: {  	_ =	strace s2  }
0x97: {  	_ =	strace $0x8FFFFFFF  }
0x98: {  	s18 =	sld [smem:$0x3FDB];
	_ =	sdelay $0x1  }
0x99: {  	s19 =	simm.s32 $_scs_section_size  }
0x9a: {  	s4 =	simm.s32 $_size__tile_overlayer_lowered;
	s5 =	simm.s32 $_tile_overlayer_lowered  }
0x9b: {  	s22 =	simm.s32 $0x1BFF;
	s21 =	sshll.u32 s5, $0x1;
	s2 =	sadd.s32 s19, s18  }
0x9c: {  	s6 =	simm.s32 $0x0;
	s20 =	sshll.u32 s4, $0x1;
	s4 =	sadd.s32 s21, s2  }
0x9d: {  	[timem:s6], [sflag:s22] =	dma.local [hbm:s4], s20  }
0x9e: {  	_ =	swait.ge [sflag:s22], s20  }
0x9f: {  	s3 =	ssub.s32 $0x0, s20;
	[sflag:s22] =	ssyncset.done $0x0  }
0xa0: {  	[sflag:s22] =	ssyncadd.s32 s3;
	_ =	sdelay $0x1  }
0xa1: {  	s23 =	simm.s32 $0x1B8B  }
0xa2: {  	_ =	swait.ge [sflag:s23], $0x1  }
0xa3: {  	[sflag:s23] =	ssyncset.done $0x0  }
0xa4: {  	s25 =	simm.s32 $0x1B8E;
	s24 =	sld [smem:$0x3FFE];
	[sflag:s23] =	ssyncadd.s32 $0xFFFFFFFF  }
0xa5: {  	s26 =	simm.s32 $execute0_lowered;
	[smem:$0x3FD2] =	sst s25  }
0xa6: {  	s4 =	sshll.u32 s26, $0x1;
	_ =	strace $0x8000004F;
	[dreg:$0x1] =	wrdreg $0xFFFFFFFF  }
0xa7: {  	s28 =	simm.s32 $_size_execute0_lowered;
	s2 =	sadd.s32 s2, s4;
	[dreg:$0x0] =	wrdreg $0x0  }
0xa8: {  	s4 =	sshll.u32 s28, $0x1;
	[dreg:$0x2] =	wrdreg s2  }
0xa9: {  	[dreg:$0x3] =	wrdreg s4  }
0xaa: {  	[dreg:$0x4] =	wrdreg $0xC0  }
0xab: {  	_ =	task [dreg:s6], $0x5FFFF  }
0xac: {  	[dreg:$0x1] =	wrdreg $0xFFFFFFFF  }
0xad: {  	[dreg:$0x0] =	wrdreg $0x60  }
0xae: {  	[dreg:$0x2] =	wrdreg s24  }
0xaf: {  	[dreg:$0x3] =	wrdreg $0x9  }
0xb0: {  	_ =	task.clear_ibuf [dreg:s6], $0x4FFFF;
	_ =	strace $0x9000004F  }
0xb1: {  	s29 =	simm.s32 $0x9;
	_ =	strace $0x80000051  }
0xb2: {  	_ =	swait.ge [sflag:s29], $0x1  }
0xb3: {  	[sflag:s29] =	ssyncadd.s32 $0xFFFFFFFF  }
0xb4: {  	_ =	strace $0x90000051  }
0xb5: {  	_ =	sfence  }
0xb6: {  	s30 =	sld [smem:$0x0];
	_ =	sdelay $0x2  }
0xb7: {  	s31 =	sshll.u32 s1, $0xD;
	s1 =	sshrl.u32 s1, $0x2  }
0xb8: {  	s3 =	sand.u32 $0x4000, s31;
	s1 =	sadd.s32 s1, s30  }
0xb9: {  	s0 =	sor.u32 s3, s0;
	s1 =	sshll.u32 s1, $0x11  }
0xba: {  	s0 =	sor.u32 s1, s0  }
0xbb: {  	s0 =	sadd.s32 $0x8F2B, s0  }
0xbc: {  	[sflag:s0] =	ssyncadd.remote.s32 $0x1  }
0xbd: {  	_ =	sfence.sel $0xFFFF  }
0xbe: {  	[dreg:$0x0] =	wrdreg $0xFFFFFFFF;
	(pc) =	sbr.abs _section_cstart, $3  }
0xbf: {  	[dreg:$0x1] =	wrdreg $0xFFFFFFFF  }
0xc0: {  	_ =	task.clear_ibuf [dreg:s6], $0x2FFFF;
	_ =	strace $0x9FFFFFFF  }
0xc1: {  	(tm) =	ssettm $0x7FFFFFFF  }
tec
execute0_lowered:
.L_overlay_start_1:
0x0: {  	(tag) =	ssettag $0x1  }
0x1: {  	s0 =	srdreg.scid  }
0x2: {  	s2 =	stileid.u32;
	s6 =	rddreg [dreg:$0x0];
	s18 =	simm.s32 $0x28  }
0x3: {  	s31 =	simm.s32 $0xF000;
	s28 =	simm.s32 $0xF0A0;
	s29 =	simm.s32 $0x16900  }
0x4: {  	s30 =	simm.s32 $0x1;
	s16 =	simm.s32 $0x2;
	s0 =	sand.u32 $0x1, s0  }
0x5: {  	s17 =	simm.s32 $0x17D00;
	s10 =	simm.s32 $0x0;
	s1 =	sshll.u32 s0, $0x4  }
0x6: {  	s4 =	sadd.s32 $0x16A00, s6;
	s0 =	ssub.s32 $0x2, s0;
	s1 =	sor.u32 s2, s1  }
0x7: {  	s2 =	simm.s32 $0x0;
	s9 =	sshrl.u32 s0, $0x1;
	s3 =	smul.u32 $0x2710, s1  }
0x8: {  	[smem:$0x7FF] =	sst s2;
	s8 =	smul.u32 $0xC350, s1;
	s0 =	ssub.s32 s0, s9  }
0x9: {  	s1 =	smul.u32 $0x186A, s1;
	s9 =	simm.s32 $0x4;
	_ =	strace $0x80000050  }
0xa: {  	s0 =	smax.u32 s0, $0x1;
	s5 =	sshrl.u32 s3, $0x3;
	s8 =	sadd.s32 $0xC8, s8  }
0xb: {  	s11 =	sadd.s32 $0x50, s3;
	s12 =	sadd.s32 $0x78, s3;
	s13 =	sadd.s32 $0x28, s3  }
0xc: {  	[dreg:$0x6] =	wrdreg s0;
	s0 =	simm.s32 $0xDC00;
	s7 =	sadd.s32 s5, s6  }
.Ltmp0:
0xd: {  	s5 =	sadd.s32 $0x548A00, s6;
	s24 =	sadd.s32 $0xCC00, s7;
	(pc) =	sbr.rel .LBB2_1-.Ltmp0, $4  }
0xe: {  	s6 =	sadd.s32 $0x3EA00, s6;
	s7 =	sadd.s32 $0x2E00, s7;
	[dreg:$0x2] =	wrdreg s24  }
0xf: {  	s25 =	sshrl.u32 s8, $0x3;
	s1 =	sadd.s32 s5, s1;
	[dreg:$0x3] =	wrdreg s7  }
0x10: {  	s26 =	sadd.s32 s5, s25;
	s25 =	simm.s32 $0xF078;
	[dreg:$0x4] =	wrdreg s1  }
0x11: {  	v0 =	vimm.f32 $0.0e+00;
	[dreg:$0x5] =	wrdreg s26;
	s26 =	simm.s32 $0x15500;
	s7 =	simm.s32 $0x5  }
.LBB2_13:
0x12: {  	_ =	swait.ge [sflag:s7], $0x1400  }
0x13: {  	[sflag:s7] =	ssyncset.done $0x0  }
0x14: {  	s8 =	simm.s32 $0x6;
	[sflag:s7] =	ssyncadd.s32 $0xFFFFEC00  }
0x15: {  	_ =	swait.ge [sflag:s8], $0x1400  }
0x16: {  	s10 =	rddreg [dreg:$0x7]  }
0x17: {  	s1 =	rddreg [dreg:$0x6];
	s10 =	sadd.s32 $0x1, s10  }
0x18: {  	p0 =	sne.s32 s10, s1  }
.Ltmp1:
0x19: {  	_ = 	snop;
	(pc) =	sbr.rel @!p0 .LBB2_14-.Ltmp1, $3  }
0x1a: {  	_ =	sdelay $0x1  }
0x1b: {  	[sflag:s8] =	ssyncset.done $0x0  }
0x1c: {  	[sflag:s8] =	ssyncadd.s32 $0xFFFFEC00  }
.LBB2_1:
0x1d: {  	[dreg:$0x7] =	wrdreg s10  }
0x1e: {  	s1 =	rddreg [dreg:$0x2];
	s8 =	simm.s32 $0x7  }
0x1f: {  	[tilespmem:s2], [sflag:$0x7] =	stream.linear.gather [hbm4b:s1+s2], $0x2710, $0x38;
	[tilespmem:$0x19100] =	vst v63  }
0x20: {  	_ =	swait.ge [sflag:s8], $0x2710  }
0x21: {  	[sflag:s8] =	ssyncset.done $0x0  }
0x22: {  	s24 =	simm.s32 $0x2780;
	s23 =	rddreg [dreg:$0x3];
	[sflag:s8] =	ssyncadd.s32 $0xFFFFD8F0  }
0x23: {  	[tilespmem:s24], [sflag:$0x7] =	stream.linear.gather [hbm4b:s23+s2], $0x2710, $0x38;
	[tilespmem:$0x19100] =	vst v63  }
0x24: {  	_ =	swait.ge [sflag:s8], $0x2710  }
0x25: {  	[sflag:s8] =	ssyncset.done $0x0  }
0x26: {  	s1 =	simm.s32 $0x0;
	[sflag:s8] =	ssyncadd.s32 $0xFFFFD8F0;
	s8 =	simm.s32 $0x200  }
.LBB2_2:
0x27: {  	p0 =	sne.s32 s8, $0x4E00;
	[tilespmem:s1+$0x17D70] =	vst v0;
	s10 =	smov.u32 s8;
	s8 =	sadd.s32 $0x200, s8  }
.Ltmp2:
0x28: {  	[tilespmem:s1+$0x17D60] =	vst v0;
	(pc) =	sbr.rel @p0 .LBB2_2-.Ltmp2, $3  }
0x29: {  	[tilespmem:s1+$0xDC60] =	vst v0  }
0x2a: {  	[tilespmem:s1+$0xDC70] =	vst v0;
	_ =	sdelay $0x1  }
0x2b: {  	s1 =	sshra.s32 s10, $0x2  }
0x2c: {  	[tilespmem:s1+$0x17D70] =	vst v0  }
0x2d: {  	[tilespmem:s1+$0x17D60] =	vst v0  }
0x2e: {  	[tilespmem:s1+$0xDC60] =	vst v0;
	s14 =	simm.s32 $0x0  }
0x2f: {  	[tilespmem:s1+$0xDC70] =	vst v0;
	s19 =	rddreg [dreg:$0x4];
	s10 =	simm.s32 $0x4F00;
	s8 =	simm.s32 $0x7  }
0x30: {  	[tilespmem:s10], [sflag:$0x7] =	stream.linear.gather [hbm4b:s19+s14], $0xC8, $0x38;
	[tilespmem:$0x19100] =	vst v63  }
0x31: {  	_ =	swait.ge [sflag:s8], $0xC8  }
0x32: {  	[sflag:s8] =	ssyncset.done $0x0  }
0x33: {  	s20 =	simm.s32 $0x5000;
	[sflag:s8] =	ssyncadd.s32 $0xFFFFFF38  }
0x34: {  	[tilespmem:s20], [sflag:$0x1] =	stream.indirect.gather [hbm4b:s4+s18], $0x80, s14, s18, $0xb8;
	[tilespmem:$0x19100] =	vst v63  }
0x35: {  	s21 =	simm.s32 $0x2780;
	s15 =	simm.s32 $0x6400  }
0x36: {  	[tilespmem:s15], [sflag:$0x1] =	stream.indirect.gather [hbm4b:s4+s18], $0x80, s21, s18, $0xb8;
	[tilespmem:$0x19100] =	vst v63  }
0x37: {  	s22 =	simm.s32 $0x7800  }
0x38: {  	[tilespmem:s22], [sflag:$0x1] =	stream.indirect.gather [hbm4b:s4+s18], $0x80, s10, s18, $0xb8;
	[tilespmem:$0x19100] =	vst v63  }
0x39: {  	s23 =	simm.s32 $0x4F28;
	s24 =	simm.s32 $0x8C00  }
0x3a: {  	[tilespmem:s24], [sflag:$0x1] =	stream.indirect.gather [hbm4b:s4+s18], $0x80, s23, s18, $0xb8;
	[tilespmem:$0x19100] =	vst v63  }
0x3b: {  	s19 =	simm.s32 $0xA000;
	s15 =	simm.s32 $0x4F50  }
0x3c: {  	[tilespmem:s19], [sflag:$0x1] =	stream.indirect.gather [hbm4b:s4+s18], $0x80, s15, s18, $0xb8;
	[tilespmem:$0x19100] =	vst v63  }
0x3d: {  	s20 =	simm.s32 $0x4F78;
	s21 =	simm.s32 $0xB400  }
0x3e: {  	[tilespmem:s21], [sflag:$0x1] =	stream.indirect.gather [hbm4b:s4+s18], $0x80, s20, s18, $0xb8;
	[tilespmem:$0x19100] =	vst v63  }
0x3f: {  	s22 =	simm.s32 $0x4FA0;
	s23 =	simm.s32 $0xC800  }
0x40: {  	[tilespmem:s23], [sflag:$0x1] =	stream.indirect.gather [hbm4b:s4+s18], $0x80, s22, s18, $0xb8;
	[tilespmem:$0x19100] =	vst v63  }
0x41: {  	s24 =	rddreg [dreg:$0x5]  }
0x42: {  	[tilespmem:s31], [sflag:$0x7] =	stream.linear.gather [hbm4b:s24+s14], $0xC8, $0x38;
	[tilespmem:$0x19100] =	vst v63  }
0x43: {  	_ =	swait.ge [sflag:s8], $0xC8  }
0x44: {  	[sflag:s8] =	ssyncset.done $0x0  }
0x45: {  	s10 =	simm.s32 $0xF100;
	[sflag:s8] =	ssyncadd.s32 $0xFFFFFF38  }
0x46: {  	[tilespmem:s10], [sflag:$0x2] =	stream.indirect.gather [hbm4b:s4+s18], $0x80, s18, s18, $0xb8;
	[tilespmem:$0x19100] =	vst v63  }
0x47: {  	s15 =	simm.s32 $0x27A8;
	s19 =	simm.s32 $0x10500  }
0x48: {  	[tilespmem:s19], [sflag:$0x2] =	stream.indirect.gather [hbm4b:s4+s18], $0x80, s15, s18, $0xb8;
	[tilespmem:$0x19100] =	vst v63  }
0x49: {  	s20 =	simm.s32 $0x11900  }
0x4a: {  	[tilespmem:s20], [sflag:$0x2] =	stream.indirect.gather [hbm4b:s4+s18], $0x80, s31, s18, $0xb8;
	[tilespmem:$0x19100] =	vst v63  }
0x4b: {  	s21 =	simm.s32 $0xF028;
	s22 =	simm.s32 $0x12D00  }
0x4c: {  	[tilespmem:s22], [sflag:$0x2] =	stream.indirect.gather [hbm4b:s4+s18], $0x80, s21, s18, $0xb8;
	[tilespmem:$0x19100] =	vst v63  }
0x4d: {  	s23 =	simm.s32 $0xF050;
	s24 =	simm.s32 $0x14100  }
0x4e: {  	[tilespmem:s24], [sflag:$0x2] =	stream.indirect.gather [hbm4b:s4+s18], $0x80, s23, s18, $0xb8;
	[tilespmem:$0x19100] =	vst v63  }
0x4f: {  	_ = 	snop  }
0x50: {  	[tilespmem:s26], [sflag:$0x2] =	stream.indirect.gather [hbm4b:s4+s18], $0x80, s25, s18, $0xb8;
	[tilespmem:$0x19100] =	vst v63  }
0x51: {  	_ = 	snop  }
0x52: {  	[tilespmem:s29], [sflag:$0x2] =	stream.indirect.gather [hbm4b:s4+s18], $0x80, s28, s18, $0xb8;
	[tilespmem:$0x19100] =	vst v63  }
.LBB2_4:
0x53: {  	_ =	swait.ge [sflag:s30], $0x1400  }
0x54: {  	[sflag:s30] =	ssyncset.done $0x0  }
0x55: {  	[sflag:s30] =	ssyncadd.s32 $0xFFFFEC00  }
0x56: {  	_ =	swait.ge [sflag:s30], $0x1400  }
0x57: {  	[sflag:s30] =	ssyncset.done $0x0  }
0x58: {  	[sflag:s30] =	ssyncadd.s32 $0xFFFFEC00  }
0x59: {  	_ =	swait.ge [sflag:s30], $0x1400  }
0x5a: {  	[sflag:s30] =	ssyncset.done $0x0  }
0x5b: {  	[sflag:s30] =	ssyncadd.s32 $0xFFFFEC00  }
0x5c: {  	_ =	swait.ge [sflag:s30], $0x1400  }
0x5d: {  	[sflag:s30] =	ssyncset.done $0x0  }
0x5e: {  	[sflag:s30] =	ssyncadd.s32 $0xFFFFEC00  }
0x5f: {  	p0 =	seq.s32 s14, $0x7C;
	_ =	swait.ge [sflag:s30], $0x1400  }
0x60: {  	s1 =	smul.u32 @!p0 $0x50, s14;
	[sflag:s30] =	ssyncset.done $0x0  }
0x61: {  	[sflag:s30] =	ssyncadd.s32 $0xFFFFEC00  }
0x62: {  	p1 =	seq.s32 @!p0 s14, $0x0;
	s1 =	sadd.s32 @!p0 s1, s11;
	_ =	swait.ge [sflag:s30], $0x1400  }
0x63: {  	p1 =	por p0, !p1;
	s1 =	smul.u32 @!p0 $0x5, s1;
	[sflag:s30] =	ssyncset.done $0x0  }
.Ltmp3:
0x64: {  	[sflag:s30] =	ssyncadd.s32 $0xFFFFEC00;
	(pc) =	sbr.rel @!p1 .LBB2_5-.Ltmp3, $4  }
0x65: {  	_ =	swait.ge [sflag:s30], $0x1400  }
0x66: {  	s8 =	simm.s32 @!p0 $0x0;
	s1 =	sshrl.u32 @!p0 s1, $0x3;
	[sflag:s30] =	ssyncset.done $0x0  }
0x67: {  	s10 =	simm.s32 @!p0 $0x4F00;
	s1 =	sadd.s32 @!p0 s5, s1;
	[sflag:s30] =	ssyncadd.s32 $0xFFFFEC00  }
0x68: {  	[tilespmem:s10], [sflag:$0x3] =	stream.linear.gather @!p0 [hbm4b:s1+s8], $0xC8, $0x38;
	[tilespmem:$0x19100] =	vst v63  }
.Ltmp4:
0x69: {  	(pc) =	sbr.rel .LBB2_7-.Ltmp4, $4  }
0x6a: {  	_ = 	snop  }
0x6b: {  	_ =	swait.ge [sflag:s7], $0x1400  }
0x6c: {  	[sflag:s7] =	ssyncset.done $0x0  }
0x6d: {  	p1 =	por $0x0, $0x0;
	[sflag:s7] =	ssyncadd.s32 $0xFFFFEC00  }
.LBB2_5:
0x6e: {  	p1 =	por @!p0 $0x1, $0x1  }
.LBB2_7:
0x6f: {  	s1 =	simm.s32 $0x5080  }
0x70: {  	v16 =	vld [tilespmem:s1+$0x60]  }
0x71: {  	v15 =	vld [tilespmem:s1+$0x70]  }
0x72: {  	v21 =	vld [tilespmem:s1+$0x40]  }
0x73: {  	v17 =	vld [tilespmem:s1+$0x50]  }
0x74: {  	v25 =	vld [tilespmem:s1+$0x0]  }
0x75: {  	v22 =	vld [tilespmem:s1+$0x10]  }
0x76: {  	v26 =	vld [tilespmem:s1+$0x20]  }
0x77: {  	s10 =	simm.s32 $0x6480;
	v23 =	vld [tilespmem:s1+$0x30]  }
0x78: {  	v1 =	vld [tilespmem:s10+$0x0]  }
0x79: {  	v2 =	vld [tilespmem:s10+$0x10]  }
0x7a: {  	v3 =	vld [tilespmem:s10+$0x20]  }
0x7b: {  	v4 =	vld [tilespmem:s10+$0x30]  }
0x7c: {  	v5 =	vld [tilespmem:s10+$0x40]  }
0x7d: {  	v6 =	vld [tilespmem:s10+$0x50]  }
0x7e: {  	v7 =	vld [tilespmem:s10+$0x60]  }
0x7f: {  	v8 =	vld [tilespmem:s10+$0x70];
	v1 =	vmul.f32 v1, v25;
	v2 =	vmul.f32 v2, v22  }
0x80: {  	v3 =	vmul.f32 v3, v26;
	v4 =	vmul.f32 v4, v23  }
0x81: {  	v5 =	vmul.f32 v5, v21  }
0x82: {  	v1 =	vadd.f32 v3, v1;
	v2 =	vadd.f32 v4, v2;
	v3 =	vmul.f32 v6, v17  }
0x83: {  	v18 =	vld [tilespmem:s1+$0xFFFFFF90];
	v4 =	vmul.f32 v7, v16  }
0x84: {  	v20 =	vld [tilespmem:s1+$0xFFFFFFA0];
	v1 =	vadd.f32 v5, v1;
	v2 =	vadd.f32 v3, v2;
	v3 =	vmul.f32 v8, v15  }
0x85: {  	v19 =	vld [tilespmem:s1+$0xFFFFFFB0]  }
0x86: {  	v11 =	vld [tilespmem:s10+$0xFFFFFFA0];
	v1 =	vadd.f32 v4, v1;
	v2 =	vadd.f32 v3, v2  }
0x87: {  	v12 =	vld [tilespmem:s10+$0xFFFFFFB0]  }
0x88: {  	v28 =	vld [tilespmem:s1+$0xFFFFFF80];
	v1 =	vadd.f32 v2, v1  }
0x89: {  	s15 =	simm.s32 $0xDC80;
	v27 =	vld [tilespmem:s1+$0xFFFFFFC0]  }
0x8a: {  	s8 =	simm.s32 $0x7A80;
	v24 =	vld [tilespmem:s1+$0xFFFFFFD0];
	[tilespmem:s15+$0x0] =	vst v1  }
0x8b: {  	v1 =	vld [tilespmem:s8+$0x0]  }
0x8c: {  	v2 =	vld [tilespmem:s8+$0x10]  }
0x8d: {  	v5 =	vld [tilespmem:s8+$0x20]  }
0x8e: {  	v6 =	vld [tilespmem:s8+$0x30]  }
0x8f: {  	v7 =	vld [tilespmem:s8+$0x40]  }
0x90: {  	v8 =	vld [tilespmem:s8+$0x50]  }
0x91: {  	v9 =	vld [tilespmem:s8+$0x60]  }
0x92: {  	s20 =	simm.s32 $0x5180;
	v10 =	vld [tilespmem:s8+$0x70];
	v1 =	vmul.f32 v1, v25;
	v2 =	vmul.f32 v2, v22  }
0x93: {  	v29 =	vld [tilespmem:s20+$0x0];
	v5 =	vmul.f32 v5, v26;
	v6 =	vmul.f32 v6, v23  }
0x94: {  	v31 =	vld [tilespmem:s20+$0x10];
	v7 =	vmul.f32 v7, v21  }
0x95: {  	v3 =	vld [tilespmem:s10+$0xFFFFFF80];
	v1 =	vadd.f32 v5, v1;
	v2 =	vadd.f32 v6, v2;
	v5 =	vmul.f32 v8, v17  }
0x96: {  	v4 =	vld [tilespmem:s10+$0xFFFFFF90];
	v6 =	vmul.f32 v9, v16  }
0x97: {  	v8 =	vld [tilespmem:s10+$0xFFFFFFD0];
	v1 =	vadd.f32 v7, v1;
	v2 =	vadd.f32 v5, v2;
	v5 =	vmul.f32 v10, v15  }
0x98: {  	v7 =	vld [tilespmem:s10+$0xFFFFFFC0]  }
0x99: {  	v10 =	vld [tilespmem:s10+$0xFFFFFFF0];
	v6 =	vadd.f32 v6, v1;
	v5 =	vadd.f32 v5, v2  }
0x9a: {  	v1 =	vld [tilespmem:s1+$0xFFFFFFE0]  }
0x9b: {  	v2 =	vld [tilespmem:s1+$0xFFFFFFF0];
	v5 =	vadd.f32 v5, v6  }
0x9c: {  	v3 =	vmul.f32 v3, v28;
	v9 =	vmul.f32 v11, v20;
	v6 =	vld [tilespmem:s10+$0xFFFFFFE0]  }
0x9d: {  	v30 =	vld [tilespmem:s20+$0x20];
	v4 =	vmul.f32 v4, v18;
	[tilespmem:s15+$0x10] =	vst v5;
	v5 =	vmul.f32 v12, v19  }
0x9e: {  	v3 =	vadd.f32 v9, v3;
	v7 =	vmul.f32 v7, v27;
	v11 =	vld [tilespmem:s8+$0x80]  }
0x9f: {  	v9 =	vld [tilespmem:s8+$0x90];
	v4 =	vadd.f32 v5, v4;
	v5 =	vmul.f32 v8, v24  }
0xa0: {  	v3 =	vadd.f32 v7, v3;
	v7 =	vld [tilespmem:s8+$0xB0]  }
0xa1: {  	v8 =	vld [tilespmem:s8+$0xA0];
	v4 =	vadd.f32 v5, v4;
	v5 =	vmul.f32 v6, v1;
	v6 =	vmul.f32 v10, v2  }
0xa2: {  	v10 =	vld [tilespmem:s8+$0xC0]  }
0xa3: {  	v12 =	vld [tilespmem:s8+$0xD0];
	v3 =	vadd.f32 v5, v3;
	v4 =	vadd.f32 v6, v4  }
0xa4: {  	v5 =	vld [tilespmem:s8+$0xE0]  }
0xa5: {  	v6 =	vmul.f32 v11, v25;
	v9 =	vmul.f32 v9, v22;
	v11 =	vld [tilespmem:s8+$0xF0];
	v3 =	vadd.f32 v4, v3  }
0xa6: {  	v32 =	vld [tilespmem:s20+$0x30];
	s1 =	simm.s32 $0x6580;
	v7 =	vmul.f32 v7, v23;
	v4 =	vmul.f32 v8, v26  }
0xa7: {  	v41 =	vld [tilespmem:s1+$0x60];
	v8 =	vmul.f32 v10, v21;
	[tilespmem:s15+$0xFFFFFF80] =	vst v3  }
0xa8: {  	v3 =	vadd.f32 v4, v6;
	v4 =	vadd.f32 v7, v9;
	v6 =	vmul.f32 v12, v17;
	v7 =	vld [tilespmem:s8+$0xFFFFFD80]  }
0xa9: {  	v5 =	vmul.f32 v5, v16;
	v9 =	vld [tilespmem:s8+$0xFFFFFD90]  }
0xaa: {  	v3 =	vadd.f32 v8, v3;
	v4 =	vadd.f32 v6, v4;
	v6 =	vmul.f32 v11, v15;
	v8 =	vld [tilespmem:s8+$0xFFFFFDA0]  }
0xab: {  	v10 =	vld [tilespmem:s8+$0xFFFFFDB0]  }
0xac: {  	v3 =	vadd.f32 v5, v3;
	v4 =	vadd.f32 v6, v4;
	v5 =	vld [tilespmem:s8+$0xFFFFFDC0]  }
0xad: {  	v6 =	vld [tilespmem:s8+$0xFFFFFDD0]  }
0xae: {  	v11 =	vld [tilespmem:s8+$0xFFFFFDF0];
	v3 =	vadd.f32 v4, v3  }
0xaf: {  	v4 =	vld [tilespmem:s8+$0xFFFFFDE0];
	v7 =	vmul.f32 v7, v28;
	v8 =	vmul.f32 v8, v20  }
0xb0: {  	v43 =	vld [tilespmem:s1+$0xFFFFFF80];
	[tilespmem:s15+$0x20] =	vst v3;
	v3 =	vmul.f32 v9, v18;
	v9 =	vmul.f32 v10, v19  }
0xb1: {  	v10 =	vld [tilespmem:s8+$0x100];
	v7 =	vadd.f32 v8, v7;
	v5 =	vmul.f32 v5, v27  }
0xb2: {  	v8 =	vld [tilespmem:s8+$0x110];
	v6 =	vmul.f32 v6, v24;
	v3 =	vadd.f32 v9, v3  }
0xb3: {  	v9 =	vld [tilespmem:s8+$0x120];
	v5 =	vadd.f32 v5, v7  }
0xb4: {  	v7 =	vld [tilespmem:s8+$0x130];
	v4 =	vmul.f32 v4, v1;
	v3 =	vadd.f32 v6, v3;
	v6 =	vmul.f32 v11, v2  }
0xb5: {  	v11 =	vld [tilespmem:s8+$0x140]  }
0xb6: {  	v12 =	vld [tilespmem:s8+$0x150];
	v4 =	vadd.f32 v4, v5;
	v3 =	vadd.f32 v6, v3  }
0xb7: {  	v5 =	vld [tilespmem:s8+$0x160]  }
0xb8: {  	v6 =	vmul.f32 v10, v25;
	v8 =	vmul.f32 v8, v22;
	v10 =	vld [tilespmem:s8+$0x170];
	v3 =	vadd.f32 v3, v4  }
0xb9: {  	v44 =	vld [tilespmem:s1+$0xFFFFFF90];
	v4 =	vmul.f32 v9, v26;
	v7 =	vmul.f32 v7, v23  }
0xba: {  	v57 =	vld [tilespmem:s1+$0xFFFFFFA0];
	v9 =	vmul.f32 v11, v21;
	[tilespmem:s15+$0xFFFFFF90] =	vst v3  }
0xbb: {  	v3 =	vadd.f32 v4, v6;
	v4 =	vadd.f32 v7, v8;
	v6 =	vmul.f32 v12, v17;
	v7 =	vld [tilespmem:s8+$0xFFFFFE00]  }
0xbc: {  	v5 =	vmul.f32 v5, v16;
	v8 =	vld [tilespmem:s8+$0xFFFFFE10]  }
0xbd: {  	v3 =	vadd.f32 v9, v3;
	v4 =	vadd.f32 v6, v4;
	v6 =	vmul.f32 v10, v15;
	v9 =	vld [tilespmem:s8+$0xFFFFFE20]  }
0xbe: {  	v10 =	vld [tilespmem:s8+$0xFFFFFE30]  }
0xbf: {  	v3 =	vadd.f32 v5, v3;
	v4 =	vadd.f32 v6, v4;
	v5 =	vld [tilespmem:s8+$0xFFFFFE40]  }
0xc0: {  	v6 =	vld [tilespmem:s8+$0xFFFFFE50]  }
0xc1: {  	v11 =	vld [tilespmem:s8+$0xFFFFFE70];
	v3 =	vadd.f32 v4, v3  }
0xc2: {  	v4 =	vld [tilespmem:s8+$0xFFFFFE60];
	v7 =	vmul.f32 v7, v28;
	v9 =	vmul.f32 v9, v20  }
0xc3: {  	v45 =	vld [tilespmem:s1+$0xFFFFFFB0];
	[tilespmem:s15+$0x30] =	vst v3;
	v3 =	vmul.f32 v8, v18;
	v8 =	vmul.f32 v10, v19  }
0xc4: {  	v10 =	vld [tilespmem:s8+$0x180];
	v7 =	vadd.f32 v9, v7;
	v5 =	vmul.f32 v5, v27  }
0xc5: {  	v9 =	vld [tilespmem:s8+$0x190];
	v6 =	vmul.f32 v6, v24;
	v3 =	vadd.f32 v8, v3  }
0xc6: {  	v8 =	vld [tilespmem:s8+$0x1A0];
	v5 =	vadd.f32 v5, v7  }
0xc7: {  	v7 =	vld [tilespmem:s8+$0x1B0];
	v4 =	vmul.f32 v4, v1;
	v3 =	vadd.f32 v6, v3;
	v6 =	vmul.f32 v11, v2  }
0xc8: {  	v52 =	vld [tilespmem:s1+$0xFFFFFFC0]  }
0xc9: {  	v53 =	vld [tilespmem:s1+$0xFFFFFFD0];
	v4 =	vadd.f32 v4, v5;
	v3 =	vadd.f32 v6, v3  }
0xca: {  	v11 =	vld [tilespmem:s8+$0x1C0]  }
0xcb: {  	v12 =	vld [tilespmem:s8+$0x1D0];
	v6 =	vmul.f32 v10, v25;
	v9 =	vmul.f32 v9, v22;
	v3 =	vadd.f32 v3, v4  }
0xcc: {  	v5 =	vld [tilespmem:s8+$0x1E0];
	v4 =	vmul.f32 v8, v26;
	v7 =	vmul.f32 v7, v23  }
0xcd: {  	v10 =	vld [tilespmem:s8+$0x1F0];
	[tilespmem:s15+$0xFFFFFFA0] =	vst v3  }
0xce: {  	v3 =	vadd.f32 v4, v6;
	v4 =	vadd.f32 v7, v9;
	v7 =	vld [tilespmem:s8+$0xFFFFFE80]  }
0xcf: {  	v8 =	vmul.f32 v11, v21;
	v9 =	vld [tilespmem:s8+$0xFFFFFE90]  }
0xd0: {  	v6 =	vmul.f32 v12, v17;
	v11 =	vld [tilespmem:s8+$0xFFFFFEC0]  }
0xd1: {  	v3 =	vadd.f32 v8, v3;
	v8 =	vld [tilespmem:s8+$0xFFFFFEA0]  }
0xd2: {  	v4 =	vadd.f32 v6, v4;
	v6 =	vmul.f32 v10, v15;
	v10 =	vld [tilespmem:s8+$0xFFFFFEB0]  }
0xd3: {  	v5 =	vmul.f32 v5, v16;
	v12 =	vld [tilespmem:s8+$0xFFFFFED0]  }
0xd4: {  	v13 =	vld [tilespmem:s8+$0xFFFFFEE0]  }
0xd5: {  	v14 =	vld [tilespmem:s8+$0xFFFFFEF0];
	v3 =	vadd.f32 v5, v3  }
0xd6: {  	v4 =	vadd.f32 v6, v4;
	v5 =	vld [tilespmem:s20+$0x60];
	v7 =	vmul.f32 v7, v28;
	v8 =	vmul.f32 v8, v20  }
0xd7: {  	v6 =	vld [tilespmem:s20+$0x40];
	v9 =	vmul.f32 v9, v18;
	v10 =	vmul.f32 v10, v19  }
0xd8: {  	v3 =	vadd.f32 v4, v3;
	v4 =	vld [tilespmem:s20+$0x50];
	v7 =	vadd.f32 v8, v7  }
0xd9: {  	v8 =	vmul.f32 v11, v27;
	v9 =	vadd.f32 v10, v9;
	v10 =	vmul.f32 v12, v24;
	v11 =	vld [tilespmem:s1+$0x0]  }
0xda: {  	v12 =	vmul.f32 v13, v1;
	v13 =	vld [tilespmem:s1+$0x20]  }
0xdb: {  	v7 =	vadd.f32 v8, v7;
	v8 =	vld [tilespmem:s1+$0x10];
	v9 =	vadd.f32 v10, v9;
	v10 =	vmul.f32 v14, v2  }
0xdc: {  	v14 =	vld [tilespmem:s1+$0x30]  }
0xdd: {  	v9 =	vadd.f32 v10, v9;
	v10 =	vld [tilespmem:s1+$0x40]  }
0xde: {  	v7 =	vadd.f32 v12, v7;
	v12 =	vld [tilespmem:s1+$0x50]  }
0xdf: {  	[tilespmem:s15+$0x40] =	vst v3;
	v3 =	vld [tilespmem:s20+$0x70]  }
0xe0: {  	v13 =	vmul.f32 v13, v30;
	v7 =	vadd.f32 v9, v7;
	v9 =	vmul.f32 v11, v29;
	v11 =	vld [tilespmem:s1+$0x70]  }
0xe1: {  	v59 =	vld [tilespmem:s1+$0xFFFFFFE0];
	v8 =	vmul.f32 v8, v31;
	v14 =	vmul.f32 v14, v32  }
0xe2: {  	v60 =	vld [tilespmem:s1+$0xFFFFFFF0];
	v13 =	vadd.f32 v13, v9  }
0xe3: {  	v38 =	vld [tilespmem:s8+$0x200];
	v10 =	vmul.f32 v10, v6;
	v14 =	vadd.f32 v14, v8;
	v12 =	vmul.f32 v12, v4  }
0xe4: {  	v36 =	vld [tilespmem:s8+$0x210];
	v41 =	vmul.f32 v41, v5  }
0xe5: {  	v39 =	vld [tilespmem:s8+$0x220];
	v10 =	vadd.f32 v10, v13;
	v12 =	vadd.f32 v12, v14;
	v11 =	vmul.f32 v11, v3  }
0xe6: {  	v37 =	vld [tilespmem:s8+$0x230]  }
0xe7: {  	v35 =	vld [tilespmem:s8+$0x240];
	v10 =	vadd.f32 v41, v10;
	v11 =	vadd.f32 v11, v12  }
0xe8: {  	v34 =	vld [tilespmem:s8+$0x250]  }
0xe9: {  	v33 =	vld [tilespmem:s8+$0x260];
	v12 =	vadd.f32 v11, v10  }
0xea: {  	s10 =	simm.s32 $0xDD80;
	v40 =	vld [tilespmem:s8+$0x270];
	[tilespmem:s15+$0xFFFFFFB0] =	vst v7  }
0xeb: {  	s19 =	simm.s32 $0x7F80;
	v7 =	vld [tilespmem:s20+$0xFFFFFF90];
	[tilespmem:s10+$0x0] =	vst v12  }
0xec: {  	v12 =	vld [tilespmem:s19+$0x0]  }
0xed: {  	v13 =	vld [tilespmem:s19+$0x10]  }
0xee: {  	v14 =	vld [tilespmem:s19+$0x20]  }
0xef: {  	v46 =	vld [tilespmem:s19+$0x30]  }
0xf0: {  	v47 =	vld [tilespmem:s19+$0x40]  }
0xf1: {  	v48 =	vld [tilespmem:s19+$0x50]  }
0xf2: {  	v49 =	vld [tilespmem:s19+$0x60]  }
0xf3: {  	v51 =	vld [tilespmem:s19+$0x70];
	v50 =	vmul.f32 v12, v29;
	v13 =	vmul.f32 v13, v31  }
0xf4: {  	v9 =	vld [tilespmem:s20+$0xFFFFFFA0];
	v14 =	vmul.f32 v14, v30;
	v46 =	vmul.f32 v46, v32  }
0xf5: {  	v11 =	vld [tilespmem:s20+$0xFFFFFF80];
	v47 =	vmul.f32 v47, v6  }
0xf6: {  	v8 =	vld [tilespmem:s20+$0xFFFFFFB0];
	v48 =	vmul.f32 v48, v4;
	v50 =	vadd.f32 v14, v50;
	v46 =	vadd.f32 v46, v13  }
0xf7: {  	v10 =	vld [tilespmem:s20+$0xFFFFFFC0];
	v49 =	vmul.f32 v49, v5  }
0xf8: {  	v12 =	vld [tilespmem:s20+$0xFFFFFFD0];
	v58 =	vmul.f32 v51, v3;
	v47 =	vadd.f32 v47, v50;
	v46 =	vadd.f32 v48, v46  }
0xf9: {  	v41 =	vmul.f32 v57, v9;
	v13 =	vld [tilespmem:s20+$0xFFFFFFE0]  }
0xfa: {  	v43 =	vmul.f32 v43, v11;
	v14 =	vld [tilespmem:s20+$0xFFFFFFF0];
	v47 =	vadd.f32 v49, v47;
	v46 =	vadd.f32 v58, v46  }
0xfb: {  	v42 =	vld [tilespmem:s8+$0xFFFFFF00];
	v44 =	vmul.f32 v44, v7;
	v45 =	vmul.f32 v45, v8  }
0xfc: {  	v61 =	vmul.f32 v52, v10;
	v52 =	vld [tilespmem:s8+$0xFFFFFF40];
	v41 =	vadd.f32 v41, v43;
	v46 =	vadd.f32 v46, v47  }
0xfd: {  	v44 =	vadd.f32 v45, v44;
	v48 =	vld [tilespmem:s8+$0xFFFFFF10];
	v62 =	vmul.f32 v53, v12  }
0xfe: {  	v41 =	vadd.f32 v61, v41;
	v49 =	vld [tilespmem:s8+$0xFFFFFF20];
	[tilespmem:s10+$0x10] =	vst v46  }
0xff: {  	v44 =	vadd.f32 v62, v44;
	v54 =	vmul.f32 v59, v13;
	v55 =	vmul.f32 v60, v14;
	v63 =	vld [tilespmem:s19+$0x80]  }
0x100: {  	v56 =	vld [tilespmem:s19+$0x90]  }
0x101: {  	v41 =	vadd.f32 v54, v41;
	v44 =	vadd.f32 v55, v44;
	v51 =	vld [tilespmem:s19+$0xA0]  }
0x102: {  	v57 =	vld [tilespmem:s19+$0xB0]  }
0x103: {  	v58 =	vld [tilespmem:s19+$0xC0];
	v41 =	vadd.f32 v44, v41  }
0x104: {  	v59 =	vld [tilespmem:s19+$0xD0]  }
0x105: {  	v60 =	vld [tilespmem:s19+$0xE0];
	[tilespmem:s10+$0xFFFFFF80] =	vst v41  }
0x106: {  	v54 =	vld [tilespmem:s19+$0xFFFFFD80]  }
0x107: {  	v61 =	vmul.f32 v63, v29;
	v62 =	vmul.f32 v56, v31;
	v63 =	vld [tilespmem:s19+$0xF0]  }
0x108: {  	v55 =	vld [tilespmem:s19+$0xFFFFFD90];
	v51 =	vmul.f32 v51, v30;
	v45 =	vmul.f32 v57, v32  }
0x109: {  	v46 =	vmul.f32 v58, v6;
	v56 =	vld [tilespmem:s19+$0xFFFFFDA0]  }
0x10a: {  	v44 =	vmul.f32 v59, v4;
	v57 =	vld [tilespmem:s19+$0xFFFFFDB0];
	v41 =	vadd.f32 v51, v61;
	v43 =	vadd.f32 v45, v62  }
0x10b: {  	v47 =	vld [tilespmem:s8+$0xFFFFFF30];
	v53 =	vmul.f32 v60, v5  }
0x10c: {  	v58 =	vld [tilespmem:s19+$0xFFFFFDC0];
	v41 =	vadd.f32 v46, v41;
	v43 =	vadd.f32 v44, v43;
	v59 =	vmul.f32 v63, v3  }
0x10d: {  	v60 =	vld [tilespmem:s19+$0xFFFFFDD0];
	v62 =	vmul.f32 v54, v11  }
0x10e: {  	v61 =	vld [tilespmem:s19+$0xFFFFFDE0];
	v51 =	vmul.f32 v56, v9;
	v41 =	vadd.f32 v53, v41;
	v43 =	vadd.f32 v59, v43  }
0x10f: {  	v55 =	vmul.f32 v55, v7;
	v63 =	vld [tilespmem:s19+$0xFFFFFDF0];
	v45 =	vmul.f32 v57, v8  }
0x110: {  	v44 =	vadd.f32 v51, v62;
	v51 =	vld [tilespmem:s8+$0xFFFFFF60];
	v41 =	vadd.f32 v43, v41  }
0x111: {  	v45 =	vadd.f32 v45, v55;
	v55 =	vld [tilespmem:s8+$0xFFFFFF70]  }
0x112: {  	v46 =	vmul.f32 v58, v10;
	v50 =	vmul.f32 v60, v12;
	v43 =	vld [tilespmem:s8+$0xFFFFFF50];
	[tilespmem:s10+$0x20] =	vst v41  }
0x113: {  	v59 =	vmul.f32 v61, v13;
	v58 =	vld [tilespmem:s19+$0x100]  }
0x114: {  	v57 =	vadd.f32 v46, v44;
	v45 =	vadd.f32 v50, v45;
	v60 =	vmul.f32 v63, v14;
	v61 =	vld [tilespmem:s19+$0x110]  }
0x115: {  	v42 =	vmul.f32 v42, v28;
	v62 =	vld [tilespmem:s19+$0x120]  }
0x116: {  	v49 =	vmul.f32 v49, v20;
	v41 =	vadd.f32 v59, v57;
	v45 =	vadd.f32 v60, v45;
	v63 =	vld [tilespmem:s19+$0x130]  }
0x117: {  	v48 =	vmul.f32 v48, v18;
	v47 =	vmul.f32 v47, v19;
	v50 =	vld [tilespmem:s19+$0x140]  }
0x118: {  	v42 =	vadd.f32 v49, v42;
	v56 =	vmul.f32 v52, v27;
	v57 =	vld [tilespmem:s19+$0x150];
	v41 =	vadd.f32 v45, v41  }
0x119: {  	v47 =	vadd.f32 v47, v48;
	v48 =	vld [tilespmem:s19+$0x160];
	v51 =	vmul.f32 v51, v1;
	v43 =	vmul.f32 v43, v24  }
0x11a: {  	v59 =	vld [tilespmem:s19+$0x170];
	[tilespmem:s10+$0xFFFFFF90] =	vst v41;
	v58 =	vmul.f32 v58, v29;
	v60 =	vmul.f32 v62, v30  }
0x11b: {  	v42 =	vadd.f32 v56, v42;
	v61 =	vmul.f32 v61, v31;
	v62 =	vld [tilespmem:s19+$0xFFFFFE00];
	v46 =	vmul.f32 v63, v32  }
0x11c: {  	v43 =	vadd.f32 v43, v47;
	v63 =	vmul.f32 v55, v2;
	v55 =	vld [tilespmem:s19+$0xFFFFFE10];
	v50 =	vmul.f32 v50, v6  }
0x11d: {  	v56 =	vld [tilespmem:s19+$0xFFFFFE20];
	v45 =	vmul.f32 v57, v4;
	v41 =	vadd.f32 v60, v58;
	v46 =	vadd.f32 v46, v61  }
0x11e: {  	v42 =	vadd.f32 v51, v42;
	v57 =	vld [tilespmem:s19+$0xFFFFFE30];
	v48 =	vmul.f32 v48, v5;
	v43 =	vadd.f32 v63, v43  }
0x11f: {  	v44 =	vmul.f32 v59, v3;
	v59 =	vld [tilespmem:s19+$0xFFFFFE50];
	v41 =	vadd.f32 v50, v41;
	v45 =	vadd.f32 v45, v46  }
0x120: {  	v58 =	vld [tilespmem:s19+$0xFFFFFE40];
	v42 =	vadd.f32 v43, v42  }
0x121: {  	v60 =	vld [tilespmem:s19+$0xFFFFFE60];
	v41 =	vadd.f32 v48, v41;
	v44 =	vadd.f32 v44, v45  }
0x122: {  	v63 =	vld [tilespmem:s19+$0xFFFFFE70];
	v61 =	vmul.f32 v62, v11;
	v62 =	vmul.f32 v56, v9;
	[tilespmem:s15+$0xFFFFFFC0] =	vst v42  }
0x123: {  	v52 =	vmul.f32 v55, v7;
	v53 =	vmul.f32 v57, v8;
	v50 =	vld [tilespmem:s8+$0xFFFFFF90];
	v41 =	vadd.f32 v44, v41  }
0x124: {  	v43 =	vmul.f32 v59, v12;
	v44 =	vld [tilespmem:s8+$0xFFFFFF80]  }
0x125: {  	v42 =	vadd.f32 v62, v61;
	v54 =	vmul.f32 v58, v10;
	v48 =	vadd.f32 v53, v52;
	[tilespmem:s10+$0x30] =	vst v41;
	v41 =	vld [tilespmem:s8+$0xFFFFFFA0]  }
0x126: {  	v46 =	vmul.f32 v60, v13;
	v55 =	vld [tilespmem:s19+$0x180]  }
0x127: {  	v47 =	vmul.f32 v63, v14;
	v42 =	vadd.f32 v54, v42;
	v43 =	vadd.f32 v43, v48;
	v56 =	vld [tilespmem:s19+$0x190]  }
0x128: {  	v57 =	vld [tilespmem:s19+$0x1A0]  }
0x129: {  	v42 =	vadd.f32 v46, v42;
	v43 =	vadd.f32 v47, v43;
	v58 =	vld [tilespmem:s19+$0x1B0]  }
0x12a: {  	v59 =	vld [tilespmem:s19+$0x1C0]  }
0x12b: {  	v60 =	vld [tilespmem:s19+$0x1D0];
	v42 =	vadd.f32 v43, v42  }
0x12c: {  	v61 =	vld [tilespmem:s19+$0x1E0]  }
0x12d: {  	v63 =	vld [tilespmem:s19+$0x1F0];
	[tilespmem:s10+$0xFFFFFFA0] =	vst v42;
	v62 =	vmul.f32 v55, v29;
	v49 =	vmul.f32 v57, v30  }
0x12e: {  	v48 =	vmul.f32 v56, v31;
	v56 =	vld [tilespmem:s19+$0xFFFFFE80];
	v46 =	vmul.f32 v58, v32  }
0x12f: {  	v25 =	vmul.f32 v38, v25;
	v57 =	vld [tilespmem:s19+$0xFFFFFE90];
	v47 =	vmul.f32 v59, v6  }
0x130: {  	v58 =	vld [tilespmem:s19+$0xFFFFFEA0];
	v43 =	vmul.f32 v60, v4;
	v42 =	vadd.f32 v49, v62;
	v46 =	vadd.f32 v46, v48  }
0x131: {  	v26 =	vmul.f32 v39, v26;
	v60 =	vld [tilespmem:s19+$0xFFFFFEB0];
	v61 =	vmul.f32 v61, v5  }
0x132: {  	v45 =	vmul.f32 v63, v3;
	v62 =	vld [tilespmem:s19+$0xFFFFFEC0];
	v59 =	vadd.f32 v47, v42;
	v43 =	vadd.f32 v43, v46  }
0x133: {  	v22 =	vmul.f32 v36, v22;
	v23 =	vmul.f32 v37, v23;
	v25 =	vadd.f32 v26, v25;
	v26 =	vld [tilespmem:s19+$0xFFFFFED0]  }
0x134: {  	v21 =	vmul.f32 v35, v21;
	v51 =	vld [tilespmem:s19+$0xFFFFFEE0];
	v63 =	vadd.f32 v61, v59;
	v47 =	vadd.f32 v45, v43  }
0x135: {  	v22 =	vadd.f32 v23, v22;
	v54 =	vld [tilespmem:s19+$0xFFFFFEF0];
	v23 =	vmul.f32 v56, v11;
	v53 =	vmul.f32 v58, v9  }
0x136: {  	v55 =	vmul.f32 v57, v7;
	v39 =	vmul.f32 v60, v8;
	v56 =	vld [tilespmem:s8+$0xFFFFFFB0];
	v35 =	vadd.f32 v47, v63  }
0x137: {  	v17 =	vmul.f32 v34, v17;
	v58 =	vld [tilespmem:s8+$0xFFFFFFC0];
	v23 =	vadd.f32 v53, v23;
	v57 =	vmul.f32 v62, v10  }
0x138: {  	v21 =	vadd.f32 v21, v25;
	v26 =	vmul.f32 v26, v12;
	v59 =	vld [tilespmem:s8+$0xFFFFFFD0];
	v25 =	vadd.f32 v39, v55;
	[tilespmem:s10+$0x40] =	vst v35  }
0x139: {  	v16 =	vmul.f32 v33, v16;
	v17 =	vadd.f32 v17, v22;
	v22 =	vadd.f32 v57, v23;
	v60 =	vld [tilespmem:s19+$0x200]  }
0x13a: {  	v23 =	vmul.f32 v51, v13;
	v25 =	vadd.f32 v26, v25;
	v26 =	vmul.f32 v54, v14;
	v61 =	vld [tilespmem:s19+$0x210]  }
0x13b: {  	v15 =	vmul.f32 v40, v15;
	v16 =	vadd.f32 v16, v21;
	v21 =	vmul.f32 v44, v28;
	v62 =	vld [tilespmem:s19+$0x220]  }
0x13c: {  	v20 =	vmul.f32 v41, v20;
	v22 =	vadd.f32 v23, v22;
	v23 =	vadd.f32 v26, v25;
	v63 =	vld [tilespmem:s19+$0x230]  }
0x13d: {  	v15 =	vadd.f32 v15, v17;
	v17 =	vmul.f32 v50, v18;
	v18 =	vmul.f32 v56, v19;
	v19 =	vld [tilespmem:s19+$0x240]  }
0x13e: {  	v20 =	vadd.f32 v20, v21;
	v21 =	vmul.f32 v58, v27;
	v25 =	vadd.f32 v23, v22;
	v22 =	vld [tilespmem:s19+$0x250]  }
0x13f: {  	v26 =	vadd.f32 v15, v16;
	v17 =	vadd.f32 v18, v17;
	v18 =	vmul.f32 v59, v24;
	v23 =	vld [tilespmem:s19+$0x260]  }
0x140: {  	s22 =	simm.s32 $0x2;
	v15 =	vld [tilespmem:s19+$0x270];
	v20 =	vadd.f32 v21, v20;
	[tilespmem:s10+$0xFFFFFFB0] =	vst v25;
	v24 =	vmul.f32 v60, v29;
	v16 =	vmul.f32 v61, v31  }
0x141: {  	s23 =	simm.s32 $0x5280;
	s21 =	simm.s32 $0x7F80;
	s20 =	simm.s32 $0xDD80;
	[tilespmem:s15+$0x50] =	vst v26;
	v21 =	vadd.f32 v18, v17;
	v26 =	vld [tilespmem:s19+$0xFFFFFF00];
	v25 =	vmul.f32 v62, v30;
	v17 =	vmul.f32 v63, v32  }
.LBB2_8:
0x142: {  	v18 =	vld [tilespmem:s23+$0x60];
	v19 =	vmul.f32 v19, v6  }
0x143: {  	v28 =	vld [tilespmem:s23+$0x70];
	v24 =	vadd.f32 v25, v24;
	v16 =	vadd.f32 v17, v16;
	v17 =	vmul.f32 v22, v4  }
0x144: {  	v6 =	vld [tilespmem:s23+$0x40];
	v23 =	vmul.f32 v23, v5  }
0x145: {  	v4 =	vld [tilespmem:s23+$0x50];
	v19 =	vadd.f32 v19, v24;
	v17 =	vadd.f32 v17, v16;
	v24 =	vmul.f32 v15, v3  }
0x146: {  	v15 =	vld [tilespmem:s23+$0x0];
	v27 =	vmul.f32 v26, v11  }
0x147: {  	v16 =	vld [tilespmem:s23+$0x10];
	v19 =	vadd.f32 v23, v19;
	v22 =	vadd.f32 v24, v17;
	v5 =	vmov v18  }
0x148: {  	v17 =	vld [tilespmem:s23+$0x20];
	v3 =	vmov v28  }
0x149: {  	s1 =	sadd.s32 $0x100, s1;
	v18 =	vld [tilespmem:s23+$0x30];
	v19 =	vadd.f32 v22, v19  }
0x14a: {  	v22 =	vld [tilespmem:s1+$0x0]  }
0x14b: {  	v23 =	vld [tilespmem:s1+$0x10];
	[tilespmem:s10+$0x50] =	vst v19  }
0x14c: {  	v19 =	vld [tilespmem:s1+$0x20]  }
0x14d: {  	v25 =	vld [tilespmem:s1+$0x30]  }
0x14e: {  	v26 =	vld [tilespmem:s1+$0x40]  }
0x14f: {  	v28 =	vld [tilespmem:s1+$0x50]  }
0x150: {  	v29 =	vld [tilespmem:s1+$0x60]  }
0x151: {  	v22 =	vmul.f32 v22, v15;
	v23 =	vmul.f32 v23, v16;
	v30 =	vld [tilespmem:s1+$0x70]  }
0x152: {  	v31 =	vmul.f32 v19, v17;
	v24 =	vld [tilespmem:s23+$0xFFFFFF90];
	v32 =	vmul.f32 v25, v18  }
0x153: {  	v25 =	vld [tilespmem:s23+$0xFFFFFFA0];
	v26 =	vmul.f32 v26, v6  }
0x154: {  	v22 =	vadd.f32 v31, v22;
	v19 =	vld [tilespmem:s23+$0xFFFFFFB0];
	v23 =	vadd.f32 v32, v23;
	v28 =	vmul.f32 v28, v4  }
0x155: {  	v31 =	vld [tilespmem:s1+$0xFFFFFF80];
	v29 =	vmul.f32 v29, v5  }
0x156: {  	v22 =	vadd.f32 v26, v22;
	v32 =	vld [tilespmem:s1+$0xFFFFFF90];
	v23 =	vadd.f32 v28, v23;
	v26 =	vmul.f32 v30, v3  }
0x157: {  	v28 =	vld [tilespmem:s1+$0xFFFFFFA0]  }
0x158: {  	v22 =	vadd.f32 v29, v22;
	v30 =	vld [tilespmem:s1+$0xFFFFFFB0];
	v29 =	vadd.f32 v26, v23  }
0x159: {  	v26 =	vld [tilespmem:s23+$0xFFFFFF80]  }
0x15a: {  	v23 =	vld [tilespmem:s23+$0xFFFFFFC0];
	v29 =	vadd.f32 v29, v22  }
0x15b: {  	s10 =	sadd.s32 $0x100, s10;
	v22 =	vld [tilespmem:s23+$0xFFFFFFD0];
	v32 =	vmul.f32 v32, v24  }
0x15c: {  	s22 =	sadd.s32 $0x2, s22;
	s19 =	sadd.s32 $0x500, s19;
	v28 =	vmul.f32 v28, v25;
	v33 =	vld [tilespmem:s1+$0xFFFFFFC0];
	[tilespmem:s10+$0x0] =	vst v29  }
0x15d: {  	p2 =	slt.u32 s22, $0x26;
	v29 =	vmul.f32 v30, v19;
	v30 =	vld [tilespmem:s19+$0x0]  }
0x15e: {  	v31 =	vmul.f32 v31, v26;
	v34 =	vld [tilespmem:s19+$0x10]  }
0x15f: {  	v32 =	vadd.f32 v29, v32;
	v29 =	vld [tilespmem:s19+$0x20]  }
0x160: {  	v28 =	vadd.f32 v28, v31;
	v31 =	vld [tilespmem:s19+$0x30]  }
0x161: {  	v33 =	vmul.f32 v33, v23;
	v35 =	vld [tilespmem:s19+$0x40]  }
0x162: {  	v36 =	vld [tilespmem:s19+$0x50]  }
0x163: {  	v33 =	vadd.f32 v33, v28;
	v37 =	vld [tilespmem:s19+$0x60]  }
0x164: {  	v30 =	vmul.f32 v30, v15;
	v34 =	vmul.f32 v34, v16;
	v38 =	vld [tilespmem:s19+$0x70]  }
0x165: {  	v40 =	vmul.f32 v29, v17;
	v39 =	vld [tilespmem:s1+$0xFFFFFFD0];
	v31 =	vmul.f32 v31, v18  }
0x166: {  	v29 =	vld [tilespmem:s23+$0xFFFFFFE0];
	v35 =	vmul.f32 v35, v6  }
0x167: {  	v30 =	vadd.f32 v40, v30;
	v28 =	vld [tilespmem:s23+$0xFFFFFFF0];
	v31 =	vadd.f32 v31, v34;
	v34 =	vmul.f32 v36, v4  }
0x168: {  	v36 =	vld [tilespmem:s1+$0xFFFFFFE0];
	v37 =	vmul.f32 v37, v5  }
0x169: {  	v30 =	vadd.f32 v35, v30;
	v40 =	vld [tilespmem:s1+$0xFFFFFFF0];
	v31 =	vadd.f32 v34, v31;
	v34 =	vmul.f32 v38, v3  }
0x16a: {  	v35 =	vmul.f32 v39, v22;
	v38 =	vld [tilespmem:s21+$0xFFFFFF10]  }
0x16b: {  	v30 =	vadd.f32 v37, v30;
	v31 =	vadd.f32 v34, v31;
	v34 =	vld [tilespmem:s21+$0xFFFFFF20]  }
0x16c: {  	v32 =	vadd.f32 v35, v32;
	v35 =	vld [tilespmem:s21+$0xFFFFFF30]  }
0x16d: {  	v36 =	vmul.f32 v36, v29;
	v30 =	vadd.f32 v31, v30;
	v31 =	vld [tilespmem:s21+$0xFFFFFF40]  }
0x16e: {  	v37 =	vmul.f32 v40, v28;
	v39 =	vld [tilespmem:s21+$0xFFFFFF50]  }
0x16f: {  	v33 =	vadd.f32 v36, v33;
	[tilespmem:s10+$0x10] =	vst v30;
	v30 =	vmul.f32 v38, v7;
	v36 =	vld [tilespmem:s21+$0xFFFFFF60]  }
0x170: {  	v32 =	vadd.f32 v37, v32;
	v37 =	vld [tilespmem:s19+$0x80];
	v34 =	vmul.f32 v34, v9  }
0x171: {  	v38 =	vld [tilespmem:s19+$0x90];
	v35 =	vmul.f32 v35, v8  }
0x172: {  	v32 =	vadd.f32 v32, v33;
	v33 =	vld [tilespmem:s19+$0xA0];
	v27 =	vadd.f32 v34, v27;
	v31 =	vmul.f32 v31, v10  }
0x173: {  	v34 =	vld [tilespmem:s19+$0xB0];
	v30 =	vadd.f32 v35, v30;
	v35 =	vmul.f32 v39, v12  }
0x174: {  	[tilespmem:s10+$0xFFFFFF80] =	vst v32;
	v32 =	vld [tilespmem:s19+$0xC0];
	v27 =	vadd.f32 v31, v27;
	v31 =	vmul.f32 v36, v13  }
0x175: {  	v36 =	vld [tilespmem:s19+$0xD0];
	v30 =	vadd.f32 v35, v30  }
0x176: {  	v35 =	vld [tilespmem:s19+$0xE0];
	v27 =	vadd.f32 v31, v27  }
0x177: {  	v31 =	vmul.f32 v37, v15;
	v37 =	vmul.f32 v38, v16;
	v38 =	vld [tilespmem:s19+$0xF0]  }
0x178: {  	v33 =	vmul.f32 v33, v17;
	v39 =	vld [tilespmem:s19+$0xFFFFFD80];
	v34 =	vmul.f32 v34, v18  }
0x179: {  	v40 =	vld [tilespmem:s19+$0xFFFFFD90];
	v32 =	vmul.f32 v32, v6  }
0x17a: {  	v31 =	vadd.f32 v33, v31;
	v41 =	vld [tilespmem:s19+$0xFFFFFDA0];
	v33 =	vadd.f32 v34, v37;
	v34 =	vmul.f32 v36, v4  }
0x17b: {  	v36 =	vld [tilespmem:s19+$0xFFFFFDB0];
	v35 =	vmul.f32 v35, v5  }
0x17c: {  	v31 =	vadd.f32 v32, v31;
	v37 =	vld [tilespmem:s19+$0xFFFFFDC0];
	v32 =	vadd.f32 v34, v33;
	v33 =	vmul.f32 v38, v3  }
0x17d: {  	v34 =	vmul.f32 v39, v26;
	v38 =	vld [tilespmem:s19+$0xFFFFFDD0]  }
0x17e: {  	v31 =	vadd.f32 v35, v31;
	v39 =	vmul.f32 v40, v24;
	v40 =	vld [tilespmem:s19+$0xFFFFFDE0];
	v32 =	vadd.f32 v33, v32  }
0x17f: {  	v33 =	vmul.f32 v41, v25;
	v35 =	vld [tilespmem:s19+$0xFFFFFDF0]  }
0x180: {  	v36 =	vmul.f32 v36, v19;
	v31 =	vadd.f32 v32, v31;
	v32 =	vld [tilespmem:s21+$0xFFFFFF70]  }
0x181: {  	v33 =	vadd.f32 v33, v34;
	v34 =	vmul.f32 v37, v23;
	v37 =	vld [tilespmem:s8+$0xFFFFFFE0]  }
0x182: {  	v36 =	vadd.f32 v36, v39;
	v38 =	vmul.f32 v38, v22;
	[tilespmem:s10+$0x20] =	vst v31;
	v31 =	vld [tilespmem:s8+$0xFFFFFFF0];
	s8 =	smov.u32 s21;
	s21 =	smov.u32 s19  }
0x183: {  	v33 =	vadd.f32 v34, v33;
	v34 =	vmul.f32 v40, v29;
	v39 =	vld [tilespmem:s19+$0x100]  }
0x184: {  	v36 =	vadd.f32 v38, v36;
	v35 =	vmul.f32 v35, v28;
	v38 =	vld [tilespmem:s19+$0x110]  }
0x185: {  	v33 =	vadd.f32 v34, v33;
	v34 =	vld [tilespmem:s19+$0x120];
	v32 =	vmul.f32 v32, v14  }
0x186: {  	v35 =	vadd.f32 v35, v36;
	v36 =	vld [tilespmem:s19+$0x130];
	v37 =	vmul.f32 v37, v1;
	v1 =	vmovc v13;
	v13 =	vmov v29  }
0x187: {  	v29 =	vld [tilespmem:s19+$0x140];
	v30 =	vadd.f32 v32, v30;
	v31 =	vmul.f32 v31, v2;
	v2 =	vmovc v14;
	v14 =	vmov v28  }
0x188: {  	v28 =	vadd.f32 v35, v33;
	v32 =	vld [tilespmem:s19+$0x150];
	v20 =	vadd.f32 v37, v20  }
0x189: {  	v33 =	vld [tilespmem:s19+$0x160];
	v27 =	vadd.f32 v30, v27;
	v21 =	vadd.f32 v31, v21  }
0x18a: {  	v30 =	vmul.f32 v38, v16;
	[tilespmem:s10+$0xFFFFFF90] =	vst v28;
	v28 =	vmul.f32 v39, v15;
	v31 =	vld [tilespmem:s19+$0x170]  }
0x18b: {  	v34 =	vmul.f32 v34, v17;
	v35 =	vld [tilespmem:s19+$0xFFFFFE00];
	v36 =	vmul.f32 v36, v18;
	[tilespmem:s20+$0xFFFFFFC0] =	vst v27;
	v20 =	vadd.f32 v21, v20  }
0x18c: {  	v21 =	vld [tilespmem:s19+$0xFFFFFE10];
	v27 =	vmul.f32 v29, v6  }
0x18d: {  	v28 =	vadd.f32 v34, v28;
	v29 =	vld [tilespmem:s19+$0xFFFFFE20];
	v30 =	vadd.f32 v36, v30;
	v32 =	vmul.f32 v32, v4;
	[tilespmem:s15+$0xFFFFFFD0] =	vst v20;
	s15 =	smov.u32 s20;
	s20 =	smov.u32 s10  }
0x18e: {  	v20 =	vld [tilespmem:s19+$0xFFFFFE30];
	v33 =	vmul.f32 v33, v5  }
0x18f: {  	v27 =	vadd.f32 v27, v28;
	v34 =	vld [tilespmem:s19+$0xFFFFFE40];
	v28 =	vadd.f32 v32, v30;
	v30 =	vmul.f32 v31, v3  }
0x190: {  	v31 =	vmul.f32 v35, v26;
	v32 =	vld [tilespmem:s19+$0xFFFFFE50]  }
0x191: {  	v27 =	vadd.f32 v33, v27;
	v21 =	vmul.f32 v21, v24;
	v35 =	vld [tilespmem:s19+$0xFFFFFE60];
	v28 =	vadd.f32 v30, v28  }
0x192: {  	v29 =	vmul.f32 v29, v25;
	v30 =	vld [tilespmem:s19+$0xFFFFFE70]  }
0x193: {  	v20 =	vmul.f32 v20, v19;
	v27 =	vadd.f32 v28, v27;
	v28 =	vld [tilespmem:s8+$0xFFFFFF80]  }
0x194: {  	v29 =	vadd.f32 v29, v31;
	v31 =	vmul.f32 v34, v23;
	v33 =	vld [tilespmem:s8+$0xFFFFFF90]  }
0x195: {  	v20 =	vadd.f32 v20, v21;
	v21 =	vmul.f32 v32, v22;
	[tilespmem:s10+$0x30] =	vst v27;
	v27 =	vld [tilespmem:s8+$0xFFFFFFA0]  }
0x196: {  	v29 =	vadd.f32 v31, v29;
	v31 =	vmul.f32 v35, v13;
	v32 =	vld [tilespmem:s19+$0x180]  }
0x197: {  	v20 =	vadd.f32 v21, v20;
	v21 =	vmul.f32 v30, v14;
	v30 =	vld [tilespmem:s19+$0x190]  }
0x198: {  	v29 =	vadd.f32 v31, v29;
	v31 =	vld [tilespmem:s19+$0x1A0];
	v28 =	vmul.f32 v28, v11;
	v11 =	vmov v26  }
0x199: {  	v20 =	vadd.f32 v21, v20;
	v21 =	vld [tilespmem:s19+$0x1B0];
	v26 =	vmul.f32 v33, v7;
	v7 =	vmov v24  }
0x19a: {  	v24 =	vld [tilespmem:s19+$0x1C0];
	v27 =	vmul.f32 v27, v9;
	v9 =	vmov v25  }
0x19b: {  	v20 =	vadd.f32 v20, v29;
	v25 =	vld [tilespmem:s19+$0x1D0]  }
0x19c: {  	v29 =	vld [tilespmem:s19+$0x1E0];
	v27 =	vadd.f32 v27, v28  }
0x19d: {  	v28 =	vmul.f32 v30, v16;
	[tilespmem:s10+$0xFFFFFFA0] =	vst v20;
	v20 =	vmul.f32 v32, v15;
	v30 =	vld [tilespmem:s19+$0x1F0]  }
0x19e: {  	v31 =	vmul.f32 v31, v17;
	v32 =	vld [tilespmem:s19+$0xFFFFFE80];
	v21 =	vmul.f32 v21, v18  }
0x19f: {  	v33 =	vld [tilespmem:s19+$0xFFFFFE90];
	v24 =	vmul.f32 v24, v6  }
0x1a0: {  	v20 =	vadd.f32 v31, v20;
	v34 =	vld [tilespmem:s19+$0xFFFFFEA0];
	v21 =	vadd.f32 v21, v28;
	v25 =	vmul.f32 v25, v4  }
0x1a1: {  	v28 =	vld [tilespmem:s19+$0xFFFFFEB0];
	v29 =	vmul.f32 v29, v5  }
0x1a2: {  	v20 =	vadd.f32 v24, v20;
	v31 =	vld [tilespmem:s19+$0xFFFFFEC0];
	v21 =	vadd.f32 v25, v21;
	v24 =	vmul.f32 v30, v3  }
0x1a3: {  	v25 =	vmul.f32 v32, v11;
	v30 =	vld [tilespmem:s19+$0xFFFFFED0]  }
0x1a4: {  	v20 =	vadd.f32 v29, v20;
	v32 =	vmul.f32 v33, v7;
	v33 =	vld [tilespmem:s19+$0xFFFFFEE0];
	v21 =	vadd.f32 v24, v21  }
0x1a5: {  	v24 =	vmul.f32 v34, v9;
	v29 =	vld [tilespmem:s19+$0xFFFFFEF0]  }
0x1a6: {  	v28 =	vmul.f32 v28, v19;
	v20 =	vadd.f32 v21, v20;
	v21 =	vld [tilespmem:s8+$0xFFFFFFB0]  }
0x1a7: {  	v24 =	vadd.f32 v24, v25;
	v25 =	vmul.f32 v31, v23;
	v31 =	vld [tilespmem:s8+$0xFFFFFFC0]  }
0x1a8: {  	v28 =	vadd.f32 v28, v32;
	v30 =	vmul.f32 v30, v22;
	[tilespmem:s10+$0x40] =	vst v20;
	v20 =	vld [tilespmem:s8+$0xFFFFFFD0]  }
0x1a9: {  	v24 =	vadd.f32 v25, v24;
	v25 =	vmul.f32 v33, v13;
	v32 =	vld [tilespmem:s19+$0x200]  }
0x1aa: {  	v28 =	vadd.f32 v30, v28;
	v29 =	vmul.f32 v29, v14;
	v30 =	vld [tilespmem:s19+$0x210]  }
0x1ab: {  	v24 =	vadd.f32 v25, v24;
	v25 =	vld [tilespmem:s19+$0x220];
	v21 =	vmul.f32 v21, v8;
	v8 =	vmov v19  }
0x1ac: {  	v28 =	vadd.f32 v29, v28;
	v29 =	vld [tilespmem:s19+$0x230];
	v31 =	vmul.f32 v31, v10;
	v10 =	vmov v23  }
.Ltmp5:
0x1ad: {  	v19 =	vld [tilespmem:s19+$0x240];
	v21 =	vadd.f32 v21, v26;
	v26 =	vmul.f32 v20, v12;
	v12 =	vmov v22;
	(pc) =	sbr.rel @p2 .LBB2_8-.Ltmp5, $4  }
0x1ae: {  	v24 =	vadd.f32 v28, v24;
	v22 =	vld [tilespmem:s19+$0x250];
	v20 =	vadd.f32 v31, v27  }
0x1af: {  	v23 =	vld [tilespmem:s19+$0x260];
	v21 =	vadd.f32 v26, v21  }
0x1b0: {  	v16 =	vmul.f32 v30, v16;
	[tilespmem:s10+$0xFFFFFFB0] =	vst v24;
	v24 =	vmul.f32 v32, v15;
	v15 =	vld [tilespmem:s19+$0x270]  }
0x1b1: {  	s23 =	sadd.s32 $0x100, s23;
	v25 =	vmul.f32 v25, v17;
	v26 =	vld [tilespmem:s19+$0xFFFFFF00];
	v17 =	vmul.f32 v29, v18  }
0x1b2: {  	v18 =	vld [tilespmem:s21+$0xFFFFFF10]  }
0x1b3: {  	v27 =	vld [tilespmem:s21+$0xFFFFFF20]  }
0x1b4: {  	v28 =	vld [tilespmem:s21+$0xFFFFFF30]  }
0x1b5: {  	v30 =	vld [tilespmem:s21+$0xFFFFFF50]  }
0x1b6: {  	v29 =	vld [tilespmem:s21+$0xFFFFFF40]  }
0x1b7: {  	v32 =	vld [tilespmem:s21+$0xFFFFFF70]  }
0x1b8: {  	v31 =	vld [tilespmem:s21+$0xFFFFFF60];
	v26 =	vmul.f32 v26, v11;
	v27 =	vmul.f32 v27, v9  }
0x1b9: {  	v18 =	vmul.f32 v18, v7;
	v28 =	vmul.f32 v28, v8  }
0x1ba: {  	v53 =	vmul.f32 v30, v12  }
0x1bb: {  	v26 =	vadd.f32 v27, v26;
	v27 =	vmul.f32 v29, v10;
	v18 =	vadd.f32 v28, v18  }
0x1bc: {  	v54 =	vmul.f32 v32, v14  }
0x1bd: {  	v26 =	vadd.f32 v27, v26;
	v27 =	vmul.f32 v31, v13;
	v18 =	vadd.f32 v53, v18;
	_ =	sdelay $0x1  }
0x1be: {  	v26 =	vadd.f32 v27, v26;
	v18 =	vadd.f32 v54, v18;
	_ =	sdelay $0x1  }
0x1bf: {  	v18 =	vadd.f32 v18, v26  }
0x1c0: {  	v27 =	vld [tilespmem:s8+$0xFFFFFFF0]  }
0x1c1: {  	v26 =	vld [tilespmem:s8+$0xFFFFFFE0];
	[tilespmem:s20+$0xFFFFFFC0] =	vst v18  }
0x1c2: {  	v18 =	vld [tilespmem:s21+$0xFFFFFF80]  }
0x1c3: {  	v55 =	vld [tilespmem:s21+$0xFFFFFF90]  }
0x1c4: {  	v56 =	vld [tilespmem:s21+$0xFFFFFFA0]  }
0x1c5: {  	v6 =	vmul.f32 v19, v6;
	v19 =	vadd.f32 v25, v24;
	v24 =	vld [tilespmem:s21+$0xFFFFFFB0]  }
0x1c6: {  	v16 =	vadd.f32 v17, v16;
	v4 =	vmul.f32 v22, v4;
	v17 =	vld [tilespmem:s21+$0xFFFFFFC0]  }
0x1c7: {  	v5 =	vmul.f32 v23, v5;
	v6 =	vadd.f32 v6, v19;
	v19 =	vld [tilespmem:s21+$0xFFFFFFD0]  }
0x1c8: {  	v4 =	vadd.f32 v4, v16;
	v3 =	vmul.f32 v15, v3;
	v15 =	vld [tilespmem:s21+$0xFFFFFFE0]  }
0x1c9: {  	v5 =	vadd.f32 v5, v6;
	v6 =	vmul.f32 v18, v11;
	v9 =	vmul.f32 v56, v9;
	v11 =	vld [tilespmem:s21+$0xFFFFFFF0]  }
0x1ca: {  	v3 =	vadd.f32 v3, v4;
	v4 =	vmul.f32 v55, v7;
	v7 =	vmul.f32 v24, v8  }
0x1cb: {  	v8 =	vmul.f32 v17, v10;
	v6 =	vadd.f32 v9, v6  }
0x1cc: {  	v3 =	vadd.f32 v3, v5;
	v5 =	vmul.f32 v19, v12;
	v4 =	vadd.f32 v7, v4  }
0x1cd: {  	v2 =	vmul.f32 v27, v2;
	v1 =	vmul.f32 v26, v1;
	v6 =	vadd.f32 v8, v6  }
0x1ce: {  	v4 =	vadd.f32 v5, v4;
	v5 =	vmul.f32 v15, v13;
	v7 =	vmul.f32 v11, v14  }
0x1cf: {  	v2 =	vadd.f32 v2, v21;
	v1 =	vadd.f32 v1, v20  }
0x1d0: {  	s8 =	smul.u32 $0x50, s14;
	v5 =	vadd.f32 v5, v6;
	v4 =	vadd.f32 v7, v4  }
0x1d1: {  	v1 =	vadd.f32 v2, v1  }
0x1d2: {  	[tilespmem:s10+$0x50] =	vst v3;
	s1 =	sadd.s32 s3, s8;
	v2 =	vadd.f32 v4, v5  }
0x1d3: {  	s1 =	sshll.u32 s1, $0x4;
	[tilespmem:s15+$0xFFFFFFD0] =	vst v1  }
0x1d4: {  	s1 =	sadd.s32 s6, s1;
	[tilespmem:s20+$0xFFFFFFD0] =	vst v2  }
0x1d5: {  	[hbm4b:s1+s2] =	stream.linear.scatter [tilespmem:s0], [sflag:$0x5], $0x1400, $0x38;
	[tilespmem:$0x19100] =	vst v63  }
0x1d6: {  	s1 =	simm.s32 @!p0 $0x3  }
0x1d7: {  	_ =	swait.ge @!p0 [sflag:s1], $0xC8  }
0x1d8: {  	s10 =	sadd.s32 @!p0 $0x50, s8;
	[sflag:s1] =	ssyncset.done @!p0 $0x0  }
0x1d9: {  	s15 =	simm.s32 @!p0 $0x5000;
	[sflag:s1] =	ssyncadd.s32 @!p0 $0xFFFFFF38;
	s1 =	simm.s32 @!p0 $0x28  }
0x1da: {  	[tilespmem:s15], [sflag:$0x1] =	stream.indirect.gather @!p0 [hbm4b:s4+s1], $0x80, s10, s1, $0xb8;
	[tilespmem:$0x19100] =	vst v63  }
0x1db: {  	s10 =	sadd.s32 @!p0 $0x27D0, s8;
	s15 =	simm.s32 @!p0 $0x6400  }
0x1dc: {  	[tilespmem:s15], [sflag:$0x1] =	stream.indirect.gather @!p0 [hbm4b:s4+s1], $0x80, s10, s1, $0xb8;
	[tilespmem:$0x19100] =	vst v63  }
0x1dd: {  	s10 =	simm.s32 @!p0 $0x4F00;
	s15 =	simm.s32 @!p0 $0x7800  }
0x1de: {  	[tilespmem:s15], [sflag:$0x1] =	stream.indirect.gather @!p0 [hbm4b:s4+s1], $0x80, s10, s1, $0xb8;
	[tilespmem:$0x19100] =	vst v63  }
0x1df: {  	s10 =	simm.s32 @!p0 $0x4F28;
	s15 =	simm.s32 @!p0 $0x8C00  }
0x1e0: {  	[tilespmem:s15], [sflag:$0x1] =	stream.indirect.gather @!p0 [hbm4b:s4+s1], $0x80, s10, s1, $0xb8;
	[tilespmem:$0x19100] =	vst v63  }
0x1e1: {  	s10 =	simm.s32 @!p0 $0x4F50;
	s15 =	simm.s32 @!p0 $0xA000  }
0x1e2: {  	[tilespmem:s15], [sflag:$0x1] =	stream.indirect.gather @!p0 [hbm4b:s4+s1], $0x80, s10, s1, $0xb8;
	[tilespmem:$0x19100] =	vst v63  }
0x1e3: {  	s10 =	simm.s32 @!p0 $0x4F78;
	s15 =	simm.s32 @!p0 $0xB400  }
0x1e4: {  	[tilespmem:s15], [sflag:$0x1] =	stream.indirect.gather @!p0 [hbm4b:s4+s1], $0x80, s10, s1, $0xb8;
	[tilespmem:$0x19100] =	vst v63  }
0x1e5: {  	s10 =	simm.s32 @!p0 $0x4FA0;
	s15 =	simm.s32 @!p0 $0xC800  }
0x1e6: {  	[tilespmem:s15], [sflag:$0x1] =	stream.indirect.gather @!p0 [hbm4b:s4+s1], $0x80, s10, s1, $0xb8;
	[tilespmem:$0x19100] =	vst v63  }
0x1e7: {  	_ =	swait.ge [sflag:s16], $0x1400  }
0x1e8: {  	[sflag:s16] =	ssyncset.done $0x0  }
0x1e9: {  	[sflag:s16] =	ssyncadd.s32 $0xFFFFEC00  }
0x1ea: {  	_ =	swait.ge [sflag:s16], $0x1400  }
0x1eb: {  	[sflag:s16] =	ssyncset.done $0x0  }
0x1ec: {  	[sflag:s16] =	ssyncadd.s32 $0xFFFFEC00  }
0x1ed: {  	_ =	swait.ge [sflag:s16], $0x1400  }
0x1ee: {  	[sflag:s16] =	ssyncset.done $0x0  }
0x1ef: {  	[sflag:s16] =	ssyncadd.s32 $0xFFFFEC00  }
0x1f0: {  	_ =	swait.ge [sflag:s16], $0x1400  }
0x1f1: {  	[sflag:s16] =	ssyncset.done $0x0  }
0x1f2: {  	[sflag:s16] =	ssyncadd.s32 $0xFFFFEC00  }
0x1f3: {  	_ =	swait.ge [sflag:s16], $0x1400  }
0x1f4: {  	[sflag:s16] =	ssyncset.done $0x0  }
0x1f5: {  	[sflag:s16] =	ssyncadd.s32 $0xFFFFEC00  }
0x1f6: {  	_ =	swait.ge [sflag:s16], $0x1400  }
0x1f7: {  	s1 =	sadd.s32 @!p0 s8, s12;
	[sflag:s16] =	ssyncset.done $0x0  }
0x1f8: {  	s1 =	smul.u32 @!p0 $0x5, s1;
	[sflag:s16] =	ssyncadd.s32 $0xFFFFEC00  }
0x1f9: {  	_ =	swait.ge [sflag:s16], $0x1400  }
0x1fa: {  	s10 =	simm.s32 @!p0 $0x0;
	s1 =	sshrl.u32 @!p0 s1, $0x3;
	[sflag:s16] =	ssyncset.done $0x0  }
0x1fb: {  	s15 =	simm.s32 @!p0 $0xF000;
	s1 =	sadd.s32 @!p0 s5, s1;
	[sflag:s16] =	ssyncadd.s32 $0xFFFFEC00  }
0x1fc: {  	[tilespmem:s15], [sflag:$0x4] =	stream.linear.gather @!p0 [hbm4b:s1+s10], $0xC8, $0x38;
	[tilespmem:$0x19100] =	vst v63  }
0x1fd: {  	s1 =	simm.s32 @!p1 $0x6  }
0x1fe: {  	_ =	swait.ge @!p1 [sflag:s1], $0x1400  }
0x1ff: {  	[sflag:s1] =	ssyncset.done @!p1 $0x0  }
0x200: {  	s23 =	simm.s32 $0xF180;
	[sflag:s1] =	ssyncadd.s32 @!p1 $0xFFFFEC00  }
0x201: {  	v16 =	vld [tilespmem:s23+$0x60]  }
0x202: {  	v15 =	vld [tilespmem:s23+$0x70]  }
0x203: {  	v21 =	vld [tilespmem:s23+$0x40]  }
0x204: {  	v17 =	vld [tilespmem:s23+$0x50]  }
0x205: {  	v25 =	vld [tilespmem:s23+$0x0]  }
0x206: {  	v22 =	vld [tilespmem:s23+$0x10]  }
0x207: {  	v26 =	vld [tilespmem:s23+$0x20]  }
0x208: {  	s19 =	simm.s32 $0x10580;
	v23 =	vld [tilespmem:s23+$0x30]  }
0x209: {  	v1 =	vld [tilespmem:s19+$0x0]  }
0x20a: {  	v2 =	vld [tilespmem:s19+$0x10]  }
0x20b: {  	v3 =	vld [tilespmem:s19+$0x20]  }
0x20c: {  	v4 =	vld [tilespmem:s19+$0x30]  }
0x20d: {  	v5 =	vld [tilespmem:s19+$0x40]  }
0x20e: {  	v6 =	vld [tilespmem:s19+$0x50]  }
0x20f: {  	v7 =	vld [tilespmem:s19+$0x60]  }
0x210: {  	v8 =	vld [tilespmem:s19+$0x70];
	v1 =	vmul.f32 v1, v25;
	v2 =	vmul.f32 v2, v22  }
0x211: {  	v3 =	vmul.f32 v3, v26;
	v4 =	vmul.f32 v4, v23  }
0x212: {  	v5 =	vmul.f32 v5, v21  }
0x213: {  	v1 =	vadd.f32 v3, v1;
	v2 =	vadd.f32 v4, v2;
	v3 =	vmul.f32 v6, v17  }
0x214: {  	v18 =	vld [tilespmem:s23+$0xFFFFFF90];
	v4 =	vmul.f32 v7, v16  }
0x215: {  	v20 =	vld [tilespmem:s23+$0xFFFFFFA0];
	v1 =	vadd.f32 v5, v1;
	v2 =	vadd.f32 v3, v2;
	v3 =	vmul.f32 v8, v15  }
0x216: {  	v19 =	vld [tilespmem:s23+$0xFFFFFFB0]  }
0x217: {  	v11 =	vld [tilespmem:s19+$0xFFFFFFA0];
	v1 =	vadd.f32 v4, v1;
	v2 =	vadd.f32 v3, v2  }
0x218: {  	v12 =	vld [tilespmem:s19+$0xFFFFFFB0]  }
0x219: {  	v28 =	vld [tilespmem:s23+$0xFFFFFF80];
	v1 =	vadd.f32 v2, v1  }
0x21a: {  	s15 =	simm.s32 $0x17D80;
	v27 =	vld [tilespmem:s23+$0xFFFFFFC0]  }
0x21b: {  	s10 =	simm.s32 $0x11B80;
	v24 =	vld [tilespmem:s23+$0xFFFFFFD0];
	[tilespmem:s15+$0x0] =	vst v1  }
0x21c: {  	v1 =	vld [tilespmem:s10+$0x0]  }
0x21d: {  	v2 =	vld [tilespmem:s10+$0x10]  }
0x21e: {  	v5 =	vld [tilespmem:s10+$0x20]  }
0x21f: {  	v6 =	vld [tilespmem:s10+$0x30]  }
0x220: {  	v7 =	vld [tilespmem:s10+$0x40]  }
0x221: {  	v8 =	vld [tilespmem:s10+$0x50]  }
0x222: {  	v9 =	vld [tilespmem:s10+$0x60]  }
0x223: {  	s24 =	simm.s32 $0xF280;
	v10 =	vld [tilespmem:s10+$0x70];
	v1 =	vmul.f32 v1, v25;
	v2 =	vmul.f32 v2, v22  }
0x224: {  	v29 =	vld [tilespmem:s24+$0x0];
	v5 =	vmul.f32 v5, v26;
	v6 =	vmul.f32 v6, v23  }
0x225: {  	v31 =	vld [tilespmem:s24+$0x10];
	v7 =	vmul.f32 v7, v21  }
0x226: {  	v3 =	vld [tilespmem:s19+$0xFFFFFF80];
	v1 =	vadd.f32 v5, v1;
	v2 =	vadd.f32 v6, v2;
	v5 =	vmul.f32 v8, v17  }
0x227: {  	v4 =	vld [tilespmem:s19+$0xFFFFFF90];
	v6 =	vmul.f32 v9, v16  }
0x228: {  	v8 =	vld [tilespmem:s19+$0xFFFFFFD0];
	v1 =	vadd.f32 v7, v1;
	v2 =	vadd.f32 v5, v2;
	v5 =	vmul.f32 v10, v15  }
0x229: {  	v7 =	vld [tilespmem:s19+$0xFFFFFFC0]  }
0x22a: {  	v10 =	vld [tilespmem:s19+$0xFFFFFFF0];
	v6 =	vadd.f32 v6, v1;
	v5 =	vadd.f32 v5, v2  }
0x22b: {  	v1 =	vld [tilespmem:s23+$0xFFFFFFE0]  }
0x22c: {  	v2 =	vld [tilespmem:s23+$0xFFFFFFF0];
	v5 =	vadd.f32 v5, v6  }
0x22d: {  	v3 =	vmul.f32 v3, v28;
	v9 =	vmul.f32 v11, v20;
	v6 =	vld [tilespmem:s19+$0xFFFFFFE0]  }
0x22e: {  	v30 =	vld [tilespmem:s24+$0x20];
	v4 =	vmul.f32 v4, v18;
	[tilespmem:s15+$0x10] =	vst v5;
	v5 =	vmul.f32 v12, v19  }
0x22f: {  	v3 =	vadd.f32 v9, v3;
	v7 =	vmul.f32 v7, v27;
	v11 =	vld [tilespmem:s10+$0x80]  }
0x230: {  	v9 =	vld [tilespmem:s10+$0x90];
	v4 =	vadd.f32 v5, v4;
	v5 =	vmul.f32 v8, v24  }
0x231: {  	v3 =	vadd.f32 v7, v3;
	v7 =	vld [tilespmem:s10+$0xB0]  }
0x232: {  	v8 =	vld [tilespmem:s10+$0xA0];
	v4 =	vadd.f32 v5, v4;
	v5 =	vmul.f32 v6, v1;
	v6 =	vmul.f32 v10, v2  }
0x233: {  	v10 =	vld [tilespmem:s10+$0xC0]  }
0x234: {  	v12 =	vld [tilespmem:s10+$0xD0];
	v3 =	vadd.f32 v5, v3;
	v4 =	vadd.f32 v6, v4  }
0x235: {  	v5 =	vld [tilespmem:s10+$0xE0]  }
0x236: {  	v6 =	vmul.f32 v11, v25;
	v9 =	vmul.f32 v9, v22;
	v11 =	vld [tilespmem:s10+$0xF0];
	v3 =	vadd.f32 v4, v3  }
0x237: {  	v32 =	vld [tilespmem:s24+$0x30];
	s19 =	simm.s32 $0x10680;
	v7 =	vmul.f32 v7, v23;
	v4 =	vmul.f32 v8, v26  }
0x238: {  	v41 =	vld [tilespmem:s19+$0x60];
	v8 =	vmul.f32 v10, v21;
	[tilespmem:s15+$0xFFFFFF80] =	vst v3  }
0x239: {  	v3 =	vadd.f32 v4, v6;
	v4 =	vadd.f32 v7, v9;
	v6 =	vmul.f32 v12, v17;
	v7 =	vld [tilespmem:s10+$0xFFFFFD80]  }
0x23a: {  	v5 =	vmul.f32 v5, v16;
	v9 =	vld [tilespmem:s10+$0xFFFFFD90]  }
0x23b: {  	v3 =	vadd.f32 v8, v3;
	v4 =	vadd.f32 v6, v4;
	v6 =	vmul.f32 v11, v15;
	v8 =	vld [tilespmem:s10+$0xFFFFFDA0]  }
0x23c: {  	v10 =	vld [tilespmem:s10+$0xFFFFFDB0]  }
0x23d: {  	v3 =	vadd.f32 v5, v3;
	v4 =	vadd.f32 v6, v4;
	v5 =	vld [tilespmem:s10+$0xFFFFFDC0]  }
0x23e: {  	v6 =	vld [tilespmem:s10+$0xFFFFFDD0]  }
0x23f: {  	v11 =	vld [tilespmem:s10+$0xFFFFFDF0];
	v3 =	vadd.f32 v4, v3  }
0x240: {  	v4 =	vld [tilespmem:s10+$0xFFFFFDE0];
	v7 =	vmul.f32 v7, v28;
	v8 =	vmul.f32 v8, v20  }
0x241: {  	v43 =	vld [tilespmem:s19+$0xFFFFFF80];
	[tilespmem:s15+$0x20] =	vst v3;
	v3 =	vmul.f32 v9, v18;
	v9 =	vmul.f32 v10, v19  }
0x242: {  	v10 =	vld [tilespmem:s10+$0x100];
	v7 =	vadd.f32 v8, v7;
	v5 =	vmul.f32 v5, v27  }
0x243: {  	v8 =	vld [tilespmem:s10+$0x110];
	v6 =	vmul.f32 v6, v24;
	v3 =	vadd.f32 v9, v3  }
0x244: {  	v9 =	vld [tilespmem:s10+$0x120];
	v5 =	vadd.f32 v5, v7  }
0x245: {  	v7 =	vld [tilespmem:s10+$0x130];
	v4 =	vmul.f32 v4, v1;
	v3 =	vadd.f32 v6, v3;
	v6 =	vmul.f32 v11, v2  }
0x246: {  	v11 =	vld [tilespmem:s10+$0x140]  }
0x247: {  	v12 =	vld [tilespmem:s10+$0x150];
	v4 =	vadd.f32 v4, v5;
	v3 =	vadd.f32 v6, v3  }
0x248: {  	v5 =	vld [tilespmem:s10+$0x160]  }
0x249: {  	v6 =	vmul.f32 v10, v25;
	v8 =	vmul.f32 v8, v22;
	v10 =	vld [tilespmem:s10+$0x170];
	v3 =	vadd.f32 v3, v4  }
0x24a: {  	v44 =	vld [tilespmem:s19+$0xFFFFFF90];
	v4 =	vmul.f32 v9, v26;
	v7 =	vmul.f32 v7, v23  }
0x24b: {  	v57 =	vld [tilespmem:s19+$0xFFFFFFA0];
	v9 =	vmul.f32 v11, v21;
	[tilespmem:s15+$0xFFFFFF90] =	vst v3  }
0x24c: {  	v3 =	vadd.f32 v4, v6;
	v4 =	vadd.f32 v7, v8;
	v6 =	vmul.f32 v12, v17;
	v7 =	vld [tilespmem:s10+$0xFFFFFE00]  }
0x24d: {  	v5 =	vmul.f32 v5, v16;
	v8 =	vld [tilespmem:s10+$0xFFFFFE10]  }
0x24e: {  	v3 =	vadd.f32 v9, v3;
	v4 =	vadd.f32 v6, v4;
	v6 =	vmul.f32 v10, v15;
	v9 =	vld [tilespmem:s10+$0xFFFFFE20]  }
0x24f: {  	v10 =	vld [tilespmem:s10+$0xFFFFFE30]  }
0x250: {  	v3 =	vadd.f32 v5, v3;
	v4 =	vadd.f32 v6, v4;
	v5 =	vld [tilespmem:s10+$0xFFFFFE40]  }
0x251: {  	v6 =	vld [tilespmem:s10+$0xFFFFFE50]  }
0x252: {  	v11 =	vld [tilespmem:s10+$0xFFFFFE70];
	v3 =	vadd.f32 v4, v3  }
0x253: {  	v4 =	vld [tilespmem:s10+$0xFFFFFE60];
	v7 =	vmul.f32 v7, v28;
	v9 =	vmul.f32 v9, v20  }
0x254: {  	v45 =	vld [tilespmem:s19+$0xFFFFFFB0];
	[tilespmem:s15+$0x30] =	vst v3;
	v3 =	vmul.f32 v8, v18;
	v8 =	vmul.f32 v10, v19  }
0x255: {  	v10 =	vld [tilespmem:s10+$0x180];
	v7 =	vadd.f32 v9, v7;
	v5 =	vmul.f32 v5, v27  }
0x256: {  	v9 =	vld [tilespmem:s10+$0x190];
	v6 =	vmul.f32 v6, v24;
	v3 =	vadd.f32 v8, v3  }
0x257: {  	v8 =	vld [tilespmem:s10+$0x1A0];
	v5 =	vadd.f32 v5, v7  }
0x258: {  	v7 =	vld [tilespmem:s10+$0x1B0];
	v4 =	vmul.f32 v4, v1;
	v3 =	vadd.f32 v6, v3;
	v6 =	vmul.f32 v11, v2  }
0x259: {  	v52 =	vld [tilespmem:s19+$0xFFFFFFC0]  }
0x25a: {  	v53 =	vld [tilespmem:s19+$0xFFFFFFD0];
	v4 =	vadd.f32 v4, v5;
	v3 =	vadd.f32 v6, v3  }
0x25b: {  	v11 =	vld [tilespmem:s10+$0x1C0]  }
0x25c: {  	v12 =	vld [tilespmem:s10+$0x1D0];
	v6 =	vmul.f32 v10, v25;
	v9 =	vmul.f32 v9, v22;
	v3 =	vadd.f32 v3, v4  }
0x25d: {  	v5 =	vld [tilespmem:s10+$0x1E0];
	v4 =	vmul.f32 v8, v26;
	v7 =	vmul.f32 v7, v23  }
0x25e: {  	v10 =	vld [tilespmem:s10+$0x1F0];
	[tilespmem:s15+$0xFFFFFFA0] =	vst v3  }
0x25f: {  	v3 =	vadd.f32 v4, v6;
	v4 =	vadd.f32 v7, v9;
	v7 =	vld [tilespmem:s10+$0xFFFFFE80]  }
0x260: {  	v8 =	vmul.f32 v11, v21;
	v9 =	vld [tilespmem:s10+$0xFFFFFE90]  }
0x261: {  	v6 =	vmul.f32 v12, v17;
	v11 =	vld [tilespmem:s10+$0xFFFFFEC0]  }
0x262: {  	v3 =	vadd.f32 v8, v3;
	v8 =	vld [tilespmem:s10+$0xFFFFFEA0]  }
0x263: {  	v4 =	vadd.f32 v6, v4;
	v6 =	vmul.f32 v10, v15;
	v10 =	vld [tilespmem:s10+$0xFFFFFEB0]  }
0x264: {  	v5 =	vmul.f32 v5, v16;
	v12 =	vld [tilespmem:s10+$0xFFFFFED0]  }
0x265: {  	v13 =	vld [tilespmem:s10+$0xFFFFFEE0]  }
0x266: {  	v14 =	vld [tilespmem:s10+$0xFFFFFEF0];
	v3 =	vadd.f32 v5, v3  }
0x267: {  	v4 =	vadd.f32 v6, v4;
	v5 =	vld [tilespmem:s24+$0x60];
	v7 =	vmul.f32 v7, v28;
	v8 =	vmul.f32 v8, v20  }
0x268: {  	v6 =	vld [tilespmem:s24+$0x40];
	v9 =	vmul.f32 v9, v18;
	v10 =	vmul.f32 v10, v19  }
0x269: {  	v3 =	vadd.f32 v4, v3;
	v4 =	vld [tilespmem:s24+$0x50];
	v7 =	vadd.f32 v8, v7  }
0x26a: {  	v8 =	vmul.f32 v11, v27;
	v9 =	vadd.f32 v10, v9;
	v10 =	vmul.f32 v12, v24;
	v11 =	vld [tilespmem:s19+$0x0]  }
0x26b: {  	v12 =	vmul.f32 v13, v1;
	v13 =	vld [tilespmem:s19+$0x20]  }
0x26c: {  	v7 =	vadd.f32 v8, v7;
	v8 =	vld [tilespmem:s19+$0x10];
	v9 =	vadd.f32 v10, v9;
	v10 =	vmul.f32 v14, v2  }
0x26d: {  	v14 =	vld [tilespmem:s19+$0x30]  }
0x26e: {  	v9 =	vadd.f32 v10, v9;
	v10 =	vld [tilespmem:s19+$0x40]  }
0x26f: {  	v7 =	vadd.f32 v12, v7;
	v12 =	vld [tilespmem:s19+$0x50]  }
0x270: {  	[tilespmem:s15+$0x40] =	vst v3;
	v3 =	vld [tilespmem:s24+$0x70]  }
0x271: {  	v13 =	vmul.f32 v13, v30;
	v7 =	vadd.f32 v9, v7;
	v9 =	vmul.f32 v11, v29;
	v11 =	vld [tilespmem:s19+$0x70]  }
0x272: {  	v59 =	vld [tilespmem:s19+$0xFFFFFFE0];
	v8 =	vmul.f32 v8, v31;
	v14 =	vmul.f32 v14, v32  }
0x273: {  	v60 =	vld [tilespmem:s19+$0xFFFFFFF0];
	v13 =	vadd.f32 v13, v9  }
0x274: {  	v38 =	vld [tilespmem:s10+$0x200];
	v10 =	vmul.f32 v10, v6;
	v14 =	vadd.f32 v14, v8;
	v12 =	vmul.f32 v12, v4  }
0x275: {  	v36 =	vld [tilespmem:s10+$0x210];
	v41 =	vmul.f32 v41, v5  }
0x276: {  	v39 =	vld [tilespmem:s10+$0x220];
	v10 =	vadd.f32 v10, v13;
	v12 =	vadd.f32 v12, v14;
	v11 =	vmul.f32 v11, v3  }
0x277: {  	v37 =	vld [tilespmem:s10+$0x230]  }
0x278: {  	v35 =	vld [tilespmem:s10+$0x240];
	v10 =	vadd.f32 v41, v10;
	v11 =	vadd.f32 v11, v12  }
0x279: {  	v34 =	vld [tilespmem:s10+$0x250]  }
0x27a: {  	v33 =	vld [tilespmem:s10+$0x260];
	v12 =	vadd.f32 v11, v10  }
0x27b: {  	s1 =	simm.s32 $0x17E80;
	v40 =	vld [tilespmem:s10+$0x270];
	[tilespmem:s15+$0xFFFFFFB0] =	vst v7  }
0x27c: {  	s20 =	simm.s32 $0x12080;
	v7 =	vld [tilespmem:s24+$0xFFFFFF90];
	[tilespmem:s1+$0x0] =	vst v12  }
0x27d: {  	v12 =	vld [tilespmem:s20+$0x0]  }
0x27e: {  	v13 =	vld [tilespmem:s20+$0x10]  }
0x27f: {  	v14 =	vld [tilespmem:s20+$0x20]  }
0x280: {  	v46 =	vld [tilespmem:s20+$0x30]  }
0x281: {  	v47 =	vld [tilespmem:s20+$0x40]  }
0x282: {  	v48 =	vld [tilespmem:s20+$0x50]  }
0x283: {  	v49 =	vld [tilespmem:s20+$0x60]  }
0x284: {  	v51 =	vld [tilespmem:s20+$0x70];
	v50 =	vmul.f32 v12, v29;
	v13 =	vmul.f32 v13, v31  }
0x285: {  	v9 =	vld [tilespmem:s24+$0xFFFFFFA0];
	v14 =	vmul.f32 v14, v30;
	v46 =	vmul.f32 v46, v32  }
0x286: {  	v11 =	vld [tilespmem:s24+$0xFFFFFF80];
	v47 =	vmul.f32 v47, v6  }
0x287: {  	v8 =	vld [tilespmem:s24+$0xFFFFFFB0];
	v48 =	vmul.f32 v48, v4;
	v50 =	vadd.f32 v14, v50;
	v46 =	vadd.f32 v46, v13  }
0x288: {  	v10 =	vld [tilespmem:s24+$0xFFFFFFC0];
	v49 =	vmul.f32 v49, v5  }
0x289: {  	v12 =	vld [tilespmem:s24+$0xFFFFFFD0];
	v58 =	vmul.f32 v51, v3;
	v47 =	vadd.f32 v47, v50;
	v46 =	vadd.f32 v48, v46  }
0x28a: {  	v41 =	vmul.f32 v57, v9;
	v13 =	vld [tilespmem:s24+$0xFFFFFFE0]  }
0x28b: {  	v43 =	vmul.f32 v43, v11;
	v14 =	vld [tilespmem:s24+$0xFFFFFFF0];
	v47 =	vadd.f32 v49, v47;
	v46 =	vadd.f32 v58, v46  }
0x28c: {  	v42 =	vld [tilespmem:s10+$0xFFFFFF00];
	v44 =	vmul.f32 v44, v7;
	v45 =	vmul.f32 v45, v8  }
0x28d: {  	v61 =	vmul.f32 v52, v10;
	v52 =	vld [tilespmem:s10+$0xFFFFFF40];
	v41 =	vadd.f32 v41, v43;
	v46 =	vadd.f32 v46, v47  }
0x28e: {  	v44 =	vadd.f32 v45, v44;
	v48 =	vld [tilespmem:s10+$0xFFFFFF10];
	v62 =	vmul.f32 v53, v12  }
0x28f: {  	v41 =	vadd.f32 v61, v41;
	v49 =	vld [tilespmem:s10+$0xFFFFFF20];
	[tilespmem:s1+$0x10] =	vst v46  }
0x290: {  	v44 =	vadd.f32 v62, v44;
	v54 =	vmul.f32 v59, v13;
	v55 =	vmul.f32 v60, v14;
	v63 =	vld [tilespmem:s20+$0x80]  }
0x291: {  	v56 =	vld [tilespmem:s20+$0x90]  }
0x292: {  	v41 =	vadd.f32 v54, v41;
	v44 =	vadd.f32 v55, v44;
	v51 =	vld [tilespmem:s20+$0xA0]  }
0x293: {  	v57 =	vld [tilespmem:s20+$0xB0]  }
0x294: {  	v58 =	vld [tilespmem:s20+$0xC0];
	v41 =	vadd.f32 v44, v41  }
0x295: {  	v59 =	vld [tilespmem:s20+$0xD0]  }
0x296: {  	v60 =	vld [tilespmem:s20+$0xE0];
	[tilespmem:s1+$0xFFFFFF80] =	vst v41  }
0x297: {  	v54 =	vld [tilespmem:s20+$0xFFFFFD80]  }
0x298: {  	v61 =	vmul.f32 v63, v29;
	v62 =	vmul.f32 v56, v31;
	v63 =	vld [tilespmem:s20+$0xF0]  }
0x299: {  	v55 =	vld [tilespmem:s20+$0xFFFFFD90];
	v51 =	vmul.f32 v51, v30;
	v45 =	vmul.f32 v57, v32  }
0x29a: {  	v46 =	vmul.f32 v58, v6;
	v56 =	vld [tilespmem:s20+$0xFFFFFDA0]  }
0x29b: {  	v44 =	vmul.f32 v59, v4;
	v57 =	vld [tilespmem:s20+$0xFFFFFDB0];
	v41 =	vadd.f32 v51, v61;
	v43 =	vadd.f32 v45, v62  }
0x29c: {  	v47 =	vld [tilespmem:s10+$0xFFFFFF30];
	v53 =	vmul.f32 v60, v5  }
0x29d: {  	v58 =	vld [tilespmem:s20+$0xFFFFFDC0];
	v41 =	vadd.f32 v46, v41;
	v43 =	vadd.f32 v44, v43;
	v59 =	vmul.f32 v63, v3  }
0x29e: {  	v60 =	vld [tilespmem:s20+$0xFFFFFDD0];
	v62 =	vmul.f32 v54, v11  }
0x29f: {  	v61 =	vld [tilespmem:s20+$0xFFFFFDE0];
	v51 =	vmul.f32 v56, v9;
	v41 =	vadd.f32 v53, v41;
	v43 =	vadd.f32 v59, v43  }
0x2a0: {  	v55 =	vmul.f32 v55, v7;
	v63 =	vld [tilespmem:s20+$0xFFFFFDF0];
	v45 =	vmul.f32 v57, v8  }
0x2a1: {  	v44 =	vadd.f32 v51, v62;
	v51 =	vld [tilespmem:s10+$0xFFFFFF60];
	v41 =	vadd.f32 v43, v41  }
0x2a2: {  	v45 =	vadd.f32 v45, v55;
	v55 =	vld [tilespmem:s10+$0xFFFFFF70]  }
0x2a3: {  	v46 =	vmul.f32 v58, v10;
	v50 =	vmul.f32 v60, v12;
	v43 =	vld [tilespmem:s10+$0xFFFFFF50];
	[tilespmem:s1+$0x20] =	vst v41  }
0x2a4: {  	v59 =	vmul.f32 v61, v13;
	v58 =	vld [tilespmem:s20+$0x100]  }
0x2a5: {  	v57 =	vadd.f32 v46, v44;
	v45 =	vadd.f32 v50, v45;
	v60 =	vmul.f32 v63, v14;
	v61 =	vld [tilespmem:s20+$0x110]  }
0x2a6: {  	v42 =	vmul.f32 v42, v28;
	v62 =	vld [tilespmem:s20+$0x120]  }
0x2a7: {  	v49 =	vmul.f32 v49, v20;
	v41 =	vadd.f32 v59, v57;
	v45 =	vadd.f32 v60, v45;
	v63 =	vld [tilespmem:s20+$0x130]  }
0x2a8: {  	v48 =	vmul.f32 v48, v18;
	v47 =	vmul.f32 v47, v19;
	v50 =	vld [tilespmem:s20+$0x140]  }
0x2a9: {  	v42 =	vadd.f32 v49, v42;
	v56 =	vmul.f32 v52, v27;
	v57 =	vld [tilespmem:s20+$0x150];
	v41 =	vadd.f32 v45, v41  }
0x2aa: {  	v47 =	vadd.f32 v47, v48;
	v48 =	vld [tilespmem:s20+$0x160];
	v51 =	vmul.f32 v51, v1;
	v43 =	vmul.f32 v43, v24  }
0x2ab: {  	v59 =	vld [tilespmem:s20+$0x170];
	[tilespmem:s1+$0xFFFFFF90] =	vst v41;
	v58 =	vmul.f32 v58, v29;
	v60 =	vmul.f32 v62, v30  }
0x2ac: {  	v42 =	vadd.f32 v56, v42;
	v61 =	vmul.f32 v61, v31;
	v62 =	vld [tilespmem:s20+$0xFFFFFE00];
	v46 =	vmul.f32 v63, v32  }
0x2ad: {  	v43 =	vadd.f32 v43, v47;
	v63 =	vmul.f32 v55, v2;
	v55 =	vld [tilespmem:s20+$0xFFFFFE10];
	v50 =	vmul.f32 v50, v6  }
0x2ae: {  	v56 =	vld [tilespmem:s20+$0xFFFFFE20];
	v45 =	vmul.f32 v57, v4;
	v41 =	vadd.f32 v60, v58;
	v46 =	vadd.f32 v46, v61  }
0x2af: {  	v42 =	vadd.f32 v51, v42;
	v57 =	vld [tilespmem:s20+$0xFFFFFE30];
	v48 =	vmul.f32 v48, v5;
	v43 =	vadd.f32 v63, v43  }
0x2b0: {  	v44 =	vmul.f32 v59, v3;
	v59 =	vld [tilespmem:s20+$0xFFFFFE50];
	v41 =	vadd.f32 v50, v41;
	v45 =	vadd.f32 v45, v46  }
0x2b1: {  	v58 =	vld [tilespmem:s20+$0xFFFFFE40];
	v42 =	vadd.f32 v43, v42  }
0x2b2: {  	v60 =	vld [tilespmem:s20+$0xFFFFFE60];
	v41 =	vadd.f32 v48, v41;
	v44 =	vadd.f32 v44, v45  }
0x2b3: {  	v63 =	vld [tilespmem:s20+$0xFFFFFE70];
	v61 =	vmul.f32 v62, v11;
	v62 =	vmul.f32 v56, v9;
	[tilespmem:s15+$0xFFFFFFC0] =	vst v42  }
0x2b4: {  	v52 =	vmul.f32 v55, v7;
	v53 =	vmul.f32 v57, v8;
	v50 =	vld [tilespmem:s10+$0xFFFFFF90];
	v41 =	vadd.f32 v44, v41  }
0x2b5: {  	v43 =	vmul.f32 v59, v12;
	v44 =	vld [tilespmem:s10+$0xFFFFFF80]  }
0x2b6: {  	v42 =	vadd.f32 v62, v61;
	v54 =	vmul.f32 v58, v10;
	v48 =	vadd.f32 v53, v52;
	[tilespmem:s1+$0x30] =	vst v41;
	v41 =	vld [tilespmem:s10+$0xFFFFFFA0]  }
0x2b7: {  	v46 =	vmul.f32 v60, v13;
	v55 =	vld [tilespmem:s20+$0x180]  }
0x2b8: {  	v47 =	vmul.f32 v63, v14;
	v42 =	vadd.f32 v54, v42;
	v43 =	vadd.f32 v43, v48;
	v56 =	vld [tilespmem:s20+$0x190]  }
0x2b9: {  	v57 =	vld [tilespmem:s20+$0x1A0]  }
0x2ba: {  	v42 =	vadd.f32 v46, v42;
	v43 =	vadd.f32 v47, v43;
	v58 =	vld [tilespmem:s20+$0x1B0]  }
0x2bb: {  	v59 =	vld [tilespmem:s20+$0x1C0]  }
0x2bc: {  	v60 =	vld [tilespmem:s20+$0x1D0];
	v42 =	vadd.f32 v43, v42  }
0x2bd: {  	v61 =	vld [tilespmem:s20+$0x1E0]  }
0x2be: {  	v63 =	vld [tilespmem:s20+$0x1F0];
	[tilespmem:s1+$0xFFFFFFA0] =	vst v42;
	v62 =	vmul.f32 v55, v29;
	v49 =	vmul.f32 v57, v30  }
0x2bf: {  	v48 =	vmul.f32 v56, v31;
	v56 =	vld [tilespmem:s20+$0xFFFFFE80];
	v46 =	vmul.f32 v58, v32  }
0x2c0: {  	v25 =	vmul.f32 v38, v25;
	v57 =	vld [tilespmem:s20+$0xFFFFFE90];
	v47 =	vmul.f32 v59, v6  }
0x2c1: {  	v58 =	vld [tilespmem:s20+$0xFFFFFEA0];
	v43 =	vmul.f32 v60, v4;
	v42 =	vadd.f32 v49, v62;
	v46 =	vadd.f32 v46, v48  }
0x2c2: {  	v26 =	vmul.f32 v39, v26;
	v60 =	vld [tilespmem:s20+$0xFFFFFEB0];
	v61 =	vmul.f32 v61, v5  }
0x2c3: {  	v45 =	vmul.f32 v63, v3;
	v62 =	vld [tilespmem:s20+$0xFFFFFEC0];
	v59 =	vadd.f32 v47, v42;
	v43 =	vadd.f32 v43, v46  }
0x2c4: {  	v22 =	vmul.f32 v36, v22;
	v23 =	vmul.f32 v37, v23;
	v25 =	vadd.f32 v26, v25;
	v26 =	vld [tilespmem:s20+$0xFFFFFED0]  }
0x2c5: {  	v21 =	vmul.f32 v35, v21;
	v51 =	vld [tilespmem:s20+$0xFFFFFEE0];
	v63 =	vadd.f32 v61, v59;
	v47 =	vadd.f32 v45, v43  }
0x2c6: {  	v22 =	vadd.f32 v23, v22;
	v54 =	vld [tilespmem:s20+$0xFFFFFEF0];
	v23 =	vmul.f32 v56, v11;
	v53 =	vmul.f32 v58, v9  }
0x2c7: {  	v55 =	vmul.f32 v57, v7;
	v39 =	vmul.f32 v60, v8;
	v56 =	vld [tilespmem:s10+$0xFFFFFFB0];
	v35 =	vadd.f32 v47, v63  }
0x2c8: {  	v17 =	vmul.f32 v34, v17;
	v58 =	vld [tilespmem:s10+$0xFFFFFFC0];
	v23 =	vadd.f32 v53, v23;
	v57 =	vmul.f32 v62, v10  }
0x2c9: {  	v21 =	vadd.f32 v21, v25;
	v26 =	vmul.f32 v26, v12;
	v59 =	vld [tilespmem:s10+$0xFFFFFFD0];
	v25 =	vadd.f32 v39, v55;
	[tilespmem:s1+$0x40] =	vst v35  }
0x2ca: {  	v16 =	vmul.f32 v33, v16;
	v17 =	vadd.f32 v17, v22;
	v22 =	vadd.f32 v57, v23;
	v60 =	vld [tilespmem:s20+$0x200]  }
0x2cb: {  	v23 =	vmul.f32 v51, v13;
	v25 =	vadd.f32 v26, v25;
	v26 =	vmul.f32 v54, v14;
	v61 =	vld [tilespmem:s20+$0x210]  }
0x2cc: {  	v15 =	vmul.f32 v40, v15;
	v16 =	vadd.f32 v16, v21;
	v21 =	vmul.f32 v44, v28;
	v62 =	vld [tilespmem:s20+$0x220]  }
0x2cd: {  	v20 =	vmul.f32 v41, v20;
	v22 =	vadd.f32 v23, v22;
	v23 =	vadd.f32 v26, v25;
	v63 =	vld [tilespmem:s20+$0x230]  }
0x2ce: {  	v15 =	vadd.f32 v15, v17;
	v17 =	vmul.f32 v50, v18;
	v18 =	vmul.f32 v56, v19;
	v19 =	vld [tilespmem:s20+$0x240]  }
0x2cf: {  	v20 =	vadd.f32 v20, v21;
	v21 =	vmul.f32 v58, v27;
	v25 =	vadd.f32 v23, v22;
	v22 =	vld [tilespmem:s20+$0x250]  }
0x2d0: {  	v26 =	vadd.f32 v15, v16;
	v17 =	vadd.f32 v18, v17;
	v18 =	vmul.f32 v59, v24;
	v23 =	vld [tilespmem:s20+$0x260]  }
0x2d1: {  	s22 =	simm.s32 $0x12080;
	v15 =	vld [tilespmem:s20+$0x270];
	v20 =	vadd.f32 v21, v20;
	[tilespmem:s1+$0xFFFFFFB0] =	vst v25;
	v24 =	vmul.f32 v60, v29;
	v16 =	vmul.f32 v61, v31  }
0x2d2: {  	s21 =	simm.s32 $0x17E80;
	s23 =	simm.s32 $0x2;
	s24 =	simm.s32 $0xF380;
	[tilespmem:s15+$0x50] =	vst v26;
	v21 =	vadd.f32 v18, v17;
	v26 =	vld [tilespmem:s20+$0xFFFFFF00];
	v25 =	vmul.f32 v62, v30;
	v17 =	vmul.f32 v63, v32  }
.LBB2_10:
0x2d3: {  	v18 =	vld [tilespmem:s24+$0x60];
	v19 =	vmul.f32 v19, v6  }
0x2d4: {  	v28 =	vld [tilespmem:s24+$0x70];
	v24 =	vadd.f32 v25, v24;
	v16 =	vadd.f32 v17, v16;
	v17 =	vmul.f32 v22, v4  }
0x2d5: {  	v6 =	vld [tilespmem:s24+$0x40];
	v23 =	vmul.f32 v23, v5  }
0x2d6: {  	v4 =	vld [tilespmem:s24+$0x50];
	v19 =	vadd.f32 v19, v24;
	v17 =	vadd.f32 v17, v16;
	v24 =	vmul.f32 v15, v3  }
0x2d7: {  	v15 =	vld [tilespmem:s24+$0x0];
	v27 =	vmul.f32 v26, v11  }
0x2d8: {  	v16 =	vld [tilespmem:s24+$0x10];
	v19 =	vadd.f32 v23, v19;
	v22 =	vadd.f32 v24, v17;
	v5 =	vmov v18  }
0x2d9: {  	v17 =	vld [tilespmem:s24+$0x20];
	v3 =	vmov v28  }
0x2da: {  	s19 =	sadd.s32 $0x100, s19;
	v18 =	vld [tilespmem:s24+$0x30];
	v19 =	vadd.f32 v22, v19  }
0x2db: {  	v22 =	vld [tilespmem:s19+$0x0]  }
0x2dc: {  	v23 =	vld [tilespmem:s19+$0x10];
	[tilespmem:s1+$0x50] =	vst v19  }
0x2dd: {  	v19 =	vld [tilespmem:s19+$0x20]  }
0x2de: {  	v25 =	vld [tilespmem:s19+$0x30]  }
0x2df: {  	v26 =	vld [tilespmem:s19+$0x40]  }
0x2e0: {  	v28 =	vld [tilespmem:s19+$0x50]  }
0x2e1: {  	v29 =	vld [tilespmem:s19+$0x60]  }
0x2e2: {  	v22 =	vmul.f32 v22, v15;
	v23 =	vmul.f32 v23, v16;
	v30 =	vld [tilespmem:s19+$0x70]  }
0x2e3: {  	v31 =	vmul.f32 v19, v17;
	v24 =	vld [tilespmem:s24+$0xFFFFFF90];
	v32 =	vmul.f32 v25, v18  }
0x2e4: {  	v25 =	vld [tilespmem:s24+$0xFFFFFFA0];
	v26 =	vmul.f32 v26, v6  }
0x2e5: {  	v22 =	vadd.f32 v31, v22;
	v19 =	vld [tilespmem:s24+$0xFFFFFFB0];
	v23 =	vadd.f32 v32, v23;
	v28 =	vmul.f32 v28, v4  }
0x2e6: {  	v31 =	vld [tilespmem:s19+$0xFFFFFF80];
	v29 =	vmul.f32 v29, v5  }
0x2e7: {  	v22 =	vadd.f32 v26, v22;
	v32 =	vld [tilespmem:s19+$0xFFFFFF90];
	v23 =	vadd.f32 v28, v23;
	v26 =	vmul.f32 v30, v3  }
0x2e8: {  	v28 =	vld [tilespmem:s19+$0xFFFFFFA0]  }
0x2e9: {  	v22 =	vadd.f32 v29, v22;
	v30 =	vld [tilespmem:s19+$0xFFFFFFB0];
	v29 =	vadd.f32 v26, v23  }
0x2ea: {  	v26 =	vld [tilespmem:s24+$0xFFFFFF80]  }
0x2eb: {  	v23 =	vld [tilespmem:s24+$0xFFFFFFC0];
	v29 =	vadd.f32 v29, v22  }
0x2ec: {  	s1 =	sadd.s32 $0x100, s1;
	v22 =	vld [tilespmem:s24+$0xFFFFFFD0];
	v32 =	vmul.f32 v32, v24  }
0x2ed: {  	s23 =	sadd.s32 $0x2, s23;
	s20 =	sadd.s32 $0x500, s20;
	v28 =	vmul.f32 v28, v25;
	v33 =	vld [tilespmem:s19+$0xFFFFFFC0];
	[tilespmem:s1+$0x0] =	vst v29  }
0x2ee: {  	p1 =	slt.u32 s23, $0x26;
	v29 =	vmul.f32 v30, v19;
	v30 =	vld [tilespmem:s20+$0x0]  }
0x2ef: {  	v31 =	vmul.f32 v31, v26;
	v34 =	vld [tilespmem:s20+$0x10]  }
0x2f0: {  	v32 =	vadd.f32 v29, v32;
	v29 =	vld [tilespmem:s20+$0x20]  }
0x2f1: {  	v28 =	vadd.f32 v28, v31;
	v31 =	vld [tilespmem:s20+$0x30]  }
0x2f2: {  	v33 =	vmul.f32 v33, v23;
	v35 =	vld [tilespmem:s20+$0x40]  }
0x2f3: {  	v36 =	vld [tilespmem:s20+$0x50]  }
0x2f4: {  	v33 =	vadd.f32 v33, v28;
	v37 =	vld [tilespmem:s20+$0x60]  }
0x2f5: {  	v30 =	vmul.f32 v30, v15;
	v34 =	vmul.f32 v34, v16;
	v38 =	vld [tilespmem:s20+$0x70]  }
0x2f6: {  	v40 =	vmul.f32 v29, v17;
	v39 =	vld [tilespmem:s19+$0xFFFFFFD0];
	v31 =	vmul.f32 v31, v18  }
0x2f7: {  	v29 =	vld [tilespmem:s24+$0xFFFFFFE0];
	v35 =	vmul.f32 v35, v6  }
0x2f8: {  	v30 =	vadd.f32 v40, v30;
	v28 =	vld [tilespmem:s24+$0xFFFFFFF0];
	v31 =	vadd.f32 v31, v34;
	v34 =	vmul.f32 v36, v4  }
0x2f9: {  	v36 =	vld [tilespmem:s19+$0xFFFFFFE0];
	v37 =	vmul.f32 v37, v5  }
0x2fa: {  	v30 =	vadd.f32 v35, v30;
	v40 =	vld [tilespmem:s19+$0xFFFFFFF0];
	v31 =	vadd.f32 v34, v31;
	v34 =	vmul.f32 v38, v3  }
0x2fb: {  	v35 =	vmul.f32 v39, v22;
	v38 =	vld [tilespmem:s22+$0xFFFFFF10]  }
0x2fc: {  	v30 =	vadd.f32 v37, v30;
	v31 =	vadd.f32 v34, v31;
	v34 =	vld [tilespmem:s22+$0xFFFFFF20]  }
0x2fd: {  	v32 =	vadd.f32 v35, v32;
	v35 =	vld [tilespmem:s22+$0xFFFFFF30]  }
0x2fe: {  	v36 =	vmul.f32 v36, v29;
	v30 =	vadd.f32 v31, v30;
	v31 =	vld [tilespmem:s22+$0xFFFFFF40]  }
0x2ff: {  	v37 =	vmul.f32 v40, v28;
	v39 =	vld [tilespmem:s22+$0xFFFFFF50]  }
0x300: {  	v33 =	vadd.f32 v36, v33;
	[tilespmem:s1+$0x10] =	vst v30;
	v30 =	vmul.f32 v38, v7;
	v36 =	vld [tilespmem:s22+$0xFFFFFF60]  }
0x301: {  	v32 =	vadd.f32 v37, v32;
	v37 =	vld [tilespmem:s20+$0x80];
	v34 =	vmul.f32 v34, v9  }
0x302: {  	v38 =	vld [tilespmem:s20+$0x90];
	v35 =	vmul.f32 v35, v8  }
0x303: {  	v32 =	vadd.f32 v32, v33;
	v33 =	vld [tilespmem:s20+$0xA0];
	v27 =	vadd.f32 v34, v27;
	v31 =	vmul.f32 v31, v10  }
0x304: {  	v34 =	vld [tilespmem:s20+$0xB0];
	v30 =	vadd.f32 v35, v30;
	v35 =	vmul.f32 v39, v12  }
0x305: {  	[tilespmem:s1+$0xFFFFFF80] =	vst v32;
	v32 =	vld [tilespmem:s20+$0xC0];
	v27 =	vadd.f32 v31, v27;
	v31 =	vmul.f32 v36, v13  }
0x306: {  	v36 =	vld [tilespmem:s20+$0xD0];
	v30 =	vadd.f32 v35, v30  }
0x307: {  	v35 =	vld [tilespmem:s20+$0xE0];
	v27 =	vadd.f32 v31, v27  }
0x308: {  	v31 =	vmul.f32 v37, v15;
	v37 =	vmul.f32 v38, v16;
	v38 =	vld [tilespmem:s20+$0xF0]  }
0x309: {  	v33 =	vmul.f32 v33, v17;
	v39 =	vld [tilespmem:s20+$0xFFFFFD80];
	v34 =	vmul.f32 v34, v18  }
0x30a: {  	v40 =	vld [tilespmem:s20+$0xFFFFFD90];
	v32 =	vmul.f32 v32, v6  }
0x30b: {  	v31 =	vadd.f32 v33, v31;
	v41 =	vld [tilespmem:s20+$0xFFFFFDA0];
	v33 =	vadd.f32 v34, v37;
	v34 =	vmul.f32 v36, v4  }
0x30c: {  	v36 =	vld [tilespmem:s20+$0xFFFFFDB0];
	v35 =	vmul.f32 v35, v5  }
0x30d: {  	v31 =	vadd.f32 v32, v31;
	v37 =	vld [tilespmem:s20+$0xFFFFFDC0];
	v32 =	vadd.f32 v34, v33;
	v33 =	vmul.f32 v38, v3  }
0x30e: {  	v34 =	vmul.f32 v39, v26;
	v38 =	vld [tilespmem:s20+$0xFFFFFDD0]  }
0x30f: {  	v31 =	vadd.f32 v35, v31;
	v39 =	vmul.f32 v40, v24;
	v40 =	vld [tilespmem:s20+$0xFFFFFDE0];
	v32 =	vadd.f32 v33, v32  }
0x310: {  	v33 =	vmul.f32 v41, v25;
	v35 =	vld [tilespmem:s20+$0xFFFFFDF0]  }
0x311: {  	v36 =	vmul.f32 v36, v19;
	v31 =	vadd.f32 v32, v31;
	v32 =	vld [tilespmem:s22+$0xFFFFFF70]  }
0x312: {  	v33 =	vadd.f32 v33, v34;
	v34 =	vmul.f32 v37, v23;
	v37 =	vld [tilespmem:s10+$0xFFFFFFE0]  }
0x313: {  	v36 =	vadd.f32 v36, v39;
	v38 =	vmul.f32 v38, v22;
	[tilespmem:s1+$0x20] =	vst v31;
	v31 =	vld [tilespmem:s10+$0xFFFFFFF0];
	s10 =	smov.u32 s22;
	s22 =	smov.u32 s20  }
0x314: {  	v33 =	vadd.f32 v34, v33;
	v34 =	vmul.f32 v40, v29;
	v39 =	vld [tilespmem:s20+$0x100]  }
0x315: {  	v36 =	vadd.f32 v38, v36;
	v35 =	vmul.f32 v35, v28;
	v38 =	vld [tilespmem:s20+$0x110]  }
0x316: {  	v33 =	vadd.f32 v34, v33;
	v34 =	vld [tilespmem:s20+$0x120];
	v32 =	vmul.f32 v32, v14  }
0x317: {  	v35 =	vadd.f32 v35, v36;
	v36 =	vld [tilespmem:s20+$0x130];
	v37 =	vmul.f32 v37, v1;
	v1 =	vmovc v13;
	v13 =	vmov v29  }
0x318: {  	v29 =	vld [tilespmem:s20+$0x140];
	v30 =	vadd.f32 v32, v30;
	v31 =	vmul.f32 v31, v2;
	v2 =	vmovc v14;
	v14 =	vmov v28  }
0x319: {  	v28 =	vadd.f32 v35, v33;
	v32 =	vld [tilespmem:s20+$0x150];
	v20 =	vadd.f32 v37, v20  }
0x31a: {  	v33 =	vld [tilespmem:s20+$0x160];
	v27 =	vadd.f32 v30, v27;
	v21 =	vadd.f32 v31, v21  }
0x31b: {  	v30 =	vmul.f32 v38, v16;
	[tilespmem:s1+$0xFFFFFF90] =	vst v28;
	v28 =	vmul.f32 v39, v15;
	v31 =	vld [tilespmem:s20+$0x170]  }
0x31c: {  	v34 =	vmul.f32 v34, v17;
	v35 =	vld [tilespmem:s20+$0xFFFFFE00];
	v36 =	vmul.f32 v36, v18;
	[tilespmem:s21+$0xFFFFFFC0] =	vst v27;
	v20 =	vadd.f32 v21, v20  }
0x31d: {  	v21 =	vld [tilespmem:s20+$0xFFFFFE10];
	v27 =	vmul.f32 v29, v6  }
0x31e: {  	v28 =	vadd.f32 v34, v28;
	v29 =	vld [tilespmem:s20+$0xFFFFFE20];
	v30 =	vadd.f32 v36, v30;
	v32 =	vmul.f32 v32, v4;
	[tilespmem:s15+$0xFFFFFFD0] =	vst v20;
	s15 =	smov.u32 s21;
	s21 =	smov.u32 s1  }
0x31f: {  	v20 =	vld [tilespmem:s20+$0xFFFFFE30];
	v33 =	vmul.f32 v33, v5  }
0x320: {  	v27 =	vadd.f32 v27, v28;
	v34 =	vld [tilespmem:s20+$0xFFFFFE40];
	v28 =	vadd.f32 v32, v30;
	v30 =	vmul.f32 v31, v3  }
0x321: {  	v31 =	vmul.f32 v35, v26;
	v32 =	vld [tilespmem:s20+$0xFFFFFE50]  }
0x322: {  	v27 =	vadd.f32 v33, v27;
	v21 =	vmul.f32 v21, v24;
	v35 =	vld [tilespmem:s20+$0xFFFFFE60];
	v28 =	vadd.f32 v30, v28  }
0x323: {  	v29 =	vmul.f32 v29, v25;
	v30 =	vld [tilespmem:s20+$0xFFFFFE70]  }
0x324: {  	v20 =	vmul.f32 v20, v19;
	v27 =	vadd.f32 v28, v27;
	v28 =	vld [tilespmem:s10+$0xFFFFFF80]  }
0x325: {  	v29 =	vadd.f32 v29, v31;
	v31 =	vmul.f32 v34, v23;
	v33 =	vld [tilespmem:s10+$0xFFFFFF90]  }
0x326: {  	v20 =	vadd.f32 v20, v21;
	v21 =	vmul.f32 v32, v22;
	[tilespmem:s1+$0x30] =	vst v27;
	v27 =	vld [tilespmem:s10+$0xFFFFFFA0]  }
0x327: {  	v29 =	vadd.f32 v31, v29;
	v31 =	vmul.f32 v35, v13;
	v32 =	vld [tilespmem:s20+$0x180]  }
0x328: {  	v20 =	vadd.f32 v21, v20;
	v21 =	vmul.f32 v30, v14;
	v30 =	vld [tilespmem:s20+$0x190]  }
0x329: {  	v29 =	vadd.f32 v31, v29;
	v31 =	vld [tilespmem:s20+$0x1A0];
	v28 =	vmul.f32 v28, v11;
	v11 =	vmov v26  }
0x32a: {  	v20 =	vadd.f32 v21, v20;
	v21 =	vld [tilespmem:s20+$0x1B0];
	v26 =	vmul.f32 v33, v7;
	v7 =	vmov v24  }
0x32b: {  	v24 =	vld [tilespmem:s20+$0x1C0];
	v27 =	vmul.f32 v27, v9;
	v9 =	vmov v25  }
0x32c: {  	v20 =	vadd.f32 v20, v29;
	v25 =	vld [tilespmem:s20+$0x1D0]  }
0x32d: {  	v29 =	vld [tilespmem:s20+$0x1E0];
	v27 =	vadd.f32 v27, v28  }
0x32e: {  	v28 =	vmul.f32 v30, v16;
	[tilespmem:s1+$0xFFFFFFA0] =	vst v20;
	v20 =	vmul.f32 v32, v15;
	v30 =	vld [tilespmem:s20+$0x1F0]  }
0x32f: {  	v31 =	vmul.f32 v31, v17;
	v32 =	vld [tilespmem:s20+$0xFFFFFE80];
	v21 =	vmul.f32 v21, v18  }
0x330: {  	v33 =	vld [tilespmem:s20+$0xFFFFFE90];
	v24 =	vmul.f32 v24, v6  }
0x331: {  	v20 =	vadd.f32 v31, v20;
	v34 =	vld [tilespmem:s20+$0xFFFFFEA0];
	v21 =	vadd.f32 v21, v28;
	v25 =	vmul.f32 v25, v4  }
0x332: {  	v28 =	vld [tilespmem:s20+$0xFFFFFEB0];
	v29 =	vmul.f32 v29, v5  }
0x333: {  	v20 =	vadd.f32 v24, v20;
	v31 =	vld [tilespmem:s20+$0xFFFFFEC0];
	v21 =	vadd.f32 v25, v21;
	v24 =	vmul.f32 v30, v3  }
0x334: {  	v25 =	vmul.f32 v32, v11;
	v30 =	vld [tilespmem:s20+$0xFFFFFED0]  }
0x335: {  	v20 =	vadd.f32 v29, v20;
	v32 =	vmul.f32 v33, v7;
	v33 =	vld [tilespmem:s20+$0xFFFFFEE0];
	v21 =	vadd.f32 v24, v21  }
0x336: {  	v24 =	vmul.f32 v34, v9;
	v29 =	vld [tilespmem:s20+$0xFFFFFEF0]  }
0x337: {  	v28 =	vmul.f32 v28, v19;
	v20 =	vadd.f32 v21, v20;
	v21 =	vld [tilespmem:s10+$0xFFFFFFB0]  }
0x338: {  	v24 =	vadd.f32 v24, v25;
	v25 =	vmul.f32 v31, v23;
	v31 =	vld [tilespmem:s10+$0xFFFFFFC0]  }
0x339: {  	v28 =	vadd.f32 v28, v32;
	v30 =	vmul.f32 v30, v22;
	[tilespmem:s1+$0x40] =	vst v20;
	v20 =	vld [tilespmem:s10+$0xFFFFFFD0]  }
0x33a: {  	v24 =	vadd.f32 v25, v24;
	v25 =	vmul.f32 v33, v13;
	v32 =	vld [tilespmem:s20+$0x200]  }
0x33b: {  	v28 =	vadd.f32 v30, v28;
	v29 =	vmul.f32 v29, v14;
	v30 =	vld [tilespmem:s20+$0x210]  }
0x33c: {  	v24 =	vadd.f32 v25, v24;
	v25 =	vld [tilespmem:s20+$0x220];
	v21 =	vmul.f32 v21, v8;
	v8 =	vmov v19  }
0x33d: {  	v28 =	vadd.f32 v29, v28;
	v29 =	vld [tilespmem:s20+$0x230];
	v31 =	vmul.f32 v31, v10;
	v10 =	vmov v23  }
.Ltmp6:
0x33e: {  	v19 =	vld [tilespmem:s20+$0x240];
	v21 =	vadd.f32 v21, v26;
	v26 =	vmul.f32 v20, v12;
	v12 =	vmov v22;
	(pc) =	sbr.rel @p1 .LBB2_10-.Ltmp6, $4  }
0x33f: {  	v24 =	vadd.f32 v28, v24;
	v22 =	vld [tilespmem:s20+$0x250];
	v20 =	vadd.f32 v31, v27  }
0x340: {  	v23 =	vld [tilespmem:s20+$0x260];
	v21 =	vadd.f32 v26, v21  }
0x341: {  	v16 =	vmul.f32 v30, v16;
	[tilespmem:s1+$0xFFFFFFB0] =	vst v24;
	v24 =	vmul.f32 v32, v15;
	v15 =	vld [tilespmem:s20+$0x270]  }
0x342: {  	s24 =	sadd.s32 $0x100, s24;
	v25 =	vmul.f32 v25, v17;
	v26 =	vld [tilespmem:s20+$0xFFFFFF00];
	v17 =	vmul.f32 v29, v18  }
0x343: {  	v18 =	vld [tilespmem:s22+$0xFFFFFF10]  }
0x344: {  	v27 =	vld [tilespmem:s22+$0xFFFFFF20]  }
0x345: {  	v28 =	vld [tilespmem:s22+$0xFFFFFF30]  }
0x346: {  	v29 =	vld [tilespmem:s22+$0xFFFFFF40]  }
0x347: {  	v30 =	vld [tilespmem:s22+$0xFFFFFF50]  }
0x348: {  	v31 =	vld [tilespmem:s22+$0xFFFFFF60]  }
0x349: {  	v32 =	vld [tilespmem:s22+$0xFFFFFF70];
	v26 =	vmul.f32 v26, v11;
	v27 =	vmul.f32 v27, v9  }
0x34a: {  	v18 =	vmul.f32 v18, v7;
	v28 =	vmul.f32 v28, v8  }
0x34b: {  	v42 =	vmul.f32 v29, v10  }
0x34c: {  	v43 =	vmul.f32 v30, v12;
	v26 =	vadd.f32 v27, v26;
	v18 =	vadd.f32 v28, v18  }
0x34d: {  	v44 =	vmul.f32 v31, v13  }
0x34e: {  	v45 =	vmul.f32 v32, v14;
	v26 =	vadd.f32 v42, v26;
	v18 =	vadd.f32 v43, v18;
	_ =	sdelay $0x1  }
0x34f: {  	v26 =	vadd.f32 v44, v26;
	v18 =	vadd.f32 v45, v18;
	_ =	sdelay $0x1  }
0x350: {  	v18 =	vadd.f32 v18, v26  }
0x351: {  	v46 =	vld [tilespmem:s10+$0xFFFFFFE0]  }
0x352: {  	v47 =	vld [tilespmem:s10+$0xFFFFFFF0];
	[tilespmem:s21+$0xFFFFFFC0] =	vst v18  }
0x353: {  	v18 =	vld [tilespmem:s22+$0xFFFFFF80]  }
0x354: {  	v48 =	vld [tilespmem:s22+$0xFFFFFF90]  }
0x355: {  	v49 =	vld [tilespmem:s22+$0xFFFFFFA0]  }
0x356: {  	v51 =	vld [tilespmem:s22+$0xFFFFFFB0]  }
0x357: {  	v6 =	vmul.f32 v19, v6;
	v50 =	vadd.f32 v25, v24;
	v52 =	vld [tilespmem:s22+$0xFFFFFFC0]  }
0x358: {  	v16 =	vadd.f32 v17, v16;
	v4 =	vmul.f32 v22, v4;
	v53 =	vld [tilespmem:s22+$0xFFFFFFD0]  }
0x359: {  	v5 =	vmul.f32 v23, v5;
	v6 =	vadd.f32 v6, v50;
	v3 =	vmul.f32 v15, v3;
	v54 =	vld [tilespmem:s22+$0xFFFFFFE0]  }
0x35a: {  	v4 =	vadd.f32 v4, v16;
	v57 =	vld [tilespmem:s22+$0xFFFFFFF0];
	v55 =	vmul.f32 v18, v11;
	v56 =	vmul.f32 v49, v9  }
0x35b: {  	v5 =	vadd.f32 v5, v6;
	v58 =	vmul.f32 v48, v7;
	v59 =	vmul.f32 v51, v8  }
0x35c: {  	v3 =	vadd.f32 v3, v4;
	v1 =	vmul.f32 v46, v1;
	v60 =	vmul.f32 v52, v10  }
0x35d: {  	v61 =	vmul.f32 v53, v12;
	v6 =	vadd.f32 v56, v55;
	v4 =	vadd.f32 v59, v58  }
0x35e: {  	v2 =	vmul.f32 v47, v2;
	v3 =	vadd.f32 v3, v5;
	v62 =	vmul.f32 v54, v13  }
0x35f: {  	v63 =	vmul.f32 v57, v14;
	v6 =	vadd.f32 v60, v6;
	v4 =	vadd.f32 v61, v4  }
0x360: {  	v1 =	vadd.f32 v1, v20;
	v2 =	vadd.f32 v2, v21  }
0x361: {  	v5 =	vadd.f32 v62, v6;
	v4 =	vadd.f32 v63, v4  }
.Ltmp7:
0x362: {  	v1 =	vadd.f32 v2, v1;
	(pc) =	sbr.rel @p0 .LBB2_13-.Ltmp7, $4  }
0x363: {  	s24 =	sadd.s32 s8, s13;
	[tilespmem:s1+$0x50] =	vst v3;
	v2 =	vadd.f32 v4, v5  }
0x364: {  	s1 =	sshll.u32 s24, $0x4;
	[tilespmem:s15+$0xFFFFFFD0] =	vst v1  }
0x365: {  	s1 =	sadd.s32 s6, s1;
	[tilespmem:s21+$0xFFFFFFD0] =	vst v2  }
0x366: {  	[hbm4b:s1+s2] =	stream.linear.scatter [tilespmem:s17], [sflag:$0x6], $0x1400, $0x38;
	[tilespmem:$0x19100] =	vst v63  }
0x367: {  	_ =	swait.ge [sflag:s9], $0xC8  }
0x368: {  	[sflag:s9] =	ssyncset.done $0x0  }
0x369: {  	s1 =	sadd.s32 $0x78, s8;
	s10 =	simm.s32 $0xF100;
	[sflag:s9] =	ssyncadd.s32 $0xFFFFFF38  }
0x36a: {  	[tilespmem:s10], [sflag:$0x2] =	stream.indirect.gather [hbm4b:s4+s18], $0x80, s1, s18, $0xb8;
	[tilespmem:$0x19100] =	vst v63  }
0x36b: {  	s15 =	sadd.s32 $0x27F8, s8;
	s19 =	simm.s32 $0x10500  }
0x36c: {  	[tilespmem:s19], [sflag:$0x2] =	stream.indirect.gather [hbm4b:s4+s18], $0x80, s15, s18, $0xb8;
	[tilespmem:$0x19100] =	vst v63  }
0x36d: {  	s20 =	simm.s32 $0x11900  }
0x36e: {  	[tilespmem:s20], [sflag:$0x2] =	stream.indirect.gather [hbm4b:s4+s18], $0x80, s31, s18, $0xb8;
	[tilespmem:$0x19100] =	vst v63  }
0x36f: {  	s21 =	simm.s32 $0xF028;
	s22 =	simm.s32 $0x12D00  }
0x370: {  	[tilespmem:s22], [sflag:$0x2] =	stream.indirect.gather [hbm4b:s4+s18], $0x80, s21, s18, $0xb8;
	[tilespmem:$0x19100] =	vst v63  }
0x371: {  	s23 =	simm.s32 $0xF050;
	s24 =	simm.s32 $0x14100  }
0x372: {  	[tilespmem:s24], [sflag:$0x2] =	stream.indirect.gather [hbm4b:s4+s18], $0x80, s23, s18, $0xb8;
	[tilespmem:$0x19100] =	vst v63  }
.Ltmp8:
0x373: {  	_ = 	snop;
	(pc) =	sbr.rel .LBB2_4-.Ltmp8, $4  }
0x374: {  	_ = 	snop  }
0x375: {  	[tilespmem:s26], [sflag:$0x2] =	stream.indirect.gather [hbm4b:s4+s18], $0x80, s25, s18, $0xb8;
	[tilespmem:$0x19100] =	vst v63  }
0x376: {  	s14 =	sadd.s32 $0x1, s14  }
0x377: {  	[tilespmem:s29], [sflag:$0x2] =	stream.indirect.gather [hbm4b:s4+s18], $0x80, s28, s18, $0xb8;
	[tilespmem:$0x19100] =	vst v63  }
.LBB2_14:
0x378: {  	_ =	sfence.sel $0x180000  }
0x379: {  	[bflag:$0x0] =	sbarrier.arrive $0xFFFF  }
0x37a: {  	_ =	strace $0x90000050  }
0x37b: {  	s0 =	stileid.u32;
	[bflag:$0x2] =	sbarrier.arrive $0xFFFF  }
0x37c: {  	p0 =	sne.s32 s0, $0x0;
	s0 =	rddreg [dreg:$0x1]  }
0x37d: {  	s0 =	sadd.s32 @!p0 $0x100000, s0  }
0x37e: {  	[sflag:s0] =	ssyncadd.tile.s32 @!p0 $0x1;
	_ =	shalt  }
.Lfunc_end2:
_tile_overlayer_lowered:
.L_overlay_start_2:
0x37f: {  	(tag) =	ssettag $0x2  }
0x380: {  	s0 =	rddreg [dreg:$0x0];
	s2 =	stileid.u32  }
0x381: {  	s1 =	rddreg [dreg:$0x1];
	p0 =	sne.s32 s2, $0x0  }
0x382: {  	s3 =	rddreg [dreg:$0x2];
	[bflag:$0x3] =	sbarrier.arrive $0xFFFF;
	s2 =	simm.s32 @!p0 $0x1C07  }
0x383: {  	[timem:s3], [sflag:s2] =	dma.local @!p0 [hbm:s0], s1  }
0x384: {  	s0 =	simm.s32 @!p0 $0x7  }
0x385: {  	_ =	swait.ge @!p0 [sflag:s0], s1  }
0x386: {  	s1 =	ssub.s32 @!p0 $0x0, s1;
	[sflag:s0] =	ssyncset.done @!p0 $0x0  }
0x387: {  	[sflag:s0] =	ssyncadd.s32 @!p0 s1  }
0x388: {  	[bflag:$0x3] =	sbarrier.arrive $0xFFFF  }
0x389: {  	_ =	shalt  }

// kernel: kernel.9.cloned.1.call-start
scs
__scs_entry_jumppad:
0x0: {  	(pc) =	sbr.rel $0x88, $3  }
0x1: {  	(tag) =	ssettag $0x0;
	lr =	simm.s32 $0x1  }
0x2: {  	[smem:$0x3F9C] =	sst lr;
	_ =	strace $0xD0000000  }
0x3: {  	_ = 	snop  }
0x4: {  	_ = 	snop  }
0x5: {  	_ = 	snop  }
0x6: {  	_ = 	snop  }
0x7: {  	_ = 	snop  }
__scs_overlays_trampoline_lowered:
0x8: {  	[smem:$0x3FAB] =	sst s0  }
0x9: {  	[smem:$0x3FAC] =	sst s1  }
0xa: {  	[smem:$0x3FAD] =	sst s2  }
0xb: {  	[smem:$0x3FAE] =	sst s3  }
0xc: {  	[smem:$0x3FAF] =	sst s4  }
0xd: {  	[smem:$0x3FB0] =	sst s5  }
0xe: {  	[smem:$0x3FB1] =	sst s6  }
0xf: {  	[smem:$0x3FB2] =	sst s7  }
0x10: {  	[smem:$0x3FB3] =	sst s8  }
0x11: {  	[smem:$0x3FB4] =	sst s9;
	s0 =	simm.s32 @!p0 $0x0  }
0x12: {  	s1 =	sld [smem:$0x3F9A];
	s0 =	simm.s32 @p0 $0x1  }
0x13: {  	[smem:$0x3FB5] =	sst s0;
	s0 =	simm.s32 @!p1 $0x0  }
0x14: {  	s2 =	sld [smem:$0x3F99];
	s0 =	simm.s32 @p1 $0x1  }
0x15: {  	[smem:$0x3FB6] =	sst s0;
	s0 =	simm.s32 @!p2 $0x0  }
0x16: {  	s3 =	sld [smem:$0x3FDB];
	s0 =	simm.s32 @p2 $0x1  }
0x17: {  	s4 =	simm.s32 $0x1BF5;
	[smem:$0x3FB8] =	sst s0  }
0x18: {  	s0 =	sld [smem:$0x3F9B];
	_ =	swait.ge [sflag:s4], $0x0  }
0x19: {  	s7 =	sld [smem:$0x3F9C]  }
0x1a: {  	s8 =	sadd.s32 $0xFFFFE003, lr  }
0x1b: {  	s9 =	sadd.s32 $0xFFFFFEF7, lr;
	s5 =	simm.s32 $0xFFFFFFFF;
	p2 =	slt.u32 s8, $0xFFFFF086  }
0x1c: {  	p1 =	slt.u32 s9, $0xF7A;
	s5 =	simm.s32 @!p2 $0x0  }
0x1d: {  	s5 =	simm.s32 @p1 $0x1;
	p0 =	seq.s32 s7, s2  }
0x1e: {  	s7 =	smul.u32 @!p0 $0xF7A, s2;
	p2 =	seq.s32 @!p0 s5, $0x0  }
0x1f: {  	s9 =	smul.u32 $0xF7A, s1;
	s8 =	simm.s32 @!p0 $0x1BF5;
	p2 =	por !p2, p0  }
0x20: {  	[sflag:s8] =	ssyncset.s32 @!p0 $0xFFFFF086;
	s6 =	sadd.s32 @!p0 s3, s7;
	s7 =	simm.s32 @!p0 $0x108  }
0x21: {  	s3 =	sadd.s32 s3, s9;
	s6 =	sadd.s32 @!p0 $0x88, s6;
	s7 =	simm.s32 @p2 $0x1082  }
0x22: {  	[simem:s7], [sflag:s8] =	dma.local @!p0 [hbm:s6], $0xF7A  }
0x23: {  	s9 =	sor.u32 $0xD0000000, s2;
	s6 =	simm.s32 $0x108;
	_ =	swait.ge @!p0 [sflag:s8], $0x0  }
0x24: {  	s3 =	sadd.s32 $0x88, s3;
	s6 =	simm.s32 @!p1 $0x1082;
	[sflag:s4] =	ssyncset.s32 $0xFFFFF086  }
0x25: {  	[simem:s6], [sflag:s4] =	dma.local [hbm:s3], $0xF7A  }
0x26: {  	[smem:$0x3F9C] =	sst s1;
	(tag) =	ssettag s2;
	_ =	strace s9  }
0x27: {  	s1 =	sld [smem:$0x3FAC]  }
0x28: {  	s2 =	sld [smem:$0x3FAD]  }
0x29: {  	s4 =	sld [smem:$0x3FAF]  }
0x2a: {  	p0 =	seq.s32 s5, $0x0;
	s5 =	sld [smem:$0x3FB0]  }
0x2b: {  	s6 =	sld [smem:$0x3FB1]  }
0x2c: {  	s7 =	sld [smem:$0x3FB2]  }
0x2d: {  	s3 =	simm.s32 $0x108;
	s8 =	sld [smem:$0x3FB3]  }
0x2e: {  	s3 =	simm.s32 @!p0 $0x1082;
	s9 =	sld [smem:$0x3FB4]  }
0x2f: {  	lr =	sadd.s32 s0, s3;
	s0 =	sld [smem:$0x3FAB]  }
0x30: {  	s3 =	sld [smem:$0x3FAE]  }
0x31: {  	[smem:$0x3FB7] =	sst s10  }
0x32: {  	s10 =	sld [smem:$0x3FB5];
	_ =	sdelay $0x3  }
0x33: {  	p0 =	seq.s32 s10, $0x1;
	s10 =	sld [smem:$0x3FB7];
	_ =	sdelay $0x3  }
0x34: {  	[smem:$0x3FB7] =	sst s10  }
0x35: {  	s10 =	sld [smem:$0x3FB6];
	_ =	sdelay $0x3  }
0x36: {  	p1 =	seq.s32 s10, $0x1;
	s10 =	sld [smem:$0x3FB7];
	_ =	sdelay $0x3  }
0x37: {  	[smem:$0x3FB7] =	sst s10  }
0x38: {  	s10 =	sld [smem:$0x3FB8]  }
0x39: {  	_ = 	snop;
	(pc) =	sbr.ind lr, $3  }
0x3a: {  	_ = 	snop  }
0x3b: {  	_ = 	snop  }
0x3c: {  	p2 =	seq.s32 s10, $0x1;
	s10 =	sld [smem:$0x3FB7]  }
0x3d: {  	_ =	shalt  }
0x3e: {  	_ =	shalt  }
0x3f: {  	_ =	shalt  }
0x40: {  	_ =	shalt  }
0x41: {  	_ =	shalt  }
0x42: {  	_ =	shalt  }
0x43: {  	_ =	shalt  }
0x44: {  	_ =	shalt  }
0x45: {  	_ =	shalt  }
0x46: {  	_ =	shalt  }
0x47: {  	_ =	shalt  }
0x48: {  	_ =	shalt  }
0x49: {  	_ =	shalt  }
0x4a: {  	_ =	shalt  }
0x4b: {  	_ =	shalt  }
0x4c: {  	_ =	shalt  }
0x4d: {  	_ =	shalt  }
0x4e: {  	_ =	shalt  }
0x4f: {  	_ =	shalt  }
0x50: {  	_ =	shalt  }
0x51: {  	_ =	shalt  }
0x52: {  	_ =	shalt  }
0x53: {  	_ =	shalt  }
0x54: {  	_ =	shalt  }
0x55: {  	_ =	shalt  }
0x56: {  	_ =	shalt  }
0x57: {  	_ =	shalt  }
0x58: {  	_ =	shalt  }
0x59: {  	_ =	shalt  }
0x5a: {  	_ =	shalt  }
0x5b: {  	_ =	shalt  }
0x5c: {  	_ =	shalt  }
0x5d: {  	_ =	shalt  }
0x5e: {  	_ =	shalt  }
0x5f: {  	_ =	shalt  }
0x60: {  	_ =	shalt  }
0x61: {  	_ =	shalt  }
0x62: {  	_ =	shalt  }
0x63: {  	_ =	shalt  }
0x64: {  	_ =	shalt  }
0x65: {  	_ =	shalt  }
0x66: {  	_ =	shalt  }
0x67: {  	_ =	shalt  }
0x68: {  	_ =	shalt  }
0x69: {  	_ =	shalt  }
0x6a: {  	_ =	shalt  }
0x6b: {  	_ =	shalt  }
0x6c: {  	_ =	shalt  }
0x6d: {  	_ =	shalt  }
0x6e: {  	_ =	shalt  }
0x6f: {  	_ =	shalt  }
0x70: {  	_ =	shalt  }
0x71: {  	_ =	shalt  }
0x72: {  	_ =	shalt  }
0x73: {  	_ =	shalt  }
0x74: {  	_ =	shalt  }
0x75: {  	_ =	shalt  }
0x76: {  	_ =	shalt  }
0x77: {  	_ =	shalt  }
0x78: {  	_ =	shalt  }
0x79: {  	_ =	shalt  }
0x7a: {  	_ =	shalt  }
0x7b: {  	_ =	shalt  }
0x7c: {  	_ =	shalt  }
0x7d: {  	_ =	shalt  }
0x7e: {  	_ =	shalt  }
0x7f: {  	_ =	shalt  }
0x80: {  	_ =	shalt  }
0x81: {  	_ =	shalt  }
0x82: {  	_ =	shalt  }
0x83: {  	_ =	shalt  }
0x84: {  	_ =	shalt  }
0x85: {  	_ =	shalt  }
0x86: {  	_ =	shalt  }
0x87: {  	_ =	shalt  }
.Lfunc_end0:
.L_simem_size_0:
called_computation_lowered:
.L_overlay_start_0:
0x88: {  	s2 =	sld [smem:$0x3FD9]  }
0x89: {  	s3 =	sld [smem:$0x3FFE];
	_ =	sdelay $0x1  }
0x8a: {  	s1 =	srdreg.scid  }
0x8b: {  	s0 =	sand.u32 $0x1, s1  }
0x8c: {  	s17 =	sshll.u32 s0, $0xA;
	s2 =	sadd.s32 s3, s2  }
0x8d: {  	s2 =	sadd.s32 s2, s17  }
0x8e: {  	[smem:$0x3FC3] =	sst s2  }
0x8f: {  	_ = 	snop  }
0x90: {  	(tm) =	ssettm $0x1  }
0x91: {  	s18 =	sld [smem:$0x3FFB];
	_ =	sdelay $0x3  }
0x92: {  	_ =	strace s18  }
0x93: {  	s2 =	sld [smem:$0x3FFC];
	_ =	sdelay $0x3  }
0x94: {  	_ =	strace s2  }
0x95: {  	s2 =	sld [smem:$0x3FFD];
	_ =	sdelay $0x3  }
0x96: {  	_ =	strace s2  }
0x97: {  	_ =	strace $0x8FFFFFFF  }
0x98: {  	s19 =	sld [smem:$0x3FDB];
	_ =	sdelay $0x1  }
0x99: {  	s20 =	simm.s32 $_scs_section_size  }
0x9a: {  	s4 =	simm.s32 $_size__tile_overlayer_lowered;
	s5 =	simm.s32 $_tile_overlayer_lowered  }
0x9b: {  	s6 =	simm.s32 $0x1BFF;
	s21 =	sshll.u32 s5, $0x1;
	s3 =	sadd.s32 s20, s19  }
0x9c: {  	s22 =	simm.s32 $0x0;
	s4 =	sshll.u32 s4, $0x1;
	s5 =	sadd.s32 s21, s3  }
0x9d: {  	[timem:s22], [sflag:s6] =	dma.local [hbm:s5], s4  }
0x9e: {  	_ =	swait.ge [sflag:s6], s4  }
0x9f: {  	s4 =	ssub.s32 $0x0, s4;
	[sflag:s6] =	ssyncset.done $0x0  }
0xa0: {  	[sflag:s6] =	ssyncadd.s32 s4;
	_ =	sdelay $0x1  }
0xa1: {  	s23 =	simm.s32 $0x1B8B  }
0xa2: {  	_ =	swait.ge [sflag:s23], $0x1  }
0xa3: {  	[sflag:s23] =	ssyncset.done $0x0  }
0xa4: {  	[sflag:s23] =	ssyncadd.s32 $0xFFFFFFFF  }
0xa5: {  	s4 =	sld [smem:$0x0]  }
0xa6: {  	s5 =	sand.u32 $0xFFFFFFFE, s1  }
0xa7: {  	p0 =	sne.s32 s1, s5  }
0xa8: {  	s5 =	sshll.u32 @p0 s5, $0xE  }
0xa9: {  	s5 =	sadd.s32 @p0 $0x11B8D, s5;
	s6 =	sshll.u32 @p0 s4, $0x11  }
0xaa: {  	s5 =	sor.u32 @p0 s6, s5  }
0xab: {  	[sflag:s5] =	ssyncadd.remote.s32 @p0 $0x1;
	_ =	sdelay $0x1  }
0xac: {  	s5 =	simm.s32 @p0 $0x1B8D  }
0xad: {  	_ =	swait.eq @p0 [sflag:s5], $0x1  }
0xae: {  	[sflag:s5] =	ssyncadd.s32 @p0 $0xFFFFFFFF  }
0xaf: {  	s6 =	sshll.u32 @!p0 s1, $0xE  }
0xb0: {  	s6 =	sor.u32 @!p0 $0x4000, s6;
	s5 =	simm.s32 @!p0 $0x1B8D  }
0xb1: {  	s4 =	sshll.u32 @!p0 s4, $0x11;
	s6 =	sadd.s32 @!p0 $0x11B8D, s6;
	_ =	swait.eq @!p0 [sflag:s5], $0x1  }
0xb2: {  	s4 =	sor.u32 @!p0 s4, s6;
	[sflag:s5] =	ssyncadd.s32 @!p0 $0xFFFFFFFF  }
0xb3: {  	s25 =	simm.s32 $0x1B8E;
	s24 =	sld [smem:$0x3FFE];
	[sflag:s4] =	ssyncadd.remote.s32 @!p0 $0x1  }
0xb4: {  	s26 =	simm.s32 $execute0_lowered;
	[smem:$0x3FD2] =	sst s25  }
0xb5: {  	s5 =	sshll.u32 s26, $0x1;
	_ =	strace $0x80000049;
	[dreg:$0x1] =	wrdreg $0xFFFFFFFF  }
0xb6: {  	s28 =	simm.s32 $_size_execute0_lowered;
	s3 =	sadd.s32 s3, s5;
	[dreg:$0x0] =	wrdreg $0x0  }
0xb7: {  	s5 =	sshll.u32 s28, $0x1;
	[dreg:$0x2] =	wrdreg s3  }
0xb8: {  	[dreg:$0x3] =	wrdreg s5  }
0xb9: {  	[dreg:$0x4] =	wrdreg $0xC0  }
0xba: {  	_ =	task [dreg:s22], $0x5FFFF  }
0xbb: {  	[dreg:$0x1] =	wrdreg $0xFFFFFFFF  }
0xbc: {  	[dreg:$0x0] =	wrdreg $0x60  }
0xbd: {  	[dreg:$0x2] =	wrdreg s24  }
0xbe: {  	[dreg:$0x3] =	wrdreg $0x9F800  }
0xbf: {  	[dreg:$0x4] =	wrdreg $0x9  }
0xc0: {  	_ =	task.clear_ibuf [dreg:s22], $0x5FFFF;
	_ =	strace $0x90000049  }
0xc1: {  	s29 =	simm.s32 $0x9;
	_ =	strace $0x8000004B  }
0xc2: {  	_ =	swait.ge [sflag:s29], $0x1  }
0xc3: {  	[sflag:s29] =	ssyncadd.s32 $0xFFFFFFFF  }
0xc4: {  	_ =	strace $0x9000004B  }
0xc5: {  	_ =	sfence  }
0xc6: {  	s30 =	sld [smem:$0x0];
	_ =	sdelay $0x2  }
0xc7: {  	s31 =	sshll.u32 s1, $0xD;
	s1 =	sshrl.u32 s1, $0x2  }
0xc8: {  	s4 =	sand.u32 $0x4000, s31;
	s1 =	sadd.s32 s1, s30  }
0xc9: {  	s0 =	sor.u32 s4, s0;
	s1 =	sshll.u32 s1, $0x11  }
0xca: {  	s0 =	sor.u32 s1, s0  }
0xcb: {  	s0 =	sadd.s32 $0x8F2B, s0  }
0xcc: {  	[sflag:s0] =	ssyncadd.remote.s32 $0x1  }
0xcd: {  	_ =	sfence.sel $0xFFFF  }
0xce: {  	[dreg:$0x0] =	wrdreg $0xFFFFFFFF;
	(pc) =	sbr.abs _section_cstart, $3  }
0xcf: {  	[dreg:$0x1] =	wrdreg $0xFFFFFFFF  }
0xd0: {  	_ =	task.clear_ibuf [dreg:s22], $0x2FFFF;
	_ =	strace $0x9FFFFFFF  }
0xd1: {  	(tm) =	ssettm $0x7FFFFFFF  }
tec
execute0_lowered:
.L_overlay_start_1:
0x0: {  	(tag) =	ssettag $0x1  }
0x1: {  	s4 =	rddreg [dreg:$0x0];
	s0 =	stileid.u32  }
0x2: {  	s1 =	srdreg.scid;
	s2 =	rddreg [dreg:$0x1]  }
0x3: {  	s3 =	simm.s32 $0x0;
	s12 =	simm.s32 $0x3;
	s13 =	simm.s32 $0x50  }
0x4: {  	s14 =	simm.s32 $0x4E80;
	s15 =	simm.s32 $0x4F80;
	s5 =	smul.u32 $0x9C4, s0  }
0x5: {  	s16 =	simm.s32 $0x4F00;
	s18 =	simm.s32 $0x2;
	s7 =	smul.u32 $0x140, s0  }
0x6: {  	s6 =	sand.u32 $0x1, s1;
	s1 =	rddreg [dreg:$0x2];
	s8 =	smul.u32 $0x28000, s0  }
0x7: {  	s19 =	simm.s32 $0x0;
	[smem:$0x7FF] =	sst s3;
	s17 =	smul.u32 $0x1400, s6  }
0x8: {  	_ =	strace $0x8000004A;
	s6 =	ssub.s32 $0x2, s6;
	s9 =	sadd.s32 s5, s4  }
0x9: {  	s31 =	sshrl.u32 s6, $0x1;
	s8 =	sshrl.u32 s8, $0x2;
	s30 =	sadd.s32 s7, s17  }
0xa: {  	s11 =	ssub.s32 s6, s31;
	v0 =	vmov s17;
	s17 =	simm.s32 $0x1;
	s5 =	sshll.u32 s30, $0x4  }
0xb: {  	s10 =	sadd.s32 s5, s4;
	s4 =	sadd.s32 s8, s2;
	s8 =	sadd.s32 $0x2E00, s9  }
0xc: {  	s5 =	sadd.s32 $0x2800, s4;
	s6 =	sadd.s32 $0x5000, s4;
	s7 =	sadd.s32 $0x7800, s4  }
0xd: {  	v1 =	vimm.f32 $1.000000000e+00;
	v2 =	vimm.f32 $0.0e+00;
	s9 =	sadd.s32 $0x66A00, s10;
	s10 =	smax.u32 s11, $0x1;
	s11 =	simm.s32 $0x7780  }
.LBB2_1:
0xe: {  	s20 =	simm.s32 $0x0;
	s21 =	simm.s32 $0x0  }
.LBB2_2:
0xf: {  	p0 =	sne.s32 s21, $0x9FC0  }
.Ltmp0:
0x10: {  	_ = 	snop;
	(pc) =	sbr.rel @p0 .LBB2_2-.Ltmp0, $4  }
0x11: {  	s22 =	sand.u32 $0xFE00, s21  }
0x12: {  	s23 =	sand.u32 $0x70, s20;
	s22 =	sshrl.u32 s22, $0x2  }
0x13: {  	s22 =	sor.u32 s23, s22  }
0x14: {  	s20 =	sadd.s32 $0x10, s20;
	s21 =	sadd.s32 $0x40, s21;
	[tilespmem:s22+$0x4F80] =	vst v1  }
0x15: {  	s20 =	simm.s32 $0x0  }
0x16: {  	s21 =	sand.u32 $0xFE00, s20  }
0x17: {  	s22 =	sand.u32 $0x70, s20;
	s23 =	sshrl.u32 s21, $0x2  }
0x18: {  	s21 =	simm.s32 $0x40;
	s22 =	sor.u32 s22, s23  }
.LBB2_4:
0x19: {  	p0 =	sne.s32 s21, $0x9FC0  }
0x1a: {  	[tilespmem:s22+$0x7780] =	vst v2;
	s20 =	sadd.s32 $0x10, s20;
	s22 =	smov.u32 s21;
	s21 =	sadd.s32 $0x40, s21  }
.Ltmp1:
0x1b: {  	(pc) =	sbr.rel @p0 .LBB2_4-.Ltmp1, $4  }
0x1c: {  	_ = 	snop  }
0x1d: {  	s22 =	sand.u32 $0xFE00, s22  }
0x1e: {  	s23 =	sand.u32 $0x70, s20;
	s22 =	sshrl.u32 s22, $0x2  }
0x1f: {  	s22 =	sor.u32 s23, s22  }
0x20: {  	[tilespmem:s22+$0x7780] =	vst v2  }
0x21: {  	[spmem:s4] =	stream.linear.scatter [tilespmem:s11], [sflag:$0x3], $0x2800, $0x38;
	[tilespmem:$0x13FC0] =	vst v63  }
0x22: {  	_ =	swait.ge [sflag:s12], $0x2800  }
0x23: {  	[sflag:s12] =	ssyncset.done $0x0  }
0x24: {  	[sflag:s12] =	ssyncadd.s32 $0xFFFFD800  }
0x25: {  	[spmem:s5] =	stream.linear.scatter [tilespmem:s11], [sflag:$0x3], $0x2800, $0x38;
	[tilespmem:$0x13FC0] =	vst v63  }
0x26: {  	_ =	swait.ge [sflag:s12], $0x2800  }
0x27: {  	[sflag:s12] =	ssyncset.done $0x0  }
0x28: {  	[sflag:s12] =	ssyncadd.s32 $0xFFFFD800  }
0x29: {  	[spmem:s6] =	stream.linear.scatter [tilespmem:s11], [sflag:$0x3], $0x2800, $0x38;
	[tilespmem:$0x13FC0] =	vst v63  }
0x2a: {  	_ =	swait.ge [sflag:s12], $0x2800  }
0x2b: {  	[sflag:s12] =	ssyncset.done $0x0  }
0x2c: {  	[sflag:s12] =	ssyncadd.s32 $0xFFFFD800  }
0x2d: {  	[spmem:s7] =	stream.linear.scatter [tilespmem:s11], [sflag:$0x3], $0x2800, $0x38;
	[tilespmem:$0x13FC0] =	vst v63  }
0x2e: {  	_ =	swait.ge [sflag:s12], $0x2800  }
0x2f: {  	[sflag:s12] =	ssyncset.done $0x0  }
0x30: {  	[sflag:s12] =	ssyncadd.s32 $0xFFFFD800  }
0x31: {  	[tilespmem:s3], [sflag:$0x3] =	stream.linear.gather [hbm4b:s8+s3], $0x4E20, $0x38;
	[tilespmem:$0x13FC0] =	vst v63  }
0x32: {  	_ =	swait.ge [sflag:s12], $0x4E20  }
0x33: {  	[sflag:s12] =	ssyncset.done $0x0  }
0x34: {  	[sflag:s12] =	ssyncadd.s32 $0xFFFFB1E0  }
0x35: {  	[bflag:$0x0] =	sbarrier.arrive $0xFFFF  }
0x36: {  	v3 =	vld [tilespmem:$0x0]  }
0x37: {  	v4 =	vld [tilespmem:$0x10]  }
0x38: {  	v5 =	vld [tilespmem:$0x20]  }
0x39: {  	v6 =	vld [tilespmem:$0x30]  }
0x3a: {  	v7 =	vld [tilespmem:$0x40]  }
0x3b: {  	v3 =	vsub.s32 v3, v0  }
0x3c: {  	v4 =	vsub.s32 v4, v0;
	v3 =	vmin.u32 v3, $0x1400  }
0x3d: {  	v54 =	vsub.s32 v5, v0;
	[tilespmem:$0x4E80] =	vst v3;
	v3 =	vmin.u32 v4, $0x1400  }
0x3e: {  	v55 =	vsub.s32 v6, v0;
	[tilespmem:$0x4E90] =	vst v3;
	v3 =	vmin.u32 v54, $0x1400  }
0x3f: {  	v56 =	vsub.s32 v7, v0;
	[tilespmem:$0x4EA0] =	vst v3;
	v3 =	vmin.u32 v55, $0x1400  }
0x40: {  	[tilespmem:$0x4EB0] =	vst v3;
	v3 =	vmin.u32 v56, $0x1400  }
0x41: {  	[tilespmem:$0x4EC0] =	vst v3  }
0x42: {  	[spmem:s2] =	stream.indirect.scatter.add.f32 [tilespmem:s15], [sflag:$0x1], $0x80, s14, s13, $0xb8;
	[tilespmem:$0x13FC0] =	vst v63  }
0x43: {  	v3 =	vld [tilespmem:$0x50]  }
0x44: {  	v57 =	vld [tilespmem:$0x60]  }
0x45: {  	v58 =	vld [tilespmem:$0x70]  }
0x46: {  	v59 =	vld [tilespmem:$0x80]  }
0x47: {  	v60 =	vld [tilespmem:$0x90]  }
0x48: {  	v3 =	vsub.s32 v3, v0  }
0x49: {  	v4 =	vsub.s32 v57, v0;
	v3 =	vmin.u32 v3, $0x1400  }
0x4a: {  	v61 =	vsub.s32 v58, v0;
	[tilespmem:$0x4F00] =	vst v3;
	v3 =	vmin.u32 v4, $0x1400  }
0x4b: {  	v62 =	vsub.s32 v59, v0;
	[tilespmem:$0x4F10] =	vst v3;
	v3 =	vmin.u32 v61, $0x1400  }
0x4c: {  	v63 =	vsub.s32 v60, v0;
	[tilespmem:$0x4F20] =	vst v3;
	v3 =	vmin.u32 v62, $0x1400  }
0x4d: {  	[tilespmem:$0x4F30] =	vst v3;
	v3 =	vmin.u32 v63, $0x1400  }
0x4e: {  	[tilespmem:$0x4F40] =	vst v3  }
0x4f: {  	[spmem:s2] =	stream.indirect.scatter.add.f32 [tilespmem:s15], [sflag:$0x2], $0x80, s16, s13, $0xb8;
	[tilespmem:$0x13FC0] =	vst v63  }
0x50: {  	_ =	swait.ge [sflag:s17], $0x2800  }
0x51: {  	[sflag:s17] =	ssyncset.done $0x0  }
0x52: {  	s20 =	simm.s32 $0xA0;
	[sflag:s17] =	ssyncadd.s32 $0xFFFFD800  }
0x53: {  	v3 =	vld [tilespmem:s20+$0x0];
	_ =	sdelay $0x4  }
0x54: {  	v3 =	vsub.s32 v3, v0  }
0x55: {  	v3 =	vmin.u32 v3, $0x1400  }
0x56: {  	[tilespmem:$0x4E80] =	vst v3  }
0x57: {  	v3 =	vld [tilespmem:s20+$0x10];
	_ =	sdelay $0x4  }
0x58: {  	v3 =	vsub.s32 v3, v0  }
0x59: {  	v3 =	vmin.u32 v3, $0x1400  }
0x5a: {  	[tilespmem:$0x4E90] =	vst v3  }
0x5b: {  	v3 =	vld [tilespmem:s20+$0x20];
	_ =	sdelay $0x4  }
0x5c: {  	v3 =	vsub.s32 v3, v0  }
0x5d: {  	v3 =	vmin.u32 v3, $0x1400  }
0x5e: {  	[tilespmem:$0x4EA0] =	vst v3  }
0x5f: {  	v3 =	vld [tilespmem:s20+$0x30];
	_ =	sdelay $0x4  }
0x60: {  	v3 =	vsub.s32 v3, v0  }
0x61: {  	v3 =	vmin.u32 v3, $0x1400  }
0x62: {  	[tilespmem:$0x4EB0] =	vst v3  }
0x63: {  	v3 =	vld [tilespmem:s20+$0x40];
	_ =	sdelay $0x4  }
0x64: {  	v3 =	vsub.s32 v3, v0  }
0x65: {  	v3 =	vmin.u32 v3, $0x1400  }
0x66: {  	[tilespmem:$0x4EC0] =	vst v3  }
0x67: {  	[spmem:s2] =	stream.indirect.scatter.add.f32 [tilespmem:s15], [sflag:$0x1], $0x80, s14, s13, $0xb8;
	[tilespmem:$0x13FC0] =	vst v63  }
0x68: {  	_ =	swait.ge [sflag:s18], $0x2800  }
0x69: {  	[sflag:s18] =	ssyncset.done $0x0  }
0x6a: {  	[sflag:s18] =	ssyncadd.s32 $0xFFFFD800  }
0x6b: {  	v3 =	vld [tilespmem:s20+$0x50];
	_ =	sdelay $0x4  }
0x6c: {  	v3 =	vsub.s32 v3, v0  }
0x6d: {  	v3 =	vmin.u32 v3, $0x1400  }
0x6e: {  	[tilespmem:$0x4F00] =	vst v3  }
0x6f: {  	v3 =	vld [tilespmem:s20+$0x60];
	_ =	sdelay $0x4  }
0x70: {  	v3 =	vsub.s32 v3, v0  }
0x71: {  	v3 =	vmin.u32 v3, $0x1400  }
0x72: {  	[tilespmem:$0x4F10] =	vst v3  }
0x73: {  	v3 =	vld [tilespmem:s20+$0x70];
	_ =	sdelay $0x4  }
0x74: {  	v3 =	vsub.s32 v3, v0  }
0x75: {  	v3 =	vmin.u32 v3, $0x1400  }
0x76: {  	s21 =	sand.u32 $0x7FE0, s20;
	[tilespmem:$0x4F20] =	vst v3  }
0x77: {  	v3 =	vld [tilespmem:s21+$0x80];
	_ =	sdelay $0x4  }
0x78: {  	v3 =	vsub.s32 v3, v0  }
0x79: {  	v3 =	vmin.u32 v3, $0x1400  }
0x7a: {  	[tilespmem:$0x4F30] =	vst v3  }
0x7b: {  	v3 =	vld [tilespmem:s20+$0x90];
	_ =	sdelay $0x4  }
0x7c: {  	v3 =	vsub.s32 v3, v0  }
0x7d: {  	v3 =	vmin.u32 v3, $0x1400  }
0x7e: {  	s21 =	simm.s32 $0x140;
	s20 =	simm.s32 $0x140;
	[tilespmem:$0x4F40] =	vst v3  }
.LBB2_6:
0x7f: {  	[spmem:s2] =	stream.indirect.scatter.add.f32 [tilespmem:s15], [sflag:$0x2], $0x80, s16, s13, $0xb8;
	[tilespmem:$0x13FC0] =	vst v63  }
0x80: {  	s22 =	smov.u32 s20  }
0x81: {  	p0 =	sne.s32 s20, $0x4D80;
	s20 =	sadd.s32 $0xA0, s20;
	_ =	swait.ge [sflag:s17], $0x2800  }
0x82: {  	[sflag:s17] =	ssyncset.done $0x0  }
0x83: {  	[sflag:s17] =	ssyncadd.s32 $0xFFFFD800  }
0x84: {  	v3 =	vld [tilespmem:s21+$0x0];
	_ =	sdelay $0x4  }
0x85: {  	v3 =	vsub.s32 v3, v0  }
0x86: {  	v3 =	vmin.u32 v3, $0x1400  }
0x87: {  	[tilespmem:$0x4E80] =	vst v3  }
0x88: {  	v3 =	vld [tilespmem:s21+$0x10];
	_ =	sdelay $0x4  }
0x89: {  	v3 =	vsub.s32 v3, v0  }
0x8a: {  	v3 =	vmin.u32 v3, $0x1400  }
0x8b: {  	[tilespmem:$0x4E90] =	vst v3  }
0x8c: {  	v3 =	vld [tilespmem:s21+$0x20];
	_ =	sdelay $0x4  }
0x8d: {  	v3 =	vsub.s32 v3, v0  }
0x8e: {  	v3 =	vmin.u32 v3, $0x1400  }
0x8f: {  	[tilespmem:$0x4EA0] =	vst v3  }
0x90: {  	v3 =	vld [tilespmem:s21+$0x30];
	_ =	sdelay $0x4  }
0x91: {  	v3 =	vsub.s32 v3, v0  }
0x92: {  	v3 =	vmin.u32 v3, $0x1400  }
0x93: {  	[tilespmem:$0x4EB0] =	vst v3  }
0x94: {  	v3 =	vld [tilespmem:s21+$0x40];
	_ =	sdelay $0x4  }
0x95: {  	v3 =	vsub.s32 v3, v0  }
0x96: {  	v3 =	vmin.u32 v3, $0x1400  }
0x97: {  	[tilespmem:$0x4EC0] =	vst v3  }
0x98: {  	[spmem:s2] =	stream.indirect.scatter.add.f32 [tilespmem:s15], [sflag:$0x1], $0x80, s14, s13, $0xb8;
	[tilespmem:$0x13FC0] =	vst v63  }
0x99: {  	_ =	swait.ge [sflag:s18], $0x2800  }
0x9a: {  	[sflag:s18] =	ssyncset.done $0x0  }
0x9b: {  	[sflag:s18] =	ssyncadd.s32 $0xFFFFD800  }
0x9c: {  	v3 =	vld [tilespmem:s21+$0x50];
	_ =	sdelay $0x4  }
0x9d: {  	v3 =	vsub.s32 v3, v0  }
0x9e: {  	v3 =	vmin.u32 v3, $0x1400  }
0x9f: {  	[tilespmem:$0x4F00] =	vst v3  }
0xa0: {  	v3 =	vld [tilespmem:s21+$0x60];
	_ =	sdelay $0x4  }
0xa1: {  	v3 =	vsub.s32 v3, v0  }
0xa2: {  	v3 =	vmin.u32 v3, $0x1400  }
0xa3: {  	[tilespmem:$0x4F10] =	vst v3  }
0xa4: {  	v3 =	vld [tilespmem:s21+$0x70];
	_ =	sdelay $0x4  }
0xa5: {  	v3 =	vsub.s32 v3, v0  }
0xa6: {  	v3 =	vmin.u32 v3, $0x1400  }
0xa7: {  	s22 =	sand.u32 $0x7FE0, s22;
	[tilespmem:$0x4F20] =	vst v3  }
0xa8: {  	v3 =	vld [tilespmem:s22+$0x80];
	_ =	sdelay $0x4  }
0xa9: {  	v3 =	vsub.s32 v3, v0  }
0xaa: {  	v3 =	vmin.u32 v3, $0x1400  }
0xab: {  	[tilespmem:$0x4F30] =	vst v3  }
0xac: {  	v3 =	vld [tilespmem:s21+$0x90];
	_ =	sdelay $0x2  }
.Ltmp2:
0xad: {  	(pc) =	sbr.rel @p0 .LBB2_6-.Ltmp2, $4  }
0xae: {  	_ = 	snop  }
0xaf: {  	v3 =	vsub.s32 v3, v0  }
0xb0: {  	v3 =	vmin.u32 v3, $0x1400  }
0xb1: {  	s21 =	sadd.s32 $0xA0, s21;
	[tilespmem:$0x4F40] =	vst v3  }
0xb2: {  	[spmem:s2] =	stream.indirect.scatter.add.f32 [tilespmem:s15], [sflag:$0x2], $0x80, s16, s13, $0xb8;
	[tilespmem:$0x13FC0] =	vst v63  }
0xb3: {  	_ =	swait.ge [sflag:s17], $0x2800  }
0xb4: {  	[sflag:s17] =	ssyncset.done $0x0  }
0xb5: {  	[sflag:s17] =	ssyncadd.s32 $0xFFFFD800  }
0xb6: {  	_ =	swait.ge [sflag:s18], $0x2800  }
0xb7: {  	s20 =	sshll.u32 s0, $0x6;
	s19 =	sadd.s32 $0x1, s19;
	[sflag:s18] =	ssyncset.done $0x0  }
0xb8: {  	s21 =	sshrl.u32 s4, $0x3;
	p0 =	sne.s32 s19, s10;
	[sflag:s18] =	ssyncadd.s32 $0xFFFFD800  }
.Ltmp3:
0xb9: {  	s20 =	sor.u32 $0x1C03, s20;
	[bflag:$0x0] =	sbarrier.arrive $0xFFFF;
	(pc) =	sbr.rel @p0 .LBB2_1-.Ltmp3, $4  }
0xba: {  	[hbm:s9], [sflag:s20] =	dma.local [spmem:s21], $0x1400  }
0xbb: {  	_ =	swait.ge [sflag:s12], $0x1400  }
0xbc: {  	[sflag:s12] =	ssyncset.done $0x0  }
0xbd: {  	[sflag:s12] =	ssyncadd.s32 $0xFFFFEC00  }
0xbe: {  	_ =	sfence.sel $0x180000  }
0xbf: {  	[bflag:$0x0] =	sbarrier.arrive $0xFFFF  }
0xc0: {  	p0 =	sne.s32 s0, $0x0;
	_ =	strace $0x9000004A  }
0xc1: {  	s0 =	sadd.s32 @!p0 $0x100000, s1;
	[bflag:$0x2] =	sbarrier.arrive $0xFFFF  }
0xc2: {  	[sflag:s0] =	ssyncadd.tile.s32 @!p0 $0x1;
	_ =	shalt  }
.Lfunc_end2:
_tile_overlayer_lowered:
.L_overlay_start_2:
0xc3: {  	(tag) =	ssettag $0x2  }
0xc4: {  	s0 =	rddreg [dreg:$0x0];
	s2 =	stileid.u32  }
0xc5: {  	s1 =	rddreg [dreg:$0x1];
	p0 =	sne.s32 s2, $0x0  }
0xc6: {  	s3 =	rddreg [dreg:$0x2];
	[bflag:$0x3] =	sbarrier.arrive $0xFFFF;
	s2 =	simm.s32 @!p0 $0x1C03  }
0xc7: {  	[timem:s3], [sflag:s2] =	dma.local @!p0 [hbm:s0], s1  }
0xc8: {  	s0 =	simm.s32 @!p0 $0x3  }
0xc9: {  	_ =	swait.ge @!p0 [sflag:s0], s1  }
0xca: {  	s1 =	ssub.s32 @!p0 $0x0, s1;
	[sflag:s0] =	ssyncset.done @!p0 $0x0  }
0xcb: {  	[sflag:s0] =	ssyncadd.s32 @!p0 s1  }
0xcc: {  	[bflag:$0x3] =	sbarrier.arrive $0xFFFF  }
0xcd: {  	_ =	shalt  }

</sc_bundles>
